<compile_context>
chip_gen: v7x
topology: tpu7x:2x2x1
jax: 0.10.2.dev20260603
libtpu: 0.0.44.dev20260713+nightly
codegen_flags: <defaults>
</compile_context>

<pallas_src>
import functools

import jax
import jax.numpy as jnp
from jax import lax
from jax.experimental import pallas as pl
from jax.experimental.pallas import tpu as pltpu
from jax.experimental.pallas import tpu_sc as plsc

_LANES = 16
_GRP = 16


def kernel(word, table0, table1):
    B = word.shape[0]
    V, D = table0.shape
    info = plsc.get_sparse_core_info()
    nw = info.num_cores * info.num_subcores
    b_per_w = B // nw
    max_off = ((V - 128) // 128) * 128

    tt0 = table0.T
    tt1 = table1.T
    tl0 = table0[V - 128:, :].T
    tl1 = table1[V - 128:, :].T

    mesh = plsc.VectorSubcoreMesh(core_axis_name="c", subcore_axis_name="s")

    @functools.partial(
        pl.kernel,
        mesh=mesh,
        out_type=jax.ShapeDtypeStruct((D, 2 * B), jnp.float32),
        scratch_types=[
            pltpu.VMEM((b_per_w,), jnp.int32),
            [pltpu.VMEM((D, 128), jnp.float32) for _ in range(_GRP)],
            [pltpu.VMEM((D, 128), jnp.float32) for _ in range(_GRP)],
            [pltpu.VMEM((D, 128), jnp.float32) for _ in range(2)],
            pltpu.VMEM((D, b_per_w), jnp.float32),
            pltpu.VMEM((D, b_per_w), jnp.float32),
            pltpu.SemaphoreType.DMA,
            pltpu.SemaphoreType.DMA,
        ],
        compiler_params=pltpu.CompilerParams(needs_layout_passes=False),
    )
    def gather_kernel(word_hbm, t0_hbm, t1_hbm, tl0_hbm, tl1_hbm, out_hbm,
                      idx_v, bank_a, bank_b, tails, out0_v, out1_v,
                      sem_a, sem_b):
        wid = lax.axis_index("s") * info.num_cores + lax.axis_index("c")
        base = wid * b_per_w
        pltpu.sync_copy(word_hbm.at[pl.ds(base, b_per_w)], idx_v)
        pltpu.sync_copy(tl0_hbm, tails[0])
        pltpu.sync_copy(tl1_hbm, tails[1])

        iota = lax.iota(jnp.int32, _LANES)
        n_grp = b_per_w // _GRP

        def offsets(g):
            vec = idx_v[pl.ds(g, _GRP)]
            out = []
            for l in range(_GRP):
                w = jnp.max(jnp.where(iota == l, vec, jnp.int32(0)))
                off = jnp.minimum((w >> 7) * 128, jnp.int32(max_off))
                out.append((w, pl.multiple_of(off, 128)))
            return out

        def fire(t_hbm, bank, sem, g):
            for l, (_, off) in enumerate(offsets(g)):
                pltpu.async_copy(t_hbm.at[:, pl.ds(off, 128)], bank[l], sem)

        def drain_extract(t_hbm, bank, sem, tail_v, out_v, g):
            for l in range(_GRP):
                pltpu.make_async_copy(
                    t_hbm.at[:, pl.ds(0, 128)], bank[l], sem).wait()
            for l, (w, off) in enumerate(offsets(g)):
                wl = jnp.broadcast_to(jnp.minimum(w - off, 127), (_LANES,))
                col = plsc.load_gather(bank[l], [iota, wl])
                wt = jnp.broadcast_to(
                    jnp.clip(w - (V - 128), 0, 127), (_LANES,))
                col_t = plsc.load_gather(tail_v, [iota, wt])
                is_tail = jnp.broadcast_to(w >= V - 64, (_LANES,))
                col = jnp.where(is_tail, col_t, col)
                jcol = jnp.broadcast_to(g + l, (_LANES,))
                plsc.store_scatter(out_v, [iota, jcol], col)

        fire(t0_hbm, bank_a, sem_a, 0)

        def body(k, _):
            g = k * _GRP
            fire(t1_hbm, bank_b, sem_b, g)
            drain_extract(t0_hbm, bank_a, sem_a, tails[0], out0_v, g)

            @pl.when(k < n_grp - 1)
            def _():
                fire(t0_hbm, bank_a, sem_a, g + _GRP)

            drain_extract(t1_hbm, bank_b, sem_b, tails[1], out1_v, g)
            return 0
        lax.fori_loop(0, n_grp, body, 0)

        pltpu.sync_copy(out0_v, out_hbm.at[:, pl.ds(base, b_per_w)])
        pltpu.sync_copy(out1_v, out_hbm.at[:, pl.ds(B + base, b_per_w)])

    out_t = gather_kernel(word.astype(jnp.int32), tt0, tt1, tl0, tl1)
    return out_t.T

# --- scband reference (transcript-rebuilt; emitter-appended) ---
"""Pipeline reference for scband-meta-embedding-51350628991401 (READ-ONLY COPY).

The authoritative reference and input builder live on the scoring server;
editing this copy changes nothing except your own understanding.
"""

import jax, jax.numpy as jnp
import numpy as np

VOCAB = 1000000
EMBED_DIM = 16
BATCH = 16384

def setup_inputs(seed: int = 0) -> dict:
    key = jax.random.key(seed)
    k1, k2, k3 = jax.random.split(key, 3)
    word = jax.random.randint(k1, (BATCH,), 0, VOCAB, dtype=jnp.int64 if jax.config.jax_enable_x64 else jnp.int32)
    table0 = jax.random.normal(k2, (VOCAB, EMBED_DIM), dtype=jnp.float32)
    table1 = jax.random.normal(k3, (VOCAB, EMBED_DIM), dtype=jnp.float32)
    return {"word": word, "table0": table0, "table1": table1}

def reference(word, table0, table1):
    # MetaEmbedding.forward: look up `word` in every meta embedding table,
    # then concatenate all lookup results along dim 0.
    out = []
    for table in (table0, table1):
        out.append(jnp.take(table, word, axis=0))
    return jnp.concatenate(out, axis=0)

if __name__ == "__main__":
    import jax
    _d = setup_inputs()
    print(jax.jit(kernel)(*tuple(_d.values())))

</pallas_src>

<mosaic_0001>
#map = affine_map<(d0, d1) -> (0)>
#map1 = affine_map<(d0, d1) -> (0, 0)>
module attributes {stable_mosaic.version = 14 : i64} {
  func.func @gather_kernel(%arg0: i32, %arg1: i32, %arg2: memref<16384xi32, #tpu.memory_space<hbm>>, %arg3: memref<16x1000000xf32, #tpu.memory_space<hbm>>, %arg4: memref<16x1000000xf32, #tpu.memory_space<hbm>>, %arg5: memref<16x128xf32, #tpu.memory_space<hbm>>, %arg6: memref<16x128xf32, #tpu.memory_space<hbm>>, %arg7: memref<16x32768xf32, #tpu.memory_space<hbm>>, %arg8: memref<512xi32, #tpu.memory_space<vmem>>, %arg9: memref<16x128xf32, #tpu.memory_space<vmem>>, %arg10: memref<16x128xf32, #tpu.memory_space<vmem>>, %arg11: memref<16x128xf32, #tpu.memory_space<vmem>>, %arg12: memref<16x128xf32, #tpu.memory_space<vmem>>, %arg13: memref<16x128xf32, #tpu.memory_space<vmem>>, %arg14: memref<16x128xf32, #tpu.memory_space<vmem>>, %arg15: memref<16x128xf32, #tpu.memory_space<vmem>>, %arg16: memref<16x128xf32, #tpu.memory_space<vmem>>, %arg17: memref<16x128xf32, #tpu.memory_space<vmem>>, %arg18: memref<16x128xf32, #tpu.memory_space<vmem>>, %arg19: memref<16x128xf32, #tpu.memory_space<vmem>>, %arg20: memref<16x128xf32, #tpu.memory_space<vmem>>, %arg21: memref<16x128xf32, #tpu.memory_space<vmem>>, %arg22: memref<16x128xf32, #tpu.memory_space<vmem>>, %arg23: memref<16x128xf32, #tpu.memory_space<vmem>>, %arg24: memref<16x128xf32, #tpu.memory_space<vmem>>, %arg25: memref<16x128xf32, #tpu.memory_space<vmem>>, %arg26: memref<16x128xf32, #tpu.memory_space<vmem>>, %arg27: memref<16x128xf32, #tpu.memory_space<vmem>>, %arg28: memref<16x128xf32, #tpu.memory_space<vmem>>, %arg29: memref<16x128xf32, #tpu.memory_space<vmem>>, %arg30: memref<16x128xf32, #tpu.memory_space<vmem>>, %arg31: memref<16x128xf32, #tpu.memory_space<vmem>>, %arg32: memref<16x128xf32, #tpu.memory_space<vmem>>, %arg33: memref<16x128xf32, #tpu.memory_space<vmem>>, %arg34: memref<16x128xf32, #tpu.memory_space<vmem>>, %arg35: memref<16x128xf32, #tpu.memory_space<vmem>>, %arg36: memref<16x128xf32, #tpu.memory_space<vmem>>, %arg37: memref<16x128xf32, #tpu.memory_space<vmem>>, %arg38: memref<16x128xf32, #tpu.memory_space<vmem>>, %arg39: memref<16x128xf32, #tpu.memory_space<vmem>>, %arg40: memref<16x128xf32, #tpu.memory_space<vmem>>, %arg41: memref<16x128xf32, #tpu.memory_space<vmem>>, %arg42: memref<16x128xf32, #tpu.memory_space<vmem>>, %arg43: memref<16x512xf32, #tpu.memory_space<vmem>>, %arg44: memref<16x512xf32, #tpu.memory_space<vmem>>, %arg45: memref<!tpu.dma_semaphore, #tpu.memory_space<semaphore_mem>>, %arg46: memref<!tpu.dma_semaphore, #tpu.memory_space<semaphore_mem>>) attributes {dimension_semantics = [#tpu.dimension_semantics<core_parallel>, #tpu.dimension_semantics<subcore_parallel>], iteration_bounds = array<i64: 2, 16>, scalar_prefetch = 0 : i64, scratch_operands = 39 : i64, tpu.core_type = #tpu.core_type<sc_vector_subcore>, window_params = [{transform_indices = #map}, {transform_indices = #map1}, {transform_indices = #map1}, {transform_indices = #map1}, {transform_indices = #map1}, {transform_indices = #map1}]} {
    %mul3A = arith.constant 2 : i32
    %mul3A_0 = arith.muli %arg1, %mul3A : i32
    %add3A = arith.addi %mul3A_0, %arg0 : i32
    %mul3A_1 = arith.constant 512 : i32
    %mul3A_2 = arith.muli %add3A, %mul3A_1 : i32
    "tpu.region"() ({
      %run_scoped3A = tpu.sem_alloc : memref<!tpu.dma_semaphore, #tpu.memory_space<semaphore_mem>>
      %dma_start3A_403 = tpu.memref_slice %arg2[%mul3A_2] : memref<16384xi32, #tpu.memory_space<hbm>> -> memref<512xi32, #tpu.memory_space<hbm>>
      %dma_start3A_404 = tpu.memref_slice %arg2[%mul3A_2] : memref<16384xi32, #tpu.memory_space<hbm>> -> memref<512xi32, #tpu.memory_space<hbm>>
      tpu.enqueue_dma source(%dma_start3A_404 : memref<512xi32, #tpu.memory_space<hbm>>) target(%arg8 : memref<512xi32, #tpu.memory_space<vmem>>) target_semaphore(%run_scoped3A : memref<!tpu.dma_semaphore, #tpu.memory_space<semaphore_mem>>)
      %dma_wait3A = tpu.memref_slice %arg2[%mul3A_2] : memref<16384xi32, #tpu.memory_space<hbm>> -> memref<512xi32, #tpu.memory_space<hbm>>
      %dma_wait3A_405 = tpu.memref_slice %arg2[%mul3A_2] : memref<16384xi32, #tpu.memory_space<hbm>> -> memref<512xi32, #tpu.memory_space<hbm>>
      tpu.wait_dma2 semaphore(%run_scoped3A : memref<!tpu.dma_semaphore, #tpu.memory_space<semaphore_mem>>) src(%dma_wait3A_405 : memref<512xi32, #tpu.memory_space<hbm>>) dst(%arg8 : memref<512xi32, #tpu.memory_space<vmem>>)
      tpu.yield
    }) : () -> ()
    "tpu.region"() ({
      %run_scoped3A = tpu.sem_alloc : memref<!tpu.dma_semaphore, #tpu.memory_space<semaphore_mem>>
      tpu.enqueue_dma source(%arg5 : memref<16x128xf32, #tpu.memory_space<hbm>>) target(%arg41 : memref<16x128xf32, #tpu.memory_space<vmem>>) target_semaphore(%run_scoped3A : memref<!tpu.dma_semaphore, #tpu.memory_space<semaphore_mem>>)
      tpu.wait_dma2 semaphore(%run_scoped3A : memref<!tpu.dma_semaphore, #tpu.memory_space<semaphore_mem>>) src(%arg5 : memref<16x128xf32, #tpu.memory_space<hbm>>) dst(%arg41 : memref<16x128xf32, #tpu.memory_space<vmem>>)
      tpu.yield
    }) : () -> ()
    "tpu.region"() ({
      %run_scoped3A = tpu.sem_alloc : memref<!tpu.dma_semaphore, #tpu.memory_space<semaphore_mem>>
      tpu.enqueue_dma source(%arg6 : memref<16x128xf32, #tpu.memory_space<hbm>>) target(%arg42 : memref<16x128xf32, #tpu.memory_space<vmem>>) target_semaphore(%run_scoped3A : memref<!tpu.dma_semaphore, #tpu.memory_space<semaphore_mem>>)
      tpu.wait_dma2 semaphore(%run_scoped3A : memref<!tpu.dma_semaphore, #tpu.memory_space<semaphore_mem>>) src(%arg6 : memref<16x128xf32, #tpu.memory_space<hbm>>) dst(%arg42 : memref<16x128xf32, #tpu.memory_space<vmem>>)
      tpu.yield
    }) : () -> ()
    %iota3A = tpu.iota {dimensions = array<i32: 0>} : vector<16xi32>
    %get3A = arith.constant 0 : index
    %get3A_3 = tpu.vector_load %arg8[%get3A] {strides = array<i32>} : memref<512xi32, #tpu.memory_space<vmem>>, vector<16xi32>,
    %eq3A = arith.constant 0 : i32
    %eq3A_4 = vector.broadcast %eq3A : i32 to vector<16xi32>
    %eq3A_5 = arith.cmpi eq, %iota3A, %eq3A_4 : vector<16xi32>
    %jit3A = arith.constant 0 : i32
    %broadcast_in_dim3A = vector.broadcast %jit3A : i32 to vector<16xi32>
    %select_n3A = arith.select %eq3A_5, %get3A_3, %broadcast_in_dim3A : vector<16xi1>, vector<16xi32>
    %reduce_max3A = arith.constant true
    %reduce_max3A_6 = vector.broadcast %reduce_max3A : i1 to vector<16xi1>
    %reduce_max3A_7 = arith.constant -2147483648 : i32
    %reduce_max3A_8 = vector.broadcast %reduce_max3A_7 : i32 to vector<16xi32>
    %reduce_max3A_9 = arith.xori %select_n3A, %reduce_max3A_8 : vector<16xi32>
    %reduce_max3A_10 = tpu.scan <max>, %reduce_max3A_9 masked %reduce_max3A_6 : vector<16xi32>, vector<16xi1> -> vector<16xi32>
    %reduce_max3A_11 = arith.xori %reduce_max3A_10, %reduce_max3A_8 : vector<16xi32>
    %reduce_max3A_12 = vector.extract %reduce_max3A_11[15] : i32 from vector<16xi32>
    %shift_right_arithmetic3A = arith.constant 7 : i32
    %shift_right_arithmetic3A_13 = arith.shrsi %reduce_max3A_12, %shift_right_arithmetic3A : i32
    %mul3A_14 = arith.constant 128 : i32
    %mul3A_15 = arith.muli %shift_right_arithmetic3A_13, %mul3A_14 : i32
    %min3A = arith.constant 999808 : i32
    %min3A_16 = arith.minsi %mul3A_15, %min3A : i32
    %multiple_of3A = tpu.assume_multiple %min3A_16, 128 : i32
    %eq3A_17 = arith.constant 1 : i32
    %eq3A_18 = vector.broadcast %eq3A_17 : i32 to vector<16xi32>
    %eq3A_19 = arith.cmpi eq, %iota3A, %eq3A_18 : vector<16xi32>
    %jit3A_20 = arith.constant 0 : i32
    %broadcast_in_dim3A_21 = vector.broadcast %jit3A_20 : i32 to vector<16xi32>
    %select_n3A_22 = arith.select %eq3A_19, %get3A_3, %broadcast_in_dim3A_21 : vector<16xi1>, vector<16xi32>
    %reduce_max3A_23 = arith.constant true
    %reduce_max3A_24 = vector.broadcast %reduce_max3A_23 : i1 to vector<16xi1>
    %reduce_max3A_25 = arith.constant -2147483648 : i32
    %reduce_max3A_26 = vector.broadcast %reduce_max3A_25 : i32 to vector<16xi32>
    %reduce_max3A_27 = arith.xori %select_n3A_22, %reduce_max3A_26 : vector<16xi32>
    %reduce_max3A_28 = tpu.scan <max>, %reduce_max3A_27 masked %reduce_max3A_24 : vector<16xi32>, vector<16xi1> -> vector<16xi32>
    %reduce_max3A_29 = arith.xori %reduce_max3A_28, %reduce_max3A_26 : vector<16xi32>
    %reduce_max3A_30 = vector.extract %reduce_max3A_29[15] : i32 from vector<16xi32>
    %shift_right_arithmetic3A_31 = arith.constant 7 : i32
    %shift_right_arithmetic3A_32 = arith.shrsi %reduce_max3A_30, %shift_right_arithmetic3A_31 : i32
    %mul3A_33 = arith.constant 128 : i32
    %mul3A_34 = arith.muli %shift_right_arithmetic3A_32, %mul3A_33 : i32
    %min3A_35 = arith.constant 999808 : i32
    %min3A_36 = arith.minsi %mul3A_34, %min3A_35 : i32
    %multiple_of3A_37 = tpu.assume_multiple %min3A_36, 128 : i32
    %eq3A_38 = arith.constant 2 : i32
    %eq3A_39 = vector.broadcast %eq3A_38 : i32 to vector<16xi32>
    %eq3A_40 = arith.cmpi eq, %iota3A, %eq3A_39 : vector<16xi32>
    %jit3A_41 = arith.constant 0 : i32
    %broadcast_in_dim3A_42 = vector.broadcast %jit3A_41 : i32 to vector<16xi32>
    %select_n3A_43 = arith.select %eq3A_40, %get3A_3, %broadcast_in_dim3A_42 : vector<16xi1>, vector<16xi32>
    %reduce_max3A_44 = arith.constant true
    %reduce_max3A_45 = vector.broadcast %reduce_max3A_44 : i1 to vector<16xi1>
    %reduce_max3A_46 = arith.constant -2147483648 : i32
    %reduce_max3A_47 = vector.broadcast %reduce_max3A_46 : i32 to vector<16xi32>
    %reduce_max3A_48 = arith.xori %select_n3A_43, %reduce_max3A_47 : vector<16xi32>
    %reduce_max3A_49 = tpu.scan <max>, %reduce_max3A_48 masked %reduce_max3A_45 : vector<16xi32>, vector<16xi1> -> vector<16xi32>
    %reduce_max3A_50 = arith.xori %reduce_max3A_49, %reduce_max3A_47 : vector<16xi32>
    %reduce_max3A_51 = vector.extract %reduce_max3A_50[15] : i32 from vector<16xi32>
    %shift_right_arithmetic3A_52 = arith.constant 7 : i32
    %shift_right_arithmetic3A_53 = arith.shrsi %reduce_max3A_51, %shift_right_arithmetic3A_52 : i32
    %mul3A_54 = arith.constant 128 : i32
    %mul3A_55 = arith.muli %shift_right_arithmetic3A_53, %mul3A_54 : i32
    %min3A_56 = arith.constant 999808 : i32
    %min3A_57 = arith.minsi %mul3A_55, %min3A_56 : i32
    %multiple_of3A_58 = tpu.assume_multiple %min3A_57, 128 : i32
    %eq3A_59 = arith.constant 3 : i32
    %eq3A_60 = vector.broadcast %eq3A_59 : i32 to vector<16xi32>
    %eq3A_61 = arith.cmpi eq, %iota3A, %eq3A_60 : vector<16xi32>
    %jit3A_62 = arith.constant 0 : i32
    %broadcast_in_dim3A_63 = vector.broadcast %jit3A_62 : i32 to vector<16xi32>
    %select_n3A_64 = arith.select %eq3A_61, %get3A_3, %broadcast_in_dim3A_63 : vector<16xi1>, vector<16xi32>
    %reduce_max3A_65 = arith.constant true
    %reduce_max3A_66 = vector.broadcast %reduce_max3A_65 : i1 to vector<16xi1>
    %reduce_max3A_67 = arith.constant -2147483648 : i32
    %reduce_max3A_68 = vector.broadcast %reduce_max3A_67 : i32 to vector<16xi32>
    %reduce_max3A_69 = arith.xori %select_n3A_64, %reduce_max3A_68 : vector<16xi32>
    %reduce_max3A_70 = tpu.scan <max>, %reduce_max3A_69 masked %reduce_max3A_66 : vector<16xi32>, vector<16xi1> -> vector<16xi32>
    %reduce_max3A_71 = arith.xori %reduce_max3A_70, %reduce_max3A_68 : vector<16xi32>
    %reduce_max3A_72 = vector.extract %reduce_max3A_71[15] : i32 from vector<16xi32>
    %shift_right_arithmetic3A_73 = arith.constant 7 : i32
    %shift_right_arithmetic3A_74 = arith.shrsi %reduce_max3A_72, %shift_right_arithmetic3A_73 : i32
    %mul3A_75 = arith.constant 128 : i32
    %mul3A_76 = arith.muli %shift_right_arithmetic3A_74, %mul3A_75 : i32
    %min3A_77 = arith.constant 999808 : i32
    %min3A_78 = arith.minsi %mul3A_76, %min3A_77 : i32
    %multiple_of3A_79 = tpu.assume_multiple %min3A_78, 128 : i32
    %eq3A_80 = arith.constant 4 : i32
    %eq3A_81 = vector.broadcast %eq3A_80 : i32 to vector<16xi32>
    %eq3A_82 = arith.cmpi eq, %iota3A, %eq3A_81 : vector<16xi32>
    %jit3A_83 = arith.constant 0 : i32
    %broadcast_in_dim3A_84 = vector.broadcast %jit3A_83 : i32 to vector<16xi32>
    %select_n3A_85 = arith.select %eq3A_82, %get3A_3, %broadcast_in_dim3A_84 : vector<16xi1>, vector<16xi32>
    %reduce_max3A_86 = arith.constant true
    %reduce_max3A_87 = vector.broadcast %reduce_max3A_86 : i1 to vector<16xi1>
    %reduce_max3A_88 = arith.constant -2147483648 : i32
    %reduce_max3A_89 = vector.broadcast %reduce_max3A_88 : i32 to vector<16xi32>
    %reduce_max3A_90 = arith.xori %select_n3A_85, %reduce_max3A_89 : vector<16xi32>
    %reduce_max3A_91 = tpu.scan <max>, %reduce_max3A_90 masked %reduce_max3A_87 : vector<16xi32>, vector<16xi1> -> vector<16xi32>
    %reduce_max3A_92 = arith.xori %reduce_max3A_91, %reduce_max3A_89 : vector<16xi32>
    %reduce_max3A_93 = vector.extract %reduce_max3A_92[15] : i32 from vector<16xi32>
    %shift_right_arithmetic3A_94 = arith.constant 7 : i32
    %shift_right_arithmetic3A_95 = arith.shrsi %reduce_max3A_93, %shift_right_arithmetic3A_94 : i32
    %mul3A_96 = arith.constant 128 : i32
    %mul3A_97 = arith.muli %shift_right_arithmetic3A_95, %mul3A_96 : i32
    %min3A_98 = arith.constant 999808 : i32
    %min3A_99 = arith.minsi %mul3A_97, %min3A_98 : i32
    %multiple_of3A_100 = tpu.assume_multiple %min3A_99, 128 : i32
    %eq3A_101 = arith.constant 5 : i32
    %eq3A_102 = vector.broadcast %eq3A_101 : i32 to vector<16xi32>
    %eq3A_103 = arith.cmpi eq, %iota3A, %eq3A_102 : vector<16xi32>
    %jit3A_104 = arith.constant 0 : i32
    %broadcast_in_dim3A_105 = vector.broadcast %jit3A_104 : i32 to vector<16xi32>
    %select_n3A_106 = arith.select %eq3A_103, %get3A_3, %broadcast_in_dim3A_105 : vector<16xi1>, vector<16xi32>
    %reduce_max3A_107 = arith.constant true
    %reduce_max3A_108 = vector.broadcast %reduce_max3A_107 : i1 to vector<16xi1>
    %reduce_max3A_109 = arith.constant -2147483648 : i32
    %reduce_max3A_110 = vector.broadcast %reduce_max3A_109 : i32 to vector<16xi32>
    %reduce_max3A_111 = arith.xori %select_n3A_106, %reduce_max3A_110 : vector<16xi32>
    %reduce_max3A_112 = tpu.scan <max>, %reduce_max3A_111 masked %reduce_max3A_108 : vector<16xi32>, vector<16xi1> -> vector<16xi32>
    %reduce_max3A_113 = arith.xori %reduce_max3A_112, %reduce_max3A_110 : vector<16xi32>
    %reduce_max3A_114 = vector.extract %reduce_max3A_113[15] : i32 from vector<16xi32>
    %shift_right_arithmetic3A_115 = arith.constant 7 : i32
    %shift_right_arithmetic3A_116 = arith.shrsi %reduce_max3A_114, %shift_right_arithmetic3A_115 : i32
    %mul3A_117 = arith.constant 128 : i32
    %mul3A_118 = arith.muli %shift_right_arithmetic3A_116, %mul3A_117 : i32
    %min3A_119 = arith.constant 999808 : i32
    %min3A_120 = arith.minsi %mul3A_118, %min3A_119 : i32
    %multiple_of3A_121 = tpu.assume_multiple %min3A_120, 128 : i32
    %eq3A_122 = arith.constant 6 : i32
    %eq3A_123 = vector.broadcast %eq3A_122 : i32 to vector<16xi32>
    %eq3A_124 = arith.cmpi eq, %iota3A, %eq3A_123 : vector<16xi32>
    %jit3A_125 = arith.constant 0 : i32
    %broadcast_in_dim3A_126 = vector.broadcast %jit3A_125 : i32 to vector<16xi32>
    %select_n3A_127 = arith.select %eq3A_124, %get3A_3, %broadcast_in_dim3A_126 : vector<16xi1>, vector<16xi32>
    %reduce_max3A_128 = arith.constant true
    %reduce_max3A_129 = vector.broadcast %reduce_max3A_128 : i1 to vector<16xi1>
    %reduce_max3A_130 = arith.constant -2147483648 : i32
    %reduce_max3A_131 = vector.broadcast %reduce_max3A_130 : i32 to vector<16xi32>
    %reduce_max3A_132 = arith.xori %select_n3A_127, %reduce_max3A_131 : vector<16xi32>
    %reduce_max3A_133 = tpu.scan <max>, %reduce_max3A_132 masked %reduce_max3A_129 : vector<16xi32>, vector<16xi1> -> vector<16xi32>
    %reduce_max3A_134 = arith.xori %reduce_max3A_133, %reduce_max3A_131 : vector<16xi32>
    %reduce_max3A_135 = vector.extract %reduce_max3A_134[15] : i32 from vector<16xi32>
    %shift_right_arithmetic3A_136 = arith.constant 7 : i32
    %shift_right_arithmetic3A_137 = arith.shrsi %reduce_max3A_135, %shift_right_arithmetic3A_136 : i32
    %mul3A_138 = arith.constant 128 : i32
    %mul3A_139 = arith.muli %shift_right_arithmetic3A_137, %mul3A_138 : i32
    %min3A_140 = arith.constant 999808 : i32
    %min3A_141 = arith.minsi %mul3A_139, %min3A_140 : i32
    %multiple_of3A_142 = tpu.assume_multiple %min3A_141, 128 : i32
    %eq3A_143 = arith.constant 7 : i32
    %eq3A_144 = vector.broadcast %eq3A_143 : i32 to vector<16xi32>
    %eq3A_145 = arith.cmpi eq, %iota3A, %eq3A_144 : vector<16xi32>
    %jit3A_146 = arith.constant 0 : i32
    %broadcast_in_dim3A_147 = vector.broadcast %jit3A_146 : i32 to vector<16xi32>
    %select_n3A_148 = arith.select %eq3A_145, %get3A_3, %broadcast_in_dim3A_147 : vector<16xi1>, vector<16xi32>
    %reduce_max3A_149 = arith.constant true
    %reduce_max3A_150 = vector.broadcast %reduce_max3A_149 : i1 to vector<16xi1>
    %reduce_max3A_151 = arith.constant -2147483648 : i32
    %reduce_max3A_152 = vector.broadcast %reduce_max3A_151 : i32 to vector<16xi32>
    %reduce_max3A_153 = arith.xori %select_n3A_148, %reduce_max3A_152 : vector<16xi32>
    %reduce_max3A_154 = tpu.scan <max>, %reduce_max3A_153 masked %reduce_max3A_150 : vector<16xi32>, vector<16xi1> -> vector<16xi32>
    %reduce_max3A_155 = arith.xori %reduce_max3A_154, %reduce_max3A_152 : vector<16xi32>
    %reduce_max3A_156 = vector.extract %reduce_max3A_155[15] : i32 from vector<16xi32>
    %shift_right_arithmetic3A_157 = arith.constant 7 : i32
    %shift_right_arithmetic3A_158 = arith.shrsi %reduce_max3A_156, %shift_right_arithmetic3A_157 : i32
    %mul3A_159 = arith.constant 128 : i32
    %mul3A_160 = arith.muli %shift_right_arithmetic3A_158, %mul3A_159 : i32
    %min3A_161 = arith.constant 999808 : i32
    %min3A_162 = arith.minsi %mul3A_160, %min3A_161 : i32
    %multiple_of3A_163 = tpu.assume_multiple %min3A_162, 128 : i32
    %eq3A_164 = arith.constant 8 : i32
    %eq3A_165 = vector.broadcast %eq3A_164 : i32 to vector<16xi32>
    %eq3A_166 = arith.cmpi eq, %iota3A, %eq3A_165 : vector<16xi32>
    %jit3A_167 = arith.constant 0 : i32
    %broadcast_in_dim3A_168 = vector.broadcast %jit3A_167 : i32 to vector<16xi32>
    %select_n3A_169 = arith.select %eq3A_166, %get3A_3, %broadcast_in_dim3A_168 : vector<16xi1>, vector<16xi32>
    %reduce_max3A_170 = arith.constant true
    %reduce_max3A_171 = vector.broadcast %reduce_max3A_170 : i1 to vector<16xi1>
    %reduce_max3A_172 = arith.constant -2147483648 : i32
    %reduce_max3A_173 = vector.broadcast %reduce_max3A_172 : i32 to vector<16xi32>
    %reduce_max3A_174 = arith.xori %select_n3A_169, %reduce_max3A_173 : vector<16xi32>
    %reduce_max3A_175 = tpu.scan <max>, %reduce_max3A_174 masked %reduce_max3A_171 : vector<16xi32>, vector<16xi1> -> vector<16xi32>
    %reduce_max3A_176 = arith.xori %reduce_max3A_175, %reduce_max3A_173 : vector<16xi32>
    %reduce_max3A_177 = vector.extract %reduce_max3A_176[15] : i32 from vector<16xi32>
    %shift_right_arithmetic3A_178 = arith.constant 7 : i32
    %shift_right_arithmetic3A_179 = arith.shrsi %reduce_max3A_177, %shift_right_arithmetic3A_178 : i32
    %mul3A_180 = arith.constant 128 : i32
    %mul3A_181 = arith.muli %shift_right_arithmetic3A_179, %mul3A_180 : i32
    %min3A_182 = arith.constant 999808 : i32
    %min3A_183 = arith.minsi %mul3A_181, %min3A_182 : i32
    %multiple_of3A_184 = tpu.assume_multiple %min3A_183, 128 : i32
    %eq3A_185 = arith.constant 9 : i32
    %eq3A_186 = vector.broadcast %eq3A_185 : i32 to vector<16xi32>
    %eq3A_187 = arith.cmpi eq, %iota3A, %eq3A_186 : vector<16xi32>
    %jit3A_188 = arith.constant 0 : i32
    %broadcast_in_dim3A_189 = vector.broadcast %jit3A_188 : i32 to vector<16xi32>
    %select_n3A_190 = arith.select %eq3A_187, %get3A_3, %broadcast_in_dim3A_189 : vector<16xi1>, vector<16xi32>
    %reduce_max3A_191 = arith.constant true
    %reduce_max3A_192 = vector.broadcast %reduce_max3A_191 : i1 to vector<16xi1>
    %reduce_max3A_193 = arith.constant -2147483648 : i32
    %reduce_max3A_194 = vector.broadcast %reduce_max3A_193 : i32 to vector<16xi32>
    %reduce_max3A_195 = arith.xori %select_n3A_190, %reduce_max3A_194 : vector<16xi32>
    %reduce_max3A_196 = tpu.scan <max>, %reduce_max3A_195 masked %reduce_max3A_192 : vector<16xi32>, vector<16xi1> -> vector<16xi32>
    %reduce_max3A_197 = arith.xori %reduce_max3A_196, %reduce_max3A_194 : vector<16xi32>
    %reduce_max3A_198 = vector.extract %reduce_max3A_197[15] : i32 from vector<16xi32>
    %shift_right_arithmetic3A_199 = arith.constant 7 : i32
    %shift_right_arithmetic3A_200 = arith.shrsi %reduce_max3A_198, %shift_right_arithmetic3A_199 : i32
    %mul3A_201 = arith.constant 128 : i32
    %mul3A_202 = arith.muli %shift_right_arithmetic3A_200, %mul3A_201 : i32
    %min3A_203 = arith.constant 999808 : i32
    %min3A_204 = arith.minsi %mul3A_202, %min3A_203 : i32
    %multiple_of3A_205 = tpu.assume_multiple %min3A_204, 128 : i32
    %eq3A_206 = arith.constant 10 : i32
    %eq3A_207 = vector.broadcast %eq3A_206 : i32 to vector<16xi32>
    %eq3A_208 = arith.cmpi eq, %iota3A, %eq3A_207 : vector<16xi32>
    %jit3A_209 = arith.constant 0 : i32
    %broadcast_in_dim3A_210 = vector.broadcast %jit3A_209 : i32 to vector<16xi32>
    %select_n3A_211 = arith.select %eq3A_208, %get3A_3, %broadcast_in_dim3A_210 : vector<16xi1>, vector<16xi32>
    %reduce_max3A_212 = arith.constant true
    %reduce_max3A_213 = vector.broadcast %reduce_max3A_212 : i1 to vector<16xi1>
    %reduce_max3A_214 = arith.constant -2147483648 : i32
    %reduce_max3A_215 = vector.broadcast %reduce_max3A_214 : i32 to vector<16xi32>
    %reduce_max3A_216 = arith.xori %select_n3A_211, %reduce_max3A_215 : vector<16xi32>
    %reduce_max3A_217 = tpu.scan <max>, %reduce_max3A_216 masked %reduce_max3A_213 : vector<16xi32>, vector<16xi1> -> vector<16xi32>
    %reduce_max3A_218 = arith.xori %reduce_max3A_217, %reduce_max3A_215 : vector<16xi32>
    %reduce_max3A_219 = vector.extract %reduce_max3A_218[15] : i32 from vector<16xi32>
    %shift_right_arithmetic3A_220 = arith.constant 7 : i32
    %shift_right_arithmetic3A_221 = arith.shrsi %reduce_max3A_219, %shift_right_arithmetic3A_220 : i32
    %mul3A_222 = arith.constant 128 : i32
    %mul3A_223 = arith.muli %shift_right_arithmetic3A_221, %mul3A_222 : i32
    %min3A_224 = arith.constant 999808 : i32
    %min3A_225 = arith.minsi %mul3A_223, %min3A_224 : i32
    %multiple_of3A_226 = tpu.assume_multiple %min3A_225, 128 : i32
    %eq3A_227 = arith.constant 11 : i32
    %eq3A_228 = vector.broadcast %eq3A_227 : i32 to vector<16xi32>
    %eq3A_229 = arith.cmpi eq, %iota3A, %eq3A_228 : vector<16xi32>
    %jit3A_230 = arith.constant 0 : i32
    %broadcast_in_dim3A_231 = vector.broadcast %jit3A_230 : i32 to vector<16xi32>
    %select_n3A_232 = arith.select %eq3A_229, %get3A_3, %broadcast_in_dim3A_231 : vector<16xi1>, vector<16xi32>
    %reduce_max3A_233 = arith.constant true
    %reduce_max3A_234 = vector.broadcast %reduce_max3A_233 : i1 to vector<16xi1>
    %reduce_max3A_235 = arith.constant -2147483648 : i32
    %reduce_max3A_236 = vector.broadcast %reduce_max3A_235 : i32 to vector<16xi32>
    %reduce_max3A_237 = arith.xori %select_n3A_232, %reduce_max3A_236 : vector<16xi32>
    %reduce_max3A_238 = tpu.scan <max>, %reduce_max3A_237 masked %reduce_max3A_234 : vector<16xi32>, vector<16xi1> -> vector<16xi32>
    %reduce_max3A_239 = arith.xori %reduce_max3A_238, %reduce_max3A_236 : vector<16xi32>
    %reduce_max3A_240 = vector.extract %reduce_max3A_239[15] : i32 from vector<16xi32>
    %shift_right_arithmetic3A_241 = arith.constant 7 : i32
    %shift_right_arithmetic3A_242 = arith.shrsi %reduce_max3A_240, %shift_right_arithmetic3A_241 : i32
    %mul3A_243 = arith.constant 128 : i32
    %mul3A_244 = arith.muli %shift_right_arithmetic3A_242, %mul3A_243 : i32
    %min3A_245 = arith.constant 999808 : i32
    %min3A_246 = arith.minsi %mul3A_244, %min3A_245 : i32
    %multiple_of3A_247 = tpu.assume_multiple %min3A_246, 128 : i32
    %eq3A_248 = arith.constant 12 : i32
    %eq3A_249 = vector.broadcast %eq3A_248 : i32 to vector<16xi32>
    %eq3A_250 = arith.cmpi eq, %iota3A, %eq3A_249 : vector<16xi32>
    %jit3A_251 = arith.constant 0 : i32
    %broadcast_in_dim3A_252 = vector.broadcast %jit3A_251 : i32 to vector<16xi32>
    %select_n3A_253 = arith.select %eq3A_250, %get3A_3, %broadcast_in_dim3A_252 : vector<16xi1>, vector<16xi32>
    %reduce_max3A_254 = arith.constant true
    %reduce_max3A_255 = vector.broadcast %reduce_max3A_254 : i1 to vector<16xi1>
    %reduce_max3A_256 = arith.constant -2147483648 : i32
    %reduce_max3A_257 = vector.broadcast %reduce_max3A_256 : i32 to vector<16xi32>
    %reduce_max3A_258 = arith.xori %select_n3A_253, %reduce_max3A_257 : vector<16xi32>
    %reduce_max3A_259 = tpu.scan <max>, %reduce_max3A_258 masked %reduce_max3A_255 : vector<16xi32>, vector<16xi1> -> vector<16xi32>
    %reduce_max3A_260 = arith.xori %reduce_max3A_259, %reduce_max3A_257 : vector<16xi32>
    %reduce_max3A_261 = vector.extract %reduce_max3A_260[15] : i32 from vector<16xi32>
    %shift_right_arithmetic3A_262 = arith.constant 7 : i32
    %shift_right_arithmetic3A_263 = arith.shrsi %reduce_max3A_261, %shift_right_arithmetic3A_262 : i32
    %mul3A_264 = arith.constant 128 : i32
    %mul3A_265 = arith.muli %shift_right_arithmetic3A_263, %mul3A_264 : i32
    %min3A_266 = arith.constant 999808 : i32
    %min3A_267 = arith.minsi %mul3A_265, %min3A_266 : i32
    %multiple_of3A_268 = tpu.assume_multiple %min3A_267, 128 : i32
    %eq3A_269 = arith.constant 13 : i32
    %eq3A_270 = vector.broadcast %eq3A_269 : i32 to vector<16xi32>
    %eq3A_271 = arith.cmpi eq, %iota3A, %eq3A_270 : vector<16xi32>
    %jit3A_272 = arith.constant 0 : i32
    %broadcast_in_dim3A_273 = vector.broadcast %jit3A_272 : i32 to vector<16xi32>
    %select_n3A_274 = arith.select %eq3A_271, %get3A_3, %broadcast_in_dim3A_273 : vector<16xi1>, vector<16xi32>
    %reduce_max3A_275 = arith.constant true
    %reduce_max3A_276 = vector.broadcast %reduce_max3A_275 : i1 to vector<16xi1>
    %reduce_max3A_277 = arith.constant -2147483648 : i32
    %reduce_max3A_278 = vector.broadcast %reduce_max3A_277 : i32 to vector<16xi32>
    %reduce_max3A_279 = arith.xori %select_n3A_274, %reduce_max3A_278 : vector<16xi32>
    %reduce_max3A_280 = tpu.scan <max>, %reduce_max3A_279 masked %reduce_max3A_276 : vector<16xi32>, vector<16xi1> -> vector<16xi32>
    %reduce_max3A_281 = arith.xori %reduce_max3A_280, %reduce_max3A_278 : vector<16xi32>
    %reduce_max3A_282 = vector.extract %reduce_max3A_281[15] : i32 from vector<16xi32>
    %shift_right_arithmetic3A_283 = arith.constant 7 : i32
    %shift_right_arithmetic3A_284 = arith.shrsi %reduce_max3A_282, %shift_right_arithmetic3A_283 : i32
    %mul3A_285 = arith.constant 128 : i32
    %mul3A_286 = arith.muli %shift_right_arithmetic3A_284, %mul3A_285 : i32
    %min3A_287 = arith.constant 999808 : i32
    %min3A_288 = arith.minsi %mul3A_286, %min3A_287 : i32
    %multiple_of3A_289 = tpu.assume_multiple %min3A_288, 128 : i32
    %eq3A_290 = arith.constant 14 : i32
    %eq3A_291 = vector.broadcast %eq3A_290 : i32 to vector<16xi32>
    %eq3A_292 = arith.cmpi eq, %iota3A, %eq3A_291 : vector<16xi32>
    %jit3A_293 = arith.constant 0 : i32
    %broadcast_in_dim3A_294 = vector.broadcast %jit3A_293 : i32 to vector<16xi32>
    %select_n3A_295 = arith.select %eq3A_292, %get3A_3, %broadcast_in_dim3A_294 : vector<16xi1>, vector<16xi32>
    %reduce_max3A_296 = arith.constant true
    %reduce_max3A_297 = vector.broadcast %reduce_max3A_296 : i1 to vector<16xi1>
    %reduce_max3A_298 = arith.constant -2147483648 : i32
    %reduce_max3A_299 = vector.broadcast %reduce_max3A_298 : i32 to vector<16xi32>
    %reduce_max3A_300 = arith.xori %select_n3A_295, %reduce_max3A_299 : vector<16xi32>
    %reduce_max3A_301 = tpu.scan <max>, %reduce_max3A_300 masked %reduce_max3A_297 : vector<16xi32>, vector<16xi1> -> vector<16xi32>
    %reduce_max3A_302 = arith.xori %reduce_max3A_301, %reduce_max3A_299 : vector<16xi32>
    %reduce_max3A_303 = vector.extract %reduce_max3A_302[15] : i32 from vector<16xi32>
    %shift_right_arithmetic3A_304 = arith.constant 7 : i32
    %shift_right_arithmetic3A_305 = arith.shrsi %reduce_max3A_303, %shift_right_arithmetic3A_304 : i32
    %mul3A_306 = arith.constant 128 : i32
    %mul3A_307 = arith.muli %shift_right_arithmetic3A_305, %mul3A_306 : i32
    %min3A_308 = arith.constant 999808 : i32
    %min3A_309 = arith.minsi %mul3A_307, %min3A_308 : i32
    %multiple_of3A_310 = tpu.assume_multiple %min3A_309, 128 : i32
    %eq3A_311 = arith.constant 15 : i32
    %eq3A_312 = vector.broadcast %eq3A_311 : i32 to vector<16xi32>
    %eq3A_313 = arith.cmpi eq, %iota3A, %eq3A_312 : vector<16xi32>
    %jit3A_314 = arith.constant 0 : i32
    %broadcast_in_dim3A_315 = vector.broadcast %jit3A_314 : i32 to vector<16xi32>
    %select_n3A_316 = arith.select %eq3A_313, %get3A_3, %broadcast_in_dim3A_315 : vector<16xi1>, vector<16xi32>
    %reduce_max3A_317 = arith.constant true
    %reduce_max3A_318 = vector.broadcast %reduce_max3A_317 : i1 to vector<16xi1>
    %reduce_max3A_319 = arith.constant -2147483648 : i32
    %reduce_max3A_320 = vector.broadcast %reduce_max3A_319 : i32 to vector<16xi32>
    %reduce_max3A_321 = arith.xori %select_n3A_316, %reduce_max3A_320 : vector<16xi32>
    %reduce_max3A_322 = tpu.scan <max>, %reduce_max3A_321 masked %reduce_max3A_318 : vector<16xi32>, vector<16xi1> -> vector<16xi32>
    %reduce_max3A_323 = arith.xori %reduce_max3A_322, %reduce_max3A_320 : vector<16xi32>
    %reduce_max3A_324 = vector.extract %reduce_max3A_323[15] : i32 from vector<16xi32>
    %shift_right_arithmetic3A_325 = arith.constant 7 : i32
    %shift_right_arithmetic3A_326 = arith.shrsi %reduce_max3A_324, %shift_right_arithmetic3A_325 : i32
    %mul3A_327 = arith.constant 128 : i32
    %mul3A_328 = arith.muli %shift_right_arithmetic3A_326, %mul3A_327 : i32
    %min3A_329 = arith.constant 999808 : i32
    %min3A_330 = arith.minsi %mul3A_328, %min3A_329 : i32
    %multiple_of3A_331 = tpu.assume_multiple %min3A_330, 128 : i32
    %dma_start3A = arith.constant 0 : i32
    %dma_start3A_332 = tpu.memref_slice %arg3[%dma_start3A, %multiple_of3A] : memref<16x1000000xf32, #tpu.memory_space<hbm>> -> memref<16x128xf32, #tpu.memory_space<hbm>>
    %dma_start3A_333 = arith.constant 0 : i32
    %dma_start3A_334 = tpu.memref_slice %arg3[%dma_start3A_333, %multiple_of3A] : memref<16x1000000xf32, #tpu.memory_space<hbm>> -> memref<16x128xf32, #tpu.memory_space<hbm>>
    tpu.enqueue_dma source(%dma_start3A_334 : memref<16x128xf32, #tpu.memory_space<hbm>>) target(%arg9 : memref<16x128xf32, #tpu.memory_space<vmem>>) target_semaphore(%arg45 : memref<!tpu.dma_semaphore, #tpu.memory_space<semaphore_mem>>)
    %dma_start3A_335 = arith.constant 0 : i32
    %dma_start3A_336 = tpu.memref_slice %arg3[%dma_start3A_335, %multiple_of3A_37] : memref<16x1000000xf32, #tpu.memory_space<hbm>> -> memref<16x128xf32, #tpu.memory_space<hbm>>
    %dma_start3A_337 = arith.constant 0 : i32
    %dma_start3A_338 = tpu.memref_slice %arg3[%dma_start3A_337, %multiple_of3A_37] : memref<16x1000000xf32, #tpu.memory_space<hbm>> -> memref<16x128xf32, #tpu.memory_space<hbm>>
    tpu.enqueue_dma source(%dma_start3A_338 : memref<16x128xf32, #tpu.memory_space<hbm>>) target(%arg10 : memref<16x128xf32, #tpu.memory_space<vmem>>) target_semaphore(%arg45 : memref<!tpu.dma_semaphore, #tpu.memory_space<semaphore_mem>>)
    %dma_start3A_339 = arith.constant 0 : i32
    %dma_start3A_340 = tpu.memref_slice %arg3[%dma_start3A_339, %multiple_of3A_58] : memref<16x1000000xf32, #tpu.memory_space<hbm>> -> memref<16x128xf32, #tpu.memory_space<hbm>>
    %dma_start3A_341 = arith.constant 0 : i32
    %dma_start3A_342 = tpu.memref_slice %arg3[%dma_start3A_341, %multiple_of3A_58] : memref<16x1000000xf32, #tpu.memory_space<hbm>> -> memref<16x128xf32, #tpu.memory_space<hbm>>
    tpu.enqueue_dma source(%dma_start3A_342 : memref<16x128xf32, #tpu.memory_space<hbm>>) target(%arg11 : memref<16x128xf32, #tpu.memory_space<vmem>>) target_semaphore(%arg45 : memref<!tpu.dma_semaphore, #tpu.memory_space<semaphore_mem>>)
    %dma_start3A_343 = arith.constant 0 : i32
    %dma_start3A_344 = tpu.memref_slice %arg3[%dma_start3A_343, %multiple_of3A_79] : memref<16x1000000xf32, #tpu.memory_space<hbm>> -> memref<16x128xf32, #tpu.memory_space<hbm>>
    %dma_start3A_345 = arith.constant 0 : i32
    %dma_start3A_346 = tpu.memref_slice %arg3[%dma_start3A_345, %multiple_of3A_79] : memref<16x1000000xf32, #tpu.memory_space<hbm>> -> memref<16x128xf32, #tpu.memory_space<hbm>>
    tpu.enqueue_dma source(%dma_start3A_346 : memref<16x128xf32, #tpu.memory_space<hbm>>) target(%arg12 : memref<16x128xf32, #tpu.memory_space<vmem>>) target_semaphore(%arg45 : memref<!tpu.dma_semaphore, #tpu.memory_space<semaphore_mem>>)
    %dma_start3A_347 = arith.constant 0 : i32
    %dma_start3A_348 = tpu.memref_slice %arg3[%dma_start3A_347, %multiple_of3A_100] : memref<16x1000000xf32, #tpu.memory_space<hbm>> -> memref<16x128xf32, #tpu.memory_space<hbm>>
    %dma_start3A_349 = arith.constant 0 : i32
    %dma_start3A_350 = tpu.memref_slice %arg3[%dma_start3A_349, %multiple_of3A_100] : memref<16x1000000xf32, #tpu.memory_space<hbm>> -> memref<16x128xf32, #tpu.memory_space<hbm>>
    tpu.enqueue_dma source(%dma_start3A_350 : memref<16x128xf32, #tpu.memory_space<hbm>>) target(%arg13 : memref<16x128xf32, #tpu.memory_space<vmem>>) target_semaphore(%arg45 : memref<!tpu.dma_semaphore, #tpu.memory_space<semaphore_mem>>)
    %dma_start3A_351 = arith.constant 0 : i32
    %dma_start3A_352 = tpu.memref_slice %arg3[%dma_start3A_351, %multiple_of3A_121] : memref<16x1000000xf32, #tpu.memory_space<hbm>> -> memref<16x128xf32, #tpu.memory_space<hbm>>
    %dma_start3A_353 = arith.constant 0 : i32
    %dma_start3A_354 = tpu.memref_slice %arg3[%dma_start3A_353, %multiple_of3A_121] : memref<16x1000000xf32, #tpu.memory_space<hbm>> -> memref<16x128xf32, #tpu.memory_space<hbm>>
    tpu.enqueue_dma source(%dma_start3A_354 : memref<16x128xf32, #tpu.memory_space<hbm>>) target(%arg14 : memref<16x128xf32, #tpu.memory_space<vmem>>) target_semaphore(%arg45 : memref<!tpu.dma_semaphore, #tpu.memory_space<semaphore_mem>>)
    %dma_start3A_355 = arith.constant 0 : i32
    %dma_start3A_356 = tpu.memref_slice %arg3[%dma_start3A_355, %multiple_of3A_142] : memref<16x1000000xf32, #tpu.memory_space<hbm>> -> memref<16x128xf32, #tpu.memory_space<hbm>>
    %dma_start3A_357 = arith.constant 0 : i32
    %dma_start3A_358 = tpu.memref_slice %arg3[%dma_start3A_357, %multiple_of3A_142] : memref<16x1000000xf32, #tpu.memory_space<hbm>> -> memref<16x128xf32, #tpu.memory_space<hbm>>
    tpu.enqueue_dma source(%dma_start3A_358 : memref<16x128xf32, #tpu.memory_space<hbm>>) target(%arg15 : memref<16x128xf32, #tpu.memory_space<vmem>>) target_semaphore(%arg45 : memref<!tpu.dma_semaphore, #tpu.memory_space<semaphore_mem>>)
    %dma_start3A_359 = arith.constant 0 : i32
    %dma_start3A_360 = tpu.memref_slice %arg3[%dma_start3A_359, %multiple_of3A_163] : memref<16x1000000xf32, #tpu.memory_space<hbm>> -> memref<16x128xf32, #tpu.memory_space<hbm>>
    %dma_start3A_361 = arith.constant 0 : i32
    %dma_start3A_362 = tpu.memref_slice %arg3[%dma_start3A_361, %multiple_of3A_163] : memref<16x1000000xf32, #tpu.memory_space<hbm>> -> memref<16x128xf32, #tpu.memory_space<hbm>>
    tpu.enqueue_dma source(%dma_start3A_362 : memref<16x128xf32, #tpu.memory_space<hbm>>) target(%arg16 : memref<16x128xf32, #tpu.memory_space<vmem>>) target_semaphore(%arg45 : memref<!tpu.dma_semaphore, #tpu.memory_space<semaphore_mem>>)
    %dma_start3A_363 = arith.constant 0 : i32
    %dma_start3A_364 = tpu.memref_slice %arg3[%dma_start3A_363, %multiple_of3A_184] : memref<16x1000000xf32, #tpu.memory_space<hbm>> -> memref<16x128xf32, #tpu.memory_space<hbm>>
    %dma_start3A_365 = arith.constant 0 : i32
    %dma_start3A_366 = tpu.memref_slice %arg3[%dma_start3A_365, %multiple_of3A_184] : memref<16x1000000xf32, #tpu.memory_space<hbm>> -> memref<16x128xf32, #tpu.memory_space<hbm>>
    tpu.enqueue_dma source(%dma_start3A_366 : memref<16x128xf32, #tpu.memory_space<hbm>>) target(%arg17 : memref<16x128xf32, #tpu.memory_space<vmem>>) target_semaphore(%arg45 : memref<!tpu.dma_semaphore, #tpu.memory_space<semaphore_mem>>)
    %dma_start3A_367 = arith.constant 0 : i32
    %dma_start3A_368 = tpu.memref_slice %arg3[%dma_start3A_367, %multiple_of3A_205] : memref<16x1000000xf32, #tpu.memory_space<hbm>> -> memref<16x128xf32, #tpu.memory_space<hbm>>
    %dma_start3A_369 = arith.constant 0 : i32
    %dma_start3A_370 = tpu.memref_slice %arg3[%dma_start3A_369, %multiple_of3A_205] : memref<16x1000000xf32, #tpu.memory_space<hbm>> -> memref<16x128xf32, #tpu.memory_space<hbm>>
    tpu.enqueue_dma source(%dma_start3A_370 : memref<16x128xf32, #tpu.memory_space<hbm>>) target(%arg18 : memref<16x128xf32, #tpu.memory_space<vmem>>) target_semaphore(%arg45 : memref<!tpu.dma_semaphore, #tpu.memory_space<semaphore_mem>>)
    %dma_start3A_371 = arith.constant 0 : i32
    %dma_start3A_372 = tpu.memref_slice %arg3[%dma_start3A_371, %multiple_of3A_226] : memref<16x1000000xf32, #tpu.memory_space<hbm>> -> memref<16x128xf32, #tpu.memory_space<hbm>>
    %dma_start3A_373 = arith.constant 0 : i32
    %dma_start3A_374 = tpu.memref_slice %arg3[%dma_start3A_373, %multiple_of3A_226] : memref<16x1000000xf32, #tpu.memory_space<hbm>> -> memref<16x128xf32, #tpu.memory_space<hbm>>
    tpu.enqueue_dma source(%dma_start3A_374 : memref<16x128xf32, #tpu.memory_space<hbm>>) target(%arg19 : memref<16x128xf32, #tpu.memory_space<vmem>>) target_semaphore(%arg45 : memref<!tpu.dma_semaphore, #tpu.memory_space<semaphore_mem>>)
    %dma_start3A_375 = arith.constant 0 : i32
    %dma_start3A_376 = tpu.memref_slice %arg3[%dma_start3A_375, %multiple_of3A_247] : memref<16x1000000xf32, #tpu.memory_space<hbm>> -> memref<16x128xf32, #tpu.memory_space<hbm>>
    %dma_start3A_377 = arith.constant 0 : i32
    %dma_start3A_378 = tpu.memref_slice %arg3[%dma_start3A_377, %multiple_of3A_247] : memref<16x1000000xf32, #tpu.memory_space<hbm>> -> memref<16x128xf32, #tpu.memory_space<hbm>>
    tpu.enqueue_dma source(%dma_start3A_378 : memref<16x128xf32, #tpu.memory_space<hbm>>) target(%arg20 : memref<16x128xf32, #tpu.memory_space<vmem>>) target_semaphore(%arg45 : memref<!tpu.dma_semaphore, #tpu.memory_space<semaphore_mem>>)
    %dma_start3A_379 = arith.constant 0 : i32
    %dma_start3A_380 = tpu.memref_slice %arg3[%dma_start3A_379, %multiple_of3A_268] : memref<16x1000000xf32, #tpu.memory_space<hbm>> -> memref<16x128xf32, #tpu.memory_space<hbm>>
    %dma_start3A_381 = arith.constant 0 : i32
    %dma_start3A_382 = tpu.memref_slice %arg3[%dma_start3A_381, %multiple_of3A_268] : memref<16x1000000xf32, #tpu.memory_space<hbm>> -> memref<16x128xf32, #tpu.memory_space<hbm>>
    tpu.enqueue_dma source(%dma_start3A_382 : memref<16x128xf32, #tpu.memory_space<hbm>>) target(%arg21 : memref<16x128xf32, #tpu.memory_space<vmem>>) target_semaphore(%arg45 : memref<!tpu.dma_semaphore, #tpu.memory_space<semaphore_mem>>)
    %dma_start3A_383 = arith.constant 0 : i32
    %dma_start3A_384 = tpu.memref_slice %arg3[%dma_start3A_383, %multiple_of3A_289] : memref<16x1000000xf32, #tpu.memory_space<hbm>> -> memref<16x128xf32, #tpu.memory_space<hbm>>
    %dma_start3A_385 = arith.constant 0 : i32
    %dma_start3A_386 = tpu.memref_slice %arg3[%dma_start3A_385, %multiple_of3A_289] : memref<16x1000000xf32, #tpu.memory_space<hbm>> -> memref<16x128xf32, #tpu.memory_space<hbm>>
    tpu.enqueue_dma source(%dma_start3A_386 : memref<16x128xf32, #tpu.memory_space<hbm>>) target(%arg22 : memref<16x128xf32, #tpu.memory_space<vmem>>) target_semaphore(%arg45 : memref<!tpu.dma_semaphore, #tpu.memory_space<semaphore_mem>>)
    %dma_start3A_387 = arith.constant 0 : i32
    %dma_start3A_388 = tpu.memref_slice %arg3[%dma_start3A_387, %multiple_of3A_310] : memref<16x1000000xf32, #tpu.memory_space<hbm>> -> memref<16x128xf32, #tpu.memory_space<hbm>>
    %dma_start3A_389 = arith.constant 0 : i32
    %dma_start3A_390 = tpu.memref_slice %arg3[%dma_start3A_389, %multiple_of3A_310] : memref<16x1000000xf32, #tpu.memory_space<hbm>> -> memref<16x128xf32, #tpu.memory_space<hbm>>
    tpu.enqueue_dma source(%dma_start3A_390 : memref<16x128xf32, #tpu.memory_space<hbm>>) target(%arg23 : memref<16x128xf32, #tpu.memory_space<vmem>>) target_semaphore(%arg45 : memref<!tpu.dma_semaphore, #tpu.memory_space<semaphore_mem>>)
    %dma_start3A_391 = arith.constant 0 : i32
    %dma_start3A_392 = tpu.memref_slice %arg3[%dma_start3A_391, %multiple_of3A_331] : memref<16x1000000xf32, #tpu.memory_space<hbm>> -> memref<16x128xf32, #tpu.memory_space<hbm>>
    %dma_start3A_393 = arith.constant 0 : i32
    %dma_start3A_394 = tpu.memref_slice %arg3[%dma_start3A_393, %multiple_of3A_331] : memref<16x1000000xf32, #tpu.memory_space<hbm>> -> memref<16x128xf32, #tpu.memory_space<hbm>>
    tpu.enqueue_dma source(%dma_start3A_394 : memref<16x128xf32, #tpu.memory_space<hbm>>) target(%arg24 : memref<16x128xf32, #tpu.memory_space<vmem>>) target_semaphore(%arg45 : memref<!tpu.dma_semaphore, #tpu.memory_space<semaphore_mem>>)
    %scan3A = arith.constant 0 : i32
    %scan3A_395 = arith.constant 0 : i32
    %scan3A_396 = arith.constant 32 : i32
    %scan3A_397 = arith.addi %scan3A_395, %scan3A_396 : i32
    %scan3A_398 = arith.constant 1 : i32
    %scan3A_399 = scf.for %scan3A_403 = %scan3A_395 to %scan3A_397 step %scan3A_398 iter_args(%scan3A_404 = %scan3A) -> (i32)  : i32 {
      %mul3A_405 = arith.constant 16 : i32
      %mul3A_406 = arith.muli %scan3A_403, %mul3A_405 : i32
      %get3A_407 = arith.index_cast %mul3A_406 : i32 to index
      %get3A_408 = tpu.vector_load %arg8[%get3A_407] {strides = array<i32>} : memref<512xi32, #tpu.memory_space<vmem>>, vector<16xi32>,
      %eq3A_409 = arith.constant 0 : i32
      %eq3A_410 = vector.broadcast %eq3A_409 : i32 to vector<16xi32>
      %eq3A_411 = arith.cmpi eq, %iota3A, %eq3A_410 : vector<16xi32>
      %jit3A_412 = arith.constant 0 : i32
      %broadcast_in_dim3A_413 = vector.broadcast %jit3A_412 : i32 to vector<16xi32>
      %select_n3A_414 = arith.select %eq3A_411, %get3A_408, %broadcast_in_dim3A_413 : vector<16xi1>, vector<16xi32>
      %reduce_max3A_415 = arith.constant true
      %reduce_max3A_416 = vector.broadcast %reduce_max3A_415 : i1 to vector<16xi1>
      %reduce_max3A_417 = arith.constant -2147483648 : i32
      %reduce_max3A_418 = vector.broadcast %reduce_max3A_417 : i32 to vector<16xi32>
      %reduce_max3A_419 = arith.xori %select_n3A_414, %reduce_max3A_418 : vector<16xi32>
      %reduce_max3A_420 = tpu.scan <max>, %reduce_max3A_419 masked %reduce_max3A_416 : vector<16xi32>, vector<16xi1> -> vector<16xi32>
      %reduce_max3A_421 = arith.xori %reduce_max3A_420, %reduce_max3A_418 : vector<16xi32>
      %reduce_max3A_422 = vector.extract %reduce_max3A_421[15] : i32 from vector<16xi32>
      %shift_right_arithmetic3A_423 = arith.constant 7 : i32
      %shift_right_arithmetic3A_424 = arith.shrsi %reduce_max3A_422, %shift_right_arithmetic3A_423 : i32
      %mul3A_425 = arith.constant 128 : i32
      %mul3A_426 = arith.muli %shift_right_arithmetic3A_424, %mul3A_425 : i32
      %min3A_427 = arith.constant 999808 : i32
      %min3A_428 = arith.minsi %mul3A_426, %min3A_427 : i32
      %multiple_of3A_429 = tpu.assume_multiple %min3A_428, 128 : i32
      %eq3A_430 = arith.constant 1 : i32
      %eq3A_431 = vector.broadcast %eq3A_430 : i32 to vector<16xi32>
      %eq3A_432 = arith.cmpi eq, %iota3A, %eq3A_431 : vector<16xi32>
      %jit3A_433 = arith.constant 0 : i32
      %broadcast_in_dim3A_434 = vector.broadcast %jit3A_433 : i32 to vector<16xi32>
      %select_n3A_435 = arith.select %eq3A_432, %get3A_408, %broadcast_in_dim3A_434 : vector<16xi1>, vector<16xi32>
      %reduce_max3A_436 = arith.constant true
      %reduce_max3A_437 = vector.broadcast %reduce_max3A_436 : i1 to vector<16xi1>
      %reduce_max3A_438 = arith.constant -2147483648 : i32
      %reduce_max3A_439 = vector.broadcast %reduce_max3A_438 : i32 to vector<16xi32>
      %reduce_max3A_440 = arith.xori %select_n3A_435, %reduce_max3A_439 : vector<16xi32>
      %reduce_max3A_441 = tpu.scan <max>, %reduce_max3A_440 masked %reduce_max3A_437 : vector<16xi32>, vector<16xi1> -> vector<16xi32>
      %reduce_max3A_442 = arith.xori %reduce_max3A_441, %reduce_max3A_439 : vector<16xi32>
      %reduce_max3A_443 = vector.extract %reduce_max3A_442[15] : i32 from vector<16xi32>
      %shift_right_arithmetic3A_444 = arith.constant 7 : i32
      %shift_right_arithmetic3A_445 = arith.shrsi %reduce_max3A_443, %shift_right_arithmetic3A_444 : i32
      %mul3A_446 = arith.constant 128 : i32
      %mul3A_447 = arith.muli %shift_right_arithmetic3A_445, %mul3A_446 : i32
      %min3A_448 = arith.constant 999808 : i32
      %min3A_449 = arith.minsi %mul3A_447, %min3A_448 : i32
      %multiple_of3A_450 = tpu.assume_multiple %min3A_449, 128 : i32
      %eq3A_451 = arith.constant 2 : i32
      %eq3A_452 = vector.broadcast %eq3A_451 : i32 to vector<16xi32>
      %eq3A_453 = arith.cmpi eq, %iota3A, %eq3A_452 : vector<16xi32>
      %jit3A_454 = arith.constant 0 : i32
      %broadcast_in_dim3A_455 = vector.broadcast %jit3A_454 : i32 to vector<16xi32>
      %select_n3A_456 = arith.select %eq3A_453, %get3A_408, %broadcast_in_dim3A_455 : vector<16xi1>, vector<16xi32>
      %reduce_max3A_457 = arith.constant true
      %reduce_max3A_458 = vector.broadcast %reduce_max3A_457 : i1 to vector<16xi1>
      %reduce_max3A_459 = arith.constant -2147483648 : i32
      %reduce_max3A_460 = vector.broadcast %reduce_max3A_459 : i32 to vector<16xi32>
      %reduce_max3A_461 = arith.xori %select_n3A_456, %reduce_max3A_460 : vector<16xi32>
      %reduce_max3A_462 = tpu.scan <max>, %reduce_max3A_461 masked %reduce_max3A_458 : vector<16xi32>, vector<16xi1> -> vector<16xi32>
      %reduce_max3A_463 = arith.xori %reduce_max3A_462, %reduce_max3A_460 : vector<16xi32>
      %reduce_max3A_464 = vector.extract %reduce_max3A_463[15] : i32 from vector<16xi32>
      %shift_right_arithmetic3A_465 = arith.constant 7 : i32
      %shift_right_arithmetic3A_466 = arith.shrsi %reduce_max3A_464, %shift_right_arithmetic3A_465 : i32
      %mul3A_467 = arith.constant 128 : i32
      %mul3A_468 = arith.muli %shift_right_arithmetic3A_466, %mul3A_467 : i32
      %min3A_469 = arith.constant 999808 : i32
      %min3A_470 = arith.minsi %mul3A_468, %min3A_469 : i32
      %multiple_of3A_471 = tpu.assume_multiple %min3A_470, 128 : i32
      %eq3A_472 = arith.constant 3 : i32
      %eq3A_473 = vector.broadcast %eq3A_472 : i32 to vector<16xi32>
      %eq3A_474 = arith.cmpi eq, %iota3A, %eq3A_473 : vector<16xi32>
      %jit3A_475 = arith.constant 0 : i32
      %broadcast_in_dim3A_476 = vector.broadcast %jit3A_475 : i32 to vector<16xi32>
      %select_n3A_477 = arith.select %eq3A_474, %get3A_408, %broadcast_in_dim3A_476 : vector<16xi1>, vector<16xi32>
      %reduce_max3A_478 = arith.constant true
      %reduce_max3A_479 = vector.broadcast %reduce_max3A_478 : i1 to vector<16xi1>
      %reduce_max3A_480 = arith.constant -2147483648 : i32
      %reduce_max3A_481 = vector.broadcast %reduce_max3A_480 : i32 to vector<16xi32>
      %reduce_max3A_482 = arith.xori %select_n3A_477, %reduce_max3A_481 : vector<16xi32>
      %reduce_max3A_483 = tpu.scan <max>, %reduce_max3A_482 masked %reduce_max3A_479 : vector<16xi32>, vector<16xi1> -> vector<16xi32>
      %reduce_max3A_484 = arith.xori %reduce_max3A_483, %reduce_max3A_481 : vector<16xi32>
      %reduce_max3A_485 = vector.extract %reduce_max3A_484[15] : i32 from vector<16xi32>
      %shift_right_arithmetic3A_486 = arith.constant 7 : i32
      %shift_right_arithmetic3A_487 = arith.shrsi %reduce_max3A_485, %shift_right_arithmetic3A_486 : i32
      %mul3A_488 = arith.constant 128 : i32
      %mul3A_489 = arith.muli %shift_right_arithmetic3A_487, %mul3A_488 : i32
      %min3A_490 = arith.constant 999808 : i32
      %min3A_491 = arith.minsi %mul3A_489, %min3A_490 : i32
      %multiple_of3A_492 = tpu.assume_multiple %min3A_491, 128 : i32
      %eq3A_493 = arith.constant 4 : i32
      %eq3A_494 = vector.broadcast %eq3A_493 : i32 to vector<16xi32>
      %eq3A_495 = arith.cmpi eq, %iota3A, %eq3A_494 : vector<16xi32>
      %jit3A_496 = arith.constant 0 : i32
      %broadcast_in_dim3A_497 = vector.broadcast %jit3A_496 : i32 to vector<16xi32>
      %select_n3A_498 = arith.select %eq3A_495, %get3A_408, %broadcast_in_dim3A_497 : vector<16xi1>, vector<16xi32>
      %reduce_max3A_499 = arith.constant true
      %reduce_max3A_500 = vector.broadcast %reduce_max3A_499 : i1 to vector<16xi1>
      %reduce_max3A_501 = arith.constant -2147483648 : i32
      %reduce_max3A_502 = vector.broadcast %reduce_max3A_501 : i32 to vector<16xi32>
      %reduce_max3A_503 = arith.xori %select_n3A_498, %reduce_max3A_502 : vector<16xi32>
      %reduce_max3A_504 = tpu.scan <max>, %reduce_max3A_503 masked %reduce_max3A_500 : vector<16xi32>, vector<16xi1> -> vector<16xi32>
      %reduce_max3A_505 = arith.xori %reduce_max3A_504, %reduce_max3A_502 : vector<16xi32>
      %reduce_max3A_506 = vector.extract %reduce_max3A_505[15] : i32 from vector<16xi32>
      %shift_right_arithmetic3A_507 = arith.constant 7 : i32
      %shift_right_arithmetic3A_508 = arith.shrsi %reduce_max3A_506, %shift_right_arithmetic3A_507 : i32
      %mul3A_509 = arith.constant 128 : i32
      %mul3A_510 = arith.muli %shift_right_arithmetic3A_508, %mul3A_509 : i32
      %min3A_511 = arith.constant 999808 : i32
      %min3A_512 = arith.minsi %mul3A_510, %min3A_511 : i32
      %multiple_of3A_513 = tpu.assume_multiple %min3A_512, 128 : i32
      %eq3A_514 = arith.constant 5 : i32
      %eq3A_515 = vector.broadcast %eq3A_514 : i32 to vector<16xi32>
      %eq3A_516 = arith.cmpi eq, %iota3A, %eq3A_515 : vector<16xi32>
      %jit3A_517 = arith.constant 0 : i32
      %broadcast_in_dim3A_518 = vector.broadcast %jit3A_517 : i32 to vector<16xi32>
      %select_n3A_519 = arith.select %eq3A_516, %get3A_408, %broadcast_in_dim3A_518 : vector<16xi1>, vector<16xi32>
      %reduce_max3A_520 = arith.constant true
      %reduce_max3A_521 = vector.broadcast %reduce_max3A_520 : i1 to vector<16xi1>
      %reduce_max3A_522 = arith.constant -2147483648 : i32
      %reduce_max3A_523 = vector.broadcast %reduce_max3A_522 : i32 to vector<16xi32>
      %reduce_max3A_524 = arith.xori %select_n3A_519, %reduce_max3A_523 : vector<16xi32>
      %reduce_max3A_525 = tpu.scan <max>, %reduce_max3A_524 masked %reduce_max3A_521 : vector<16xi32>, vector<16xi1> -> vector<16xi32>
      %reduce_max3A_526 = arith.xori %reduce_max3A_525, %reduce_max3A_523 : vector<16xi32>
      %reduce_max3A_527 = vector.extract %reduce_max3A_526[15] : i32 from vector<16xi32>
      %shift_right_arithmetic3A_528 = arith.constant 7 : i32
      %shift_right_arithmetic3A_529 = arith.shrsi %reduce_max3A_527, %shift_right_arithmetic3A_528 : i32
      %mul3A_530 = arith.constant 128 : i32
      %mul3A_531 = arith.muli %shift_right_arithmetic3A_529, %mul3A_530 : i32
      %min3A_532 = arith.constant 999808 : i32
      %min3A_533 = arith.minsi %mul3A_531, %min3A_532 : i32
      %multiple_of3A_534 = tpu.assume_multiple %min3A_533, 128 : i32
      %eq3A_535 = arith.constant 6 : i32
      %eq3A_536 = vector.broadcast %eq3A_535 : i32 to vector<16xi32>
      %eq3A_537 = arith.cmpi eq, %iota3A, %eq3A_536 : vector<16xi32>
      %jit3A_538 = arith.constant 0 : i32
      %broadcast_in_dim3A_539 = vector.broadcast %jit3A_538 : i32 to vector<16xi32>
      %select_n3A_540 = arith.select %eq3A_537, %get3A_408, %broadcast_in_dim3A_539 : vector<16xi1>, vector<16xi32>
      %reduce_max3A_541 = arith.constant true
      %reduce_max3A_542 = vector.broadcast %reduce_max3A_541 : i1 to vector<16xi1>
      %reduce_max3A_543 = arith.constant -2147483648 : i32
      %reduce_max3A_544 = vector.broadcast %reduce_max3A_543 : i32 to vector<16xi32>
      %reduce_max3A_545 = arith.xori %select_n3A_540, %reduce_max3A_544 : vector<16xi32>
      %reduce_max3A_546 = tpu.scan <max>, %reduce_max3A_545 masked %reduce_max3A_542 : vector<16xi32>, vector<16xi1> -> vector<16xi32>
      %reduce_max3A_547 = arith.xori %reduce_max3A_546, %reduce_max3A_544 : vector<16xi32>
      %reduce_max3A_548 = vector.extract %reduce_max3A_547[15] : i32 from vector<16xi32>
      %shift_right_arithmetic3A_549 = arith.constant 7 : i32
      %shift_right_arithmetic3A_550 = arith.shrsi %reduce_max3A_548, %shift_right_arithmetic3A_549 : i32
      %mul3A_551 = arith.constant 128 : i32
      %mul3A_552 = arith.muli %shift_right_arithmetic3A_550, %mul3A_551 : i32
      %min3A_553 = arith.constant 999808 : i32
      %min3A_554 = arith.minsi %mul3A_552, %min3A_553 : i32
      %multiple_of3A_555 = tpu.assume_multiple %min3A_554, 128 : i32
      %eq3A_556 = arith.constant 7 : i32
      %eq3A_557 = vector.broadcast %eq3A_556 : i32 to vector<16xi32>
      %eq3A_558 = arith.cmpi eq, %iota3A, %eq3A_557 : vector<16xi32>
      %jit3A_559 = arith.constant 0 : i32
      %broadcast_in_dim3A_560 = vector.broadcast %jit3A_559 : i32 to vector<16xi32>
      %select_n3A_561 = arith.select %eq3A_558, %get3A_408, %broadcast_in_dim3A_560 : vector<16xi1>, vector<16xi32>
      %reduce_max3A_562 = arith.constant true
      %reduce_max3A_563 = vector.broadcast %reduce_max3A_562 : i1 to vector<16xi1>
      %reduce_max3A_564 = arith.constant -2147483648 : i32
      %reduce_max3A_565 = vector.broadcast %reduce_max3A_564 : i32 to vector<16xi32>
      %reduce_max3A_566 = arith.xori %select_n3A_561, %reduce_max3A_565 : vector<16xi32>
      %reduce_max3A_567 = tpu.scan <max>, %reduce_max3A_566 masked %reduce_max3A_563 : vector<16xi32>, vector<16xi1> -> vector<16xi32>
      %reduce_max3A_568 = arith.xori %reduce_max3A_567, %reduce_max3A_565 : vector<16xi32>
      %reduce_max3A_569 = vector.extract %reduce_max3A_568[15] : i32 from vector<16xi32>
      %shift_right_arithmetic3A_570 = arith.constant 7 : i32
      %shift_right_arithmetic3A_571 = arith.shrsi %reduce_max3A_569, %shift_right_arithmetic3A_570 : i32
      %mul3A_572 = arith.constant 128 : i32
      %mul3A_573 = arith.muli %shift_right_arithmetic3A_571, %mul3A_572 : i32
      %min3A_574 = arith.constant 999808 : i32
      %min3A_575 = arith.minsi %mul3A_573, %min3A_574 : i32
      %multiple_of3A_576 = tpu.assume_multiple %min3A_575, 128 : i32
      %eq3A_577 = arith.constant 8 : i32
      %eq3A_578 = vector.broadcast %eq3A_577 : i32 to vector<16xi32>
      %eq3A_579 = arith.cmpi eq, %iota3A, %eq3A_578 : vector<16xi32>
      %jit3A_580 = arith.constant 0 : i32
      %broadcast_in_dim3A_581 = vector.broadcast %jit3A_580 : i32 to vector<16xi32>
      %select_n3A_582 = arith.select %eq3A_579, %get3A_408, %broadcast_in_dim3A_581 : vector<16xi1>, vector<16xi32>
      %reduce_max3A_583 = arith.constant true
      %reduce_max3A_584 = vector.broadcast %reduce_max3A_583 : i1 to vector<16xi1>
      %reduce_max3A_585 = arith.constant -2147483648 : i32
      %reduce_max3A_586 = vector.broadcast %reduce_max3A_585 : i32 to vector<16xi32>
      %reduce_max3A_587 = arith.xori %select_n3A_582, %reduce_max3A_586 : vector<16xi32>
      %reduce_max3A_588 = tpu.scan <max>, %reduce_max3A_587 masked %reduce_max3A_584 : vector<16xi32>, vector<16xi1> -> vector<16xi32>
      %reduce_max3A_589 = arith.xori %reduce_max3A_588, %reduce_max3A_586 : vector<16xi32>
      %reduce_max3A_590 = vector.extract %reduce_max3A_589[15] : i32 from vector<16xi32>
      %shift_right_arithmetic3A_591 = arith.constant 7 : i32
      %shift_right_arithmetic3A_592 = arith.shrsi %reduce_max3A_590, %shift_right_arithmetic3A_591 : i32
      %mul3A_593 = arith.constant 128 : i32
      %mul3A_594 = arith.muli %shift_right_arithmetic3A_592, %mul3A_593 : i32
      %min3A_595 = arith.constant 999808 : i32
      %min3A_596 = arith.minsi %mul3A_594, %min3A_595 : i32
      %multiple_of3A_597 = tpu.assume_multiple %min3A_596, 128 : i32
      %eq3A_598 = arith.constant 9 : i32
      %eq3A_599 = vector.broadcast %eq3A_598 : i32 to vector<16xi32>
      %eq3A_600 = arith.cmpi eq, %iota3A, %eq3A_599 : vector<16xi32>
      %jit3A_601 = arith.constant 0 : i32
      %broadcast_in_dim3A_602 = vector.broadcast %jit3A_601 : i32 to vector<16xi32>
      %select_n3A_603 = arith.select %eq3A_600, %get3A_408, %broadcast_in_dim3A_602 : vector<16xi1>, vector<16xi32>
      %reduce_max3A_604 = arith.constant true
      %reduce_max3A_605 = vector.broadcast %reduce_max3A_604 : i1 to vector<16xi1>
      %reduce_max3A_606 = arith.constant -2147483648 : i32
      %reduce_max3A_607 = vector.broadcast %reduce_max3A_606 : i32 to vector<16xi32>
      %reduce_max3A_608 = arith.xori %select_n3A_603, %reduce_max3A_607 : vector<16xi32>
      %reduce_max3A_609 = tpu.scan <max>, %reduce_max3A_608 masked %reduce_max3A_605 : vector<16xi32>, vector<16xi1> -> vector<16xi32>
      %reduce_max3A_610 = arith.xori %reduce_max3A_609, %reduce_max3A_607 : vector<16xi32>
      %reduce_max3A_611 = vector.extract %reduce_max3A_610[15] : i32 from vector<16xi32>
      %shift_right_arithmetic3A_612 = arith.constant 7 : i32
      %shift_right_arithmetic3A_613 = arith.shrsi %reduce_max3A_611, %shift_right_arithmetic3A_612 : i32
      %mul3A_614 = arith.constant 128 : i32
      %mul3A_615 = arith.muli %shift_right_arithmetic3A_613, %mul3A_614 : i32
      %min3A_616 = arith.constant 999808 : i32
      %min3A_617 = arith.minsi %mul3A_615, %min3A_616 : i32
      %multiple_of3A_618 = tpu.assume_multiple %min3A_617, 128 : i32
      %eq3A_619 = arith.constant 10 : i32
      %eq3A_620 = vector.broadcast %eq3A_619 : i32 to vector<16xi32>
      %eq3A_621 = arith.cmpi eq, %iota3A, %eq3A_620 : vector<16xi32>
      %jit3A_622 = arith.constant 0 : i32
      %broadcast_in_dim3A_623 = vector.broadcast %jit3A_622 : i32 to vector<16xi32>
      %select_n3A_624 = arith.select %eq3A_621, %get3A_408, %broadcast_in_dim3A_623 : vector<16xi1>, vector<16xi32>
      %reduce_max3A_625 = arith.constant true
      %reduce_max3A_626 = vector.broadcast %reduce_max3A_625 : i1 to vector<16xi1>
      %reduce_max3A_627 = arith.constant -2147483648 : i32
      %reduce_max3A_628 = vector.broadcast %reduce_max3A_627 : i32 to vector<16xi32>
      %reduce_max3A_629 = arith.xori %select_n3A_624, %reduce_max3A_628 : vector<16xi32>
      %reduce_max3A_630 = tpu.scan <max>, %reduce_max3A_629 masked %reduce_max3A_626 : vector<16xi32>, vector<16xi1> -> vector<16xi32>
      %reduce_max3A_631 = arith.xori %reduce_max3A_630, %reduce_max3A_628 : vector<16xi32>
      %reduce_max3A_632 = vector.extract %reduce_max3A_631[15] : i32 from vector<16xi32>
      %shift_right_arithmetic3A_633 = arith.constant 7 : i32
      %shift_right_arithmetic3A_634 = arith.shrsi %reduce_max3A_632, %shift_right_arithmetic3A_633 : i32
      %mul3A_635 = arith.constant 128 : i32
      %mul3A_636 = arith.muli %shift_right_arithmetic3A_634, %mul3A_635 : i32
      %min3A_637 = arith.constant 999808 : i32
      %min3A_638 = arith.minsi %mul3A_636, %min3A_637 : i32
      %multiple_of3A_639 = tpu.assume_multiple %min3A_638, 128 : i32
      %eq3A_640 = arith.constant 11 : i32
      %eq3A_641 = vector.broadcast %eq3A_640 : i32 to vector<16xi32>
      %eq3A_642 = arith.cmpi eq, %iota3A, %eq3A_641 : vector<16xi32>
      %jit3A_643 = arith.constant 0 : i32
      %broadcast_in_dim3A_644 = vector.broadcast %jit3A_643 : i32 to vector<16xi32>
      %select_n3A_645 = arith.select %eq3A_642, %get3A_408, %broadcast_in_dim3A_644 : vector<16xi1>, vector<16xi32>
      %reduce_max3A_646 = arith.constant true
      %reduce_max3A_647 = vector.broadcast %reduce_max3A_646 : i1 to vector<16xi1>
      %reduce_max3A_648 = arith.constant -2147483648 : i32
      %reduce_max3A_649 = vector.broadcast %reduce_max3A_648 : i32 to vector<16xi32>
      %reduce_max3A_650 = arith.xori %select_n3A_645, %reduce_max3A_649 : vector<16xi32>
      %reduce_max3A_651 = tpu.scan <max>, %reduce_max3A_650 masked %reduce_max3A_647 : vector<16xi32>, vector<16xi1> -> vector<16xi32>
      %reduce_max3A_652 = arith.xori %reduce_max3A_651, %reduce_max3A_649 : vector<16xi32>
      %reduce_max3A_653 = vector.extract %reduce_max3A_652[15] : i32 from vector<16xi32>
      %shift_right_arithmetic3A_654 = arith.constant 7 : i32
      %shift_right_arithmetic3A_655 = arith.shrsi %reduce_max3A_653, %shift_right_arithmetic3A_654 : i32
      %mul3A_656 = arith.constant 128 : i32
      %mul3A_657 = arith.muli %shift_right_arithmetic3A_655, %mul3A_656 : i32
      %min3A_658 = arith.constant 999808 : i32
      %min3A_659 = arith.minsi %mul3A_657, %min3A_658 : i32
      %multiple_of3A_660 = tpu.assume_multiple %min3A_659, 128 : i32
      %eq3A_661 = arith.constant 12 : i32
      %eq3A_662 = vector.broadcast %eq3A_661 : i32 to vector<16xi32>
      %eq3A_663 = arith.cmpi eq, %iota3A, %eq3A_662 : vector<16xi32>
      %jit3A_664 = arith.constant 0 : i32
      %broadcast_in_dim3A_665 = vector.broadcast %jit3A_664 : i32 to vector<16xi32>
      %select_n3A_666 = arith.select %eq3A_663, %get3A_408, %broadcast_in_dim3A_665 : vector<16xi1>, vector<16xi32>
      %reduce_max3A_667 = arith.constant true
      %reduce_max3A_668 = vector.broadcast %reduce_max3A_667 : i1 to vector<16xi1>
      %reduce_max3A_669 = arith.constant -2147483648 : i32
      %reduce_max3A_670 = vector.broadcast %reduce_max3A_669 : i32 to vector<16xi32>
      %reduce_max3A_671 = arith.xori %select_n3A_666, %reduce_max3A_670 : vector<16xi32>
      %reduce_max3A_672 = tpu.scan <max>, %reduce_max3A_671 masked %reduce_max3A_668 : vector<16xi32>, vector<16xi1> -> vector<16xi32>
      %reduce_max3A_673 = arith.xori %reduce_max3A_672, %reduce_max3A_670 : vector<16xi32>
      %reduce_max3A_674 = vector.extract %reduce_max3A_673[15] : i32 from vector<16xi32>
      %shift_right_arithmetic3A_675 = arith.constant 7 : i32
      %shift_right_arithmetic3A_676 = arith.shrsi %reduce_max3A_674, %shift_right_arithmetic3A_675 : i32
      %mul3A_677 = arith.constant 128 : i32
      %mul3A_678 = arith.muli %shift_right_arithmetic3A_676, %mul3A_677 : i32
      %min3A_679 = arith.constant 999808 : i32
      %min3A_680 = arith.minsi %mul3A_678, %min3A_679 : i32
      %multiple_of3A_681 = tpu.assume_multiple %min3A_680, 128 : i32
      %eq3A_682 = arith.constant 13 : i32
      %eq3A_683 = vector.broadcast %eq3A_682 : i32 to vector<16xi32>
      %eq3A_684 = arith.cmpi eq, %iota3A, %eq3A_683 : vector<16xi32>
      %jit3A_685 = arith.constant 0 : i32
      %broadcast_in_dim3A_686 = vector.broadcast %jit3A_685 : i32 to vector<16xi32>
      %select_n3A_687 = arith.select %eq3A_684, %get3A_408, %broadcast_in_dim3A_686 : vector<16xi1>, vector<16xi32>
      %reduce_max3A_688 = arith.constant true
      %reduce_max3A_689 = vector.broadcast %reduce_max3A_688 : i1 to vector<16xi1>
      %reduce_max3A_690 = arith.constant -2147483648 : i32
      %reduce_max3A_691 = vector.broadcast %reduce_max3A_690 : i32 to vector<16xi32>
      %reduce_max3A_692 = arith.xori %select_n3A_687, %reduce_max3A_691 : vector<16xi32>
      %reduce_max3A_693 = tpu.scan <max>, %reduce_max3A_692 masked %reduce_max3A_689 : vector<16xi32>, vector<16xi1> -> vector<16xi32>
      %reduce_max3A_694 = arith.xori %reduce_max3A_693, %reduce_max3A_691 : vector<16xi32>
      %reduce_max3A_695 = vector.extract %reduce_max3A_694[15] : i32 from vector<16xi32>
      %shift_right_arithmetic3A_696 = arith.constant 7 : i32
      %shift_right_arithmetic3A_697 = arith.shrsi %reduce_max3A_695, %shift_right_arithmetic3A_696 : i32
      %mul3A_698 = arith.constant 128 : i32
      %mul3A_699 = arith.muli %shift_right_arithmetic3A_697, %mul3A_698 : i32
      %min3A_700 = arith.constant 999808 : i32
      %min3A_701 = arith.minsi %mul3A_699, %min3A_700 : i32
      %multiple_of3A_702 = tpu.assume_multiple %min3A_701, 128 : i32
      %eq3A_703 = arith.constant 14 : i32
      %eq3A_704 = vector.broadcast %eq3A_703 : i32 to vector<16xi32>
      %eq3A_705 = arith.cmpi eq, %iota3A, %eq3A_704 : vector<16xi32>
      %jit3A_706 = arith.constant 0 : i32
      %broadcast_in_dim3A_707 = vector.broadcast %jit3A_706 : i32 to vector<16xi32>
      %select_n3A_708 = arith.select %eq3A_705, %get3A_408, %broadcast_in_dim3A_707 : vector<16xi1>, vector<16xi32>
      %reduce_max3A_709 = arith.constant true
      %reduce_max3A_710 = vector.broadcast %reduce_max3A_709 : i1 to vector<16xi1>
      %reduce_max3A_711 = arith.constant -2147483648 : i32
      %reduce_max3A_712 = vector.broadcast %reduce_max3A_711 : i32 to vector<16xi32>
      %reduce_max3A_713 = arith.xori %select_n3A_708, %reduce_max3A_712 : vector<16xi32>
      %reduce_max3A_714 = tpu.scan <max>, %reduce_max3A_713 masked %reduce_max3A_710 : vector<16xi32>, vector<16xi1> -> vector<16xi32>
      %reduce_max3A_715 = arith.xori %reduce_max3A_714, %reduce_max3A_712 : vector<16xi32>
      %reduce_max3A_716 = vector.extract %reduce_max3A_715[15] : i32 from vector<16xi32>
      %shift_right_arithmetic3A_717 = arith.constant 7 : i32
      %shift_right_arithmetic3A_718 = arith.shrsi %reduce_max3A_716, %shift_right_arithmetic3A_717 : i32
      %mul3A_719 = arith.constant 128 : i32
      %mul3A_720 = arith.muli %shift_right_arithmetic3A_718, %mul3A_719 : i32
      %min3A_721 = arith.constant 999808 : i32
      %min3A_722 = arith.minsi %mul3A_720, %min3A_721 : i32
      %multiple_of3A_723 = tpu.assume_multiple %min3A_722, 128 : i32
      %eq3A_724 = arith.constant 15 : i32
      %eq3A_725 = vector.broadcast %eq3A_724 : i32 to vector<16xi32>
      %eq3A_726 = arith.cmpi eq, %iota3A, %eq3A_725 : vector<16xi32>
      %jit3A_727 = arith.constant 0 : i32
      %broadcast_in_dim3A_728 = vector.broadcast %jit3A_727 : i32 to vector<16xi32>
      %select_n3A_729 = arith.select %eq3A_726, %get3A_408, %broadcast_in_dim3A_728 : vector<16xi1>, vector<16xi32>
      %reduce_max3A_730 = arith.constant true
      %reduce_max3A_731 = vector.broadcast %reduce_max3A_730 : i1 to vector<16xi1>
      %reduce_max3A_732 = arith.constant -2147483648 : i32
      %reduce_max3A_733 = vector.broadcast %reduce_max3A_732 : i32 to vector<16xi32>
      %reduce_max3A_734 = arith.xori %select_n3A_729, %reduce_max3A_733 : vector<16xi32>
      %reduce_max3A_735 = tpu.scan <max>, %reduce_max3A_734 masked %reduce_max3A_731 : vector<16xi32>, vector<16xi1> -> vector<16xi32>
      %reduce_max3A_736 = arith.xori %reduce_max3A_735, %reduce_max3A_733 : vector<16xi32>
      %reduce_max3A_737 = vector.extract %reduce_max3A_736[15] : i32 from vector<16xi32>
      %shift_right_arithmetic3A_738 = arith.constant 7 : i32
      %shift_right_arithmetic3A_739 = arith.shrsi %reduce_max3A_737, %shift_right_arithmetic3A_738 : i32
      %mul3A_740 = arith.constant 128 : i32
      %mul3A_741 = arith.muli %shift_right_arithmetic3A_739, %mul3A_740 : i32
      %min3A_742 = arith.constant 999808 : i32
      %min3A_743 = arith.minsi %mul3A_741, %min3A_742 : i32
      %multiple_of3A_744 = tpu.assume_multiple %min3A_743, 128 : i32
      %dma_start3A_745 = arith.constant 0 : i32
      %dma_start3A_746 = tpu.memref_slice %arg4[%dma_start3A_745, %multiple_of3A_429] : memref<16x1000000xf32, #tpu.memory_space<hbm>> -> memref<16x128xf32, #tpu.memory_space<hbm>>
      %dma_start3A_747 = arith.constant 0 : i32
      %dma_start3A_748 = tpu.memref_slice %arg4[%dma_start3A_747, %multiple_of3A_429] : memref<16x1000000xf32, #tpu.memory_space<hbm>> -> memref<16x128xf32, #tpu.memory_space<hbm>>
      tpu.enqueue_dma source(%dma_start3A_748 : memref<16x128xf32, #tpu.memory_space<hbm>>) target(%arg25 : memref<16x128xf32, #tpu.memory_space<vmem>>) target_semaphore(%arg46 : memref<!tpu.dma_semaphore, #tpu.memory_space<semaphore_mem>>)
      %dma_start3A_749 = arith.constant 0 : i32
      %dma_start3A_750 = tpu.memref_slice %arg4[%dma_start3A_749, %multiple_of3A_450] : memref<16x1000000xf32, #tpu.memory_space<hbm>> -> memref<16x128xf32, #tpu.memory_space<hbm>>
      %dma_start3A_751 = arith.constant 0 : i32
      %dma_start3A_752 = tpu.memref_slice %arg4[%dma_start3A_751, %multiple_of3A_450] : memref<16x1000000xf32, #tpu.memory_space<hbm>> -> memref<16x128xf32, #tpu.memory_space<hbm>>
      tpu.enqueue_dma source(%dma_start3A_752 : memref<16x128xf32, #tpu.memory_space<hbm>>) target(%arg26 : memref<16x128xf32, #tpu.memory_space<vmem>>) target_semaphore(%arg46 : memref<!tpu.dma_semaphore, #tpu.memory_space<semaphore_mem>>)
      %dma_start3A_753 = arith.constant 0 : i32
      %dma_start3A_754 = tpu.memref_slice %arg4[%dma_start3A_753, %multiple_of3A_471] : memref<16x1000000xf32, #tpu.memory_space<hbm>> -> memref<16x128xf32, #tpu.memory_space<hbm>>
      %dma_start3A_755 = arith.constant 0 : i32
      %dma_start3A_756 = tpu.memref_slice %arg4[%dma_start3A_755, %multiple_of3A_471] : memref<16x1000000xf32, #tpu.memory_space<hbm>> -> memref<16x128xf32, #tpu.memory_space<hbm>>
      tpu.enqueue_dma source(%dma_start3A_756 : memref<16x128xf32, #tpu.memory_space<hbm>>) target(%arg27 : memref<16x128xf32, #tpu.memory_space<vmem>>) target_semaphore(%arg46 : memref<!tpu.dma_semaphore, #tpu.memory_space<semaphore_mem>>)
      %dma_start3A_757 = arith.constant 0 : i32
      %dma_start3A_758 = tpu.memref_slice %arg4[%dma_start3A_757, %multiple_of3A_492] : memref<16x1000000xf32, #tpu.memory_space<hbm>> -> memref<16x128xf32, #tpu.memory_space<hbm>>
      %dma_start3A_759 = arith.constant 0 : i32
      %dma_start3A_760 = tpu.memref_slice %arg4[%dma_start3A_759, %multiple_of3A_492] : memref<16x1000000xf32, #tpu.memory_space<hbm>> -> memref<16x128xf32, #tpu.memory_space<hbm>>
      tpu.enqueue_dma source(%dma_start3A_760 : memref<16x128xf32, #tpu.memory_space<hbm>>) target(%arg28 : memref<16x128xf32, #tpu.memory_space<vmem>>) target_semaphore(%arg46 : memref<!tpu.dma_semaphore, #tpu.memory_space<semaphore_mem>>)
      %dma_start3A_761 = arith.constant 0 : i32
      %dma_start3A_762 = tpu.memref_slice %arg4[%dma_start3A_761, %multiple_of3A_513] : memref<16x1000000xf32, #tpu.memory_space<hbm>> -> memref<16x128xf32, #tpu.memory_space<hbm>>
      %dma_start3A_763 = arith.constant 0 : i32
      %dma_start3A_764 = tpu.memref_slice %arg4[%dma_start3A_763, %multiple_of3A_513] : memref<16x1000000xf32, #tpu.memory_space<hbm>> -> memref<16x128xf32, #tpu.memory_space<hbm>>
      tpu.enqueue_dma source(%dma_start3A_764 : memref<16x128xf32, #tpu.memory_space<hbm>>) target(%arg29 : memref<16x128xf32, #tpu.memory_space<vmem>>) target_semaphore(%arg46 : memref<!tpu.dma_semaphore, #tpu.memory_space<semaphore_mem>>)
      %dma_start3A_765 = arith.constant 0 : i32
      %dma_start3A_766 = tpu.memref_slice %arg4[%dma_start3A_765, %multiple_of3A_534] : memref<16x1000000xf32, #tpu.memory_space<hbm>> -> memref<16x128xf32, #tpu.memory_space<hbm>>
      %dma_start3A_767 = arith.constant 0 : i32
      %dma_start3A_768 = tpu.memref_slice %arg4[%dma_start3A_767, %multiple_of3A_534] : memref<16x1000000xf32, #tpu.memory_space<hbm>> -> memref<16x128xf32, #tpu.memory_space<hbm>>
      tpu.enqueue_dma source(%dma_start3A_768 : memref<16x128xf32, #tpu.memory_space<hbm>>) target(%arg30 : memref<16x128xf32, #tpu.memory_space<vmem>>) target_semaphore(%arg46 : memref<!tpu.dma_semaphore, #tpu.memory_space<semaphore_mem>>)
      %dma_start3A_769 = arith.constant 0 : i32
      %dma_start3A_770 = tpu.memref_slice %arg4[%dma_start3A_769, %multiple_of3A_555] : memref<16x1000000xf32, #tpu.memory_space<hbm>> -> memref<16x128xf32, #tpu.memory_space<hbm>>
      %dma_start3A_771 = arith.constant 0 : i32
      %dma_start3A_772 = tpu.memref_slice %arg4[%dma_start3A_771, %multiple_of3A_555] : memref<16x1000000xf32, #tpu.memory_space<hbm>> -> memref<16x128xf32, #tpu.memory_space<hbm>>
      tpu.enqueue_dma source(%dma_start3A_772 : memref<16x128xf32, #tpu.memory_space<hbm>>) target(%arg31 : memref<16x128xf32, #tpu.memory_space<vmem>>) target_semaphore(%arg46 : memref<!tpu.dma_semaphore, #tpu.memory_space<semaphore_mem>>)
      %dma_start3A_773 = arith.constant 0 : i32
      %dma_start3A_774 = tpu.memref_slice %arg4[%dma_start3A_773, %multiple_of3A_576] : memref<16x1000000xf32, #tpu.memory_space<hbm>> -> memref<16x128xf32, #tpu.memory_space<hbm>>
      %dma_start3A_775 = arith.constant 0 : i32
      %dma_start3A_776 = tpu.memref_slice %arg4[%dma_start3A_775, %multiple_of3A_576] : memref<16x1000000xf32, #tpu.memory_space<hbm>> -> memref<16x128xf32, #tpu.memory_space<hbm>>
      tpu.enqueue_dma source(%dma_start3A_776 : memref<16x128xf32, #tpu.memory_space<hbm>>) target(%arg32 : memref<16x128xf32, #tpu.memory_space<vmem>>) target_semaphore(%arg46 : memref<!tpu.dma_semaphore, #tpu.memory_space<semaphore_mem>>)
      %dma_start3A_777 = arith.constant 0 : i32
      %dma_start3A_778 = tpu.memref_slice %arg4[%dma_start3A_777, %multiple_of3A_597] : memref<16x1000000xf32, #tpu.memory_space<hbm>> -> memref<16x128xf32, #tpu.memory_space<hbm>>
      %dma_start3A_779 = arith.constant 0 : i32
      %dma_start3A_780 = tpu.memref_slice %arg4[%dma_start3A_779, %multiple_of3A_597] : memref<16x1000000xf32, #tpu.memory_space<hbm>> -> memref<16x128xf32, #tpu.memory_space<hbm>>
      tpu.enqueue_dma source(%dma_start3A_780 : memref<16x128xf32, #tpu.memory_space<hbm>>) target(%arg33 : memref<16x128xf32, #tpu.memory_space<vmem>>) target_semaphore(%arg46 : memref<!tpu.dma_semaphore, #tpu.memory_space<semaphore_mem>>)
      %dma_start3A_781 = arith.constant 0 : i32
      %dma_start3A_782 = tpu.memref_slice %arg4[%dma_start3A_781, %multiple_of3A_618] : memref<16x1000000xf32, #tpu.memory_space<hbm>> -> memref<16x128xf32, #tpu.memory_space<hbm>>
      %dma_start3A_783 = arith.constant 0 : i32
      %dma_start3A_784 = tpu.memref_slice %arg4[%dma_start3A_783, %multiple_of3A_618] : memref<16x1000000xf32, #tpu.memory_space<hbm>> -> memref<16x128xf32, #tpu.memory_space<hbm>>
      tpu.enqueue_dma source(%dma_start3A_784 : memref<16x128xf32, #tpu.memory_space<hbm>>) target(%arg34 : memref<16x128xf32, #tpu.memory_space<vmem>>) target_semaphore(%arg46 : memref<!tpu.dma_semaphore, #tpu.memory_space<semaphore_mem>>)
      %dma_start3A_785 = arith.constant 0 : i32
      %dma_start3A_786 = tpu.memref_slice %arg4[%dma_start3A_785, %multiple_of3A_639] : memref<16x1000000xf32, #tpu.memory_space<hbm>> -> memref<16x128xf32, #tpu.memory_space<hbm>>
      %dma_start3A_787 = arith.constant 0 : i32
      %dma_start3A_788 = tpu.memref_slice %arg4[%dma_start3A_787, %multiple_of3A_639] : memref<16x1000000xf32, #tpu.memory_space<hbm>> -> memref<16x128xf32, #tpu.memory_space<hbm>>
      tpu.enqueue_dma source(%dma_start3A_788 : memref<16x128xf32, #tpu.memory_space<hbm>>) target(%arg35 : memref<16x128xf32, #tpu.memory_space<vmem>>) target_semaphore(%arg46 : memref<!tpu.dma_semaphore, #tpu.memory_space<semaphore_mem>>)
      %dma_start3A_789 = arith.constant 0 : i32
      %dma_start3A_790 = tpu.memref_slice %arg4[%dma_start3A_789, %multiple_of3A_660] : memref<16x1000000xf32, #tpu.memory_space<hbm>> -> memref<16x128xf32, #tpu.memory_space<hbm>>
      %dma_start3A_791 = arith.constant 0 : i32
      %dma_start3A_792 = tpu.memref_slice %arg4[%dma_start3A_791, %multiple_of3A_660] : memref<16x1000000xf32, #tpu.memory_space<hbm>> -> memref<16x128xf32, #tpu.memory_space<hbm>>
      tpu.enqueue_dma source(%dma_start3A_792 : memref<16x128xf32, #tpu.memory_space<hbm>>) target(%arg36 : memref<16x128xf32, #tpu.memory_space<vmem>>) target_semaphore(%arg46 : memref<!tpu.dma_semaphore, #tpu.memory_space<semaphore_mem>>)
      %dma_start3A_793 = arith.constant 0 : i32
      %dma_start3A_794 = tpu.memref_slice %arg4[%dma_start3A_793, %multiple_of3A_681] : memref<16x1000000xf32, #tpu.memory_space<hbm>> -> memref<16x128xf32, #tpu.memory_space<hbm>>
      %dma_start3A_795 = arith.constant 0 : i32
      %dma_start3A_796 = tpu.memref_slice %arg4[%dma_start3A_795, %multiple_of3A_681] : memref<16x1000000xf32, #tpu.memory_space<hbm>> -> memref<16x128xf32, #tpu.memory_space<hbm>>
      tpu.enqueue_dma source(%dma_start3A_796 : memref<16x128xf32, #tpu.memory_space<hbm>>) target(%arg37 : memref<16x128xf32, #tpu.memory_space<vmem>>) target_semaphore(%arg46 : memref<!tpu.dma_semaphore, #tpu.memory_space<semaphore_mem>>)
      %dma_start3A_797 = arith.constant 0 : i32
      %dma_start3A_798 = tpu.memref_slice %arg4[%dma_start3A_797, %multiple_of3A_702] : memref<16x1000000xf32, #tpu.memory_space<hbm>> -> memref<16x128xf32, #tpu.memory_space<hbm>>
      %dma_start3A_799 = arith.constant 0 : i32
      %dma_start3A_800 = tpu.memref_slice %arg4[%dma_start3A_799, %multiple_of3A_702] : memref<16x1000000xf32, #tpu.memory_space<hbm>> -> memref<16x128xf32, #tpu.memory_space<hbm>>
      tpu.enqueue_dma source(%dma_start3A_800 : memref<16x128xf32, #tpu.memory_space<hbm>>) target(%arg38 : memref<16x128xf32, #tpu.memory_space<vmem>>) target_semaphore(%arg46 : memref<!tpu.dma_semaphore, #tpu.memory_space<semaphore_mem>>)
      %dma_start3A_801 = arith.constant 0 : i32
      %dma_start3A_802 = tpu.memref_slice %arg4[%dma_start3A_801, %multiple_of3A_723] : memref<16x1000000xf32, #tpu.memory_space<hbm>> -> memref<16x128xf32, #tpu.memory_space<hbm>>
      %dma_start3A_803 = arith.constant 0 : i32
      %dma_start3A_804 = tpu.memref_slice %arg4[%dma_start3A_803, %multiple_of3A_723] : memref<16x1000000xf32, #tpu.memory_space<hbm>> -> memref<16x128xf32, #tpu.memory_space<hbm>>
      tpu.enqueue_dma source(%dma_start3A_804 : memref<16x128xf32, #tpu.memory_space<hbm>>) target(%arg39 : memref<16x128xf32, #tpu.memory_space<vmem>>) target_semaphore(%arg46 : memref<!tpu.dma_semaphore, #tpu.memory_space<semaphore_mem>>)
      %dma_start3A_805 = arith.constant 0 : i32
      %dma_start3A_806 = tpu.memref_slice %arg4[%dma_start3A_805, %multiple_of3A_744] : memref<16x1000000xf32, #tpu.memory_space<hbm>> -> memref<16x128xf32, #tpu.memory_space<hbm>>
      %dma_start3A_807 = arith.constant 0 : i32
      %dma_start3A_808 = tpu.memref_slice %arg4[%dma_start3A_807, %multiple_of3A_744] : memref<16x1000000xf32, #tpu.memory_space<hbm>> -> memref<16x128xf32, #tpu.memory_space<hbm>>
      tpu.enqueue_dma source(%dma_start3A_808 : memref<16x128xf32, #tpu.memory_space<hbm>>) target(%arg40 : memref<16x128xf32, #tpu.memory_space<vmem>>) target_semaphore(%arg46 : memref<!tpu.dma_semaphore, #tpu.memory_space<semaphore_mem>>)
      %dma_wait3A = arith.constant 0 : i32
      %dma_wait3A_809 = arith.constant 0 : i32
      %dma_wait3A_810 = tpu.memref_slice %arg3[%dma_wait3A, %dma_wait3A_809] : memref<16x1000000xf32, #tpu.memory_space<hbm>> -> memref<16x128xf32, #tpu.memory_space<hbm>>
      %dma_wait3A_811 = arith.constant 0 : i32
      %dma_wait3A_812 = arith.constant 0 : i32
      %dma_wait3A_813 = tpu.memref_slice %arg3[%dma_wait3A_811, %dma_wait3A_812] : memref<16x1000000xf32, #tpu.memory_space<hbm>> -> memref<16x128xf32, #tpu.memory_space<hbm>>
      tpu.wait_dma2 semaphore(%arg45 : memref<!tpu.dma_semaphore, #tpu.memory_space<semaphore_mem>>) src(%dma_wait3A_813 : memref<16x128xf32, #tpu.memory_space<hbm>>) dst(%arg9 : memref<16x128xf32, #tpu.memory_space<vmem>>)
      %dma_wait3A_814 = arith.constant 0 : i32
      %dma_wait3A_815 = arith.constant 0 : i32
      %dma_wait3A_816 = tpu.memref_slice %arg3[%dma_wait3A_814, %dma_wait3A_815] : memref<16x1000000xf32, #tpu.memory_space<hbm>> -> memref<16x128xf32, #tpu.memory_space<hbm>>
      %dma_wait3A_817 = arith.constant 0 : i32
      %dma_wait3A_818 = arith.constant 0 : i32
      %dma_wait3A_819 = tpu.memref_slice %arg3[%dma_wait3A_817, %dma_wait3A_818] : memref<16x1000000xf32, #tpu.memory_space<hbm>> -> memref<16x128xf32, #tpu.memory_space<hbm>>
      tpu.wait_dma2 semaphore(%arg45 : memref<!tpu.dma_semaphore, #tpu.memory_space<semaphore_mem>>) src(%dma_wait3A_819 : memref<16x128xf32, #tpu.memory_space<hbm>>) dst(%arg10 : memref<16x128xf32, #tpu.memory_space<vmem>>)
      %dma_wait3A_820 = arith.constant 0 : i32
      %dma_wait3A_821 = arith.constant 0 : i32
      %dma_wait3A_822 = tpu.memref_slice %arg3[%dma_wait3A_820, %dma_wait3A_821] : memref<16x1000000xf32, #tpu.memory_space<hbm>> -> memref<16x128xf32, #tpu.memory_space<hbm>>
      %dma_wait3A_823 = arith.constant 0 : i32
      %dma_wait3A_824 = arith.constant 0 : i32
      %dma_wait3A_825 = tpu.memref_slice %arg3[%dma_wait3A_823, %dma_wait3A_824] : memref<16x1000000xf32, #tpu.memory_space<hbm>> -> memref<16x128xf32, #tpu.memory_space<hbm>>
      tpu.wait_dma2 semaphore(%arg45 : memref<!tpu.dma_semaphore, #tpu.memory_space<semaphore_mem>>) src(%dma_wait3A_825 : memref<16x128xf32, #tpu.memory_space<hbm>>) dst(%arg11 : memref<16x128xf32, #tpu.memory_space<vmem>>)
      %dma_wait3A_826 = arith.constant 0 : i32
      %dma_wait3A_827 = arith.constant 0 : i32
      %dma_wait3A_828 = tpu.memref_slice %arg3[%dma_wait3A_826, %dma_wait3A_827] : memref<16x1000000xf32, #tpu.memory_space<hbm>> -> memref<16x128xf32, #tpu.memory_space<hbm>>
      %dma_wait3A_829 = arith.constant 0 : i32
      %dma_wait3A_830 = arith.constant 0 : i32
      %dma_wait3A_831 = tpu.memref_slice %arg3[%dma_wait3A_829, %dma_wait3A_830] : memref<16x1000000xf32, #tpu.memory_space<hbm>> -> memref<16x128xf32, #tpu.memory_space<hbm>>
      tpu.wait_dma2 semaphore(%arg45 : memref<!tpu.dma_semaphore, #tpu.memory_space<semaphore_mem>>) src(%dma_wait3A_831 : memref<16x128xf32, #tpu.memory_space<hbm>>) dst(%arg12 : memref<16x128xf32, #tpu.memory_space<vmem>>)
      %dma_wait3A_832 = arith.constant 0 : i32
      %dma_wait3A_833 = arith.constant 0 : i32
      %dma_wait3A_834 = tpu.memref_slice %arg3[%dma_wait3A_832, %dma_wait3A_833] : memref<16x1000000xf32, #tpu.memory_space<hbm>> -> memref<16x128xf32, #tpu.memory_space<hbm>>
      %dma_wait3A_835 = arith.constant 0 : i32
      %dma_wait3A_836 = arith.constant 0 : i32
      %dma_wait3A_837 = tpu.memref_slice %arg3[%dma_wait3A_835, %dma_wait3A_836] : memref<16x1000000xf32, #tpu.memory_space<hbm>> -> memref<16x128xf32, #tpu.memory_space<hbm>>
      tpu.wait_dma2 semaphore(%arg45 : memref<!tpu.dma_semaphore, #tpu.memory_space<semaphore_mem>>) src(%dma_wait3A_837 : memref<16x128xf32, #tpu.memory_space<hbm>>) dst(%arg13 : memref<16x128xf32, #tpu.memory_space<vmem>>)
      %dma_wait3A_838 = arith.constant 0 : i32
      %dma_wait3A_839 = arith.constant 0 : i32
      %dma_wait3A_840 = tpu.memref_slice %arg3[%dma_wait3A_838, %dma_wait3A_839] : memref<16x1000000xf32, #tpu.memory_space<hbm>> -> memref<16x128xf32, #tpu.memory_space<hbm>>
      %dma_wait3A_841 = arith.constant 0 : i32
      %dma_wait3A_842 = arith.constant 0 : i32
      %dma_wait3A_843 = tpu.memref_slice %arg3[%dma_wait3A_841, %dma_wait3A_842] : memref<16x1000000xf32, #tpu.memory_space<hbm>> -> memref<16x128xf32, #tpu.memory_space<hbm>>
      tpu.wait_dma2 semaphore(%arg45 : memref<!tpu.dma_semaphore, #tpu.memory_space<semaphore_mem>>) src(%dma_wait3A_843 : memref<16x128xf32, #tpu.memory_space<hbm>>) dst(%arg14 : memref<16x128xf32, #tpu.memory_space<vmem>>)
      %dma_wait3A_844 = arith.constant 0 : i32
      %dma_wait3A_845 = arith.constant 0 : i32
      %dma_wait3A_846 = tpu.memref_slice %arg3[%dma_wait3A_844, %dma_wait3A_845] : memref<16x1000000xf32, #tpu.memory_space<hbm>> -> memref<16x128xf32, #tpu.memory_space<hbm>>
      %dma_wait3A_847 = arith.constant 0 : i32
      %dma_wait3A_848 = arith.constant 0 : i32
      %dma_wait3A_849 = tpu.memref_slice %arg3[%dma_wait3A_847, %dma_wait3A_848] : memref<16x1000000xf32, #tpu.memory_space<hbm>> -> memref<16x128xf32, #tpu.memory_space<hbm>>
      tpu.wait_dma2 semaphore(%arg45 : memref<!tpu.dma_semaphore, #tpu.memory_space<semaphore_mem>>) src(%dma_wait3A_849 : memref<16x128xf32, #tpu.memory_space<hbm>>) dst(%arg15 : memref<16x128xf32, #tpu.memory_space<vmem>>)
      %dma_wait3A_850 = arith.constant 0 : i32
      %dma_wait3A_851 = arith.constant 0 : i32
      %dma_wait3A_852 = tpu.memref_slice %arg3[%dma_wait3A_850, %dma_wait3A_851] : memref<16x1000000xf32, #tpu.memory_space<hbm>> -> memref<16x128xf32, #tpu.memory_space<hbm>>
      %dma_wait3A_853 = arith.constant 0 : i32
      %dma_wait3A_854 = arith.constant 0 : i32
      %dma_wait3A_855 = tpu.memref_slice %arg3[%dma_wait3A_853, %dma_wait3A_854] : memref<16x1000000xf32, #tpu.memory_space<hbm>> -> memref<16x128xf32, #tpu.memory_space<hbm>>
      tpu.wait_dma2 semaphore(%arg45 : memref<!tpu.dma_semaphore, #tpu.memory_space<semaphore_mem>>) src(%dma_wait3A_855 : memref<16x128xf32, #tpu.memory_space<hbm>>) dst(%arg16 : memref<16x128xf32, #tpu.memory_space<vmem>>)
      %dma_wait3A_856 = arith.constant 0 : i32
      %dma_wait3A_857 = arith.constant 0 : i32
      %dma_wait3A_858 = tpu.memref_slice %arg3[%dma_wait3A_856, %dma_wait3A_857] : memref<16x1000000xf32, #tpu.memory_space<hbm>> -> memref<16x128xf32, #tpu.memory_space<hbm>>
      %dma_wait3A_859 = arith.constant 0 : i32
      %dma_wait3A_860 = arith.constant 0 : i32
      %dma_wait3A_861 = tpu.memref_slice %arg3[%dma_wait3A_859, %dma_wait3A_860] : memref<16x1000000xf32, #tpu.memory_space<hbm>> -> memref<16x128xf32, #tpu.memory_space<hbm>>
      tpu.wait_dma2 semaphore(%arg45 : memref<!tpu.dma_semaphore, #tpu.memory_space<semaphore_mem>>) src(%dma_wait3A_861 : memref<16x128xf32, #tpu.memory_space<hbm>>) dst(%arg17 : memref<16x128xf32, #tpu.memory_space<vmem>>)
      %dma_wait3A_862 = arith.constant 0 : i32
      %dma_wait3A_863 = arith.constant 0 : i32
      %dma_wait3A_864 = tpu.memref_slice %arg3[%dma_wait3A_862, %dma_wait3A_863] : memref<16x1000000xf32, #tpu.memory_space<hbm>> -> memref<16x128xf32, #tpu.memory_space<hbm>>
      %dma_wait3A_865 = arith.constant 0 : i32
      %dma_wait3A_866 = arith.constant 0 : i32
      %dma_wait3A_867 = tpu.memref_slice %arg3[%dma_wait3A_865, %dma_wait3A_866] : memref<16x1000000xf32, #tpu.memory_space<hbm>> -> memref<16x128xf32, #tpu.memory_space<hbm>>
      tpu.wait_dma2 semaphore(%arg45 : memref<!tpu.dma_semaphore, #tpu.memory_space<semaphore_mem>>) src(%dma_wait3A_867 : memref<16x128xf32, #tpu.memory_space<hbm>>) dst(%arg18 : memref<16x128xf32, #tpu.memory_space<vmem>>)
      %dma_wait3A_868 = arith.constant 0 : i32
      %dma_wait3A_869 = arith.constant 0 : i32
      %dma_wait3A_870 = tpu.memref_slice %arg3[%dma_wait3A_868, %dma_wait3A_869] : memref<16x1000000xf32, #tpu.memory_space<hbm>> -> memref<16x128xf32, #tpu.memory_space<hbm>>
      %dma_wait3A_871 = arith.constant 0 : i32
      %dma_wait3A_872 = arith.constant 0 : i32
      %dma_wait3A_873 = tpu.memref_slice %arg3[%dma_wait3A_871, %dma_wait3A_872] : memref<16x1000000xf32, #tpu.memory_space<hbm>> -> memref<16x128xf32, #tpu.memory_space<hbm>>
      tpu.wait_dma2 semaphore(%arg45 : memref<!tpu.dma_semaphore, #tpu.memory_space<semaphore_mem>>) src(%dma_wait3A_873 : memref<16x128xf32, #tpu.memory_space<hbm>>) dst(%arg19 : memref<16x128xf32, #tpu.memory_space<vmem>>)
      %dma_wait3A_874 = arith.constant 0 : i32
      %dma_wait3A_875 = arith.constant 0 : i32
      %dma_wait3A_876 = tpu.memref_slice %arg3[%dma_wait3A_874, %dma_wait3A_875] : memref<16x1000000xf32, #tpu.memory_space<hbm>> -> memref<16x128xf32, #tpu.memory_space<hbm>>
      %dma_wait3A_877 = arith.constant 0 : i32
      %dma_wait3A_878 = arith.constant 0 : i32
      %dma_wait3A_879 = tpu.memref_slice %arg3[%dma_wait3A_877, %dma_wait3A_878] : memref<16x1000000xf32, #tpu.memory_space<hbm>> -> memref<16x128xf32, #tpu.memory_space<hbm>>
      tpu.wait_dma2 semaphore(%arg45 : memref<!tpu.dma_semaphore, #tpu.memory_space<semaphore_mem>>) src(%dma_wait3A_879 : memref<16x128xf32, #tpu.memory_space<hbm>>) dst(%arg20 : memref<16x128xf32, #tpu.memory_space<vmem>>)
      %dma_wait3A_880 = arith.constant 0 : i32
      %dma_wait3A_881 = arith.constant 0 : i32
      %dma_wait3A_882 = tpu.memref_slice %arg3[%dma_wait3A_880, %dma_wait3A_881] : memref<16x1000000xf32, #tpu.memory_space<hbm>> -> memref<16x128xf32, #tpu.memory_space<hbm>>
      %dma_wait3A_883 = arith.constant 0 : i32
      %dma_wait3A_884 = arith.constant 0 : i32
      %dma_wait3A_885 = tpu.memref_slice %arg3[%dma_wait3A_883, %dma_wait3A_884] : memref<16x1000000xf32, #tpu.memory_space<hbm>> -> memref<16x128xf32, #tpu.memory_space<hbm>>
      tpu.wait_dma2 semaphore(%arg45 : memref<!tpu.dma_semaphore, #tpu.memory_space<semaphore_mem>>) src(%dma_wait3A_885 : memref<16x128xf32, #tpu.memory_space<hbm>>) dst(%arg21 : memref<16x128xf32, #tpu.memory_space<vmem>>)
      %dma_wait3A_886 = arith.constant 0 : i32
      %dma_wait3A_887 = arith.constant 0 : i32
      %dma_wait3A_888 = tpu.memref_slice %arg3[%dma_wait3A_886, %dma_wait3A_887] : memref<16x1000000xf32, #tpu.memory_space<hbm>> -> memref<16x128xf32, #tpu.memory_space<hbm>>
      %dma_wait3A_889 = arith.constant 0 : i32
      %dma_wait3A_890 = arith.constant 0 : i32
      %dma_wait3A_891 = tpu.memref_slice %arg3[%dma_wait3A_889, %dma_wait3A_890] : memref<16x1000000xf32, #tpu.memory_space<hbm>> -> memref<16x128xf32, #tpu.memory_space<hbm>>
      tpu.wait_dma2 semaphore(%arg45 : memref<!tpu.dma_semaphore, #tpu.memory_space<semaphore_mem>>) src(%dma_wait3A_891 : memref<16x128xf32, #tpu.memory_space<hbm>>) dst(%arg22 : memref<16x128xf32, #tpu.memory_space<vmem>>)
      %dma_wait3A_892 = arith.constant 0 : i32
      %dma_wait3A_893 = arith.constant 0 : i32
      %dma_wait3A_894 = tpu.memref_slice %arg3[%dma_wait3A_892, %dma_wait3A_893] : memref<16x1000000xf32, #tpu.memory_space<hbm>> -> memref<16x128xf32, #tpu.memory_space<hbm>>
      %dma_wait3A_895 = arith.constant 0 : i32
      %dma_wait3A_896 = arith.constant 0 : i32
      %dma_wait3A_897 = tpu.memref_slice %arg3[%dma_wait3A_895, %dma_wait3A_896] : memref<16x1000000xf32, #tpu.memory_space<hbm>> -> memref<16x128xf32, #tpu.memory_space<hbm>>
      tpu.wait_dma2 semaphore(%arg45 : memref<!tpu.dma_semaphore, #tpu.memory_space<semaphore_mem>>) src(%dma_wait3A_897 : memref<16x128xf32, #tpu.memory_space<hbm>>) dst(%arg23 : memref<16x128xf32, #tpu.memory_space<vmem>>)
      %dma_wait3A_898 = arith.constant 0 : i32
      %dma_wait3A_899 = arith.constant 0 : i32
      %dma_wait3A_900 = tpu.memref_slice %arg3[%dma_wait3A_898, %dma_wait3A_899] : memref<16x1000000xf32, #tpu.memory_space<hbm>> -> memref<16x128xf32, #tpu.memory_space<hbm>>
      %dma_wait3A_901 = arith.constant 0 : i32
      %dma_wait3A_902 = arith.constant 0 : i32
      %dma_wait3A_903 = tpu.memref_slice %arg3[%dma_wait3A_901, %dma_wait3A_902] : memref<16x1000000xf32, #tpu.memory_space<hbm>> -> memref<16x128xf32, #tpu.memory_space<hbm>>
      tpu.wait_dma2 semaphore(%arg45 : memref<!tpu.dma_semaphore, #tpu.memory_space<semaphore_mem>>) src(%dma_wait3A_903 : memref<16x128xf32, #tpu.memory_space<hbm>>) dst(%arg24 : memref<16x128xf32, #tpu.memory_space<vmem>>)
      %get3A_904 = arith.index_cast %mul3A_406 : i32 to index
      %get3A_905 = tpu.vector_load %arg8[%get3A_904] {strides = array<i32>} : memref<512xi32, #tpu.memory_space<vmem>>, vector<16xi32>,
      %eq3A_906 = arith.constant 0 : i32
      %eq3A_907 = vector.broadcast %eq3A_906 : i32 to vector<16xi32>
      %eq3A_908 = arith.cmpi eq, %iota3A, %eq3A_907 : vector<16xi32>
      %jit3A_909 = arith.constant 0 : i32
      %broadcast_in_dim3A_910 = vector.broadcast %jit3A_909 : i32 to vector<16xi32>
      %select_n3A_911 = arith.select %eq3A_908, %get3A_905, %broadcast_in_dim3A_910 : vector<16xi1>, vector<16xi32>
      %reduce_max3A_912 = arith.constant true
      %reduce_max3A_913 = vector.broadcast %reduce_max3A_912 : i1 to vector<16xi1>
      %reduce_max3A_914 = arith.constant -2147483648 : i32
      %reduce_max3A_915 = vector.broadcast %reduce_max3A_914 : i32 to vector<16xi32>
      %reduce_max3A_916 = arith.xori %select_n3A_911, %reduce_max3A_915 : vector<16xi32>
      %reduce_max3A_917 = tpu.scan <max>, %reduce_max3A_916 masked %reduce_max3A_913 : vector<16xi32>, vector<16xi1> -> vector<16xi32>
      %reduce_max3A_918 = arith.xori %reduce_max3A_917, %reduce_max3A_915 : vector<16xi32>
      %reduce_max3A_919 = vector.extract %reduce_max3A_918[15] : i32 from vector<16xi32>
      %shift_right_arithmetic3A_920 = arith.constant 7 : i32
      %shift_right_arithmetic3A_921 = arith.shrsi %reduce_max3A_919, %shift_right_arithmetic3A_920 : i32
      %mul3A_922 = arith.constant 128 : i32
      %mul3A_923 = arith.muli %shift_right_arithmetic3A_921, %mul3A_922 : i32
      %min3A_924 = arith.constant 999808 : i32
      %min3A_925 = arith.minsi %mul3A_923, %min3A_924 : i32
      %multiple_of3A_926 = tpu.assume_multiple %min3A_925, 128 : i32
      %eq3A_927 = arith.constant 1 : i32
      %eq3A_928 = vector.broadcast %eq3A_927 : i32 to vector<16xi32>
      %eq3A_929 = arith.cmpi eq, %iota3A, %eq3A_928 : vector<16xi32>
      %jit3A_930 = arith.constant 0 : i32
      %broadcast_in_dim3A_931 = vector.broadcast %jit3A_930 : i32 to vector<16xi32>
      %select_n3A_932 = arith.select %eq3A_929, %get3A_905, %broadcast_in_dim3A_931 : vector<16xi1>, vector<16xi32>
      %reduce_max3A_933 = arith.constant true
      %reduce_max3A_934 = vector.broadcast %reduce_max3A_933 : i1 to vector<16xi1>
      %reduce_max3A_935 = arith.constant -2147483648 : i32
      %reduce_max3A_936 = vector.broadcast %reduce_max3A_935 : i32 to vector<16xi32>
      %reduce_max3A_937 = arith.xori %select_n3A_932, %reduce_max3A_936 : vector<16xi32>
      %reduce_max3A_938 = tpu.scan <max>, %reduce_max3A_937 masked %reduce_max3A_934 : vector<16xi32>, vector<16xi1> -> vector<16xi32>
      %reduce_max3A_939 = arith.xori %reduce_max3A_938, %reduce_max3A_936 : vector<16xi32>
      %reduce_max3A_940 = vector.extract %reduce_max3A_939[15] : i32 from vector<16xi32>
      %shift_right_arithmetic3A_941 = arith.constant 7 : i32
      %shift_right_arithmetic3A_942 = arith.shrsi %reduce_max3A_940, %shift_right_arithmetic3A_941 : i32
      %mul3A_943 = arith.constant 128 : i32
      %mul3A_944 = arith.muli %shift_right_arithmetic3A_942, %mul3A_943 : i32
      %min3A_945 = arith.constant 999808 : i32
      %min3A_946 = arith.minsi %mul3A_944, %min3A_945 : i32
      %multiple_of3A_947 = tpu.assume_multiple %min3A_946, 128 : i32
      %eq3A_948 = arith.constant 2 : i32
      %eq3A_949 = vector.broadcast %eq3A_948 : i32 to vector<16xi32>
      %eq3A_950 = arith.cmpi eq, %iota3A, %eq3A_949 : vector<16xi32>
      %jit3A_951 = arith.constant 0 : i32
      %broadcast_in_dim3A_952 = vector.broadcast %jit3A_951 : i32 to vector<16xi32>
      %select_n3A_953 = arith.select %eq3A_950, %get3A_905, %broadcast_in_dim3A_952 : vector<16xi1>, vector<16xi32>
      %reduce_max3A_954 = arith.constant true
      %reduce_max3A_955 = vector.broadcast %reduce_max3A_954 : i1 to vector<16xi1>
      %reduce_max3A_956 = arith.constant -2147483648 : i32
      %reduce_max3A_957 = vector.broadcast %reduce_max3A_956 : i32 to vector<16xi32>
      %reduce_max3A_958 = arith.xori %select_n3A_953, %reduce_max3A_957 : vector<16xi32>
      %reduce_max3A_959 = tpu.scan <max>, %reduce_max3A_958 masked %reduce_max3A_955 : vector<16xi32>, vector<16xi1> -> vector<16xi32>
      %reduce_max3A_960 = arith.xori %reduce_max3A_959, %reduce_max3A_957 : vector<16xi32>
      %reduce_max3A_961 = vector.extract %reduce_max3A_960[15] : i32 from vector<16xi32>
      %shift_right_arithmetic3A_962 = arith.constant 7 : i32
      %shift_right_arithmetic3A_963 = arith.shrsi %reduce_max3A_961, %shift_right_arithmetic3A_962 : i32
      %mul3A_964 = arith.constant 128 : i32
      %mul3A_965 = arith.muli %shift_right_arithmetic3A_963, %mul3A_964 : i32
      %min3A_966 = arith.constant 999808 : i32
      %min3A_967 = arith.minsi %mul3A_965, %min3A_966 : i32
      %multiple_of3A_968 = tpu.assume_multiple %min3A_967, 128 : i32
      %eq3A_969 = arith.constant 3 : i32
      %eq3A_970 = vector.broadcast %eq3A_969 : i32 to vector<16xi32>
      %eq3A_971 = arith.cmpi eq, %iota3A, %eq3A_970 : vector<16xi32>
      %jit3A_972 = arith.constant 0 : i32
      %broadcast_in_dim3A_973 = vector.broadcast %jit3A_972 : i32 to vector<16xi32>
      %select_n3A_974 = arith.select %eq3A_971, %get3A_905, %broadcast_in_dim3A_973 : vector<16xi1>, vector<16xi32>
      %reduce_max3A_975 = arith.constant true
      %reduce_max3A_976 = vector.broadcast %reduce_max3A_975 : i1 to vector<16xi1>
      %reduce_max3A_977 = arith.constant -2147483648 : i32
      %reduce_max3A_978 = vector.broadcast %reduce_max3A_977 : i32 to vector<16xi32>
      %reduce_max3A_979 = arith.xori %select_n3A_974, %reduce_max3A_978 : vector<16xi32>
      %reduce_max3A_980 = tpu.scan <max>, %reduce_max3A_979 masked %reduce_max3A_976 : vector<16xi32>, vector<16xi1> -> vector<16xi32>
      %reduce_max3A_981 = arith.xori %reduce_max3A_980, %reduce_max3A_978 : vector<16xi32>
      %reduce_max3A_982 = vector.extract %reduce_max3A_981[15] : i32 from vector<16xi32>
      %shift_right_arithmetic3A_983 = arith.constant 7 : i32
      %shift_right_arithmetic3A_984 = arith.shrsi %reduce_max3A_982, %shift_right_arithmetic3A_983 : i32
      %mul3A_985 = arith.constant 128 : i32
      %mul3A_986 = arith.muli %shift_right_arithmetic3A_984, %mul3A_985 : i32
      %min3A_987 = arith.constant 999808 : i32
      %min3A_988 = arith.minsi %mul3A_986, %min3A_987 : i32
      %multiple_of3A_989 = tpu.assume_multiple %min3A_988, 128 : i32
      %eq3A_990 = arith.constant 4 : i32
      %eq3A_991 = vector.broadcast %eq3A_990 : i32 to vector<16xi32>
      %eq3A_992 = arith.cmpi eq, %iota3A, %eq3A_991 : vector<16xi32>
      %jit3A_993 = arith.constant 0 : i32
      %broadcast_in_dim3A_994 = vector.broadcast %jit3A_993 : i32 to vector<16xi32>
      %select_n3A_995 = arith.select %eq3A_992, %get3A_905, %broadcast_in_dim3A_994 : vector<16xi1>, vector<16xi32>
      %reduce_max3A_996 = arith.constant true
      %reduce_max3A_997 = vector.broadcast %reduce_max3A_996 : i1 to vector<16xi1>
      %reduce_max3A_998 = arith.constant -2147483648 : i32
      %reduce_max3A_999 = vector.broadcast %reduce_max3A_998 : i32 to vector<16xi32>
      %reduce_max3A_1000 = arith.xori %select_n3A_995, %reduce_max3A_999 : vector<16xi32>
      %reduce_max3A_1001 = tpu.scan <max>, %reduce_max3A_1000 masked %reduce_max3A_997 : vector<16xi32>, vector<16xi1> -> vector<16xi32>
      %reduce_max3A_1002 = arith.xori %reduce_max3A_1001, %reduce_max3A_999 : vector<16xi32>
      %reduce_max3A_1003 = vector.extract %reduce_max3A_1002[15] : i32 from vector<16xi32>
      %shift_right_arithmetic3A_1004 = arith.constant 7 : i32
      %shift_right_arithmetic3A_1005 = arith.shrsi %reduce_max3A_1003, %shift_right_arithmetic3A_1004 : i32
      %mul3A_1006 = arith.constant 128 : i32
      %mul3A_1007 = arith.muli %shift_right_arithmetic3A_1005, %mul3A_1006 : i32
      %min3A_1008 = arith.constant 999808 : i32
      %min3A_1009 = arith.minsi %mul3A_1007, %min3A_1008 : i32
      %multiple_of3A_1010 = tpu.assume_multiple %min3A_1009, 128 : i32
      %eq3A_1011 = arith.constant 5 : i32
      %eq3A_1012 = vector.broadcast %eq3A_1011 : i32 to vector<16xi32>
      %eq3A_1013 = arith.cmpi eq, %iota3A, %eq3A_1012 : vector<16xi32>
      %jit3A_1014 = arith.constant 0 : i32
      %broadcast_in_dim3A_1015 = vector.broadcast %jit3A_1014 : i32 to vector<16xi32>
      %select_n3A_1016 = arith.select %eq3A_1013, %get3A_905, %broadcast_in_dim3A_1015 : vector<16xi1>, vector<16xi32>
      %reduce_max3A_1017 = arith.constant true
      %reduce_max3A_1018 = vector.broadcast %reduce_max3A_1017 : i1 to vector<16xi1>
      %reduce_max3A_1019 = arith.constant -2147483648 : i32
      %reduce_max3A_1020 = vector.broadcast %reduce_max3A_1019 : i32 to vector<16xi32>
      %reduce_max3A_1021 = arith.xori %select_n3A_1016, %reduce_max3A_1020 : vector<16xi32>
      %reduce_max3A_1022 = tpu.scan <max>, %reduce_max3A_1021 masked %reduce_max3A_1018 : vector<16xi32>, vector<16xi1> -> vector<16xi32>
      %reduce_max3A_1023 = arith.xori %reduce_max3A_1022, %reduce_max3A_1020 : vector<16xi32>
      %reduce_max3A_1024 = vector.extract %reduce_max3A_1023[15] : i32 from vector<16xi32>
      %shift_right_arithmetic3A_1025 = arith.constant 7 : i32
      %shift_right_arithmetic3A_1026 = arith.shrsi %reduce_max3A_1024, %shift_right_arithmetic3A_1025 : i32
      %mul3A_1027 = arith.constant 128 : i32
      %mul3A_1028 = arith.muli %shift_right_arithmetic3A_1026, %mul3A_1027 : i32
      %min3A_1029 = arith.constant 999808 : i32
      %min3A_1030 = arith.minsi %mul3A_1028, %min3A_1029 : i32
      %multiple_of3A_1031 = tpu.assume_multiple %min3A_1030, 128 : i32
      %eq3A_1032 = arith.constant 6 : i32
      %eq3A_1033 = vector.broadcast %eq3A_1032 : i32 to vector<16xi32>
      %eq3A_1034 = arith.cmpi eq, %iota3A, %eq3A_1033 : vector<16xi32>
      %jit3A_1035 = arith.constant 0 : i32
      %broadcast_in_dim3A_1036 = vector.broadcast %jit3A_1035 : i32 to vector<16xi32>
      %select_n3A_1037 = arith.select %eq3A_1034, %get3A_905, %broadcast_in_dim3A_1036 : vector<16xi1>, vector<16xi32>
      %reduce_max3A_1038 = arith.constant true
      %reduce_max3A_1039 = vector.broadcast %reduce_max3A_1038 : i1 to vector<16xi1>
      %reduce_max3A_1040 = arith.constant -2147483648 : i32
      %reduce_max3A_1041 = vector.broadcast %reduce_max3A_1040 : i32 to vector<16xi32>
      %reduce_max3A_1042 = arith.xori %select_n3A_1037, %reduce_max3A_1041 : vector<16xi32>
      %reduce_max3A_1043 = tpu.scan <max>, %reduce_max3A_1042 masked %reduce_max3A_1039 : vector<16xi32>, vector<16xi1> -> vector<16xi32>
      %reduce_max3A_1044 = arith.xori %reduce_max3A_1043, %reduce_max3A_1041 : vector<16xi32>
      %reduce_max3A_1045 = vector.extract %reduce_max3A_1044[15] : i32 from vector<16xi32>
      %shift_right_arithmetic3A_1046 = arith.constant 7 : i32
      %shift_right_arithmetic3A_1047 = arith.shrsi %reduce_max3A_1045, %shift_right_arithmetic3A_1046 : i32
      %mul3A_1048 = arith.constant 128 : i32
      %mul3A_1049 = arith.muli %shift_right_arithmetic3A_1047, %mul3A_1048 : i32
      %min3A_1050 = arith.constant 999808 : i32
      %min3A_1051 = arith.minsi %mul3A_1049, %min3A_1050 : i32
      %multiple_of3A_1052 = tpu.assume_multiple %min3A_1051, 128 : i32
      %eq3A_1053 = arith.constant 7 : i32
      %eq3A_1054 = vector.broadcast %eq3A_1053 : i32 to vector<16xi32>
      %eq3A_1055 = arith.cmpi eq, %iota3A, %eq3A_1054 : vector<16xi32>
      %jit3A_1056 = arith.constant 0 : i32
      %broadcast_in_dim3A_1057 = vector.broadcast %jit3A_1056 : i32 to vector<16xi32>
      %select_n3A_1058 = arith.select %eq3A_1055, %get3A_905, %broadcast_in_dim3A_1057 : vector<16xi1>, vector<16xi32>
      %reduce_max3A_1059 = arith.constant true
      %reduce_max3A_1060 = vector.broadcast %reduce_max3A_1059 : i1 to vector<16xi1>
      %reduce_max3A_1061 = arith.constant -2147483648 : i32
      %reduce_max3A_1062 = vector.broadcast %reduce_max3A_1061 : i32 to vector<16xi32>
      %reduce_max3A_1063 = arith.xori %select_n3A_1058, %reduce_max3A_1062 : vector<16xi32>
      %reduce_max3A_1064 = tpu.scan <max>, %reduce_max3A_1063 masked %reduce_max3A_1060 : vector<16xi32>, vector<16xi1> -> vector<16xi32>
      %reduce_max3A_1065 = arith.xori %reduce_max3A_1064, %reduce_max3A_1062 : vector<16xi32>
      %reduce_max3A_1066 = vector.extract %reduce_max3A_1065[15] : i32 from vector<16xi32>
      %shift_right_arithmetic3A_1067 = arith.constant 7 : i32
      %shift_right_arithmetic3A_1068 = arith.shrsi %reduce_max3A_1066, %shift_right_arithmetic3A_1067 : i32
      %mul3A_1069 = arith.constant 128 : i32
      %mul3A_1070 = arith.muli %shift_right_arithmetic3A_1068, %mul3A_1069 : i32
      %min3A_1071 = arith.constant 999808 : i32
      %min3A_1072 = arith.minsi %mul3A_1070, %min3A_1071 : i32
      %multiple_of3A_1073 = tpu.assume_multiple %min3A_1072, 128 : i32
      %eq3A_1074 = arith.constant 8 : i32
      %eq3A_1075 = vector.broadcast %eq3A_1074 : i32 to vector<16xi32>
      %eq3A_1076 = arith.cmpi eq, %iota3A, %eq3A_1075 : vector<16xi32>
      %jit3A_1077 = arith.constant 0 : i32
      %broadcast_in_dim3A_1078 = vector.broadcast %jit3A_1077 : i32 to vector<16xi32>
      %select_n3A_1079 = arith.select %eq3A_1076, %get3A_905, %broadcast_in_dim3A_1078 : vector<16xi1>, vector<16xi32>
      %reduce_max3A_1080 = arith.constant true
      %reduce_max3A_1081 = vector.broadcast %reduce_max3A_1080 : i1 to vector<16xi1>
      %reduce_max3A_1082 = arith.constant -2147483648 : i32
      %reduce_max3A_1083 = vector.broadcast %reduce_max3A_1082 : i32 to vector<16xi32>
      %reduce_max3A_1084 = arith.xori %select_n3A_1079, %reduce_max3A_1083 : vector<16xi32>
      %reduce_max3A_1085 = tpu.scan <max>, %reduce_max3A_1084 masked %reduce_max3A_1081 : vector<16xi32>, vector<16xi1> -> vector<16xi32>
      %reduce_max3A_1086 = arith.xori %reduce_max3A_1085, %reduce_max3A_1083 : vector<16xi32>
      %reduce_max3A_1087 = vector.extract %reduce_max3A_1086[15] : i32 from vector<16xi32>
      %shift_right_arithmetic3A_1088 = arith.constant 7 : i32
      %shift_right_arithmetic3A_1089 = arith.shrsi %reduce_max3A_1087, %shift_right_arithmetic3A_1088 : i32
      %mul3A_1090 = arith.constant 128 : i32
      %mul3A_1091 = arith.muli %shift_right_arithmetic3A_1089, %mul3A_1090 : i32
      %min3A_1092 = arith.constant 999808 : i32
      %min3A_1093 = arith.minsi %mul3A_1091, %min3A_1092 : i32
      %multiple_of3A_1094 = tpu.assume_multiple %min3A_1093, 128 : i32
      %eq3A_1095 = arith.constant 9 : i32
      %eq3A_1096 = vector.broadcast %eq3A_1095 : i32 to vector<16xi32>
      %eq3A_1097 = arith.cmpi eq, %iota3A, %eq3A_1096 : vector<16xi32>
      %jit3A_1098 = arith.constant 0 : i32
      %broadcast_in_dim3A_1099 = vector.broadcast %jit3A_1098 : i32 to vector<16xi32>
      %select_n3A_1100 = arith.select %eq3A_1097, %get3A_905, %broadcast_in_dim3A_1099 : vector<16xi1>, vector<16xi32>
      %reduce_max3A_1101 = arith.constant true
      %reduce_max3A_1102 = vector.broadcast %reduce_max3A_1101 : i1 to vector<16xi1>
      %reduce_max3A_1103 = arith.constant -2147483648 : i32
      %reduce_max3A_1104 = vector.broadcast %reduce_max3A_1103 : i32 to vector<16xi32>
      %reduce_max3A_1105 = arith.xori %select_n3A_1100, %reduce_max3A_1104 : vector<16xi32>
      %reduce_max3A_1106 = tpu.scan <max>, %reduce_max3A_1105 masked %reduce_max3A_1102 : vector<16xi32>, vector<16xi1> -> vector<16xi32>
      %reduce_max3A_1107 = arith.xori %reduce_max3A_1106, %reduce_max3A_1104 : vector<16xi32>
      %reduce_max3A_1108 = vector.extract %reduce_max3A_1107[15] : i32 from vector<16xi32>
      %shift_right_arithmetic3A_1109 = arith.constant 7 : i32
      %shift_right_arithmetic3A_1110 = arith.shrsi %reduce_max3A_1108, %shift_right_arithmetic3A_1109 : i32
      %mul3A_1111 = arith.constant 128 : i32
      %mul3A_1112 = arith.muli %shift_right_arithmetic3A_1110, %mul3A_1111 : i32
      %min3A_1113 = arith.constant 999808 : i32
      %min3A_1114 = arith.minsi %mul3A_1112, %min3A_1113 : i32
      %multiple_of3A_1115 = tpu.assume_multiple %min3A_1114, 128 : i32
      %eq3A_1116 = arith.constant 10 : i32
      %eq3A_1117 = vector.broadcast %eq3A_1116 : i32 to vector<16xi32>
      %eq3A_1118 = arith.cmpi eq, %iota3A, %eq3A_1117 : vector<16xi32>
      %jit3A_1119 = arith.constant 0 : i32
      %broadcast_in_dim3A_1120 = vector.broadcast %jit3A_1119 : i32 to vector<16xi32>
      %select_n3A_1121 = arith.select %eq3A_1118, %get3A_905, %broadcast_in_dim3A_1120 : vector<16xi1>, vector<16xi32>
      %reduce_max3A_1122 = arith.constant true
      %reduce_max3A_1123 = vector.broadcast %reduce_max3A_1122 : i1 to vector<16xi1>
      %reduce_max3A_1124 = arith.constant -2147483648 : i32
      %reduce_max3A_1125 = vector.broadcast %reduce_max3A_1124 : i32 to vector<16xi32>
      %reduce_max3A_1126 = arith.xori %select_n3A_1121, %reduce_max3A_1125 : vector<16xi32>
      %reduce_max3A_1127 = tpu.scan <max>, %reduce_max3A_1126 masked %reduce_max3A_1123 : vector<16xi32>, vector<16xi1> -> vector<16xi32>
      %reduce_max3A_1128 = arith.xori %reduce_max3A_1127, %reduce_max3A_1125 : vector<16xi32>
      %reduce_max3A_1129 = vector.extract %reduce_max3A_1128[15] : i32 from vector<16xi32>
      %shift_right_arithmetic3A_1130 = arith.constant 7 : i32
      %shift_right_arithmetic3A_1131 = arith.shrsi %reduce_max3A_1129, %shift_right_arithmetic3A_1130 : i32
      %mul3A_1132 = arith.constant 128 : i32
      %mul3A_1133 = arith.muli %shift_right_arithmetic3A_1131, %mul3A_1132 : i32
      %min3A_1134 = arith.constant 999808 : i32
      %min3A_1135 = arith.minsi %mul3A_1133, %min3A_1134 : i32
      %multiple_of3A_1136 = tpu.assume_multiple %min3A_1135, 128 : i32
      %eq3A_1137 = arith.constant 11 : i32
      %eq3A_1138 = vector.broadcast %eq3A_1137 : i32 to vector<16xi32>
      %eq3A_1139 = arith.cmpi eq, %iota3A, %eq3A_1138 : vector<16xi32>
      %jit3A_1140 = arith.constant 0 : i32
      %broadcast_in_dim3A_1141 = vector.broadcast %jit3A_1140 : i32 to vector<16xi32>
      %select_n3A_1142 = arith.select %eq3A_1139, %get3A_905, %broadcast_in_dim3A_1141 : vector<16xi1>, vector<16xi32>
      %reduce_max3A_1143 = arith.constant true
      %reduce_max3A_1144 = vector.broadcast %reduce_max3A_1143 : i1 to vector<16xi1>
      %reduce_max3A_1145 = arith.constant -2147483648 : i32
      %reduce_max3A_1146 = vector.broadcast %reduce_max3A_1145 : i32 to vector<16xi32>
      %reduce_max3A_1147 = arith.xori %select_n3A_1142, %reduce_max3A_1146 : vector<16xi32>
      %reduce_max3A_1148 = tpu.scan <max>, %reduce_max3A_1147 masked %reduce_max3A_1144 : vector<16xi32>, vector<16xi1> -> vector<16xi32>
      %reduce_max3A_1149 = arith.xori %reduce_max3A_1148, %reduce_max3A_1146 : vector<16xi32>
      %reduce_max3A_1150 = vector.extract %reduce_max3A_1149[15] : i32 from vector<16xi32>
      %shift_right_arithmetic3A_1151 = arith.constant 7 : i32
      %shift_right_arithmetic3A_1152 = arith.shrsi %reduce_max3A_1150, %shift_right_arithmetic3A_1151 : i32
      %mul3A_1153 = arith.constant 128 : i32
      %mul3A_1154 = arith.muli %shift_right_arithmetic3A_1152, %mul3A_1153 : i32
      %min3A_1155 = arith.constant 999808 : i32
      %min3A_1156 = arith.minsi %mul3A_1154, %min3A_1155 : i32
      %multiple_of3A_1157 = tpu.assume_multiple %min3A_1156, 128 : i32
      %eq3A_1158 = arith.constant 12 : i32
      %eq3A_1159 = vector.broadcast %eq3A_1158 : i32 to vector<16xi32>
      %eq3A_1160 = arith.cmpi eq, %iota3A, %eq3A_1159 : vector<16xi32>
      %jit3A_1161 = arith.constant 0 : i32
      %broadcast_in_dim3A_1162 = vector.broadcast %jit3A_1161 : i32 to vector<16xi32>
      %select_n3A_1163 = arith.select %eq3A_1160, %get3A_905, %broadcast_in_dim3A_1162 : vector<16xi1>, vector<16xi32>
      %reduce_max3A_1164 = arith.constant true
      %reduce_max3A_1165 = vector.broadcast %reduce_max3A_1164 : i1 to vector<16xi1>
      %reduce_max3A_1166 = arith.constant -2147483648 : i32
      %reduce_max3A_1167 = vector.broadcast %reduce_max3A_1166 : i32 to vector<16xi32>
      %reduce_max3A_1168 = arith.xori %select_n3A_1163, %reduce_max3A_1167 : vector<16xi32>
      %reduce_max3A_1169 = tpu.scan <max>, %reduce_max3A_1168 masked %reduce_max3A_1165 : vector<16xi32>, vector<16xi1> -> vector<16xi32>
      %reduce_max3A_1170 = arith.xori %reduce_max3A_1169, %reduce_max3A_1167 : vector<16xi32>
      %reduce_max3A_1171 = vector.extract %reduce_max3A_1170[15] : i32 from vector<16xi32>
      %shift_right_arithmetic3A_1172 = arith.constant 7 : i32
      %shift_right_arithmetic3A_1173 = arith.shrsi %reduce_max3A_1171, %shift_right_arithmetic3A_1172 : i32
      %mul3A_1174 = arith.constant 128 : i32
      %mul3A_1175 = arith.muli %shift_right_arithmetic3A_1173, %mul3A_1174 : i32
      %min3A_1176 = arith.constant 999808 : i32
      %min3A_1177 = arith.minsi %mul3A_1175, %min3A_1176 : i32
      %multiple_of3A_1178 = tpu.assume_multiple %min3A_1177, 128 : i32
      %eq3A_1179 = arith.constant 13 : i32
      %eq3A_1180 = vector.broadcast %eq3A_1179 : i32 to vector<16xi32>
      %eq3A_1181 = arith.cmpi eq, %iota3A, %eq3A_1180 : vector<16xi32>
      %jit3A_1182 = arith.constant 0 : i32
      %broadcast_in_dim3A_1183 = vector.broadcast %jit3A_1182 : i32 to vector<16xi32>
      %select_n3A_1184 = arith.select %eq3A_1181, %get3A_905, %broadcast_in_dim3A_1183 : vector<16xi1>, vector<16xi32>
      %reduce_max3A_1185 = arith.constant true
      %reduce_max3A_1186 = vector.broadcast %reduce_max3A_1185 : i1 to vector<16xi1>
      %reduce_max3A_1187 = arith.constant -2147483648 : i32
      %reduce_max3A_1188 = vector.broadcast %reduce_max3A_1187 : i32 to vector<16xi32>
      %reduce_max3A_1189 = arith.xori %select_n3A_1184, %reduce_max3A_1188 : vector<16xi32>
      %reduce_max3A_1190 = tpu.scan <max>, %reduce_max3A_1189 masked %reduce_max3A_1186 : vector<16xi32>, vector<16xi1> -> vector<16xi32>
      %reduce_max3A_1191 = arith.xori %reduce_max3A_1190, %reduce_max3A_1188 : vector<16xi32>
      %reduce_max3A_1192 = vector.extract %reduce_max3A_1191[15] : i32 from vector<16xi32>
      %shift_right_arithmetic3A_1193 = arith.constant 7 : i32
      %shift_right_arithmetic3A_1194 = arith.shrsi %reduce_max3A_1192, %shift_right_arithmetic3A_1193 : i32
      %mul3A_1195 = arith.constant 128 : i32
      %mul3A_1196 = arith.muli %shift_right_arithmetic3A_1194, %mul3A_1195 : i32
      %min3A_1197 = arith.constant 999808 : i32
      %min3A_1198 = arith.minsi %mul3A_1196, %min3A_1197 : i32
      %multiple_of3A_1199 = tpu.assume_multiple %min3A_1198, 128 : i32
      %eq3A_1200 = arith.constant 14 : i32
      %eq3A_1201 = vector.broadcast %eq3A_1200 : i32 to vector<16xi32>
      %eq3A_1202 = arith.cmpi eq, %iota3A, %eq3A_1201 : vector<16xi32>
      %jit3A_1203 = arith.constant 0 : i32
      %broadcast_in_dim3A_1204 = vector.broadcast %jit3A_1203 : i32 to vector<16xi32>
      %select_n3A_1205 = arith.select %eq3A_1202, %get3A_905, %broadcast_in_dim3A_1204 : vector<16xi1>, vector<16xi32>
      %reduce_max3A_1206 = arith.constant true
      %reduce_max3A_1207 = vector.broadcast %reduce_max3A_1206 : i1 to vector<16xi1>
      %reduce_max3A_1208 = arith.constant -2147483648 : i32
      %reduce_max3A_1209 = vector.broadcast %reduce_max3A_1208 : i32 to vector<16xi32>
      %reduce_max3A_1210 = arith.xori %select_n3A_1205, %reduce_max3A_1209 : vector<16xi32>
      %reduce_max3A_1211 = tpu.scan <max>, %reduce_max3A_1210 masked %reduce_max3A_1207 : vector<16xi32>, vector<16xi1> -> vector<16xi32>
      %reduce_max3A_1212 = arith.xori %reduce_max3A_1211, %reduce_max3A_1209 : vector<16xi32>
      %reduce_max3A_1213 = vector.extract %reduce_max3A_1212[15] : i32 from vector<16xi32>
      %shift_right_arithmetic3A_1214 = arith.constant 7 : i32
      %shift_right_arithmetic3A_1215 = arith.shrsi %reduce_max3A_1213, %shift_right_arithmetic3A_1214 : i32
      %mul3A_1216 = arith.constant 128 : i32
      %mul3A_1217 = arith.muli %shift_right_arithmetic3A_1215, %mul3A_1216 : i32
      %min3A_1218 = arith.constant 999808 : i32
      %min3A_1219 = arith.minsi %mul3A_1217, %min3A_1218 : i32
      %multiple_of3A_1220 = tpu.assume_multiple %min3A_1219, 128 : i32
      %eq3A_1221 = arith.constant 15 : i32
      %eq3A_1222 = vector.broadcast %eq3A_1221 : i32 to vector<16xi32>
      %eq3A_1223 = arith.cmpi eq, %iota3A, %eq3A_1222 : vector<16xi32>
      %jit3A_1224 = arith.constant 0 : i32
      %broadcast_in_dim3A_1225 = vector.broadcast %jit3A_1224 : i32 to vector<16xi32>
      %select_n3A_1226 = arith.select %eq3A_1223, %get3A_905, %broadcast_in_dim3A_1225 : vector<16xi1>, vector<16xi32>
      %reduce_max3A_1227 = arith.constant true
      %reduce_max3A_1228 = vector.broadcast %reduce_max3A_1227 : i1 to vector<16xi1>
      %reduce_max3A_1229 = arith.constant -2147483648 : i32
      %reduce_max3A_1230 = vector.broadcast %reduce_max3A_1229 : i32 to vector<16xi32>
      %reduce_max3A_1231 = arith.xori %select_n3A_1226, %reduce_max3A_1230 : vector<16xi32>
      %reduce_max3A_1232 = tpu.scan <max>, %reduce_max3A_1231 masked %reduce_max3A_1228 : vector<16xi32>, vector<16xi1> -> vector<16xi32>
      %reduce_max3A_1233 = arith.xori %reduce_max3A_1232, %reduce_max3A_1230 : vector<16xi32>
      %reduce_max3A_1234 = vector.extract %reduce_max3A_1233[15] : i32 from vector<16xi32>
      %shift_right_arithmetic3A_1235 = arith.constant 7 : i32
      %shift_right_arithmetic3A_1236 = arith.shrsi %reduce_max3A_1234, %shift_right_arithmetic3A_1235 : i32
      %mul3A_1237 = arith.constant 128 : i32
      %mul3A_1238 = arith.muli %shift_right_arithmetic3A_1236, %mul3A_1237 : i32
      %min3A_1239 = arith.constant 999808 : i32
      %min3A_1240 = arith.minsi %mul3A_1238, %min3A_1239 : i32
      %multiple_of3A_1241 = tpu.assume_multiple %min3A_1240, 128 : i32
      %sub3A = arith.subi %reduce_max3A_919, %multiple_of3A_926 : i32
      %min3A_1242 = arith.constant 127 : i32
      %min3A_1243 = arith.minsi %sub3A, %min3A_1242 : i32
      %broadcast_in_dim3A_1244 = vector.broadcast %min3A_1243 : i32 to vector<16xi32>
      %gather3A = tpu.vector_load_idx %arg9[%iota3A, %broadcast_in_dim3A_1244] : memref<16x128xf32, #tpu.memory_space<vmem>>[vector<16xi32>, vector<16xi32>], vector<16xf32>,
      %sub3A_1245 = arith.constant 999872 : i32
      %sub3A_1246 = arith.subi %reduce_max3A_919, %sub3A_1245 : i32
      %jit3A_1247 = arith.constant 0 : i32
      %jit3A_1248 = arith.constant 127 : i32
      %max3A = arith.maxsi %jit3A_1247, %sub3A_1246 : i32
      %min3A_1249 = arith.minsi %jit3A_1248, %max3A : i32
      %broadcast_in_dim3A_1250 = vector.broadcast %min3A_1249 : i32 to vector<16xi32>
      %gather3A_1251 = tpu.vector_load_idx %arg41[%iota3A, %broadcast_in_dim3A_1250] : memref<16x128xf32, #tpu.memory_space<vmem>>[vector<16xi32>, vector<16xi32>], vector<16xf32>,
      %ge3A = arith.constant 999936 : i32
      %ge3A_1252 = arith.cmpi sge, %reduce_max3A_919, %ge3A : i32
      %broadcast_in_dim3A_1253 = vector.broadcast %ge3A_1252 : i1 to vector<16xi1>
      %select_n3A_1254 = arith.select %broadcast_in_dim3A_1253, %gather3A_1251, %gather3A : vector<16xi1>, vector<16xf32>
      %add3A_1255 = arith.constant 0 : i32
      %add3A_1256 = arith.addi %mul3A_406, %add3A_1255 : i32
      %broadcast_in_dim3A_1257 = vector.broadcast %add3A_1256 : i32 to vector<16xi32>
      tpu.vector_store_idx %arg43[%iota3A, %broadcast_in_dim3A_1257], %select_n3A_1254 : memref<16x512xf32, #tpu.memory_space<vmem>>[vector<16xi32>, vector<16xi32>], vector<16xf32>,
      %sub3A_1258 = arith.subi %reduce_max3A_940, %multiple_of3A_947 : i32
      %min3A_1259 = arith.constant 127 : i32
      %min3A_1260 = arith.minsi %sub3A_1258, %min3A_1259 : i32
      %broadcast_in_dim3A_1261 = vector.broadcast %min3A_1260 : i32 to vector<16xi32>
      %gather3A_1262 = tpu.vector_load_idx %arg10[%iota3A, %broadcast_in_dim3A_1261] : memref<16x128xf32, #tpu.memory_space<vmem>>[vector<16xi32>, vector<16xi32>], vector<16xf32>,
      %sub3A_1263 = arith.constant 999872 : i32
      %sub3A_1264 = arith.subi %reduce_max3A_940, %sub3A_1263 : i32
      %jit3A_1265 = arith.constant 0 : i32
      %jit3A_1266 = arith.constant 127 : i32
      %max3A_1267 = arith.maxsi %jit3A_1265, %sub3A_1264 : i32
      %min3A_1268 = arith.minsi %jit3A_1266, %max3A_1267 : i32
      %broadcast_in_dim3A_1269 = vector.broadcast %min3A_1268 : i32 to vector<16xi32>
      %gather3A_1270 = tpu.vector_load_idx %arg41[%iota3A, %broadcast_in_dim3A_1269] : memref<16x128xf32, #tpu.memory_space<vmem>>[vector<16xi32>, vector<16xi32>], vector<16xf32>,
      %ge3A_1271 = arith.constant 999936 : i32
      %ge3A_1272 = arith.cmpi sge, %reduce_max3A_940, %ge3A_1271 : i32
      %broadcast_in_dim3A_1273 = vector.broadcast %ge3A_1272 : i1 to vector<16xi1>
      %select_n3A_1274 = arith.select %broadcast_in_dim3A_1273, %gather3A_1270, %gather3A_1262 : vector<16xi1>, vector<16xf32>
      %add3A_1275 = arith.constant 1 : i32
      %add3A_1276 = arith.addi %mul3A_406, %add3A_1275 : i32
      %broadcast_in_dim3A_1277 = vector.broadcast %add3A_1276 : i32 to vector<16xi32>
      tpu.vector_store_idx %arg43[%iota3A, %broadcast_in_dim3A_1277], %select_n3A_1274 : memref<16x512xf32, #tpu.memory_space<vmem>>[vector<16xi32>, vector<16xi32>], vector<16xf32>,
      %sub3A_1278 = arith.subi %reduce_max3A_961, %multiple_of3A_968 : i32
      %min3A_1279 = arith.constant 127 : i32
      %min3A_1280 = arith.minsi %sub3A_1278, %min3A_1279 : i32
      %broadcast_in_dim3A_1281 = vector.broadcast %min3A_1280 : i32 to vector<16xi32>
      %gather3A_1282 = tpu.vector_load_idx %arg11[%iota3A, %broadcast_in_dim3A_1281] : memref<16x128xf32, #tpu.memory_space<vmem>>[vector<16xi32>, vector<16xi32>], vector<16xf32>,
      %sub3A_1283 = arith.constant 999872 : i32
      %sub3A_1284 = arith.subi %reduce_max3A_961, %sub3A_1283 : i32
      %jit3A_1285 = arith.constant 0 : i32
      %jit3A_1286 = arith.constant 127 : i32
      %max3A_1287 = arith.maxsi %jit3A_1285, %sub3A_1284 : i32
      %min3A_1288 = arith.minsi %jit3A_1286, %max3A_1287 : i32
      %broadcast_in_dim3A_1289 = vector.broadcast %min3A_1288 : i32 to vector<16xi32>
      %gather3A_1290 = tpu.vector_load_idx %arg41[%iota3A, %broadcast_in_dim3A_1289] : memref<16x128xf32, #tpu.memory_space<vmem>>[vector<16xi32>, vector<16xi32>], vector<16xf32>,
      %ge3A_1291 = arith.constant 999936 : i32
      %ge3A_1292 = arith.cmpi sge, %reduce_max3A_961, %ge3A_1291 : i32
      %broadcast_in_dim3A_1293 = vector.broadcast %ge3A_1292 : i1 to vector<16xi1>
      %select_n3A_1294 = arith.select %broadcast_in_dim3A_1293, %gather3A_1290, %gather3A_1282 : vector<16xi1>, vector<16xf32>
      %add3A_1295 = arith.constant 2 : i32
      %add3A_1296 = arith.addi %mul3A_406, %add3A_1295 : i32
      %broadcast_in_dim3A_1297 = vector.broadcast %add3A_1296 : i32 to vector<16xi32>
      tpu.vector_store_idx %arg43[%iota3A, %broadcast_in_dim3A_1297], %select_n3A_1294 : memref<16x512xf32, #tpu.memory_space<vmem>>[vector<16xi32>, vector<16xi32>], vector<16xf32>,
      %sub3A_1298 = arith.subi %reduce_max3A_982, %multiple_of3A_989 : i32
      %min3A_1299 = arith.constant 127 : i32
      %min3A_1300 = arith.minsi %sub3A_1298, %min3A_1299 : i32
      %broadcast_in_dim3A_1301 = vector.broadcast %min3A_1300 : i32 to vector<16xi32>
      %gather3A_1302 = tpu.vector_load_idx %arg12[%iota3A, %broadcast_in_dim3A_1301] : memref<16x128xf32, #tpu.memory_space<vmem>>[vector<16xi32>, vector<16xi32>], vector<16xf32>,
      %sub3A_1303 = arith.constant 999872 : i32
      %sub3A_1304 = arith.subi %reduce_max3A_982, %sub3A_1303 : i32
      %jit3A_1305 = arith.constant 0 : i32
      %jit3A_1306 = arith.constant 127 : i32
      %max3A_1307 = arith.maxsi %jit3A_1305, %sub3A_1304 : i32
      %min3A_1308 = arith.minsi %jit3A_1306, %max3A_1307 : i32
      %broadcast_in_dim3A_1309 = vector.broadcast %min3A_1308 : i32 to vector<16xi32>
      %gather3A_1310 = tpu.vector_load_idx %arg41[%iota3A, %broadcast_in_dim3A_1309] : memref<16x128xf32, #tpu.memory_space<vmem>>[vector<16xi32>, vector<16xi32>], vector<16xf32>,
      %ge3A_1311 = arith.constant 999936 : i32
      %ge3A_1312 = arith.cmpi sge, %reduce_max3A_982, %ge3A_1311 : i32
      %broadcast_in_dim3A_1313 = vector.broadcast %ge3A_1312 : i1 to vector<16xi1>
      %select_n3A_1314 = arith.select %broadcast_in_dim3A_1313, %gather3A_1310, %gather3A_1302 : vector<16xi1>, vector<16xf32>
      %add3A_1315 = arith.constant 3 : i32
      %add3A_1316 = arith.addi %mul3A_406, %add3A_1315 : i32
      %broadcast_in_dim3A_1317 = vector.broadcast %add3A_1316 : i32 to vector<16xi32>
      tpu.vector_store_idx %arg43[%iota3A, %broadcast_in_dim3A_1317], %select_n3A_1314 : memref<16x512xf32, #tpu.memory_space<vmem>>[vector<16xi32>, vector<16xi32>], vector<16xf32>,
      %sub3A_1318 = arith.subi %reduce_max3A_1003, %multiple_of3A_1010 : i32
      %min3A_1319 = arith.constant 127 : i32
      %min3A_1320 = arith.minsi %sub3A_1318, %min3A_1319 : i32
      %broadcast_in_dim3A_1321 = vector.broadcast %min3A_1320 : i32 to vector<16xi32>
      %gather3A_1322 = tpu.vector_load_idx %arg13[%iota3A, %broadcast_in_dim3A_1321] : memref<16x128xf32, #tpu.memory_space<vmem>>[vector<16xi32>, vector<16xi32>], vector<16xf32>,
      %sub3A_1323 = arith.constant 999872 : i32
      %sub3A_1324 = arith.subi %reduce_max3A_1003, %sub3A_1323 : i32
      %jit3A_1325 = arith.constant 0 : i32
      %jit3A_1326 = arith.constant 127 : i32
      %max3A_1327 = arith.maxsi %jit3A_1325, %sub3A_1324 : i32
      %min3A_1328 = arith.minsi %jit3A_1326, %max3A_1327 : i32
      %broadcast_in_dim3A_1329 = vector.broadcast %min3A_1328 : i32 to vector<16xi32>
      %gather3A_1330 = tpu.vector_load_idx %arg41[%iota3A, %broadcast_in_dim3A_1329] : memref<16x128xf32, #tpu.memory_space<vmem>>[vector<16xi32>, vector<16xi32>], vector<16xf32>,
      %ge3A_1331 = arith.constant 999936 : i32
      %ge3A_1332 = arith.cmpi sge, %reduce_max3A_1003, %ge3A_1331 : i32
      %broadcast_in_dim3A_1333 = vector.broadcast %ge3A_1332 : i1 to vector<16xi1>
      %select_n3A_1334 = arith.select %broadcast_in_dim3A_1333, %gather3A_1330, %gather3A_1322 : vector<16xi1>, vector<16xf32>
      %add3A_1335 = arith.constant 4 : i32
      %add3A_1336 = arith.addi %mul3A_406, %add3A_1335 : i32
      %broadcast_in_dim3A_1337 = vector.broadcast %add3A_1336 : i32 to vector<16xi32>
      tpu.vector_store_idx %arg43[%iota3A, %broadcast_in_dim3A_1337], %select_n3A_1334 : memref<16x512xf32, #tpu.memory_space<vmem>>[vector<16xi32>, vector<16xi32>], vector<16xf32>,
      %sub3A_1338 = arith.subi %reduce_max3A_1024, %multiple_of3A_1031 : i32
      %min3A_1339 = arith.constant 127 : i32
      %min3A_1340 = arith.minsi %sub3A_1338, %min3A_1339 : i32
      %broadcast_in_dim3A_1341 = vector.broadcast %min3A_1340 : i32 to vector<16xi32>
      %gather3A_1342 = tpu.vector_load_idx %arg14[%iota3A, %broadcast_in_dim3A_1341] : memref<16x128xf32, #tpu.memory_space<vmem>>[vector<16xi32>, vector<16xi32>], vector<16xf32>,
      %sub3A_1343 = arith.constant 999872 : i32
      %sub3A_1344 = arith.subi %reduce_max3A_1024, %sub3A_1343 : i32
      %jit3A_1345 = arith.constant 0 : i32
      %jit3A_1346 = arith.constant 127 : i32
      %max3A_1347 = arith.maxsi %jit3A_1345, %sub3A_1344 : i32
      %min3A_1348 = arith.minsi %jit3A_1346, %max3A_1347 : i32
      %broadcast_in_dim3A_1349 = vector.broadcast %min3A_1348 : i32 to vector<16xi32>
      %gather3A_1350 = tpu.vector_load_idx %arg41[%iota3A, %broadcast_in_dim3A_1349] : memref<16x128xf32, #tpu.memory_space<vmem>>[vector<16xi32>, vector<16xi32>], vector<16xf32>,
      %ge3A_1351 = arith.constant 999936 : i32
      %ge3A_1352 = arith.cmpi sge, %reduce_max3A_1024, %ge3A_1351 : i32
      %broadcast_in_dim3A_1353 = vector.broadcast %ge3A_1352 : i1 to vector<16xi1>
      %select_n3A_1354 = arith.select %broadcast_in_dim3A_1353, %gather3A_1350, %gather3A_1342 : vector<16xi1>, vector<16xf32>
      %add3A_1355 = arith.constant 5 : i32
      %add3A_1356 = arith.addi %mul3A_406, %add3A_1355 : i32
      %broadcast_in_dim3A_1357 = vector.broadcast %add3A_1356 : i32 to vector<16xi32>
      tpu.vector_store_idx %arg43[%iota3A, %broadcast_in_dim3A_1357], %select_n3A_1354 : memref<16x512xf32, #tpu.memory_space<vmem>>[vector<16xi32>, vector<16xi32>], vector<16xf32>,
      %sub3A_1358 = arith.subi %reduce_max3A_1045, %multiple_of3A_1052 : i32
      %min3A_1359 = arith.constant 127 : i32
      %min3A_1360 = arith.minsi %sub3A_1358, %min3A_1359 : i32
      %broadcast_in_dim3A_1361 = vector.broadcast %min3A_1360 : i32 to vector<16xi32>
      %gather3A_1362 = tpu.vector_load_idx %arg15[%iota3A, %broadcast_in_dim3A_1361] : memref<16x128xf32, #tpu.memory_space<vmem>>[vector<16xi32>, vector<16xi32>], vector<16xf32>,
      %sub3A_1363 = arith.constant 999872 : i32
      %sub3A_1364 = arith.subi %reduce_max3A_1045, %sub3A_1363 : i32
      %jit3A_1365 = arith.constant 0 : i32
      %jit3A_1366 = arith.constant 127 : i32
      %max3A_1367 = arith.maxsi %jit3A_1365, %sub3A_1364 : i32
      %min3A_1368 = arith.minsi %jit3A_1366, %max3A_1367 : i32
      %broadcast_in_dim3A_1369 = vector.broadcast %min3A_1368 : i32 to vector<16xi32>
      %gather3A_1370 = tpu.vector_load_idx %arg41[%iota3A, %broadcast_in_dim3A_1369] : memref<16x128xf32, #tpu.memory_space<vmem>>[vector<16xi32>, vector<16xi32>], vector<16xf32>,
      %ge3A_1371 = arith.constant 999936 : i32
      %ge3A_1372 = arith.cmpi sge, %reduce_max3A_1045, %ge3A_1371 : i32
      %broadcast_in_dim3A_1373 = vector.broadcast %ge3A_1372 : i1 to vector<16xi1>
      %select_n3A_1374 = arith.select %broadcast_in_dim3A_1373, %gather3A_1370, %gather3A_1362 : vector<16xi1>, vector<16xf32>
      %add3A_1375 = arith.constant 6 : i32
      %add3A_1376 = arith.addi %mul3A_406, %add3A_1375 : i32
      %broadcast_in_dim3A_1377 = vector.broadcast %add3A_1376 : i32 to vector<16xi32>
      tpu.vector_store_idx %arg43[%iota3A, %broadcast_in_dim3A_1377], %select_n3A_1374 : memref<16x512xf32, #tpu.memory_space<vmem>>[vector<16xi32>, vector<16xi32>], vector<16xf32>,
      %sub3A_1378 = arith.subi %reduce_max3A_1066, %multiple_of3A_1073 : i32
      %min3A_1379 = arith.constant 127 : i32
      %min3A_1380 = arith.minsi %sub3A_1378, %min3A_1379 : i32
      %broadcast_in_dim3A_1381 = vector.broadcast %min3A_1380 : i32 to vector<16xi32>
      %gather3A_1382 = tpu.vector_load_idx %arg16[%iota3A, %broadcast_in_dim3A_1381] : memref<16x128xf32, #tpu.memory_space<vmem>>[vector<16xi32>, vector<16xi32>], vector<16xf32>,
      %sub3A_1383 = arith.constant 999872 : i32
      %sub3A_1384 = arith.subi %reduce_max3A_1066, %sub3A_1383 : i32
      %jit3A_1385 = arith.constant 0 : i32
      %jit3A_1386 = arith.constant 127 : i32
      %max3A_1387 = arith.maxsi %jit3A_1385, %sub3A_1384 : i32
      %min3A_1388 = arith.minsi %jit3A_1386, %max3A_1387 : i32
      %broadcast_in_dim3A_1389 = vector.broadcast %min3A_1388 : i32 to vector<16xi32>
      %gather3A_1390 = tpu.vector_load_idx %arg41[%iota3A, %broadcast_in_dim3A_1389] : memref<16x128xf32, #tpu.memory_space<vmem>>[vector<16xi32>, vector<16xi32>], vector<16xf32>,
      %ge3A_1391 = arith.constant 999936 : i32
      %ge3A_1392 = arith.cmpi sge, %reduce_max3A_1066, %ge3A_1391 : i32
      %broadcast_in_dim3A_1393 = vector.broadcast %ge3A_1392 : i1 to vector<16xi1>
      %select_n3A_1394 = arith.select %broadcast_in_dim3A_1393, %gather3A_1390, %gather3A_1382 : vector<16xi1>, vector<16xf32>
      %add3A_1395 = arith.constant 7 : i32
      %add3A_1396 = arith.addi %mul3A_406, %add3A_1395 : i32
      %broadcast_in_dim3A_1397 = vector.broadcast %add3A_1396 : i32 to vector<16xi32>
      tpu.vector_store_idx %arg43[%iota3A, %broadcast_in_dim3A_1397], %select_n3A_1394 : memref<16x512xf32, #tpu.memory_space<vmem>>[vector<16xi32>, vector<16xi32>], vector<16xf32>,
      %sub3A_1398 = arith.subi %reduce_max3A_1087, %multiple_of3A_1094 : i32
      %min3A_1399 = arith.constant 127 : i32
      %min3A_1400 = arith.minsi %sub3A_1398, %min3A_1399 : i32
      %broadcast_in_dim3A_1401 = vector.broadcast %min3A_1400 : i32 to vector<16xi32>
      %gather3A_1402 = tpu.vector_load_idx %arg17[%iota3A, %broadcast_in_dim3A_1401] : memref<16x128xf32, #tpu.memory_space<vmem>>[vector<16xi32>, vector<16xi32>], vector<16xf32>,
      %sub3A_1403 = arith.constant 999872 : i32
      %sub3A_1404 = arith.subi %reduce_max3A_1087, %sub3A_1403 : i32
      %jit3A_1405 = arith.constant 0 : i32
      %jit3A_1406 = arith.constant 127 : i32
      %max3A_1407 = arith.maxsi %jit3A_1405, %sub3A_1404 : i32
      %min3A_1408 = arith.minsi %jit3A_1406, %max3A_1407 : i32
      %broadcast_in_dim3A_1409 = vector.broadcast %min3A_1408 : i32 to vector<16xi32>
      %gather3A_1410 = tpu.vector_load_idx %arg41[%iota3A, %broadcast_in_dim3A_1409] : memref<16x128xf32, #tpu.memory_space<vmem>>[vector<16xi32>, vector<16xi32>], vector<16xf32>,
      %ge3A_1411 = arith.constant 999936 : i32
      %ge3A_1412 = arith.cmpi sge, %reduce_max3A_1087, %ge3A_1411 : i32
      %broadcast_in_dim3A_1413 = vector.broadcast %ge3A_1412 : i1 to vector<16xi1>
      %select_n3A_1414 = arith.select %broadcast_in_dim3A_1413, %gather3A_1410, %gather3A_1402 : vector<16xi1>, vector<16xf32>
      %add3A_1415 = arith.constant 8 : i32
      %add3A_1416 = arith.addi %mul3A_406, %add3A_1415 : i32
      %broadcast_in_dim3A_1417 = vector.broadcast %add3A_1416 : i32 to vector<16xi32>
      tpu.vector_store_idx %arg43[%iota3A, %broadcast_in_dim3A_1417], %select_n3A_1414 : memref<16x512xf32, #tpu.memory_space<vmem>>[vector<16xi32>, vector<16xi32>], vector<16xf32>,
      %sub3A_1418 = arith.subi %reduce_max3A_1108, %multiple_of3A_1115 : i32
      %min3A_1419 = arith.constant 127 : i32
      %min3A_1420 = arith.minsi %sub3A_1418, %min3A_1419 : i32
      %broadcast_in_dim3A_1421 = vector.broadcast %min3A_1420 : i32 to vector<16xi32>
      %gather3A_1422 = tpu.vector_load_idx %arg18[%iota3A, %broadcast_in_dim3A_1421] : memref<16x128xf32, #tpu.memory_space<vmem>>[vector<16xi32>, vector<16xi32>], vector<16xf32>,
      %sub3A_1423 = arith.constant 999872 : i32
      %sub3A_1424 = arith.subi %reduce_max3A_1108, %sub3A_1423 : i32
      %jit3A_1425 = arith.constant 0 : i32
      %jit3A_1426 = arith.constant 127 : i32
      %max3A_1427 = arith.maxsi %jit3A_1425, %sub3A_1424 : i32
      %min3A_1428 = arith.minsi %jit3A_1426, %max3A_1427 : i32
      %broadcast_in_dim3A_1429 = vector.broadcast %min3A_1428 : i32 to vector<16xi32>
      %gather3A_1430 = tpu.vector_load_idx %arg41[%iota3A, %broadcast_in_dim3A_1429] : memref<16x128xf32, #tpu.memory_space<vmem>>[vector<16xi32>, vector<16xi32>], vector<16xf32>,
      %ge3A_1431 = arith.constant 999936 : i32
      %ge3A_1432 = arith.cmpi sge, %reduce_max3A_1108, %ge3A_1431 : i32
      %broadcast_in_dim3A_1433 = vector.broadcast %ge3A_1432 : i1 to vector<16xi1>
      %select_n3A_1434 = arith.select %broadcast_in_dim3A_1433, %gather3A_1430, %gather3A_1422 : vector<16xi1>, vector<16xf32>
      %add3A_1435 = arith.constant 9 : i32
      %add3A_1436 = arith.addi %mul3A_406, %add3A_1435 : i32
      %broadcast_in_dim3A_1437 = vector.broadcast %add3A_1436 : i32 to vector<16xi32>
      tpu.vector_store_idx %arg43[%iota3A, %broadcast_in_dim3A_1437], %select_n3A_1434 : memref<16x512xf32, #tpu.memory_space<vmem>>[vector<16xi32>, vector<16xi32>], vector<16xf32>,
      %sub3A_1438 = arith.subi %reduce_max3A_1129, %multiple_of3A_1136 : i32
      %min3A_1439 = arith.constant 127 : i32
      %min3A_1440 = arith.minsi %sub3A_1438, %min3A_1439 : i32
      %broadcast_in_dim3A_1441 = vector.broadcast %min3A_1440 : i32 to vector<16xi32>
      %gather3A_1442 = tpu.vector_load_idx %arg19[%iota3A, %broadcast_in_dim3A_1441] : memref<16x128xf32, #tpu.memory_space<vmem>>[vector<16xi32>, vector<16xi32>], vector<16xf32>,
      %sub3A_1443 = arith.constant 999872 : i32
      %sub3A_1444 = arith.subi %reduce_max3A_1129, %sub3A_1443 : i32
      %jit3A_1445 = arith.constant 0 : i32
      %jit3A_1446 = arith.constant 127 : i32
      %max3A_1447 = arith.maxsi %jit3A_1445, %sub3A_1444 : i32
      %min3A_1448 = arith.minsi %jit3A_1446, %max3A_1447 : i32
      %broadcast_in_dim3A_1449 = vector.broadcast %min3A_1448 : i32 to vector<16xi32>
      %gather3A_1450 = tpu.vector_load_idx %arg41[%iota3A, %broadcast_in_dim3A_1449] : memref<16x128xf32, #tpu.memory_space<vmem>>[vector<16xi32>, vector<16xi32>], vector<16xf32>,
      %ge3A_1451 = arith.constant 999936 : i32
      %ge3A_1452 = arith.cmpi sge, %reduce_max3A_1129, %ge3A_1451 : i32
      %broadcast_in_dim3A_1453 = vector.broadcast %ge3A_1452 : i1 to vector<16xi1>
      %select_n3A_1454 = arith.select %broadcast_in_dim3A_1453, %gather3A_1450, %gather3A_1442 : vector<16xi1>, vector<16xf32>
      %add3A_1455 = arith.constant 10 : i32
      %add3A_1456 = arith.addi %mul3A_406, %add3A_1455 : i32
      %broadcast_in_dim3A_1457 = vector.broadcast %add3A_1456 : i32 to vector<16xi32>
      tpu.vector_store_idx %arg43[%iota3A, %broadcast_in_dim3A_1457], %select_n3A_1454 : memref<16x512xf32, #tpu.memory_space<vmem>>[vector<16xi32>, vector<16xi32>], vector<16xf32>,
      %sub3A_1458 = arith.subi %reduce_max3A_1150, %multiple_of3A_1157 : i32
      %min3A_1459 = arith.constant 127 : i32
      %min3A_1460 = arith.minsi %sub3A_1458, %min3A_1459 : i32
      %broadcast_in_dim3A_1461 = vector.broadcast %min3A_1460 : i32 to vector<16xi32>
      %gather3A_1462 = tpu.vector_load_idx %arg20[%iota3A, %broadcast_in_dim3A_1461] : memref<16x128xf32, #tpu.memory_space<vmem>>[vector<16xi32>, vector<16xi32>], vector<16xf32>,
      %sub3A_1463 = arith.constant 999872 : i32
      %sub3A_1464 = arith.subi %reduce_max3A_1150, %sub3A_1463 : i32
      %jit3A_1465 = arith.constant 0 : i32
      %jit3A_1466 = arith.constant 127 : i32
      %max3A_1467 = arith.maxsi %jit3A_1465, %sub3A_1464 : i32
      %min3A_1468 = arith.minsi %jit3A_1466, %max3A_1467 : i32
      %broadcast_in_dim3A_1469 = vector.broadcast %min3A_1468 : i32 to vector<16xi32>
      %gather3A_1470 = tpu.vector_load_idx %arg41[%iota3A, %broadcast_in_dim3A_1469] : memref<16x128xf32, #tpu.memory_space<vmem>>[vector<16xi32>, vector<16xi32>], vector<16xf32>,
      %ge3A_1471 = arith.constant 999936 : i32
      %ge3A_1472 = arith.cmpi sge, %reduce_max3A_1150, %ge3A_1471 : i32
      %broadcast_in_dim3A_1473 = vector.broadcast %ge3A_1472 : i1 to vector<16xi1>
      %select_n3A_1474 = arith.select %broadcast_in_dim3A_1473, %gather3A_1470, %gather3A_1462 : vector<16xi1>, vector<16xf32>
      %add3A_1475 = arith.constant 11 : i32
      %add3A_1476 = arith.addi %mul3A_406, %add3A_1475 : i32
      %broadcast_in_dim3A_1477 = vector.broadcast %add3A_1476 : i32 to vector<16xi32>
      tpu.vector_store_idx %arg43[%iota3A, %broadcast_in_dim3A_1477], %select_n3A_1474 : memref<16x512xf32, #tpu.memory_space<vmem>>[vector<16xi32>, vector<16xi32>], vector<16xf32>,
      %sub3A_1478 = arith.subi %reduce_max3A_1171, %multiple_of3A_1178 : i32
      %min3A_1479 = arith.constant 127 : i32
      %min3A_1480 = arith.minsi %sub3A_1478, %min3A_1479 : i32
      %broadcast_in_dim3A_1481 = vector.broadcast %min3A_1480 : i32 to vector<16xi32>
      %gather3A_1482 = tpu.vector_load_idx %arg21[%iota3A, %broadcast_in_dim3A_1481] : memref<16x128xf32, #tpu.memory_space<vmem>>[vector<16xi32>, vector<16xi32>], vector<16xf32>,
      %sub3A_1483 = arith.constant 999872 : i32
      %sub3A_1484 = arith.subi %reduce_max3A_1171, %sub3A_1483 : i32
      %jit3A_1485 = arith.constant 0 : i32
      %jit3A_1486 = arith.constant 127 : i32
      %max3A_1487 = arith.maxsi %jit3A_1485, %sub3A_1484 : i32
      %min3A_1488 = arith.minsi %jit3A_1486, %max3A_1487 : i32
      %broadcast_in_dim3A_1489 = vector.broadcast %min3A_1488 : i32 to vector<16xi32>
      %gather3A_1490 = tpu.vector_load_idx %arg41[%iota3A, %broadcast_in_dim3A_1489] : memref<16x128xf32, #tpu.memory_space<vmem>>[vector<16xi32>, vector<16xi32>], vector<16xf32>,
      %ge3A_1491 = arith.constant 999936 : i32
      %ge3A_1492 = arith.cmpi sge, %reduce_max3A_1171, %ge3A_1491 : i32
      %broadcast_in_dim3A_1493 = vector.broadcast %ge3A_1492 : i1 to vector<16xi1>
      %select_n3A_1494 = arith.select %broadcast_in_dim3A_1493, %gather3A_1490, %gather3A_1482 : vector<16xi1>, vector<16xf32>
      %add3A_1495 = arith.constant 12 : i32
      %add3A_1496 = arith.addi %mul3A_406, %add3A_1495 : i32
      %broadcast_in_dim3A_1497 = vector.broadcast %add3A_1496 : i32 to vector<16xi32>
      tpu.vector_store_idx %arg43[%iota3A, %broadcast_in_dim3A_1497], %select_n3A_1494 : memref<16x512xf32, #tpu.memory_space<vmem>>[vector<16xi32>, vector<16xi32>], vector<16xf32>,
      %sub3A_1498 = arith.subi %reduce_max3A_1192, %multiple_of3A_1199 : i32
      %min3A_1499 = arith.constant 127 : i32
      %min3A_1500 = arith.minsi %sub3A_1498, %min3A_1499 : i32
      %broadcast_in_dim3A_1501 = vector.broadcast %min3A_1500 : i32 to vector<16xi32>
      %gather3A_1502 = tpu.vector_load_idx %arg22[%iota3A, %broadcast_in_dim3A_1501] : memref<16x128xf32, #tpu.memory_space<vmem>>[vector<16xi32>, vector<16xi32>], vector<16xf32>,
      %sub3A_1503 = arith.constant 999872 : i32
      %sub3A_1504 = arith.subi %reduce_max3A_1192, %sub3A_1503 : i32
      %jit3A_1505 = arith.constant 0 : i32
      %jit3A_1506 = arith.constant 127 : i32
      %max3A_1507 = arith.maxsi %jit3A_1505, %sub3A_1504 : i32
      %min3A_1508 = arith.minsi %jit3A_1506, %max3A_1507 : i32
      %broadcast_in_dim3A_1509 = vector.broadcast %min3A_1508 : i32 to vector<16xi32>
      %gather3A_1510 = tpu.vector_load_idx %arg41[%iota3A, %broadcast_in_dim3A_1509] : memref<16x128xf32, #tpu.memory_space<vmem>>[vector<16xi32>, vector<16xi32>], vector<16xf32>,
      %ge3A_1511 = arith.constant 999936 : i32
      %ge3A_1512 = arith.cmpi sge, %reduce_max3A_1192, %ge3A_1511 : i32
      %broadcast_in_dim3A_1513 = vector.broadcast %ge3A_1512 : i1 to vector<16xi1>
      %select_n3A_1514 = arith.select %broadcast_in_dim3A_1513, %gather3A_1510, %gather3A_1502 : vector<16xi1>, vector<16xf32>
      %add3A_1515 = arith.constant 13 : i32
      %add3A_1516 = arith.addi %mul3A_406, %add3A_1515 : i32
      %broadcast_in_dim3A_1517 = vector.broadcast %add3A_1516 : i32 to vector<16xi32>
      tpu.vector_store_idx %arg43[%iota3A, %broadcast_in_dim3A_1517], %select_n3A_1514 : memref<16x512xf32, #tpu.memory_space<vmem>>[vector<16xi32>, vector<16xi32>], vector<16xf32>,
      %sub3A_1518 = arith.subi %reduce_max3A_1213, %multiple_of3A_1220 : i32
      %min3A_1519 = arith.constant 127 : i32
      %min3A_1520 = arith.minsi %sub3A_1518, %min3A_1519 : i32
      %broadcast_in_dim3A_1521 = vector.broadcast %min3A_1520 : i32 to vector<16xi32>
      %gather3A_1522 = tpu.vector_load_idx %arg23[%iota3A, %broadcast_in_dim3A_1521] : memref<16x128xf32, #tpu.memory_space<vmem>>[vector<16xi32>, vector<16xi32>], vector<16xf32>,
      %sub3A_1523 = arith.constant 999872 : i32
      %sub3A_1524 = arith.subi %reduce_max3A_1213, %sub3A_1523 : i32
      %jit3A_1525 = arith.constant 0 : i32
      %jit3A_1526 = arith.constant 127 : i32
      %max3A_1527 = arith.maxsi %jit3A_1525, %sub3A_1524 : i32
      %min3A_1528 = arith.minsi %jit3A_1526, %max3A_1527 : i32
      %broadcast_in_dim3A_1529 = vector.broadcast %min3A_1528 : i32 to vector<16xi32>
      %gather3A_1530 = tpu.vector_load_idx %arg41[%iota3A, %broadcast_in_dim3A_1529] : memref<16x128xf32, #tpu.memory_space<vmem>>[vector<16xi32>, vector<16xi32>], vector<16xf32>,
      %ge3A_1531 = arith.constant 999936 : i32
      %ge3A_1532 = arith.cmpi sge, %reduce_max3A_1213, %ge3A_1531 : i32
      %broadcast_in_dim3A_1533 = vector.broadcast %ge3A_1532 : i1 to vector<16xi1>
      %select_n3A_1534 = arith.select %broadcast_in_dim3A_1533, %gather3A_1530, %gather3A_1522 : vector<16xi1>, vector<16xf32>
      %add3A_1535 = arith.constant 14 : i32
      %add3A_1536 = arith.addi %mul3A_406, %add3A_1535 : i32
      %broadcast_in_dim3A_1537 = vector.broadcast %add3A_1536 : i32 to vector<16xi32>
      tpu.vector_store_idx %arg43[%iota3A, %broadcast_in_dim3A_1537], %select_n3A_1534 : memref<16x512xf32, #tpu.memory_space<vmem>>[vector<16xi32>, vector<16xi32>], vector<16xf32>,
      %sub3A_1538 = arith.subi %reduce_max3A_1234, %multiple_of3A_1241 : i32
      %min3A_1539 = arith.constant 127 : i32
      %min3A_1540 = arith.minsi %sub3A_1538, %min3A_1539 : i32
      %broadcast_in_dim3A_1541 = vector.broadcast %min3A_1540 : i32 to vector<16xi32>
      %gather3A_1542 = tpu.vector_load_idx %arg24[%iota3A, %broadcast_in_dim3A_1541] : memref<16x128xf32, #tpu.memory_space<vmem>>[vector<16xi32>, vector<16xi32>], vector<16xf32>,
      %sub3A_1543 = arith.constant 999872 : i32
      %sub3A_1544 = arith.subi %reduce_max3A_1234, %sub3A_1543 : i32
      %jit3A_1545 = arith.constant 0 : i32
      %jit3A_1546 = arith.constant 127 : i32
      %max3A_1547 = arith.maxsi %jit3A_1545, %sub3A_1544 : i32
      %min3A_1548 = arith.minsi %jit3A_1546, %max3A_1547 : i32
      %broadcast_in_dim3A_1549 = vector.broadcast %min3A_1548 : i32 to vector<16xi32>
      %gather3A_1550 = tpu.vector_load_idx %arg41[%iota3A, %broadcast_in_dim3A_1549] : memref<16x128xf32, #tpu.memory_space<vmem>>[vector<16xi32>, vector<16xi32>], vector<16xf32>,
      %ge3A_1551 = arith.constant 999936 : i32
      %ge3A_1552 = arith.cmpi sge, %reduce_max3A_1234, %ge3A_1551 : i32
      %broadcast_in_dim3A_1553 = vector.broadcast %ge3A_1552 : i1 to vector<16xi1>
      %select_n3A_1554 = arith.select %broadcast_in_dim3A_1553, %gather3A_1550, %gather3A_1542 : vector<16xi1>, vector<16xf32>
      %add3A_1555 = arith.constant 15 : i32
      %add3A_1556 = arith.addi %mul3A_406, %add3A_1555 : i32
      %broadcast_in_dim3A_1557 = vector.broadcast %add3A_1556 : i32 to vector<16xi32>
      tpu.vector_store_idx %arg43[%iota3A, %broadcast_in_dim3A_1557], %select_n3A_1554 : memref<16x512xf32, #tpu.memory_space<vmem>>[vector<16xi32>, vector<16xi32>], vector<16xf32>,
      %lt3A = arith.constant 31 : i32
      %lt3A_1558 = arith.cmpi slt, %scan3A_403, %lt3A : i32
      %convert_element_type3A = arith.extui %lt3A_1558 : i1 to i32
      %cond3A = arith.constant 0 : i32
      %cond3A_1559 = arith.cmpi ne, %convert_element_type3A, %cond3A : i32
      scf.if %cond3A_1559 {
        %add3A_2315 = arith.constant 16 : i32
        %add3A_2316 = arith.addi %mul3A_406, %add3A_2315 : i32
        %get3A_2317 = arith.index_cast %add3A_2316 : i32 to index
        %get3A_2318 = tpu.vector_load %arg8[%get3A_2317] {strides = array<i32>} : memref<512xi32, #tpu.memory_space<vmem>>, vector<16xi32>,
        %eq3A_2319 = arith.constant 0 : i32
        %eq3A_2320 = vector.broadcast %eq3A_2319 : i32 to vector<16xi32>
        %eq3A_2321 = arith.cmpi eq, %iota3A, %eq3A_2320 : vector<16xi32>
        %jit3A_2322 = arith.constant 0 : i32
        %broadcast_in_dim3A_2323 = vector.broadcast %jit3A_2322 : i32 to vector<16xi32>
        %select_n3A_2324 = arith.select %eq3A_2321, %get3A_2318, %broadcast_in_dim3A_2323 : vector<16xi1>, vector<16xi32>
        %reduce_max3A_2325 = arith.constant true
        %reduce_max3A_2326 = vector.broadcast %reduce_max3A_2325 : i1 to vector<16xi1>
        %reduce_max3A_2327 = arith.constant -2147483648 : i32
        %reduce_max3A_2328 = vector.broadcast %reduce_max3A_2327 : i32 to vector<16xi32>
        %reduce_max3A_2329 = arith.xori %select_n3A_2324, %reduce_max3A_2328 : vector<16xi32>
        %reduce_max3A_2330 = tpu.scan <max>, %reduce_max3A_2329 masked %reduce_max3A_2326 : vector<16xi32>, vector<16xi1> -> vector<16xi32>
        %reduce_max3A_2331 = arith.xori %reduce_max3A_2330, %reduce_max3A_2328 : vector<16xi32>
        %reduce_max3A_2332 = vector.extract %reduce_max3A_2331[15] : i32 from vector<16xi32>
        %shift_right_arithmetic3A_2333 = arith.constant 7 : i32
        %shift_right_arithmetic3A_2334 = arith.shrsi %reduce_max3A_2332, %shift_right_arithmetic3A_2333 : i32
        %mul3A_2335 = arith.constant 128 : i32
        %mul3A_2336 = arith.muli %shift_right_arithmetic3A_2334, %mul3A_2335 : i32
        %min3A_2337 = arith.constant 999808 : i32
        %min3A_2338 = arith.minsi %mul3A_2336, %min3A_2337 : i32
        %multiple_of3A_2339 = tpu.assume_multiple %min3A_2338, 128 : i32
        %eq3A_2340 = arith.constant 1 : i32
        %eq3A_2341 = vector.broadcast %eq3A_2340 : i32 to vector<16xi32>
        %eq3A_2342 = arith.cmpi eq, %iota3A, %eq3A_2341 : vector<16xi32>
        %jit3A_2343 = arith.constant 0 : i32
        %broadcast_in_dim3A_2344 = vector.broadcast %jit3A_2343 : i32 to vector<16xi32>
        %select_n3A_2345 = arith.select %eq3A_2342, %get3A_2318, %broadcast_in_dim3A_2344 : vector<16xi1>, vector<16xi32>
        %reduce_max3A_2346 = arith.constant true
        %reduce_max3A_2347 = vector.broadcast %reduce_max3A_2346 : i1 to vector<16xi1>
        %reduce_max3A_2348 = arith.constant -2147483648 : i32
        %reduce_max3A_2349 = vector.broadcast %reduce_max3A_2348 : i32 to vector<16xi32>
        %reduce_max3A_2350 = arith.xori %select_n3A_2345, %reduce_max3A_2349 : vector<16xi32>
        %reduce_max3A_2351 = tpu.scan <max>, %reduce_max3A_2350 masked %reduce_max3A_2347 : vector<16xi32>, vector<16xi1> -> vector<16xi32>
        %reduce_max3A_2352 = arith.xori %reduce_max3A_2351, %reduce_max3A_2349 : vector<16xi32>
        %reduce_max3A_2353 = vector.extract %reduce_max3A_2352[15] : i32 from vector<16xi32>
        %shift_right_arithmetic3A_2354 = arith.constant 7 : i32
        %shift_right_arithmetic3A_2355 = arith.shrsi %reduce_max3A_2353, %shift_right_arithmetic3A_2354 : i32
        %mul3A_2356 = arith.constant 128 : i32
        %mul3A_2357 = arith.muli %shift_right_arithmetic3A_2355, %mul3A_2356 : i32
        %min3A_2358 = arith.constant 999808 : i32
        %min3A_2359 = arith.minsi %mul3A_2357, %min3A_2358 : i32
        %multiple_of3A_2360 = tpu.assume_multiple %min3A_2359, 128 : i32
        %eq3A_2361 = arith.constant 2 : i32
        %eq3A_2362 = vector.broadcast %eq3A_2361 : i32 to vector<16xi32>
        %eq3A_2363 = arith.cmpi eq, %iota3A, %eq3A_2362 : vector<16xi32>
        %jit3A_2364 = arith.constant 0 : i32
        %broadcast_in_dim3A_2365 = vector.broadcast %jit3A_2364 : i32 to vector<16xi32>
        %select_n3A_2366 = arith.select %eq3A_2363, %get3A_2318, %broadcast_in_dim3A_2365 : vector<16xi1>, vector<16xi32>
        %reduce_max3A_2367 = arith.constant true
        %reduce_max3A_2368 = vector.broadcast %reduce_max3A_2367 : i1 to vector<16xi1>
        %reduce_max3A_2369 = arith.constant -2147483648 : i32
        %reduce_max3A_2370 = vector.broadcast %reduce_max3A_2369 : i32 to vector<16xi32>
        %reduce_max3A_2371 = arith.xori %select_n3A_2366, %reduce_max3A_2370 : vector<16xi32>
        %reduce_max3A_2372 = tpu.scan <max>, %reduce_max3A_2371 masked %reduce_max3A_2368 : vector<16xi32>, vector<16xi1> -> vector<16xi32>
        %reduce_max3A_2373 = arith.xori %reduce_max3A_2372, %reduce_max3A_2370 : vector<16xi32>
        %reduce_max3A_2374 = vector.extract %reduce_max3A_2373[15] : i32 from vector<16xi32>
        %shift_right_arithmetic3A_2375 = arith.constant 7 : i32
        %shift_right_arithmetic3A_2376 = arith.shrsi %reduce_max3A_2374, %shift_right_arithmetic3A_2375 : i32
        %mul3A_2377 = arith.constant 128 : i32
        %mul3A_2378 = arith.muli %shift_right_arithmetic3A_2376, %mul3A_2377 : i32
        %min3A_2379 = arith.constant 999808 : i32
        %min3A_2380 = arith.minsi %mul3A_2378, %min3A_2379 : i32
        %multiple_of3A_2381 = tpu.assume_multiple %min3A_2380, 128 : i32
        %eq3A_2382 = arith.constant 3 : i32
        %eq3A_2383 = vector.broadcast %eq3A_2382 : i32 to vector<16xi32>
        %eq3A_2384 = arith.cmpi eq, %iota3A, %eq3A_2383 : vector<16xi32>
        %jit3A_2385 = arith.constant 0 : i32
        %broadcast_in_dim3A_2386 = vector.broadcast %jit3A_2385 : i32 to vector<16xi32>
        %select_n3A_2387 = arith.select %eq3A_2384, %get3A_2318, %broadcast_in_dim3A_2386 : vector<16xi1>, vector<16xi32>
        %reduce_max3A_2388 = arith.constant true
        %reduce_max3A_2389 = vector.broadcast %reduce_max3A_2388 : i1 to vector<16xi1>
        %reduce_max3A_2390 = arith.constant -2147483648 : i32
        %reduce_max3A_2391 = vector.broadcast %reduce_max3A_2390 : i32 to vector<16xi32>
        %reduce_max3A_2392 = arith.xori %select_n3A_2387, %reduce_max3A_2391 : vector<16xi32>
        %reduce_max3A_2393 = tpu.scan <max>, %reduce_max3A_2392 masked %reduce_max3A_2389 : vector<16xi32>, vector<16xi1> -> vector<16xi32>
        %reduce_max3A_2394 = arith.xori %reduce_max3A_2393, %reduce_max3A_2391 : vector<16xi32>
        %reduce_max3A_2395 = vector.extract %reduce_max3A_2394[15] : i32 from vector<16xi32>
        %shift_right_arithmetic3A_2396 = arith.constant 7 : i32
        %shift_right_arithmetic3A_2397 = arith.shrsi %reduce_max3A_2395, %shift_right_arithmetic3A_2396 : i32
        %mul3A_2398 = arith.constant 128 : i32
        %mul3A_2399 = arith.muli %shift_right_arithmetic3A_2397, %mul3A_2398 : i32
        %min3A_2400 = arith.constant 999808 : i32
        %min3A_2401 = arith.minsi %mul3A_2399, %min3A_2400 : i32
        %multiple_of3A_2402 = tpu.assume_multiple %min3A_2401, 128 : i32
        %eq3A_2403 = arith.constant 4 : i32
        %eq3A_2404 = vector.broadcast %eq3A_2403 : i32 to vector<16xi32>
        %eq3A_2405 = arith.cmpi eq, %iota3A, %eq3A_2404 : vector<16xi32>
        %jit3A_2406 = arith.constant 0 : i32
        %broadcast_in_dim3A_2407 = vector.broadcast %jit3A_2406 : i32 to vector<16xi32>
        %select_n3A_2408 = arith.select %eq3A_2405, %get3A_2318, %broadcast_in_dim3A_2407 : vector<16xi1>, vector<16xi32>
        %reduce_max3A_2409 = arith.constant true
        %reduce_max3A_2410 = vector.broadcast %reduce_max3A_2409 : i1 to vector<16xi1>
        %reduce_max3A_2411 = arith.constant -2147483648 : i32
        %reduce_max3A_2412 = vector.broadcast %reduce_max3A_2411 : i32 to vector<16xi32>
        %reduce_max3A_2413 = arith.xori %select_n3A_2408, %reduce_max3A_2412 : vector<16xi32>
        %reduce_max3A_2414 = tpu.scan <max>, %reduce_max3A_2413 masked %reduce_max3A_2410 : vector<16xi32>, vector<16xi1> -> vector<16xi32>
        %reduce_max3A_2415 = arith.xori %reduce_max3A_2414, %reduce_max3A_2412 : vector<16xi32>
        %reduce_max3A_2416 = vector.extract %reduce_max3A_2415[15] : i32 from vector<16xi32>
        %shift_right_arithmetic3A_2417 = arith.constant 7 : i32
        %shift_right_arithmetic3A_2418 = arith.shrsi %reduce_max3A_2416, %shift_right_arithmetic3A_2417 : i32
        %mul3A_2419 = arith.constant 128 : i32
        %mul3A_2420 = arith.muli %shift_right_arithmetic3A_2418, %mul3A_2419 : i32
        %min3A_2421 = arith.constant 999808 : i32
        %min3A_2422 = arith.minsi %mul3A_2420, %min3A_2421 : i32
        %multiple_of3A_2423 = tpu.assume_multiple %min3A_2422, 128 : i32
        %eq3A_2424 = arith.constant 5 : i32
        %eq3A_2425 = vector.broadcast %eq3A_2424 : i32 to vector<16xi32>
        %eq3A_2426 = arith.cmpi eq, %iota3A, %eq3A_2425 : vector<16xi32>
        %jit3A_2427 = arith.constant 0 : i32
        %broadcast_in_dim3A_2428 = vector.broadcast %jit3A_2427 : i32 to vector<16xi32>
        %select_n3A_2429 = arith.select %eq3A_2426, %get3A_2318, %broadcast_in_dim3A_2428 : vector<16xi1>, vector<16xi32>
        %reduce_max3A_2430 = arith.constant true
        %reduce_max3A_2431 = vector.broadcast %reduce_max3A_2430 : i1 to vector<16xi1>
        %reduce_max3A_2432 = arith.constant -2147483648 : i32
        %reduce_max3A_2433 = vector.broadcast %reduce_max3A_2432 : i32 to vector<16xi32>
        %reduce_max3A_2434 = arith.xori %select_n3A_2429, %reduce_max3A_2433 : vector<16xi32>
        %reduce_max3A_2435 = tpu.scan <max>, %reduce_max3A_2434 masked %reduce_max3A_2431 : vector<16xi32>, vector<16xi1> -> vector<16xi32>
        %reduce_max3A_2436 = arith.xori %reduce_max3A_2435, %reduce_max3A_2433 : vector<16xi32>
        %reduce_max3A_2437 = vector.extract %reduce_max3A_2436[15] : i32 from vector<16xi32>
        %shift_right_arithmetic3A_2438 = arith.constant 7 : i32
        %shift_right_arithmetic3A_2439 = arith.shrsi %reduce_max3A_2437, %shift_right_arithmetic3A_2438 : i32
        %mul3A_2440 = arith.constant 128 : i32
        %mul3A_2441 = arith.muli %shift_right_arithmetic3A_2439, %mul3A_2440 : i32
        %min3A_2442 = arith.constant 999808 : i32
        %min3A_2443 = arith.minsi %mul3A_2441, %min3A_2442 : i32
        %multiple_of3A_2444 = tpu.assume_multiple %min3A_2443, 128 : i32
        %eq3A_2445 = arith.constant 6 : i32
        %eq3A_2446 = vector.broadcast %eq3A_2445 : i32 to vector<16xi32>
        %eq3A_2447 = arith.cmpi eq, %iota3A, %eq3A_2446 : vector<16xi32>
        %jit3A_2448 = arith.constant 0 : i32
        %broadcast_in_dim3A_2449 = vector.broadcast %jit3A_2448 : i32 to vector<16xi32>
        %select_n3A_2450 = arith.select %eq3A_2447, %get3A_2318, %broadcast_in_dim3A_2449 : vector<16xi1>, vector<16xi32>
        %reduce_max3A_2451 = arith.constant true
        %reduce_max3A_2452 = vector.broadcast %reduce_max3A_2451 : i1 to vector<16xi1>
        %reduce_max3A_2453 = arith.constant -2147483648 : i32
        %reduce_max3A_2454 = vector.broadcast %reduce_max3A_2453 : i32 to vector<16xi32>
        %reduce_max3A_2455 = arith.xori %select_n3A_2450, %reduce_max3A_2454 : vector<16xi32>
        %reduce_max3A_2456 = tpu.scan <max>, %reduce_max3A_2455 masked %reduce_max3A_2452 : vector<16xi32>, vector<16xi1> -> vector<16xi32>
        %reduce_max3A_2457 = arith.xori %reduce_max3A_2456, %reduce_max3A_2454 : vector<16xi32>
        %reduce_max3A_2458 = vector.extract %reduce_max3A_2457[15] : i32 from vector<16xi32>
        %shift_right_arithmetic3A_2459 = arith.constant 7 : i32
        %shift_right_arithmetic3A_2460 = arith.shrsi %reduce_max3A_2458, %shift_right_arithmetic3A_2459 : i32
        %mul3A_2461 = arith.constant 128 : i32
        %mul3A_2462 = arith.muli %shift_right_arithmetic3A_2460, %mul3A_2461 : i32
        %min3A_2463 = arith.constant 999808 : i32
        %min3A_2464 = arith.minsi %mul3A_2462, %min3A_2463 : i32
        %multiple_of3A_2465 = tpu.assume_multiple %min3A_2464, 128 : i32
        %eq3A_2466 = arith.constant 7 : i32
        %eq3A_2467 = vector.broadcast %eq3A_2466 : i32 to vector<16xi32>
        %eq3A_2468 = arith.cmpi eq, %iota3A, %eq3A_2467 : vector<16xi32>
        %jit3A_2469 = arith.constant 0 : i32
        %broadcast_in_dim3A_2470 = vector.broadcast %jit3A_2469 : i32 to vector<16xi32>
        %select_n3A_2471 = arith.select %eq3A_2468, %get3A_2318, %broadcast_in_dim3A_2470 : vector<16xi1>, vector<16xi32>
        %reduce_max3A_2472 = arith.constant true
        %reduce_max3A_2473 = vector.broadcast %reduce_max3A_2472 : i1 to vector<16xi1>
        %reduce_max3A_2474 = arith.constant -2147483648 : i32
        %reduce_max3A_2475 = vector.broadcast %reduce_max3A_2474 : i32 to vector<16xi32>
        %reduce_max3A_2476 = arith.xori %select_n3A_2471, %reduce_max3A_2475 : vector<16xi32>
        %reduce_max3A_2477 = tpu.scan <max>, %reduce_max3A_2476 masked %reduce_max3A_2473 : vector<16xi32>, vector<16xi1> -> vector<16xi32>
        %reduce_max3A_2478 = arith.xori %reduce_max3A_2477, %reduce_max3A_2475 : vector<16xi32>
        %reduce_max3A_2479 = vector.extract %reduce_max3A_2478[15] : i32 from vector<16xi32>
        %shift_right_arithmetic3A_2480 = arith.constant 7 : i32
        %shift_right_arithmetic3A_2481 = arith.shrsi %reduce_max3A_2479, %shift_right_arithmetic3A_2480 : i32
        %mul3A_2482 = arith.constant 128 : i32
        %mul3A_2483 = arith.muli %shift_right_arithmetic3A_2481, %mul3A_2482 : i32
        %min3A_2484 = arith.constant 999808 : i32
        %min3A_2485 = arith.minsi %mul3A_2483, %min3A_2484 : i32
        %multiple_of3A_2486 = tpu.assume_multiple %min3A_2485, 128 : i32
        %eq3A_2487 = arith.constant 8 : i32
        %eq3A_2488 = vector.broadcast %eq3A_2487 : i32 to vector<16xi32>
        %eq3A_2489 = arith.cmpi eq, %iota3A, %eq3A_2488 : vector<16xi32>
        %jit3A_2490 = arith.constant 0 : i32
        %broadcast_in_dim3A_2491 = vector.broadcast %jit3A_2490 : i32 to vector<16xi32>
        %select_n3A_2492 = arith.select %eq3A_2489, %get3A_2318, %broadcast_in_dim3A_2491 : vector<16xi1>, vector<16xi32>
        %reduce_max3A_2493 = arith.constant true
        %reduce_max3A_2494 = vector.broadcast %reduce_max3A_2493 : i1 to vector<16xi1>
        %reduce_max3A_2495 = arith.constant -2147483648 : i32
        %reduce_max3A_2496 = vector.broadcast %reduce_max3A_2495 : i32 to vector<16xi32>
        %reduce_max3A_2497 = arith.xori %select_n3A_2492, %reduce_max3A_2496 : vector<16xi32>
        %reduce_max3A_2498 = tpu.scan <max>, %reduce_max3A_2497 masked %reduce_max3A_2494 : vector<16xi32>, vector<16xi1> -> vector<16xi32>
        %reduce_max3A_2499 = arith.xori %reduce_max3A_2498, %reduce_max3A_2496 : vector<16xi32>
        %reduce_max3A_2500 = vector.extract %reduce_max3A_2499[15] : i32 from vector<16xi32>
        %shift_right_arithmetic3A_2501 = arith.constant 7 : i32
        %shift_right_arithmetic3A_2502 = arith.shrsi %reduce_max3A_2500, %shift_right_arithmetic3A_2501 : i32
        %mul3A_2503 = arith.constant 128 : i32
        %mul3A_2504 = arith.muli %shift_right_arithmetic3A_2502, %mul3A_2503 : i32
        %min3A_2505 = arith.constant 999808 : i32
        %min3A_2506 = arith.minsi %mul3A_2504, %min3A_2505 : i32
        %multiple_of3A_2507 = tpu.assume_multiple %min3A_2506, 128 : i32
        %eq3A_2508 = arith.constant 9 : i32
        %eq3A_2509 = vector.broadcast %eq3A_2508 : i32 to vector<16xi32>
        %eq3A_2510 = arith.cmpi eq, %iota3A, %eq3A_2509 : vector<16xi32>
        %jit3A_2511 = arith.constant 0 : i32
        %broadcast_in_dim3A_2512 = vector.broadcast %jit3A_2511 : i32 to vector<16xi32>
        %select_n3A_2513 = arith.select %eq3A_2510, %get3A_2318, %broadcast_in_dim3A_2512 : vector<16xi1>, vector<16xi32>
        %reduce_max3A_2514 = arith.constant true
        %reduce_max3A_2515 = vector.broadcast %reduce_max3A_2514 : i1 to vector<16xi1>
        %reduce_max3A_2516 = arith.constant -2147483648 : i32
        %reduce_max3A_2517 = vector.broadcast %reduce_max3A_2516 : i32 to vector<16xi32>
        %reduce_max3A_2518 = arith.xori %select_n3A_2513, %reduce_max3A_2517 : vector<16xi32>
        %reduce_max3A_2519 = tpu.scan <max>, %reduce_max3A_2518 masked %reduce_max3A_2515 : vector<16xi32>, vector<16xi1> -> vector<16xi32>
        %reduce_max3A_2520 = arith.xori %reduce_max3A_2519, %reduce_max3A_2517 : vector<16xi32>
        %reduce_max3A_2521 = vector.extract %reduce_max3A_2520[15] : i32 from vector<16xi32>
        %shift_right_arithmetic3A_2522 = arith.constant 7 : i32
        %shift_right_arithmetic3A_2523 = arith.shrsi %reduce_max3A_2521, %shift_right_arithmetic3A_2522 : i32
        %mul3A_2524 = arith.constant 128 : i32
        %mul3A_2525 = arith.muli %shift_right_arithmetic3A_2523, %mul3A_2524 : i32
        %min3A_2526 = arith.constant 999808 : i32
        %min3A_2527 = arith.minsi %mul3A_2525, %min3A_2526 : i32
        %multiple_of3A_2528 = tpu.assume_multiple %min3A_2527, 128 : i32
        %eq3A_2529 = arith.constant 10 : i32
        %eq3A_2530 = vector.broadcast %eq3A_2529 : i32 to vector<16xi32>
        %eq3A_2531 = arith.cmpi eq, %iota3A, %eq3A_2530 : vector<16xi32>
        %jit3A_2532 = arith.constant 0 : i32
        %broadcast_in_dim3A_2533 = vector.broadcast %jit3A_2532 : i32 to vector<16xi32>
        %select_n3A_2534 = arith.select %eq3A_2531, %get3A_2318, %broadcast_in_dim3A_2533 : vector<16xi1>, vector<16xi32>
        %reduce_max3A_2535 = arith.constant true
        %reduce_max3A_2536 = vector.broadcast %reduce_max3A_2535 : i1 to vector<16xi1>
        %reduce_max3A_2537 = arith.constant -2147483648 : i32
        %reduce_max3A_2538 = vector.broadcast %reduce_max3A_2537 : i32 to vector<16xi32>
        %reduce_max3A_2539 = arith.xori %select_n3A_2534, %reduce_max3A_2538 : vector<16xi32>
        %reduce_max3A_2540 = tpu.scan <max>, %reduce_max3A_2539 masked %reduce_max3A_2536 : vector<16xi32>, vector<16xi1> -> vector<16xi32>
        %reduce_max3A_2541 = arith.xori %reduce_max3A_2540, %reduce_max3A_2538 : vector<16xi32>
        %reduce_max3A_2542 = vector.extract %reduce_max3A_2541[15] : i32 from vector<16xi32>
        %shift_right_arithmetic3A_2543 = arith.constant 7 : i32
        %shift_right_arithmetic3A_2544 = arith.shrsi %reduce_max3A_2542, %shift_right_arithmetic3A_2543 : i32
        %mul3A_2545 = arith.constant 128 : i32
        %mul3A_2546 = arith.muli %shift_right_arithmetic3A_2544, %mul3A_2545 : i32
        %min3A_2547 = arith.constant 999808 : i32
        %min3A_2548 = arith.minsi %mul3A_2546, %min3A_2547 : i32
        %multiple_of3A_2549 = tpu.assume_multiple %min3A_2548, 128 : i32
        %eq3A_2550 = arith.constant 11 : i32
        %eq3A_2551 = vector.broadcast %eq3A_2550 : i32 to vector<16xi32>
        %eq3A_2552 = arith.cmpi eq, %iota3A, %eq3A_2551 : vector<16xi32>
        %jit3A_2553 = arith.constant 0 : i32
        %broadcast_in_dim3A_2554 = vector.broadcast %jit3A_2553 : i32 to vector<16xi32>
        %select_n3A_2555 = arith.select %eq3A_2552, %get3A_2318, %broadcast_in_dim3A_2554 : vector<16xi1>, vector<16xi32>
        %reduce_max3A_2556 = arith.constant true
        %reduce_max3A_2557 = vector.broadcast %reduce_max3A_2556 : i1 to vector<16xi1>
        %reduce_max3A_2558 = arith.constant -2147483648 : i32
        %reduce_max3A_2559 = vector.broadcast %reduce_max3A_2558 : i32 to vector<16xi32>
        %reduce_max3A_2560 = arith.xori %select_n3A_2555, %reduce_max3A_2559 : vector<16xi32>
        %reduce_max3A_2561 = tpu.scan <max>, %reduce_max3A_2560 masked %reduce_max3A_2557 : vector<16xi32>, vector<16xi1> -> vector<16xi32>
        %reduce_max3A_2562 = arith.xori %reduce_max3A_2561, %reduce_max3A_2559 : vector<16xi32>
        %reduce_max3A_2563 = vector.extract %reduce_max3A_2562[15] : i32 from vector<16xi32>
        %shift_right_arithmetic3A_2564 = arith.constant 7 : i32
        %shift_right_arithmetic3A_2565 = arith.shrsi %reduce_max3A_2563, %shift_right_arithmetic3A_2564 : i32
        %mul3A_2566 = arith.constant 128 : i32
        %mul3A_2567 = arith.muli %shift_right_arithmetic3A_2565, %mul3A_2566 : i32
        %min3A_2568 = arith.constant 999808 : i32
        %min3A_2569 = arith.minsi %mul3A_2567, %min3A_2568 : i32
        %multiple_of3A_2570 = tpu.assume_multiple %min3A_2569, 128 : i32
        %eq3A_2571 = arith.constant 12 : i32
        %eq3A_2572 = vector.broadcast %eq3A_2571 : i32 to vector<16xi32>
        %eq3A_2573 = arith.cmpi eq, %iota3A, %eq3A_2572 : vector<16xi32>
        %jit3A_2574 = arith.constant 0 : i32
        %broadcast_in_dim3A_2575 = vector.broadcast %jit3A_2574 : i32 to vector<16xi32>
        %select_n3A_2576 = arith.select %eq3A_2573, %get3A_2318, %broadcast_in_dim3A_2575 : vector<16xi1>, vector<16xi32>
        %reduce_max3A_2577 = arith.constant true
        %reduce_max3A_2578 = vector.broadcast %reduce_max3A_2577 : i1 to vector<16xi1>
        %reduce_max3A_2579 = arith.constant -2147483648 : i32
        %reduce_max3A_2580 = vector.broadcast %reduce_max3A_2579 : i32 to vector<16xi32>
        %reduce_max3A_2581 = arith.xori %select_n3A_2576, %reduce_max3A_2580 : vector<16xi32>
        %reduce_max3A_2582 = tpu.scan <max>, %reduce_max3A_2581 masked %reduce_max3A_2578 : vector<16xi32>, vector<16xi1> -> vector<16xi32>
        %reduce_max3A_2583 = arith.xori %reduce_max3A_2582, %reduce_max3A_2580 : vector<16xi32>
        %reduce_max3A_2584 = vector.extract %reduce_max3A_2583[15] : i32 from vector<16xi32>
        %shift_right_arithmetic3A_2585 = arith.constant 7 : i32
        %shift_right_arithmetic3A_2586 = arith.shrsi %reduce_max3A_2584, %shift_right_arithmetic3A_2585 : i32
        %mul3A_2587 = arith.constant 128 : i32
        %mul3A_2588 = arith.muli %shift_right_arithmetic3A_2586, %mul3A_2587 : i32
        %min3A_2589 = arith.constant 999808 : i32
        %min3A_2590 = arith.minsi %mul3A_2588, %min3A_2589 : i32
        %multiple_of3A_2591 = tpu.assume_multiple %min3A_2590, 128 : i32
        %eq3A_2592 = arith.constant 13 : i32
        %eq3A_2593 = vector.broadcast %eq3A_2592 : i32 to vector<16xi32>
        %eq3A_2594 = arith.cmpi eq, %iota3A, %eq3A_2593 : vector<16xi32>
        %jit3A_2595 = arith.constant 0 : i32
        %broadcast_in_dim3A_2596 = vector.broadcast %jit3A_2595 : i32 to vector<16xi32>
        %select_n3A_2597 = arith.select %eq3A_2594, %get3A_2318, %broadcast_in_dim3A_2596 : vector<16xi1>, vector<16xi32>
        %reduce_max3A_2598 = arith.constant true
        %reduce_max3A_2599 = vector.broadcast %reduce_max3A_2598 : i1 to vector<16xi1>
        %reduce_max3A_2600 = arith.constant -2147483648 : i32
        %reduce_max3A_2601 = vector.broadcast %reduce_max3A_2600 : i32 to vector<16xi32>
        %reduce_max3A_2602 = arith.xori %select_n3A_2597, %reduce_max3A_2601 : vector<16xi32>
        %reduce_max3A_2603 = tpu.scan <max>, %reduce_max3A_2602 masked %reduce_max3A_2599 : vector<16xi32>, vector<16xi1> -> vector<16xi32>
        %reduce_max3A_2604 = arith.xori %reduce_max3A_2603, %reduce_max3A_2601 : vector<16xi32>
        %reduce_max3A_2605 = vector.extract %reduce_max3A_2604[15] : i32 from vector<16xi32>
        %shift_right_arithmetic3A_2606 = arith.constant 7 : i32
        %shift_right_arithmetic3A_2607 = arith.shrsi %reduce_max3A_2605, %shift_right_arithmetic3A_2606 : i32
        %mul3A_2608 = arith.constant 128 : i32
        %mul3A_2609 = arith.muli %shift_right_arithmetic3A_2607, %mul3A_2608 : i32
        %min3A_2610 = arith.constant 999808 : i32
        %min3A_2611 = arith.minsi %mul3A_2609, %min3A_2610 : i32
        %multiple_of3A_2612 = tpu.assume_multiple %min3A_2611, 128 : i32
        %eq3A_2613 = arith.constant 14 : i32
        %eq3A_2614 = vector.broadcast %eq3A_2613 : i32 to vector<16xi32>
        %eq3A_2615 = arith.cmpi eq, %iota3A, %eq3A_2614 : vector<16xi32>
        %jit3A_2616 = arith.constant 0 : i32
        %broadcast_in_dim3A_2617 = vector.broadcast %jit3A_2616 : i32 to vector<16xi32>
        %select_n3A_2618 = arith.select %eq3A_2615, %get3A_2318, %broadcast_in_dim3A_2617 : vector<16xi1>, vector<16xi32>
        %reduce_max3A_2619 = arith.constant true
        %reduce_max3A_2620 = vector.broadcast %reduce_max3A_2619 : i1 to vector<16xi1>
        %reduce_max3A_2621 = arith.constant -2147483648 : i32
        %reduce_max3A_2622 = vector.broadcast %reduce_max3A_2621 : i32 to vector<16xi32>
        %reduce_max3A_2623 = arith.xori %select_n3A_2618, %reduce_max3A_2622 : vector<16xi32>
        %reduce_max3A_2624 = tpu.scan <max>, %reduce_max3A_2623 masked %reduce_max3A_2620 : vector<16xi32>, vector<16xi1> -> vector<16xi32>
        %reduce_max3A_2625 = arith.xori %reduce_max3A_2624, %reduce_max3A_2622 : vector<16xi32>
        %reduce_max3A_2626 = vector.extract %reduce_max3A_2625[15] : i32 from vector<16xi32>
        %shift_right_arithmetic3A_2627 = arith.constant 7 : i32
        %shift_right_arithmetic3A_2628 = arith.shrsi %reduce_max3A_2626, %shift_right_arithmetic3A_2627 : i32
        %mul3A_2629 = arith.constant 128 : i32
        %mul3A_2630 = arith.muli %shift_right_arithmetic3A_2628, %mul3A_2629 : i32
        %min3A_2631 = arith.constant 999808 : i32
        %min3A_2632 = arith.minsi %mul3A_2630, %min3A_2631 : i32
        %multiple_of3A_2633 = tpu.assume_multiple %min3A_2632, 128 : i32
        %eq3A_2634 = arith.constant 15 : i32
        %eq3A_2635 = vector.broadcast %eq3A_2634 : i32 to vector<16xi32>
        %eq3A_2636 = arith.cmpi eq, %iota3A, %eq3A_2635 : vector<16xi32>
        %jit3A_2637 = arith.constant 0 : i32
        %broadcast_in_dim3A_2638 = vector.broadcast %jit3A_2637 : i32 to vector<16xi32>
        %select_n3A_2639 = arith.select %eq3A_2636, %get3A_2318, %broadcast_in_dim3A_2638 : vector<16xi1>, vector<16xi32>
        %reduce_max3A_2640 = arith.constant true
        %reduce_max3A_2641 = vector.broadcast %reduce_max3A_2640 : i1 to vector<16xi1>
        %reduce_max3A_2642 = arith.constant -2147483648 : i32
        %reduce_max3A_2643 = vector.broadcast %reduce_max3A_2642 : i32 to vector<16xi32>
        %reduce_max3A_2644 = arith.xori %select_n3A_2639, %reduce_max3A_2643 : vector<16xi32>
        %reduce_max3A_2645 = tpu.scan <max>, %reduce_max3A_2644 masked %reduce_max3A_2641 : vector<16xi32>, vector<16xi1> -> vector<16xi32>
        %reduce_max3A_2646 = arith.xori %reduce_max3A_2645, %reduce_max3A_2643 : vector<16xi32>
        %reduce_max3A_2647 = vector.extract %reduce_max3A_2646[15] : i32 from vector<16xi32>
        %shift_right_arithmetic3A_2648 = arith.constant 7 : i32
        %shift_right_arithmetic3A_2649 = arith.shrsi %reduce_max3A_2647, %shift_right_arithmetic3A_2648 : i32
        %mul3A_2650 = arith.constant 128 : i32
        %mul3A_2651 = arith.muli %shift_right_arithmetic3A_2649, %mul3A_2650 : i32
        %min3A_2652 = arith.constant 999808 : i32
        %min3A_2653 = arith.minsi %mul3A_2651, %min3A_2652 : i32
        %multiple_of3A_2654 = tpu.assume_multiple %min3A_2653, 128 : i32
        %dma_start3A_2655 = arith.constant 0 : i32
        %dma_start3A_2656 = tpu.memref_slice %arg3[%dma_start3A_2655, %multiple_of3A_2339] : memref<16x1000000xf32, #tpu.memory_space<hbm>> -> memref<16x128xf32, #tpu.memory_space<hbm>>
        %dma_start3A_2657 = arith.constant 0 : i32
        %dma_start3A_2658 = tpu.memref_slice %arg3[%dma_start3A_2657, %multiple_of3A_2339] : memref<16x1000000xf32, #tpu.memory_space<hbm>> -> memref<16x128xf32, #tpu.memory_space<hbm>>
        tpu.enqueue_dma source(%dma_start3A_2658 : memref<16x128xf32, #tpu.memory_space<hbm>>) target(%arg9 : memref<16x128xf32, #tpu.memory_space<vmem>>) target_semaphore(%arg45 : memref<!tpu.dma_semaphore, #tpu.memory_space<semaphore_mem>>)
        %dma_start3A_2659 = arith.constant 0 : i32
        %dma_start3A_2660 = tpu.memref_slice %arg3[%dma_start3A_2659, %multiple_of3A_2360] : memref<16x1000000xf32, #tpu.memory_space<hbm>> -> memref<16x128xf32, #tpu.memory_space<hbm>>
        %dma_start3A_2661 = arith.constant 0 : i32
        %dma_start3A_2662 = tpu.memref_slice %arg3[%dma_start3A_2661, %multiple_of3A_2360] : memref<16x1000000xf32, #tpu.memory_space<hbm>> -> memref<16x128xf32, #tpu.memory_space<hbm>>
        tpu.enqueue_dma source(%dma_start3A_2662 : memref<16x128xf32, #tpu.memory_space<hbm>>) target(%arg10 : memref<16x128xf32, #tpu.memory_space<vmem>>) target_semaphore(%arg45 : memref<!tpu.dma_semaphore, #tpu.memory_space<semaphore_mem>>)
        %dma_start3A_2663 = arith.constant 0 : i32
        %dma_start3A_2664 = tpu.memref_slice %arg3[%dma_start3A_2663, %multiple_of3A_2381] : memref<16x1000000xf32, #tpu.memory_space<hbm>> -> memref<16x128xf32, #tpu.memory_space<hbm>>
        %dma_start3A_2665 = arith.constant 0 : i32
        %dma_start3A_2666 = tpu.memref_slice %arg3[%dma_start3A_2665, %multiple_of3A_2381] : memref<16x1000000xf32, #tpu.memory_space<hbm>> -> memref<16x128xf32, #tpu.memory_space<hbm>>
        tpu.enqueue_dma source(%dma_start3A_2666 : memref<16x128xf32, #tpu.memory_space<hbm>>) target(%arg11 : memref<16x128xf32, #tpu.memory_space<vmem>>) target_semaphore(%arg45 : memref<!tpu.dma_semaphore, #tpu.memory_space<semaphore_mem>>)
        %dma_start3A_2667 = arith.constant 0 : i32
        %dma_start3A_2668 = tpu.memref_slice %arg3[%dma_start3A_2667, %multiple_of3A_2402] : memref<16x1000000xf32, #tpu.memory_space<hbm>> -> memref<16x128xf32, #tpu.memory_space<hbm>>
        %dma_start3A_2669 = arith.constant 0 : i32
        %dma_start3A_2670 = tpu.memref_slice %arg3[%dma_start3A_2669, %multiple_of3A_2402] : memref<16x1000000xf32, #tpu.memory_space<hbm>> -> memref<16x128xf32, #tpu.memory_space<hbm>>
        tpu.enqueue_dma source(%dma_start3A_2670 : memref<16x128xf32, #tpu.memory_space<hbm>>) target(%arg12 : memref<16x128xf32, #tpu.memory_space<vmem>>) target_semaphore(%arg45 : memref<!tpu.dma_semaphore, #tpu.memory_space<semaphore_mem>>)
        %dma_start3A_2671 = arith.constant 0 : i32
        %dma_start3A_2672 = tpu.memref_slice %arg3[%dma_start3A_2671, %multiple_of3A_2423] : memref<16x1000000xf32, #tpu.memory_space<hbm>> -> memref<16x128xf32, #tpu.memory_space<hbm>>
        %dma_start3A_2673 = arith.constant 0 : i32
        %dma_start3A_2674 = tpu.memref_slice %arg3[%dma_start3A_2673, %multiple_of3A_2423] : memref<16x1000000xf32, #tpu.memory_space<hbm>> -> memref<16x128xf32, #tpu.memory_space<hbm>>
        tpu.enqueue_dma source(%dma_start3A_2674 : memref<16x128xf32, #tpu.memory_space<hbm>>) target(%arg13 : memref<16x128xf32, #tpu.memory_space<vmem>>) target_semaphore(%arg45 : memref<!tpu.dma_semaphore, #tpu.memory_space<semaphore_mem>>)
        %dma_start3A_2675 = arith.constant 0 : i32
        %dma_start3A_2676 = tpu.memref_slice %arg3[%dma_start3A_2675, %multiple_of3A_2444] : memref<16x1000000xf32, #tpu.memory_space<hbm>> -> memref<16x128xf32, #tpu.memory_space<hbm>>
        %dma_start3A_2677 = arith.constant 0 : i32
        %dma_start3A_2678 = tpu.memref_slice %arg3[%dma_start3A_2677, %multiple_of3A_2444] : memref<16x1000000xf32, #tpu.memory_space<hbm>> -> memref<16x128xf32, #tpu.memory_space<hbm>>
        tpu.enqueue_dma source(%dma_start3A_2678 : memref<16x128xf32, #tpu.memory_space<hbm>>) target(%arg14 : memref<16x128xf32, #tpu.memory_space<vmem>>) target_semaphore(%arg45 : memref<!tpu.dma_semaphore, #tpu.memory_space<semaphore_mem>>)
        %dma_start3A_2679 = arith.constant 0 : i32
        %dma_start3A_2680 = tpu.memref_slice %arg3[%dma_start3A_2679, %multiple_of3A_2465] : memref<16x1000000xf32, #tpu.memory_space<hbm>> -> memref<16x128xf32, #tpu.memory_space<hbm>>
        %dma_start3A_2681 = arith.constant 0 : i32
        %dma_start3A_2682 = tpu.memref_slice %arg3[%dma_start3A_2681, %multiple_of3A_2465] : memref<16x1000000xf32, #tpu.memory_space<hbm>> -> memref<16x128xf32, #tpu.memory_space<hbm>>
        tpu.enqueue_dma source(%dma_start3A_2682 : memref<16x128xf32, #tpu.memory_space<hbm>>) target(%arg15 : memref<16x128xf32, #tpu.memory_space<vmem>>) target_semaphore(%arg45 : memref<!tpu.dma_semaphore, #tpu.memory_space<semaphore_mem>>)
        %dma_start3A_2683 = arith.constant 0 : i32
        %dma_start3A_2684 = tpu.memref_slice %arg3[%dma_start3A_2683, %multiple_of3A_2486] : memref<16x1000000xf32, #tpu.memory_space<hbm>> -> memref<16x128xf32, #tpu.memory_space<hbm>>
        %dma_start3A_2685 = arith.constant 0 : i32
        %dma_start3A_2686 = tpu.memref_slice %arg3[%dma_start3A_2685, %multiple_of3A_2486] : memref<16x1000000xf32, #tpu.memory_space<hbm>> -> memref<16x128xf32, #tpu.memory_space<hbm>>
        tpu.enqueue_dma source(%dma_start3A_2686 : memref<16x128xf32, #tpu.memory_space<hbm>>) target(%arg16 : memref<16x128xf32, #tpu.memory_space<vmem>>) target_semaphore(%arg45 : memref<!tpu.dma_semaphore, #tpu.memory_space<semaphore_mem>>)
        %dma_start3A_2687 = arith.constant 0 : i32
        %dma_start3A_2688 = tpu.memref_slice %arg3[%dma_start3A_2687, %multiple_of3A_2507] : memref<16x1000000xf32, #tpu.memory_space<hbm>> -> memref<16x128xf32, #tpu.memory_space<hbm>>
        %dma_start3A_2689 = arith.constant 0 : i32
        %dma_start3A_2690 = tpu.memref_slice %arg3[%dma_start3A_2689, %multiple_of3A_2507] : memref<16x1000000xf32, #tpu.memory_space<hbm>> -> memref<16x128xf32, #tpu.memory_space<hbm>>
        tpu.enqueue_dma source(%dma_start3A_2690 : memref<16x128xf32, #tpu.memory_space<hbm>>) target(%arg17 : memref<16x128xf32, #tpu.memory_space<vmem>>) target_semaphore(%arg45 : memref<!tpu.dma_semaphore, #tpu.memory_space<semaphore_mem>>)
        %dma_start3A_2691 = arith.constant 0 : i32
        %dma_start3A_2692 = tpu.memref_slice %arg3[%dma_start3A_2691, %multiple_of3A_2528] : memref<16x1000000xf32, #tpu.memory_space<hbm>> -> memref<16x128xf32, #tpu.memory_space<hbm>>
        %dma_start3A_2693 = arith.constant 0 : i32
        %dma_start3A_2694 = tpu.memref_slice %arg3[%dma_start3A_2693, %multiple_of3A_2528] : memref<16x1000000xf32, #tpu.memory_space<hbm>> -> memref<16x128xf32, #tpu.memory_space<hbm>>
        tpu.enqueue_dma source(%dma_start3A_2694 : memref<16x128xf32, #tpu.memory_space<hbm>>) target(%arg18 : memref<16x128xf32, #tpu.memory_space<vmem>>) target_semaphore(%arg45 : memref<!tpu.dma_semaphore, #tpu.memory_space<semaphore_mem>>)
        %dma_start3A_2695 = arith.constant 0 : i32
        %dma_start3A_2696 = tpu.memref_slice %arg3[%dma_start3A_2695, %multiple_of3A_2549] : memref<16x1000000xf32, #tpu.memory_space<hbm>> -> memref<16x128xf32, #tpu.memory_space<hbm>>
        %dma_start3A_2697 = arith.constant 0 : i32
        %dma_start3A_2698 = tpu.memref_slice %arg3[%dma_start3A_2697, %multiple_of3A_2549] : memref<16x1000000xf32, #tpu.memory_space<hbm>> -> memref<16x128xf32, #tpu.memory_space<hbm>>
        tpu.enqueue_dma source(%dma_start3A_2698 : memref<16x128xf32, #tpu.memory_space<hbm>>) target(%arg19 : memref<16x128xf32, #tpu.memory_space<vmem>>) target_semaphore(%arg45 : memref<!tpu.dma_semaphore, #tpu.memory_space<semaphore_mem>>)
        %dma_start3A_2699 = arith.constant 0 : i32
        %dma_start3A_2700 = tpu.memref_slice %arg3[%dma_start3A_2699, %multiple_of3A_2570] : memref<16x1000000xf32, #tpu.memory_space<hbm>> -> memref<16x128xf32, #tpu.memory_space<hbm>>
        %dma_start3A_2701 = arith.constant 0 : i32
        %dma_start3A_2702 = tpu.memref_slice %arg3[%dma_start3A_2701, %multiple_of3A_2570] : memref<16x1000000xf32, #tpu.memory_space<hbm>> -> memref<16x128xf32, #tpu.memory_space<hbm>>
        tpu.enqueue_dma source(%dma_start3A_2702 : memref<16x128xf32, #tpu.memory_space<hbm>>) target(%arg20 : memref<16x128xf32, #tpu.memory_space<vmem>>) target_semaphore(%arg45 : memref<!tpu.dma_semaphore, #tpu.memory_space<semaphore_mem>>)
        %dma_start3A_2703 = arith.constant 0 : i32
        %dma_start3A_2704 = tpu.memref_slice %arg3[%dma_start3A_2703, %multiple_of3A_2591] : memref<16x1000000xf32, #tpu.memory_space<hbm>> -> memref<16x128xf32, #tpu.memory_space<hbm>>
        %dma_start3A_2705 = arith.constant 0 : i32
        %dma_start3A_2706 = tpu.memref_slice %arg3[%dma_start3A_2705, %multiple_of3A_2591] : memref<16x1000000xf32, #tpu.memory_space<hbm>> -> memref<16x128xf32, #tpu.memory_space<hbm>>
        tpu.enqueue_dma source(%dma_start3A_2706 : memref<16x128xf32, #tpu.memory_space<hbm>>) target(%arg21 : memref<16x128xf32, #tpu.memory_space<vmem>>) target_semaphore(%arg45 : memref<!tpu.dma_semaphore, #tpu.memory_space<semaphore_mem>>)
        %dma_start3A_2707 = arith.constant 0 : i32
        %dma_start3A_2708 = tpu.memref_slice %arg3[%dma_start3A_2707, %multiple_of3A_2612] : memref<16x1000000xf32, #tpu.memory_space<hbm>> -> memref<16x128xf32, #tpu.memory_space<hbm>>
        %dma_start3A_2709 = arith.constant 0 : i32
        %dma_start3A_2710 = tpu.memref_slice %arg3[%dma_start3A_2709, %multiple_of3A_2612] : memref<16x1000000xf32, #tpu.memory_space<hbm>> -> memref<16x128xf32, #tpu.memory_space<hbm>>
        tpu.enqueue_dma source(%dma_start3A_2710 : memref<16x128xf32, #tpu.memory_space<hbm>>) target(%arg22 : memref<16x128xf32, #tpu.memory_space<vmem>>) target_semaphore(%arg45 : memref<!tpu.dma_semaphore, #tpu.memory_space<semaphore_mem>>)
        %dma_start3A_2711 = arith.constant 0 : i32
        %dma_start3A_2712 = tpu.memref_slice %arg3[%dma_start3A_2711, %multiple_of3A_2633] : memref<16x1000000xf32, #tpu.memory_space<hbm>> -> memref<16x128xf32, #tpu.memory_space<hbm>>
        %dma_start3A_2713 = arith.constant 0 : i32
        %dma_start3A_2714 = tpu.memref_slice %arg3[%dma_start3A_2713, %multiple_of3A_2633] : memref<16x1000000xf32, #tpu.memory_space<hbm>> -> memref<16x128xf32, #tpu.memory_space<hbm>>
        tpu.enqueue_dma source(%dma_start3A_2714 : memref<16x128xf32, #tpu.memory_space<hbm>>) target(%arg23 : memref<16x128xf32, #tpu.memory_space<vmem>>) target_semaphore(%arg45 : memref<!tpu.dma_semaphore, #tpu.memory_space<semaphore_mem>>)
        %dma_start3A_2715 = arith.constant 0 : i32
        %dma_start3A_2716 = tpu.memref_slice %arg3[%dma_start3A_2715, %multiple_of3A_2654] : memref<16x1000000xf32, #tpu.memory_space<hbm>> -> memref<16x128xf32, #tpu.memory_space<hbm>>
        %dma_start3A_2717 = arith.constant 0 : i32
        %dma_start3A_2718 = tpu.memref_slice %arg3[%dma_start3A_2717, %multiple_of3A_2654] : memref<16x1000000xf32, #tpu.memory_space<hbm>> -> memref<16x128xf32, #tpu.memory_space<hbm>>
        tpu.enqueue_dma source(%dma_start3A_2718 : memref<16x128xf32, #tpu.memory_space<hbm>>) target(%arg24 : memref<16x128xf32, #tpu.memory_space<vmem>>) target_semaphore(%arg45 : memref<!tpu.dma_semaphore, #tpu.memory_space<semaphore_mem>>)
      } else {
      }
      %dma_wait3A_1560 = arith.constant 0 : i32
      %dma_wait3A_1561 = arith.constant 0 : i32
      %dma_wait3A_1562 = tpu.memref_slice %arg4[%dma_wait3A_1560, %dma_wait3A_1561] : memref<16x1000000xf32, #tpu.memory_space<hbm>> -> memref<16x128xf32, #tpu.memory_space<hbm>>
      %dma_wait3A_1563 = arith.constant 0 : i32
      %dma_wait3A_1564 = arith.constant 0 : i32
      %dma_wait3A_1565 = tpu.memref_slice %arg4[%dma_wait3A_1563, %dma_wait3A_1564] : memref<16x1000000xf32, #tpu.memory_space<hbm>> -> memref<16x128xf32, #tpu.memory_space<hbm>>
      tpu.wait_dma2 semaphore(%arg46 : memref<!tpu.dma_semaphore, #tpu.memory_space<semaphore_mem>>) src(%dma_wait3A_1565 : memref<16x128xf32, #tpu.memory_space<hbm>>) dst(%arg25 : memref<16x128xf32, #tpu.memory_space<vmem>>)
      %dma_wait3A_1566 = arith.constant 0 : i32
      %dma_wait3A_1567 = arith.constant 0 : i32
      %dma_wait3A_1568 = tpu.memref_slice %arg4[%dma_wait3A_1566, %dma_wait3A_1567] : memref<16x1000000xf32, #tpu.memory_space<hbm>> -> memref<16x128xf32, #tpu.memory_space<hbm>>
      %dma_wait3A_1569 = arith.constant 0 : i32
      %dma_wait3A_1570 = arith.constant 0 : i32
      %dma_wait3A_1571 = tpu.memref_slice %arg4[%dma_wait3A_1569, %dma_wait3A_1570] : memref<16x1000000xf32, #tpu.memory_space<hbm>> -> memref<16x128xf32, #tpu.memory_space<hbm>>
      tpu.wait_dma2 semaphore(%arg46 : memref<!tpu.dma_semaphore, #tpu.memory_space<semaphore_mem>>) src(%dma_wait3A_1571 : memref<16x128xf32, #tpu.memory_space<hbm>>) dst(%arg26 : memref<16x128xf32, #tpu.memory_space<vmem>>)
      %dma_wait3A_1572 = arith.constant 0 : i32
      %dma_wait3A_1573 = arith.constant 0 : i32
      %dma_wait3A_1574 = tpu.memref_slice %arg4[%dma_wait3A_1572, %dma_wait3A_1573] : memref<16x1000000xf32, #tpu.memory_space<hbm>> -> memref<16x128xf32, #tpu.memory_space<hbm>>
      %dma_wait3A_1575 = arith.constant 0 : i32
      %dma_wait3A_1576 = arith.constant 0 : i32
      %dma_wait3A_1577 = tpu.memref_slice %arg4[%dma_wait3A_1575, %dma_wait3A_1576] : memref<16x1000000xf32, #tpu.memory_space<hbm>> -> memref<16x128xf32, #tpu.memory_space<hbm>>
      tpu.wait_dma2 semaphore(%arg46 : memref<!tpu.dma_semaphore, #tpu.memory_space<semaphore_mem>>) src(%dma_wait3A_1577 : memref<16x128xf32, #tpu.memory_space<hbm>>) dst(%arg27 : memref<16x128xf32, #tpu.memory_space<vmem>>)
      %dma_wait3A_1578 = arith.constant 0 : i32
      %dma_wait3A_1579 = arith.constant 0 : i32
      %dma_wait3A_1580 = tpu.memref_slice %arg4[%dma_wait3A_1578, %dma_wait3A_1579] : memref<16x1000000xf32, #tpu.memory_space<hbm>> -> memref<16x128xf32, #tpu.memory_space<hbm>>
      %dma_wait3A_1581 = arith.constant 0 : i32
      %dma_wait3A_1582 = arith.constant 0 : i32
      %dma_wait3A_1583 = tpu.memref_slice %arg4[%dma_wait3A_1581, %dma_wait3A_1582] : memref<16x1000000xf32, #tpu.memory_space<hbm>> -> memref<16x128xf32, #tpu.memory_space<hbm>>
      tpu.wait_dma2 semaphore(%arg46 : memref<!tpu.dma_semaphore, #tpu.memory_space<semaphore_mem>>) src(%dma_wait3A_1583 : memref<16x128xf32, #tpu.memory_space<hbm>>) dst(%arg28 : memref<16x128xf32, #tpu.memory_space<vmem>>)
      %dma_wait3A_1584 = arith.constant 0 : i32
      %dma_wait3A_1585 = arith.constant 0 : i32
      %dma_wait3A_1586 = tpu.memref_slice %arg4[%dma_wait3A_1584, %dma_wait3A_1585] : memref<16x1000000xf32, #tpu.memory_space<hbm>> -> memref<16x128xf32, #tpu.memory_space<hbm>>
      %dma_wait3A_1587 = arith.constant 0 : i32
      %dma_wait3A_1588 = arith.constant 0 : i32
      %dma_wait3A_1589 = tpu.memref_slice %arg4[%dma_wait3A_1587, %dma_wait3A_1588] : memref<16x1000000xf32, #tpu.memory_space<hbm>> -> memref<16x128xf32, #tpu.memory_space<hbm>>
      tpu.wait_dma2 semaphore(%arg46 : memref<!tpu.dma_semaphore, #tpu.memory_space<semaphore_mem>>) src(%dma_wait3A_1589 : memref<16x128xf32, #tpu.memory_space<hbm>>) dst(%arg29 : memref<16x128xf32, #tpu.memory_space<vmem>>)
      %dma_wait3A_1590 = arith.constant 0 : i32
      %dma_wait3A_1591 = arith.constant 0 : i32
      %dma_wait3A_1592 = tpu.memref_slice %arg4[%dma_wait3A_1590, %dma_wait3A_1591] : memref<16x1000000xf32, #tpu.memory_space<hbm>> -> memref<16x128xf32, #tpu.memory_space<hbm>>
      %dma_wait3A_1593 = arith.constant 0 : i32
      %dma_wait3A_1594 = arith.constant 0 : i32
      %dma_wait3A_1595 = tpu.memref_slice %arg4[%dma_wait3A_1593, %dma_wait3A_1594] : memref<16x1000000xf32, #tpu.memory_space<hbm>> -> memref<16x128xf32, #tpu.memory_space<hbm>>
      tpu.wait_dma2 semaphore(%arg46 : memref<!tpu.dma_semaphore, #tpu.memory_space<semaphore_mem>>) src(%dma_wait3A_1595 : memref<16x128xf32, #tpu.memory_space<hbm>>) dst(%arg30 : memref<16x128xf32, #tpu.memory_space<vmem>>)
      %dma_wait3A_1596 = arith.constant 0 : i32
      %dma_wait3A_1597 = arith.constant 0 : i32
      %dma_wait3A_1598 = tpu.memref_slice %arg4[%dma_wait3A_1596, %dma_wait3A_1597] : memref<16x1000000xf32, #tpu.memory_space<hbm>> -> memref<16x128xf32, #tpu.memory_space<hbm>>
      %dma_wait3A_1599 = arith.constant 0 : i32
      %dma_wait3A_1600 = arith.constant 0 : i32
      %dma_wait3A_1601 = tpu.memref_slice %arg4[%dma_wait3A_1599, %dma_wait3A_1600] : memref<16x1000000xf32, #tpu.memory_space<hbm>> -> memref<16x128xf32, #tpu.memory_space<hbm>>
      tpu.wait_dma2 semaphore(%arg46 : memref<!tpu.dma_semaphore, #tpu.memory_space<semaphore_mem>>) src(%dma_wait3A_1601 : memref<16x128xf32, #tpu.memory_space<hbm>>) dst(%arg31 : memref<16x128xf32, #tpu.memory_space<vmem>>)
      %dma_wait3A_1602 = arith.constant 0 : i32
      %dma_wait3A_1603 = arith.constant 0 : i32
      %dma_wait3A_1604 = tpu.memref_slice %arg4[%dma_wait3A_1602, %dma_wait3A_1603] : memref<16x1000000xf32, #tpu.memory_space<hbm>> -> memref<16x128xf32, #tpu.memory_space<hbm>>
      %dma_wait3A_1605 = arith.constant 0 : i32
      %dma_wait3A_1606 = arith.constant 0 : i32
      %dma_wait3A_1607 = tpu.memref_slice %arg4[%dma_wait3A_1605, %dma_wait3A_1606] : memref<16x1000000xf32, #tpu.memory_space<hbm>> -> memref<16x128xf32, #tpu.memory_space<hbm>>
      tpu.wait_dma2 semaphore(%arg46 : memref<!tpu.dma_semaphore, #tpu.memory_space<semaphore_mem>>) src(%dma_wait3A_1607 : memref<16x128xf32, #tpu.memory_space<hbm>>) dst(%arg32 : memref<16x128xf32, #tpu.memory_space<vmem>>)
      %dma_wait3A_1608 = arith.constant 0 : i32
      %dma_wait3A_1609 = arith.constant 0 : i32
      %dma_wait3A_1610 = tpu.memref_slice %arg4[%dma_wait3A_1608, %dma_wait3A_1609] : memref<16x1000000xf32, #tpu.memory_space<hbm>> -> memref<16x128xf32, #tpu.memory_space<hbm>>
      %dma_wait3A_1611 = arith.constant 0 : i32
      %dma_wait3A_1612 = arith.constant 0 : i32
      %dma_wait3A_1613 = tpu.memref_slice %arg4[%dma_wait3A_1611, %dma_wait3A_1612] : memref<16x1000000xf32, #tpu.memory_space<hbm>> -> memref<16x128xf32, #tpu.memory_space<hbm>>
      tpu.wait_dma2 semaphore(%arg46 : memref<!tpu.dma_semaphore, #tpu.memory_space<semaphore_mem>>) src(%dma_wait3A_1613 : memref<16x128xf32, #tpu.memory_space<hbm>>) dst(%arg33 : memref<16x128xf32, #tpu.memory_space<vmem>>)
      %dma_wait3A_1614 = arith.constant 0 : i32
      %dma_wait3A_1615 = arith.constant 0 : i32
      %dma_wait3A_1616 = tpu.memref_slice %arg4[%dma_wait3A_1614, %dma_wait3A_1615] : memref<16x1000000xf32, #tpu.memory_space<hbm>> -> memref<16x128xf32, #tpu.memory_space<hbm>>
      %dma_wait3A_1617 = arith.constant 0 : i32
      %dma_wait3A_1618 = arith.constant 0 : i32
      %dma_wait3A_1619 = tpu.memref_slice %arg4[%dma_wait3A_1617, %dma_wait3A_1618] : memref<16x1000000xf32, #tpu.memory_space<hbm>> -> memref<16x128xf32, #tpu.memory_space<hbm>>
      tpu.wait_dma2 semaphore(%arg46 : memref<!tpu.dma_semaphore, #tpu.memory_space<semaphore_mem>>) src(%dma_wait3A_1619 : memref<16x128xf32, #tpu.memory_space<hbm>>) dst(%arg34 : memref<16x128xf32, #tpu.memory_space<vmem>>)
      %dma_wait3A_1620 = arith.constant 0 : i32
      %dma_wait3A_1621 = arith.constant 0 : i32
      %dma_wait3A_1622 = tpu.memref_slice %arg4[%dma_wait3A_1620, %dma_wait3A_1621] : memref<16x1000000xf32, #tpu.memory_space<hbm>> -> memref<16x128xf32, #tpu.memory_space<hbm>>
      %dma_wait3A_1623 = arith.constant 0 : i32
      %dma_wait3A_1624 = arith.constant 0 : i32
      %dma_wait3A_1625 = tpu.memref_slice %arg4[%dma_wait3A_1623, %dma_wait3A_1624] : memref<16x1000000xf32, #tpu.memory_space<hbm>> -> memref<16x128xf32, #tpu.memory_space<hbm>>
      tpu.wait_dma2 semaphore(%arg46 : memref<!tpu.dma_semaphore, #tpu.memory_space<semaphore_mem>>) src(%dma_wait3A_1625 : memref<16x128xf32, #tpu.memory_space<hbm>>) dst(%arg35 : memref<16x128xf32, #tpu.memory_space<vmem>>)
      %dma_wait3A_1626 = arith.constant 0 : i32
      %dma_wait3A_1627 = arith.constant 0 : i32
      %dma_wait3A_1628 = tpu.memref_slice %arg4[%dma_wait3A_1626, %dma_wait3A_1627] : memref<16x1000000xf32, #tpu.memory_space<hbm>> -> memref<16x128xf32, #tpu.memory_space<hbm>>
      %dma_wait3A_1629 = arith.constant 0 : i32
      %dma_wait3A_1630 = arith.constant 0 : i32
      %dma_wait3A_1631 = tpu.memref_slice %arg4[%dma_wait3A_1629, %dma_wait3A_1630] : memref<16x1000000xf32, #tpu.memory_space<hbm>> -> memref<16x128xf32, #tpu.memory_space<hbm>>
      tpu.wait_dma2 semaphore(%arg46 : memref<!tpu.dma_semaphore, #tpu.memory_space<semaphore_mem>>) src(%dma_wait3A_1631 : memref<16x128xf32, #tpu.memory_space<hbm>>) dst(%arg36 : memref<16x128xf32, #tpu.memory_space<vmem>>)
      %dma_wait3A_1632 = arith.constant 0 : i32
      %dma_wait3A_1633 = arith.constant 0 : i32
      %dma_wait3A_1634 = tpu.memref_slice %arg4[%dma_wait3A_1632, %dma_wait3A_1633] : memref<16x1000000xf32, #tpu.memory_space<hbm>> -> memref<16x128xf32, #tpu.memory_space<hbm>>
      %dma_wait3A_1635 = arith.constant 0 : i32
      %dma_wait3A_1636 = arith.constant 0 : i32
      %dma_wait3A_1637 = tpu.memref_slice %arg4[%dma_wait3A_1635, %dma_wait3A_1636] : memref<16x1000000xf32, #tpu.memory_space<hbm>> -> memref<16x128xf32, #tpu.memory_space<hbm>>
      tpu.wait_dma2 semaphore(%arg46 : memref<!tpu.dma_semaphore, #tpu.memory_space<semaphore_mem>>) src(%dma_wait3A_1637 : memref<16x128xf32, #tpu.memory_space<hbm>>) dst(%arg37 : memref<16x128xf32, #tpu.memory_space<vmem>>)
      %dma_wait3A_1638 = arith.constant 0 : i32
      %dma_wait3A_1639 = arith.constant 0 : i32
      %dma_wait3A_1640 = tpu.memref_slice %arg4[%dma_wait3A_1638, %dma_wait3A_1639] : memref<16x1000000xf32, #tpu.memory_space<hbm>> -> memref<16x128xf32, #tpu.memory_space<hbm>>
      %dma_wait3A_1641 = arith.constant 0 : i32
      %dma_wait3A_1642 = arith.constant 0 : i32
      %dma_wait3A_1643 = tpu.memref_slice %arg4[%dma_wait3A_1641, %dma_wait3A_1642] : memref<16x1000000xf32, #tpu.memory_space<hbm>> -> memref<16x128xf32, #tpu.memory_space<hbm>>
      tpu.wait_dma2 semaphore(%arg46 : memref<!tpu.dma_semaphore, #tpu.memory_space<semaphore_mem>>) src(%dma_wait3A_1643 : memref<16x128xf32, #tpu.memory_space<hbm>>) dst(%arg38 : memref<16x128xf32, #tpu.memory_space<vmem>>)
      %dma_wait3A_1644 = arith.constant 0 : i32
      %dma_wait3A_1645 = arith.constant 0 : i32
      %dma_wait3A_1646 = tpu.memref_slice %arg4[%dma_wait3A_1644, %dma_wait3A_1645] : memref<16x1000000xf32, #tpu.memory_space<hbm>> -> memref<16x128xf32, #tpu.memory_space<hbm>>
      %dma_wait3A_1647 = arith.constant 0 : i32
      %dma_wait3A_1648 = arith.constant 0 : i32
      %dma_wait3A_1649 = tpu.memref_slice %arg4[%dma_wait3A_1647, %dma_wait3A_1648] : memref<16x1000000xf32, #tpu.memory_space<hbm>> -> memref<16x128xf32, #tpu.memory_space<hbm>>
      tpu.wait_dma2 semaphore(%arg46 : memref<!tpu.dma_semaphore, #tpu.memory_space<semaphore_mem>>) src(%dma_wait3A_1649 : memref<16x128xf32, #tpu.memory_space<hbm>>) dst(%arg39 : memref<16x128xf32, #tpu.memory_space<vmem>>)
      %dma_wait3A_1650 = arith.constant 0 : i32
      %dma_wait3A_1651 = arith.constant 0 : i32
      %dma_wait3A_1652 = tpu.memref_slice %arg4[%dma_wait3A_1650, %dma_wait3A_1651] : memref<16x1000000xf32, #tpu.memory_space<hbm>> -> memref<16x128xf32, #tpu.memory_space<hbm>>
      %dma_wait3A_1653 = arith.constant 0 : i32
      %dma_wait3A_1654 = arith.constant 0 : i32
      %dma_wait3A_1655 = tpu.memref_slice %arg4[%dma_wait3A_1653, %dma_wait3A_1654] : memref<16x1000000xf32, #tpu.memory_space<hbm>> -> memref<16x128xf32, #tpu.memory_space<hbm>>
      tpu.wait_dma2 semaphore(%arg46 : memref<!tpu.dma_semaphore, #tpu.memory_space<semaphore_mem>>) src(%dma_wait3A_1655 : memref<16x128xf32, #tpu.memory_space<hbm>>) dst(%arg40 : memref<16x128xf32, #tpu.memory_space<vmem>>)
      %get3A_1656 = arith.index_cast %mul3A_406 : i32 to index
      %get3A_1657 = tpu.vector_load %arg8[%get3A_1656] {strides = array<i32>} : memref<512xi32, #tpu.memory_space<vmem>>, vector<16xi32>,
      %eq3A_1658 = arith.constant 0 : i32
      %eq3A_1659 = vector.broadcast %eq3A_1658 : i32 to vector<16xi32>
      %eq3A_1660 = arith.cmpi eq, %iota3A, %eq3A_1659 : vector<16xi32>
      %jit3A_1661 = arith.constant 0 : i32
      %broadcast_in_dim3A_1662 = vector.broadcast %jit3A_1661 : i32 to vector<16xi32>
      %select_n3A_1663 = arith.select %eq3A_1660, %get3A_1657, %broadcast_in_dim3A_1662 : vector<16xi1>, vector<16xi32>
      %reduce_max3A_1664 = arith.constant true
      %reduce_max3A_1665 = vector.broadcast %reduce_max3A_1664 : i1 to vector<16xi1>
      %reduce_max3A_1666 = arith.constant -2147483648 : i32
      %reduce_max3A_1667 = vector.broadcast %reduce_max3A_1666 : i32 to vector<16xi32>
      %reduce_max3A_1668 = arith.xori %select_n3A_1663, %reduce_max3A_1667 : vector<16xi32>
      %reduce_max3A_1669 = tpu.scan <max>, %reduce_max3A_1668 masked %reduce_max3A_1665 : vector<16xi32>, vector<16xi1> -> vector<16xi32>
      %reduce_max3A_1670 = arith.xori %reduce_max3A_1669, %reduce_max3A_1667 : vector<16xi32>
      %reduce_max3A_1671 = vector.extract %reduce_max3A_1670[15] : i32 from vector<16xi32>
      %shift_right_arithmetic3A_1672 = arith.constant 7 : i32
      %shift_right_arithmetic3A_1673 = arith.shrsi %reduce_max3A_1671, %shift_right_arithmetic3A_1672 : i32
      %mul3A_1674 = arith.constant 128 : i32
      %mul3A_1675 = arith.muli %shift_right_arithmetic3A_1673, %mul3A_1674 : i32
      %min3A_1676 = arith.constant 999808 : i32
      %min3A_1677 = arith.minsi %mul3A_1675, %min3A_1676 : i32
      %multiple_of3A_1678 = tpu.assume_multiple %min3A_1677, 128 : i32
      %eq3A_1679 = arith.constant 1 : i32
      %eq3A_1680 = vector.broadcast %eq3A_1679 : i32 to vector<16xi32>
      %eq3A_1681 = arith.cmpi eq, %iota3A, %eq3A_1680 : vector<16xi32>
      %jit3A_1682 = arith.constant 0 : i32
      %broadcast_in_dim3A_1683 = vector.broadcast %jit3A_1682 : i32 to vector<16xi32>
      %select_n3A_1684 = arith.select %eq3A_1681, %get3A_1657, %broadcast_in_dim3A_1683 : vector<16xi1>, vector<16xi32>
      %reduce_max3A_1685 = arith.constant true
      %reduce_max3A_1686 = vector.broadcast %reduce_max3A_1685 : i1 to vector<16xi1>
      %reduce_max3A_1687 = arith.constant -2147483648 : i32
      %reduce_max3A_1688 = vector.broadcast %reduce_max3A_1687 : i32 to vector<16xi32>
      %reduce_max3A_1689 = arith.xori %select_n3A_1684, %reduce_max3A_1688 : vector<16xi32>
      %reduce_max3A_1690 = tpu.scan <max>, %reduce_max3A_1689 masked %reduce_max3A_1686 : vector<16xi32>, vector<16xi1> -> vector<16xi32>
      %reduce_max3A_1691 = arith.xori %reduce_max3A_1690, %reduce_max3A_1688 : vector<16xi32>
      %reduce_max3A_1692 = vector.extract %reduce_max3A_1691[15] : i32 from vector<16xi32>
      %shift_right_arithmetic3A_1693 = arith.constant 7 : i32
      %shift_right_arithmetic3A_1694 = arith.shrsi %reduce_max3A_1692, %shift_right_arithmetic3A_1693 : i32
      %mul3A_1695 = arith.constant 128 : i32
      %mul3A_1696 = arith.muli %shift_right_arithmetic3A_1694, %mul3A_1695 : i32
      %min3A_1697 = arith.constant 999808 : i32
      %min3A_1698 = arith.minsi %mul3A_1696, %min3A_1697 : i32
      %multiple_of3A_1699 = tpu.assume_multiple %min3A_1698, 128 : i32
      %eq3A_1700 = arith.constant 2 : i32
      %eq3A_1701 = vector.broadcast %eq3A_1700 : i32 to vector<16xi32>
      %eq3A_1702 = arith.cmpi eq, %iota3A, %eq3A_1701 : vector<16xi32>
      %jit3A_1703 = arith.constant 0 : i32
      %broadcast_in_dim3A_1704 = vector.broadcast %jit3A_1703 : i32 to vector<16xi32>
      %select_n3A_1705 = arith.select %eq3A_1702, %get3A_1657, %broadcast_in_dim3A_1704 : vector<16xi1>, vector<16xi32>
      %reduce_max3A_1706 = arith.constant true
      %reduce_max3A_1707 = vector.broadcast %reduce_max3A_1706 : i1 to vector<16xi1>
      %reduce_max3A_1708 = arith.constant -2147483648 : i32
      %reduce_max3A_1709 = vector.broadcast %reduce_max3A_1708 : i32 to vector<16xi32>
      %reduce_max3A_1710 = arith.xori %select_n3A_1705, %reduce_max3A_1709 : vector<16xi32>
      %reduce_max3A_1711 = tpu.scan <max>, %reduce_max3A_1710 masked %reduce_max3A_1707 : vector<16xi32>, vector<16xi1> -> vector<16xi32>
      %reduce_max3A_1712 = arith.xori %reduce_max3A_1711, %reduce_max3A_1709 : vector<16xi32>
      %reduce_max3A_1713 = vector.extract %reduce_max3A_1712[15] : i32 from vector<16xi32>
      %shift_right_arithmetic3A_1714 = arith.constant 7 : i32
      %shift_right_arithmetic3A_1715 = arith.shrsi %reduce_max3A_1713, %shift_right_arithmetic3A_1714 : i32
      %mul3A_1716 = arith.constant 128 : i32
      %mul3A_1717 = arith.muli %shift_right_arithmetic3A_1715, %mul3A_1716 : i32
      %min3A_1718 = arith.constant 999808 : i32
      %min3A_1719 = arith.minsi %mul3A_1717, %min3A_1718 : i32
      %multiple_of3A_1720 = tpu.assume_multiple %min3A_1719, 128 : i32
      %eq3A_1721 = arith.constant 3 : i32
      %eq3A_1722 = vector.broadcast %eq3A_1721 : i32 to vector<16xi32>
      %eq3A_1723 = arith.cmpi eq, %iota3A, %eq3A_1722 : vector<16xi32>
      %jit3A_1724 = arith.constant 0 : i32
      %broadcast_in_dim3A_1725 = vector.broadcast %jit3A_1724 : i32 to vector<16xi32>
      %select_n3A_1726 = arith.select %eq3A_1723, %get3A_1657, %broadcast_in_dim3A_1725 : vector<16xi1>, vector<16xi32>
      %reduce_max3A_1727 = arith.constant true
      %reduce_max3A_1728 = vector.broadcast %reduce_max3A_1727 : i1 to vector<16xi1>
      %reduce_max3A_1729 = arith.constant -2147483648 : i32
      %reduce_max3A_1730 = vector.broadcast %reduce_max3A_1729 : i32 to vector<16xi32>
      %reduce_max3A_1731 = arith.xori %select_n3A_1726, %reduce_max3A_1730 : vector<16xi32>
      %reduce_max3A_1732 = tpu.scan <max>, %reduce_max3A_1731 masked %reduce_max3A_1728 : vector<16xi32>, vector<16xi1> -> vector<16xi32>
      %reduce_max3A_1733 = arith.xori %reduce_max3A_1732, %reduce_max3A_1730 : vector<16xi32>
      %reduce_max3A_1734 = vector.extract %reduce_max3A_1733[15] : i32 from vector<16xi32>
      %shift_right_arithmetic3A_1735 = arith.constant 7 : i32
      %shift_right_arithmetic3A_1736 = arith.shrsi %reduce_max3A_1734, %shift_right_arithmetic3A_1735 : i32
      %mul3A_1737 = arith.constant 128 : i32
      %mul3A_1738 = arith.muli %shift_right_arithmetic3A_1736, %mul3A_1737 : i32
      %min3A_1739 = arith.constant 999808 : i32
      %min3A_1740 = arith.minsi %mul3A_1738, %min3A_1739 : i32
      %multiple_of3A_1741 = tpu.assume_multiple %min3A_1740, 128 : i32
      %eq3A_1742 = arith.constant 4 : i32
      %eq3A_1743 = vector.broadcast %eq3A_1742 : i32 to vector<16xi32>
      %eq3A_1744 = arith.cmpi eq, %iota3A, %eq3A_1743 : vector<16xi32>
      %jit3A_1745 = arith.constant 0 : i32
      %broadcast_in_dim3A_1746 = vector.broadcast %jit3A_1745 : i32 to vector<16xi32>
      %select_n3A_1747 = arith.select %eq3A_1744, %get3A_1657, %broadcast_in_dim3A_1746 : vector<16xi1>, vector<16xi32>
      %reduce_max3A_1748 = arith.constant true
      %reduce_max3A_1749 = vector.broadcast %reduce_max3A_1748 : i1 to vector<16xi1>
      %reduce_max3A_1750 = arith.constant -2147483648 : i32
      %reduce_max3A_1751 = vector.broadcast %reduce_max3A_1750 : i32 to vector<16xi32>
      %reduce_max3A_1752 = arith.xori %select_n3A_1747, %reduce_max3A_1751 : vector<16xi32>
      %reduce_max3A_1753 = tpu.scan <max>, %reduce_max3A_1752 masked %reduce_max3A_1749 : vector<16xi32>, vector<16xi1> -> vector<16xi32>
      %reduce_max3A_1754 = arith.xori %reduce_max3A_1753, %reduce_max3A_1751 : vector<16xi32>
      %reduce_max3A_1755 = vector.extract %reduce_max3A_1754[15] : i32 from vector<16xi32>
      %shift_right_arithmetic3A_1756 = arith.constant 7 : i32
      %shift_right_arithmetic3A_1757 = arith.shrsi %reduce_max3A_1755, %shift_right_arithmetic3A_1756 : i32
      %mul3A_1758 = arith.constant 128 : i32
      %mul3A_1759 = arith.muli %shift_right_arithmetic3A_1757, %mul3A_1758 : i32
      %min3A_1760 = arith.constant 999808 : i32
      %min3A_1761 = arith.minsi %mul3A_1759, %min3A_1760 : i32
      %multiple_of3A_1762 = tpu.assume_multiple %min3A_1761, 128 : i32
      %eq3A_1763 = arith.constant 5 : i32
      %eq3A_1764 = vector.broadcast %eq3A_1763 : i32 to vector<16xi32>
      %eq3A_1765 = arith.cmpi eq, %iota3A, %eq3A_1764 : vector<16xi32>
      %jit3A_1766 = arith.constant 0 : i32
      %broadcast_in_dim3A_1767 = vector.broadcast %jit3A_1766 : i32 to vector<16xi32>
      %select_n3A_1768 = arith.select %eq3A_1765, %get3A_1657, %broadcast_in_dim3A_1767 : vector<16xi1>, vector<16xi32>
      %reduce_max3A_1769 = arith.constant true
      %reduce_max3A_1770 = vector.broadcast %reduce_max3A_1769 : i1 to vector<16xi1>
      %reduce_max3A_1771 = arith.constant -2147483648 : i32
      %reduce_max3A_1772 = vector.broadcast %reduce_max3A_1771 : i32 to vector<16xi32>
      %reduce_max3A_1773 = arith.xori %select_n3A_1768, %reduce_max3A_1772 : vector<16xi32>
      %reduce_max3A_1774 = tpu.scan <max>, %reduce_max3A_1773 masked %reduce_max3A_1770 : vector<16xi32>, vector<16xi1> -> vector<16xi32>
      %reduce_max3A_1775 = arith.xori %reduce_max3A_1774, %reduce_max3A_1772 : vector<16xi32>
      %reduce_max3A_1776 = vector.extract %reduce_max3A_1775[15] : i32 from vector<16xi32>
      %shift_right_arithmetic3A_1777 = arith.constant 7 : i32
      %shift_right_arithmetic3A_1778 = arith.shrsi %reduce_max3A_1776, %shift_right_arithmetic3A_1777 : i32
      %mul3A_1779 = arith.constant 128 : i32
      %mul3A_1780 = arith.muli %shift_right_arithmetic3A_1778, %mul3A_1779 : i32
      %min3A_1781 = arith.constant 999808 : i32
      %min3A_1782 = arith.minsi %mul3A_1780, %min3A_1781 : i32
      %multiple_of3A_1783 = tpu.assume_multiple %min3A_1782, 128 : i32
      %eq3A_1784 = arith.constant 6 : i32
      %eq3A_1785 = vector.broadcast %eq3A_1784 : i32 to vector<16xi32>
      %eq3A_1786 = arith.cmpi eq, %iota3A, %eq3A_1785 : vector<16xi32>
      %jit3A_1787 = arith.constant 0 : i32
      %broadcast_in_dim3A_1788 = vector.broadcast %jit3A_1787 : i32 to vector<16xi32>
      %select_n3A_1789 = arith.select %eq3A_1786, %get3A_1657, %broadcast_in_dim3A_1788 : vector<16xi1>, vector<16xi32>
      %reduce_max3A_1790 = arith.constant true
      %reduce_max3A_1791 = vector.broadcast %reduce_max3A_1790 : i1 to vector<16xi1>
      %reduce_max3A_1792 = arith.constant -2147483648 : i32
      %reduce_max3A_1793 = vector.broadcast %reduce_max3A_1792 : i32 to vector<16xi32>
      %reduce_max3A_1794 = arith.xori %select_n3A_1789, %reduce_max3A_1793 : vector<16xi32>
      %reduce_max3A_1795 = tpu.scan <max>, %reduce_max3A_1794 masked %reduce_max3A_1791 : vector<16xi32>, vector<16xi1> -> vector<16xi32>
      %reduce_max3A_1796 = arith.xori %reduce_max3A_1795, %reduce_max3A_1793 : vector<16xi32>
      %reduce_max3A_1797 = vector.extract %reduce_max3A_1796[15] : i32 from vector<16xi32>
      %shift_right_arithmetic3A_1798 = arith.constant 7 : i32
      %shift_right_arithmetic3A_1799 = arith.shrsi %reduce_max3A_1797, %shift_right_arithmetic3A_1798 : i32
      %mul3A_1800 = arith.constant 128 : i32
      %mul3A_1801 = arith.muli %shift_right_arithmetic3A_1799, %mul3A_1800 : i32
      %min3A_1802 = arith.constant 999808 : i32
      %min3A_1803 = arith.minsi %mul3A_1801, %min3A_1802 : i32
      %multiple_of3A_1804 = tpu.assume_multiple %min3A_1803, 128 : i32
      %eq3A_1805 = arith.constant 7 : i32
      %eq3A_1806 = vector.broadcast %eq3A_1805 : i32 to vector<16xi32>
      %eq3A_1807 = arith.cmpi eq, %iota3A, %eq3A_1806 : vector<16xi32>
      %jit3A_1808 = arith.constant 0 : i32
      %broadcast_in_dim3A_1809 = vector.broadcast %jit3A_1808 : i32 to vector<16xi32>
      %select_n3A_1810 = arith.select %eq3A_1807, %get3A_1657, %broadcast_in_dim3A_1809 : vector<16xi1>, vector<16xi32>
      %reduce_max3A_1811 = arith.constant true
      %reduce_max3A_1812 = vector.broadcast %reduce_max3A_1811 : i1 to vector<16xi1>
      %reduce_max3A_1813 = arith.constant -2147483648 : i32
      %reduce_max3A_1814 = vector.broadcast %reduce_max3A_1813 : i32 to vector<16xi32>
      %reduce_max3A_1815 = arith.xori %select_n3A_1810, %reduce_max3A_1814 : vector<16xi32>
      %reduce_max3A_1816 = tpu.scan <max>, %reduce_max3A_1815 masked %reduce_max3A_1812 : vector<16xi32>, vector<16xi1> -> vector<16xi32>
      %reduce_max3A_1817 = arith.xori %reduce_max3A_1816, %reduce_max3A_1814 : vector<16xi32>
      %reduce_max3A_1818 = vector.extract %reduce_max3A_1817[15] : i32 from vector<16xi32>
      %shift_right_arithmetic3A_1819 = arith.constant 7 : i32
      %shift_right_arithmetic3A_1820 = arith.shrsi %reduce_max3A_1818, %shift_right_arithmetic3A_1819 : i32
      %mul3A_1821 = arith.constant 128 : i32
      %mul3A_1822 = arith.muli %shift_right_arithmetic3A_1820, %mul3A_1821 : i32
      %min3A_1823 = arith.constant 999808 : i32
      %min3A_1824 = arith.minsi %mul3A_1822, %min3A_1823 : i32
      %multiple_of3A_1825 = tpu.assume_multiple %min3A_1824, 128 : i32
      %eq3A_1826 = arith.constant 8 : i32
      %eq3A_1827 = vector.broadcast %eq3A_1826 : i32 to vector<16xi32>
      %eq3A_1828 = arith.cmpi eq, %iota3A, %eq3A_1827 : vector<16xi32>
      %jit3A_1829 = arith.constant 0 : i32
      %broadcast_in_dim3A_1830 = vector.broadcast %jit3A_1829 : i32 to vector<16xi32>
      %select_n3A_1831 = arith.select %eq3A_1828, %get3A_1657, %broadcast_in_dim3A_1830 : vector<16xi1>, vector<16xi32>
      %reduce_max3A_1832 = arith.constant true
      %reduce_max3A_1833 = vector.broadcast %reduce_max3A_1832 : i1 to vector<16xi1>
      %reduce_max3A_1834 = arith.constant -2147483648 : i32
      %reduce_max3A_1835 = vector.broadcast %reduce_max3A_1834 : i32 to vector<16xi32>
      %reduce_max3A_1836 = arith.xori %select_n3A_1831, %reduce_max3A_1835 : vector<16xi32>
      %reduce_max3A_1837 = tpu.scan <max>, %reduce_max3A_1836 masked %reduce_max3A_1833 : vector<16xi32>, vector<16xi1> -> vector<16xi32>
      %reduce_max3A_1838 = arith.xori %reduce_max3A_1837, %reduce_max3A_1835 : vector<16xi32>
      %reduce_max3A_1839 = vector.extract %reduce_max3A_1838[15] : i32 from vector<16xi32>
      %shift_right_arithmetic3A_1840 = arith.constant 7 : i32
      %shift_right_arithmetic3A_1841 = arith.shrsi %reduce_max3A_1839, %shift_right_arithmetic3A_1840 : i32
      %mul3A_1842 = arith.constant 128 : i32
      %mul3A_1843 = arith.muli %shift_right_arithmetic3A_1841, %mul3A_1842 : i32
      %min3A_1844 = arith.constant 999808 : i32
      %min3A_1845 = arith.minsi %mul3A_1843, %min3A_1844 : i32
      %multiple_of3A_1846 = tpu.assume_multiple %min3A_1845, 128 : i32
      %eq3A_1847 = arith.constant 9 : i32
      %eq3A_1848 = vector.broadcast %eq3A_1847 : i32 to vector<16xi32>
      %eq3A_1849 = arith.cmpi eq, %iota3A, %eq3A_1848 : vector<16xi32>
      %jit3A_1850 = arith.constant 0 : i32
      %broadcast_in_dim3A_1851 = vector.broadcast %jit3A_1850 : i32 to vector<16xi32>
      %select_n3A_1852 = arith.select %eq3A_1849, %get3A_1657, %broadcast_in_dim3A_1851 : vector<16xi1>, vector<16xi32>
      %reduce_max3A_1853 = arith.constant true
      %reduce_max3A_1854 = vector.broadcast %reduce_max3A_1853 : i1 to vector<16xi1>
      %reduce_max3A_1855 = arith.constant -2147483648 : i32
      %reduce_max3A_1856 = vector.broadcast %reduce_max3A_1855 : i32 to vector<16xi32>
      %reduce_max3A_1857 = arith.xori %select_n3A_1852, %reduce_max3A_1856 : vector<16xi32>
      %reduce_max3A_1858 = tpu.scan <max>, %reduce_max3A_1857 masked %reduce_max3A_1854 : vector<16xi32>, vector<16xi1> -> vector<16xi32>
      %reduce_max3A_1859 = arith.xori %reduce_max3A_1858, %reduce_max3A_1856 : vector<16xi32>
      %reduce_max3A_1860 = vector.extract %reduce_max3A_1859[15] : i32 from vector<16xi32>
      %shift_right_arithmetic3A_1861 = arith.constant 7 : i32
      %shift_right_arithmetic3A_1862 = arith.shrsi %reduce_max3A_1860, %shift_right_arithmetic3A_1861 : i32
      %mul3A_1863 = arith.constant 128 : i32
      %mul3A_1864 = arith.muli %shift_right_arithmetic3A_1862, %mul3A_1863 : i32
      %min3A_1865 = arith.constant 999808 : i32
      %min3A_1866 = arith.minsi %mul3A_1864, %min3A_1865 : i32
      %multiple_of3A_1867 = tpu.assume_multiple %min3A_1866, 128 : i32
      %eq3A_1868 = arith.constant 10 : i32
      %eq3A_1869 = vector.broadcast %eq3A_1868 : i32 to vector<16xi32>
      %eq3A_1870 = arith.cmpi eq, %iota3A, %eq3A_1869 : vector<16xi32>
      %jit3A_1871 = arith.constant 0 : i32
      %broadcast_in_dim3A_1872 = vector.broadcast %jit3A_1871 : i32 to vector<16xi32>
      %select_n3A_1873 = arith.select %eq3A_1870, %get3A_1657, %broadcast_in_dim3A_1872 : vector<16xi1>, vector<16xi32>
      %reduce_max3A_1874 = arith.constant true
      %reduce_max3A_1875 = vector.broadcast %reduce_max3A_1874 : i1 to vector<16xi1>
      %reduce_max3A_1876 = arith.constant -2147483648 : i32
      %reduce_max3A_1877 = vector.broadcast %reduce_max3A_1876 : i32 to vector<16xi32>
      %reduce_max3A_1878 = arith.xori %select_n3A_1873, %reduce_max3A_1877 : vector<16xi32>
      %reduce_max3A_1879 = tpu.scan <max>, %reduce_max3A_1878 masked %reduce_max3A_1875 : vector<16xi32>, vector<16xi1> -> vector<16xi32>
      %reduce_max3A_1880 = arith.xori %reduce_max3A_1879, %reduce_max3A_1877 : vector<16xi32>
      %reduce_max3A_1881 = vector.extract %reduce_max3A_1880[15] : i32 from vector<16xi32>
      %shift_right_arithmetic3A_1882 = arith.constant 7 : i32
      %shift_right_arithmetic3A_1883 = arith.shrsi %reduce_max3A_1881, %shift_right_arithmetic3A_1882 : i32
      %mul3A_1884 = arith.constant 128 : i32
      %mul3A_1885 = arith.muli %shift_right_arithmetic3A_1883, %mul3A_1884 : i32
      %min3A_1886 = arith.constant 999808 : i32
      %min3A_1887 = arith.minsi %mul3A_1885, %min3A_1886 : i32
      %multiple_of3A_1888 = tpu.assume_multiple %min3A_1887, 128 : i32
      %eq3A_1889 = arith.constant 11 : i32
      %eq3A_1890 = vector.broadcast %eq3A_1889 : i32 to vector<16xi32>
      %eq3A_1891 = arith.cmpi eq, %iota3A, %eq3A_1890 : vector<16xi32>
      %jit3A_1892 = arith.constant 0 : i32
      %broadcast_in_dim3A_1893 = vector.broadcast %jit3A_1892 : i32 to vector<16xi32>
      %select_n3A_1894 = arith.select %eq3A_1891, %get3A_1657, %broadcast_in_dim3A_1893 : vector<16xi1>, vector<16xi32>
      %reduce_max3A_1895 = arith.constant true
      %reduce_max3A_1896 = vector.broadcast %reduce_max3A_1895 : i1 to vector<16xi1>
      %reduce_max3A_1897 = arith.constant -2147483648 : i32
      %reduce_max3A_1898 = vector.broadcast %reduce_max3A_1897 : i32 to vector<16xi32>
      %reduce_max3A_1899 = arith.xori %select_n3A_1894, %reduce_max3A_1898 : vector<16xi32>
      %reduce_max3A_1900 = tpu.scan <max>, %reduce_max3A_1899 masked %reduce_max3A_1896 : vector<16xi32>, vector<16xi1> -> vector<16xi32>
      %reduce_max3A_1901 = arith.xori %reduce_max3A_1900, %reduce_max3A_1898 : vector<16xi32>
      %reduce_max3A_1902 = vector.extract %reduce_max3A_1901[15] : i32 from vector<16xi32>
      %shift_right_arithmetic3A_1903 = arith.constant 7 : i32
      %shift_right_arithmetic3A_1904 = arith.shrsi %reduce_max3A_1902, %shift_right_arithmetic3A_1903 : i32
      %mul3A_1905 = arith.constant 128 : i32
      %mul3A_1906 = arith.muli %shift_right_arithmetic3A_1904, %mul3A_1905 : i32
      %min3A_1907 = arith.constant 999808 : i32
      %min3A_1908 = arith.minsi %mul3A_1906, %min3A_1907 : i32
      %multiple_of3A_1909 = tpu.assume_multiple %min3A_1908, 128 : i32
      %eq3A_1910 = arith.constant 12 : i32
      %eq3A_1911 = vector.broadcast %eq3A_1910 : i32 to vector<16xi32>
      %eq3A_1912 = arith.cmpi eq, %iota3A, %eq3A_1911 : vector<16xi32>
      %jit3A_1913 = arith.constant 0 : i32
      %broadcast_in_dim3A_1914 = vector.broadcast %jit3A_1913 : i32 to vector<16xi32>
      %select_n3A_1915 = arith.select %eq3A_1912, %get3A_1657, %broadcast_in_dim3A_1914 : vector<16xi1>, vector<16xi32>
      %reduce_max3A_1916 = arith.constant true
      %reduce_max3A_1917 = vector.broadcast %reduce_max3A_1916 : i1 to vector<16xi1>
      %reduce_max3A_1918 = arith.constant -2147483648 : i32
      %reduce_max3A_1919 = vector.broadcast %reduce_max3A_1918 : i32 to vector<16xi32>
      %reduce_max3A_1920 = arith.xori %select_n3A_1915, %reduce_max3A_1919 : vector<16xi32>
      %reduce_max3A_1921 = tpu.scan <max>, %reduce_max3A_1920 masked %reduce_max3A_1917 : vector<16xi32>, vector<16xi1> -> vector<16xi32>
      %reduce_max3A_1922 = arith.xori %reduce_max3A_1921, %reduce_max3A_1919 : vector<16xi32>
      %reduce_max3A_1923 = vector.extract %reduce_max3A_1922[15] : i32 from vector<16xi32>
      %shift_right_arithmetic3A_1924 = arith.constant 7 : i32
      %shift_right_arithmetic3A_1925 = arith.shrsi %reduce_max3A_1923, %shift_right_arithmetic3A_1924 : i32
      %mul3A_1926 = arith.constant 128 : i32
      %mul3A_1927 = arith.muli %shift_right_arithmetic3A_1925, %mul3A_1926 : i32
      %min3A_1928 = arith.constant 999808 : i32
      %min3A_1929 = arith.minsi %mul3A_1927, %min3A_1928 : i32
      %multiple_of3A_1930 = tpu.assume_multiple %min3A_1929, 128 : i32
      %eq3A_1931 = arith.constant 13 : i32
      %eq3A_1932 = vector.broadcast %eq3A_1931 : i32 to vector<16xi32>
      %eq3A_1933 = arith.cmpi eq, %iota3A, %eq3A_1932 : vector<16xi32>
      %jit3A_1934 = arith.constant 0 : i32
      %broadcast_in_dim3A_1935 = vector.broadcast %jit3A_1934 : i32 to vector<16xi32>
      %select_n3A_1936 = arith.select %eq3A_1933, %get3A_1657, %broadcast_in_dim3A_1935 : vector<16xi1>, vector<16xi32>
      %reduce_max3A_1937 = arith.constant true
      %reduce_max3A_1938 = vector.broadcast %reduce_max3A_1937 : i1 to vector<16xi1>
      %reduce_max3A_1939 = arith.constant -2147483648 : i32
      %reduce_max3A_1940 = vector.broadcast %reduce_max3A_1939 : i32 to vector<16xi32>
      %reduce_max3A_1941 = arith.xori %select_n3A_1936, %reduce_max3A_1940 : vector<16xi32>
      %reduce_max3A_1942 = tpu.scan <max>, %reduce_max3A_1941 masked %reduce_max3A_1938 : vector<16xi32>, vector<16xi1> -> vector<16xi32>
      %reduce_max3A_1943 = arith.xori %reduce_max3A_1942, %reduce_max3A_1940 : vector<16xi32>
      %reduce_max3A_1944 = vector.extract %reduce_max3A_1943[15] : i32 from vector<16xi32>
      %shift_right_arithmetic3A_1945 = arith.constant 7 : i32
      %shift_right_arithmetic3A_1946 = arith.shrsi %reduce_max3A_1944, %shift_right_arithmetic3A_1945 : i32
      %mul3A_1947 = arith.constant 128 : i32
      %mul3A_1948 = arith.muli %shift_right_arithmetic3A_1946, %mul3A_1947 : i32
      %min3A_1949 = arith.constant 999808 : i32
      %min3A_1950 = arith.minsi %mul3A_1948, %min3A_1949 : i32
      %multiple_of3A_1951 = tpu.assume_multiple %min3A_1950, 128 : i32
      %eq3A_1952 = arith.constant 14 : i32
      %eq3A_1953 = vector.broadcast %eq3A_1952 : i32 to vector<16xi32>
      %eq3A_1954 = arith.cmpi eq, %iota3A, %eq3A_1953 : vector<16xi32>
      %jit3A_1955 = arith.constant 0 : i32
      %broadcast_in_dim3A_1956 = vector.broadcast %jit3A_1955 : i32 to vector<16xi32>
      %select_n3A_1957 = arith.select %eq3A_1954, %get3A_1657, %broadcast_in_dim3A_1956 : vector<16xi1>, vector<16xi32>
      %reduce_max3A_1958 = arith.constant true
      %reduce_max3A_1959 = vector.broadcast %reduce_max3A_1958 : i1 to vector<16xi1>
      %reduce_max3A_1960 = arith.constant -2147483648 : i32
      %reduce_max3A_1961 = vector.broadcast %reduce_max3A_1960 : i32 to vector<16xi32>
      %reduce_max3A_1962 = arith.xori %select_n3A_1957, %reduce_max3A_1961 : vector<16xi32>
      %reduce_max3A_1963 = tpu.scan <max>, %reduce_max3A_1962 masked %reduce_max3A_1959 : vector<16xi32>, vector<16xi1> -> vector<16xi32>
      %reduce_max3A_1964 = arith.xori %reduce_max3A_1963, %reduce_max3A_1961 : vector<16xi32>
      %reduce_max3A_1965 = vector.extract %reduce_max3A_1964[15] : i32 from vector<16xi32>
      %shift_right_arithmetic3A_1966 = arith.constant 7 : i32
      %shift_right_arithmetic3A_1967 = arith.shrsi %reduce_max3A_1965, %shift_right_arithmetic3A_1966 : i32
      %mul3A_1968 = arith.constant 128 : i32
      %mul3A_1969 = arith.muli %shift_right_arithmetic3A_1967, %mul3A_1968 : i32
      %min3A_1970 = arith.constant 999808 : i32
      %min3A_1971 = arith.minsi %mul3A_1969, %min3A_1970 : i32
      %multiple_of3A_1972 = tpu.assume_multiple %min3A_1971, 128 : i32
      %eq3A_1973 = arith.constant 15 : i32
      %eq3A_1974 = vector.broadcast %eq3A_1973 : i32 to vector<16xi32>
      %eq3A_1975 = arith.cmpi eq, %iota3A, %eq3A_1974 : vector<16xi32>
      %jit3A_1976 = arith.constant 0 : i32
      %broadcast_in_dim3A_1977 = vector.broadcast %jit3A_1976 : i32 to vector<16xi32>
      %select_n3A_1978 = arith.select %eq3A_1975, %get3A_1657, %broadcast_in_dim3A_1977 : vector<16xi1>, vector<16xi32>
      %reduce_max3A_1979 = arith.constant true
      %reduce_max3A_1980 = vector.broadcast %reduce_max3A_1979 : i1 to vector<16xi1>
      %reduce_max3A_1981 = arith.constant -2147483648 : i32
      %reduce_max3A_1982 = vector.broadcast %reduce_max3A_1981 : i32 to vector<16xi32>
      %reduce_max3A_1983 = arith.xori %select_n3A_1978, %reduce_max3A_1982 : vector<16xi32>
      %reduce_max3A_1984 = tpu.scan <max>, %reduce_max3A_1983 masked %reduce_max3A_1980 : vector<16xi32>, vector<16xi1> -> vector<16xi32>
      %reduce_max3A_1985 = arith.xori %reduce_max3A_1984, %reduce_max3A_1982 : vector<16xi32>
      %reduce_max3A_1986 = vector.extract %reduce_max3A_1985[15] : i32 from vector<16xi32>
      %shift_right_arithmetic3A_1987 = arith.constant 7 : i32
      %shift_right_arithmetic3A_1988 = arith.shrsi %reduce_max3A_1986, %shift_right_arithmetic3A_1987 : i32
      %mul3A_1989 = arith.constant 128 : i32
      %mul3A_1990 = arith.muli %shift_right_arithmetic3A_1988, %mul3A_1989 : i32
      %min3A_1991 = arith.constant 999808 : i32
      %min3A_1992 = arith.minsi %mul3A_1990, %min3A_1991 : i32
      %multiple_of3A_1993 = tpu.assume_multiple %min3A_1992, 128 : i32
      %sub3A_1994 = arith.subi %reduce_max3A_1671, %multiple_of3A_1678 : i32
      %min3A_1995 = arith.constant 127 : i32
      %min3A_1996 = arith.minsi %sub3A_1994, %min3A_1995 : i32
      %broadcast_in_dim3A_1997 = vector.broadcast %min3A_1996 : i32 to vector<16xi32>
      %gather3A_1998 = tpu.vector_load_idx %arg25[%iota3A, %broadcast_in_dim3A_1997] : memref<16x128xf32, #tpu.memory_space<vmem>>[vector<16xi32>, vector<16xi32>], vector<16xf32>,
      %sub3A_1999 = arith.constant 999872 : i32
      %sub3A_2000 = arith.subi %reduce_max3A_1671, %sub3A_1999 : i32
      %jit3A_2001 = arith.constant 0 : i32
      %jit3A_2002 = arith.constant 127 : i32
      %max3A_2003 = arith.maxsi %jit3A_2001, %sub3A_2000 : i32
      %min3A_2004 = arith.minsi %jit3A_2002, %max3A_2003 : i32
      %broadcast_in_dim3A_2005 = vector.broadcast %min3A_2004 : i32 to vector<16xi32>
      %gather3A_2006 = tpu.vector_load_idx %arg42[%iota3A, %broadcast_in_dim3A_2005] : memref<16x128xf32, #tpu.memory_space<vmem>>[vector<16xi32>, vector<16xi32>], vector<16xf32>,
      %ge3A_2007 = arith.constant 999936 : i32
      %ge3A_2008 = arith.cmpi sge, %reduce_max3A_1671, %ge3A_2007 : i32
      %broadcast_in_dim3A_2009 = vector.broadcast %ge3A_2008 : i1 to vector<16xi1>
      %select_n3A_2010 = arith.select %broadcast_in_dim3A_2009, %gather3A_2006, %gather3A_1998 : vector<16xi1>, vector<16xf32>
      %add3A_2011 = arith.constant 0 : i32
      %add3A_2012 = arith.addi %mul3A_406, %add3A_2011 : i32
      %broadcast_in_dim3A_2013 = vector.broadcast %add3A_2012 : i32 to vector<16xi32>
      tpu.vector_store_idx %arg44[%iota3A, %broadcast_in_dim3A_2013], %select_n3A_2010 : memref<16x512xf32, #tpu.memory_space<vmem>>[vector<16xi32>, vector<16xi32>], vector<16xf32>,
      %sub3A_2014 = arith.subi %reduce_max3A_1692, %multiple_of3A_1699 : i32
      %min3A_2015 = arith.constant 127 : i32
      %min3A_2016 = arith.minsi %sub3A_2014, %min3A_2015 : i32
      %broadcast_in_dim3A_2017 = vector.broadcast %min3A_2016 : i32 to vector<16xi32>
      %gather3A_2018 = tpu.vector_load_idx %arg26[%iota3A, %broadcast_in_dim3A_2017] : memref<16x128xf32, #tpu.memory_space<vmem>>[vector<16xi32>, vector<16xi32>], vector<16xf32>,
      %sub3A_2019 = arith.constant 999872 : i32
      %sub3A_2020 = arith.subi %reduce_max3A_1692, %sub3A_2019 : i32
      %jit3A_2021 = arith.constant 0 : i32
      %jit3A_2022 = arith.constant 127 : i32
      %max3A_2023 = arith.maxsi %jit3A_2021, %sub3A_2020 : i32
      %min3A_2024 = arith.minsi %jit3A_2022, %max3A_2023 : i32
      %broadcast_in_dim3A_2025 = vector.broadcast %min3A_2024 : i32 to vector<16xi32>
      %gather3A_2026 = tpu.vector_load_idx %arg42[%iota3A, %broadcast_in_dim3A_2025] : memref<16x128xf32, #tpu.memory_space<vmem>>[vector<16xi32>, vector<16xi32>], vector<16xf32>,
      %ge3A_2027 = arith.constant 999936 : i32
      %ge3A_2028 = arith.cmpi sge, %reduce_max3A_1692, %ge3A_2027 : i32
      %broadcast_in_dim3A_2029 = vector.broadcast %ge3A_2028 : i1 to vector<16xi1>
      %select_n3A_2030 = arith.select %broadcast_in_dim3A_2029, %gather3A_2026, %gather3A_2018 : vector<16xi1>, vector<16xf32>
      %add3A_2031 = arith.constant 1 : i32
      %add3A_2032 = arith.addi %mul3A_406, %add3A_2031 : i32
      %broadcast_in_dim3A_2033 = vector.broadcast %add3A_2032 : i32 to vector<16xi32>
      tpu.vector_store_idx %arg44[%iota3A, %broadcast_in_dim3A_2033], %select_n3A_2030 : memref<16x512xf32, #tpu.memory_space<vmem>>[vector<16xi32>, vector<16xi32>], vector<16xf32>,
      %sub3A_2034 = arith.subi %reduce_max3A_1713, %multiple_of3A_1720 : i32
      %min3A_2035 = arith.constant 127 : i32
      %min3A_2036 = arith.minsi %sub3A_2034, %min3A_2035 : i32
      %broadcast_in_dim3A_2037 = vector.broadcast %min3A_2036 : i32 to vector<16xi32>
      %gather3A_2038 = tpu.vector_load_idx %arg27[%iota3A, %broadcast_in_dim3A_2037] : memref<16x128xf32, #tpu.memory_space<vmem>>[vector<16xi32>, vector<16xi32>], vector<16xf32>,
      %sub3A_2039 = arith.constant 999872 : i32
      %sub3A_2040 = arith.subi %reduce_max3A_1713, %sub3A_2039 : i32
      %jit3A_2041 = arith.constant 0 : i32
      %jit3A_2042 = arith.constant 127 : i32
      %max3A_2043 = arith.maxsi %jit3A_2041, %sub3A_2040 : i32
      %min3A_2044 = arith.minsi %jit3A_2042, %max3A_2043 : i32
      %broadcast_in_dim3A_2045 = vector.broadcast %min3A_2044 : i32 to vector<16xi32>
      %gather3A_2046 = tpu.vector_load_idx %arg42[%iota3A, %broadcast_in_dim3A_2045] : memref<16x128xf32, #tpu.memory_space<vmem>>[vector<16xi32>, vector<16xi32>], vector<16xf32>,
      %ge3A_2047 = arith.constant 999936 : i32
      %ge3A_2048 = arith.cmpi sge, %reduce_max3A_1713, %ge3A_2047 : i32
      %broadcast_in_dim3A_2049 = vector.broadcast %ge3A_2048 : i1 to vector<16xi1>
      %select_n3A_2050 = arith.select %broadcast_in_dim3A_2049, %gather3A_2046, %gather3A_2038 : vector<16xi1>, vector<16xf32>
      %add3A_2051 = arith.constant 2 : i32
      %add3A_2052 = arith.addi %mul3A_406, %add3A_2051 : i32
      %broadcast_in_dim3A_2053 = vector.broadcast %add3A_2052 : i32 to vector<16xi32>
      tpu.vector_store_idx %arg44[%iota3A, %broadcast_in_dim3A_2053], %select_n3A_2050 : memref<16x512xf32, #tpu.memory_space<vmem>>[vector<16xi32>, vector<16xi32>], vector<16xf32>,
      %sub3A_2054 = arith.subi %reduce_max3A_1734, %multiple_of3A_1741 : i32
      %min3A_2055 = arith.constant 127 : i32
      %min3A_2056 = arith.minsi %sub3A_2054, %min3A_2055 : i32
      %broadcast_in_dim3A_2057 = vector.broadcast %min3A_2056 : i32 to vector<16xi32>
      %gather3A_2058 = tpu.vector_load_idx %arg28[%iota3A, %broadcast_in_dim3A_2057] : memref<16x128xf32, #tpu.memory_space<vmem>>[vector<16xi32>, vector<16xi32>], vector<16xf32>,
      %sub3A_2059 = arith.constant 999872 : i32
      %sub3A_2060 = arith.subi %reduce_max3A_1734, %sub3A_2059 : i32
      %jit3A_2061 = arith.constant 0 : i32
      %jit3A_2062 = arith.constant 127 : i32
      %max3A_2063 = arith.maxsi %jit3A_2061, %sub3A_2060 : i32
      %min3A_2064 = arith.minsi %jit3A_2062, %max3A_2063 : i32
      %broadcast_in_dim3A_2065 = vector.broadcast %min3A_2064 : i32 to vector<16xi32>
      %gather3A_2066 = tpu.vector_load_idx %arg42[%iota3A, %broadcast_in_dim3A_2065] : memref<16x128xf32, #tpu.memory_space<vmem>>[vector<16xi32>, vector<16xi32>], vector<16xf32>,
      %ge3A_2067 = arith.constant 999936 : i32
      %ge3A_2068 = arith.cmpi sge, %reduce_max3A_1734, %ge3A_2067 : i32
      %broadcast_in_dim3A_2069 = vector.broadcast %ge3A_2068 : i1 to vector<16xi1>
      %select_n3A_2070 = arith.select %broadcast_in_dim3A_2069, %gather3A_2066, %gather3A_2058 : vector<16xi1>, vector<16xf32>
      %add3A_2071 = arith.constant 3 : i32
      %add3A_2072 = arith.addi %mul3A_406, %add3A_2071 : i32
      %broadcast_in_dim3A_2073 = vector.broadcast %add3A_2072 : i32 to vector<16xi32>
      tpu.vector_store_idx %arg44[%iota3A, %broadcast_in_dim3A_2073], %select_n3A_2070 : memref<16x512xf32, #tpu.memory_space<vmem>>[vector<16xi32>, vector<16xi32>], vector<16xf32>,
      %sub3A_2074 = arith.subi %reduce_max3A_1755, %multiple_of3A_1762 : i32
      %min3A_2075 = arith.constant 127 : i32
      %min3A_2076 = arith.minsi %sub3A_2074, %min3A_2075 : i32
      %broadcast_in_dim3A_2077 = vector.broadcast %min3A_2076 : i32 to vector<16xi32>
      %gather3A_2078 = tpu.vector_load_idx %arg29[%iota3A, %broadcast_in_dim3A_2077] : memref<16x128xf32, #tpu.memory_space<vmem>>[vector<16xi32>, vector<16xi32>], vector<16xf32>,
      %sub3A_2079 = arith.constant 999872 : i32
      %sub3A_2080 = arith.subi %reduce_max3A_1755, %sub3A_2079 : i32
      %jit3A_2081 = arith.constant 0 : i32
      %jit3A_2082 = arith.constant 127 : i32
      %max3A_2083 = arith.maxsi %jit3A_2081, %sub3A_2080 : i32
      %min3A_2084 = arith.minsi %jit3A_2082, %max3A_2083 : i32
      %broadcast_in_dim3A_2085 = vector.broadcast %min3A_2084 : i32 to vector<16xi32>
      %gather3A_2086 = tpu.vector_load_idx %arg42[%iota3A, %broadcast_in_dim3A_2085] : memref<16x128xf32, #tpu.memory_space<vmem>>[vector<16xi32>, vector<16xi32>], vector<16xf32>,
      %ge3A_2087 = arith.constant 999936 : i32
      %ge3A_2088 = arith.cmpi sge, %reduce_max3A_1755, %ge3A_2087 : i32
      %broadcast_in_dim3A_2089 = vector.broadcast %ge3A_2088 : i1 to vector<16xi1>
      %select_n3A_2090 = arith.select %broadcast_in_dim3A_2089, %gather3A_2086, %gather3A_2078 : vector<16xi1>, vector<16xf32>
      %add3A_2091 = arith.constant 4 : i32
      %add3A_2092 = arith.addi %mul3A_406, %add3A_2091 : i32
      %broadcast_in_dim3A_2093 = vector.broadcast %add3A_2092 : i32 to vector<16xi32>
      tpu.vector_store_idx %arg44[%iota3A, %broadcast_in_dim3A_2093], %select_n3A_2090 : memref<16x512xf32, #tpu.memory_space<vmem>>[vector<16xi32>, vector<16xi32>], vector<16xf32>,
      %sub3A_2094 = arith.subi %reduce_max3A_1776, %multiple_of3A_1783 : i32
      %min3A_2095 = arith.constant 127 : i32
      %min3A_2096 = arith.minsi %sub3A_2094, %min3A_2095 : i32
      %broadcast_in_dim3A_2097 = vector.broadcast %min3A_2096 : i32 to vector<16xi32>
      %gather3A_2098 = tpu.vector_load_idx %arg30[%iota3A, %broadcast_in_dim3A_2097] : memref<16x128xf32, #tpu.memory_space<vmem>>[vector<16xi32>, vector<16xi32>], vector<16xf32>,
      %sub3A_2099 = arith.constant 999872 : i32
      %sub3A_2100 = arith.subi %reduce_max3A_1776, %sub3A_2099 : i32
      %jit3A_2101 = arith.constant 0 : i32
      %jit3A_2102 = arith.constant 127 : i32
      %max3A_2103 = arith.maxsi %jit3A_2101, %sub3A_2100 : i32
      %min3A_2104 = arith.minsi %jit3A_2102, %max3A_2103 : i32
      %broadcast_in_dim3A_2105 = vector.broadcast %min3A_2104 : i32 to vector<16xi32>
      %gather3A_2106 = tpu.vector_load_idx %arg42[%iota3A, %broadcast_in_dim3A_2105] : memref<16x128xf32, #tpu.memory_space<vmem>>[vector<16xi32>, vector<16xi32>], vector<16xf32>,
      %ge3A_2107 = arith.constant 999936 : i32
      %ge3A_2108 = arith.cmpi sge, %reduce_max3A_1776, %ge3A_2107 : i32
      %broadcast_in_dim3A_2109 = vector.broadcast %ge3A_2108 : i1 to vector<16xi1>
      %select_n3A_2110 = arith.select %broadcast_in_dim3A_2109, %gather3A_2106, %gather3A_2098 : vector<16xi1>, vector<16xf32>
      %add3A_2111 = arith.constant 5 : i32
      %add3A_2112 = arith.addi %mul3A_406, %add3A_2111 : i32
      %broadcast_in_dim3A_2113 = vector.broadcast %add3A_2112 : i32 to vector<16xi32>
      tpu.vector_store_idx %arg44[%iota3A, %broadcast_in_dim3A_2113], %select_n3A_2110 : memref<16x512xf32, #tpu.memory_space<vmem>>[vector<16xi32>, vector<16xi32>], vector<16xf32>,
      %sub3A_2114 = arith.subi %reduce_max3A_1797, %multiple_of3A_1804 : i32
      %min3A_2115 = arith.constant 127 : i32
      %min3A_2116 = arith.minsi %sub3A_2114, %min3A_2115 : i32
      %broadcast_in_dim3A_2117 = vector.broadcast %min3A_2116 : i32 to vector<16xi32>
      %gather3A_2118 = tpu.vector_load_idx %arg31[%iota3A, %broadcast_in_dim3A_2117] : memref<16x128xf32, #tpu.memory_space<vmem>>[vector<16xi32>, vector<16xi32>], vector<16xf32>,
      %sub3A_2119 = arith.constant 999872 : i32
      %sub3A_2120 = arith.subi %reduce_max3A_1797, %sub3A_2119 : i32
      %jit3A_2121 = arith.constant 0 : i32
      %jit3A_2122 = arith.constant 127 : i32
      %max3A_2123 = arith.maxsi %jit3A_2121, %sub3A_2120 : i32
      %min3A_2124 = arith.minsi %jit3A_2122, %max3A_2123 : i32
      %broadcast_in_dim3A_2125 = vector.broadcast %min3A_2124 : i32 to vector<16xi32>
      %gather3A_2126 = tpu.vector_load_idx %arg42[%iota3A, %broadcast_in_dim3A_2125] : memref<16x128xf32, #tpu.memory_space<vmem>>[vector<16xi32>, vector<16xi32>], vector<16xf32>,
      %ge3A_2127 = arith.constant 999936 : i32
      %ge3A_2128 = arith.cmpi sge, %reduce_max3A_1797, %ge3A_2127 : i32
      %broadcast_in_dim3A_2129 = vector.broadcast %ge3A_2128 : i1 to vector<16xi1>
      %select_n3A_2130 = arith.select %broadcast_in_dim3A_2129, %gather3A_2126, %gather3A_2118 : vector<16xi1>, vector<16xf32>
      %add3A_2131 = arith.constant 6 : i32
      %add3A_2132 = arith.addi %mul3A_406, %add3A_2131 : i32
      %broadcast_in_dim3A_2133 = vector.broadcast %add3A_2132 : i32 to vector<16xi32>
      tpu.vector_store_idx %arg44[%iota3A, %broadcast_in_dim3A_2133], %select_n3A_2130 : memref<16x512xf32, #tpu.memory_space<vmem>>[vector<16xi32>, vector<16xi32>], vector<16xf32>,
      %sub3A_2134 = arith.subi %reduce_max3A_1818, %multiple_of3A_1825 : i32
      %min3A_2135 = arith.constant 127 : i32
      %min3A_2136 = arith.minsi %sub3A_2134, %min3A_2135 : i32
      %broadcast_in_dim3A_2137 = vector.broadcast %min3A_2136 : i32 to vector<16xi32>
      %gather3A_2138 = tpu.vector_load_idx %arg32[%iota3A, %broadcast_in_dim3A_2137] : memref<16x128xf32, #tpu.memory_space<vmem>>[vector<16xi32>, vector<16xi32>], vector<16xf32>,
      %sub3A_2139 = arith.constant 999872 : i32
      %sub3A_2140 = arith.subi %reduce_max3A_1818, %sub3A_2139 : i32
      %jit3A_2141 = arith.constant 0 : i32
      %jit3A_2142 = arith.constant 127 : i32
      %max3A_2143 = arith.maxsi %jit3A_2141, %sub3A_2140 : i32
      %min3A_2144 = arith.minsi %jit3A_2142, %max3A_2143 : i32
      %broadcast_in_dim3A_2145 = vector.broadcast %min3A_2144 : i32 to vector<16xi32>
      %gather3A_2146 = tpu.vector_load_idx %arg42[%iota3A, %broadcast_in_dim3A_2145] : memref<16x128xf32, #tpu.memory_space<vmem>>[vector<16xi32>, vector<16xi32>], vector<16xf32>,
      %ge3A_2147 = arith.constant 999936 : i32
      %ge3A_2148 = arith.cmpi sge, %reduce_max3A_1818, %ge3A_2147 : i32
      %broadcast_in_dim3A_2149 = vector.broadcast %ge3A_2148 : i1 to vector<16xi1>
      %select_n3A_2150 = arith.select %broadcast_in_dim3A_2149, %gather3A_2146, %gather3A_2138 : vector<16xi1>, vector<16xf32>
      %add3A_2151 = arith.constant 7 : i32
      %add3A_2152 = arith.addi %mul3A_406, %add3A_2151 : i32
      %broadcast_in_dim3A_2153 = vector.broadcast %add3A_2152 : i32 to vector<16xi32>
      tpu.vector_store_idx %arg44[%iota3A, %broadcast_in_dim3A_2153], %select_n3A_2150 : memref<16x512xf32, #tpu.memory_space<vmem>>[vector<16xi32>, vector<16xi32>], vector<16xf32>,
      %sub3A_2154 = arith.subi %reduce_max3A_1839, %multiple_of3A_1846 : i32
      %min3A_2155 = arith.constant 127 : i32
      %min3A_2156 = arith.minsi %sub3A_2154, %min3A_2155 : i32
      %broadcast_in_dim3A_2157 = vector.broadcast %min3A_2156 : i32 to vector<16xi32>
      %gather3A_2158 = tpu.vector_load_idx %arg33[%iota3A, %broadcast_in_dim3A_2157] : memref<16x128xf32, #tpu.memory_space<vmem>>[vector<16xi32>, vector<16xi32>], vector<16xf32>,
      %sub3A_2159 = arith.constant 999872 : i32
      %sub3A_2160 = arith.subi %reduce_max3A_1839, %sub3A_2159 : i32
      %jit3A_2161 = arith.constant 0 : i32
      %jit3A_2162 = arith.constant 127 : i32
      %max3A_2163 = arith.maxsi %jit3A_2161, %sub3A_2160 : i32
      %min3A_2164 = arith.minsi %jit3A_2162, %max3A_2163 : i32
      %broadcast_in_dim3A_2165 = vector.broadcast %min3A_2164 : i32 to vector<16xi32>
      %gather3A_2166 = tpu.vector_load_idx %arg42[%iota3A, %broadcast_in_dim3A_2165] : memref<16x128xf32, #tpu.memory_space<vmem>>[vector<16xi32>, vector<16xi32>], vector<16xf32>,
      %ge3A_2167 = arith.constant 999936 : i32
      %ge3A_2168 = arith.cmpi sge, %reduce_max3A_1839, %ge3A_2167 : i32
      %broadcast_in_dim3A_2169 = vector.broadcast %ge3A_2168 : i1 to vector<16xi1>
      %select_n3A_2170 = arith.select %broadcast_in_dim3A_2169, %gather3A_2166, %gather3A_2158 : vector<16xi1>, vector<16xf32>
      %add3A_2171 = arith.constant 8 : i32
      %add3A_2172 = arith.addi %mul3A_406, %add3A_2171 : i32
      %broadcast_in_dim3A_2173 = vector.broadcast %add3A_2172 : i32 to vector<16xi32>
      tpu.vector_store_idx %arg44[%iota3A, %broadcast_in_dim3A_2173], %select_n3A_2170 : memref<16x512xf32, #tpu.memory_space<vmem>>[vector<16xi32>, vector<16xi32>], vector<16xf32>,
      %sub3A_2174 = arith.subi %reduce_max3A_1860, %multiple_of3A_1867 : i32
      %min3A_2175 = arith.constant 127 : i32
      %min3A_2176 = arith.minsi %sub3A_2174, %min3A_2175 : i32
      %broadcast_in_dim3A_2177 = vector.broadcast %min3A_2176 : i32 to vector<16xi32>
      %gather3A_2178 = tpu.vector_load_idx %arg34[%iota3A, %broadcast_in_dim3A_2177] : memref<16x128xf32, #tpu.memory_space<vmem>>[vector<16xi32>, vector<16xi32>], vector<16xf32>,
      %sub3A_2179 = arith.constant 999872 : i32
      %sub3A_2180 = arith.subi %reduce_max3A_1860, %sub3A_2179 : i32
      %jit3A_2181 = arith.constant 0 : i32
      %jit3A_2182 = arith.constant 127 : i32
      %max3A_2183 = arith.maxsi %jit3A_2181, %sub3A_2180 : i32
      %min3A_2184 = arith.minsi %jit3A_2182, %max3A_2183 : i32
      %broadcast_in_dim3A_2185 = vector.broadcast %min3A_2184 : i32 to vector<16xi32>
      %gather3A_2186 = tpu.vector_load_idx %arg42[%iota3A, %broadcast_in_dim3A_2185] : memref<16x128xf32, #tpu.memory_space<vmem>>[vector<16xi32>, vector<16xi32>], vector<16xf32>,
      %ge3A_2187 = arith.constant 999936 : i32
      %ge3A_2188 = arith.cmpi sge, %reduce_max3A_1860, %ge3A_2187 : i32
      %broadcast_in_dim3A_2189 = vector.broadcast %ge3A_2188 : i1 to vector<16xi1>
      %select_n3A_2190 = arith.select %broadcast_in_dim3A_2189, %gather3A_2186, %gather3A_2178 : vector<16xi1>, vector<16xf32>
      %add3A_2191 = arith.constant 9 : i32
      %add3A_2192 = arith.addi %mul3A_406, %add3A_2191 : i32
      %broadcast_in_dim3A_2193 = vector.broadcast %add3A_2192 : i32 to vector<16xi32>
      tpu.vector_store_idx %arg44[%iota3A, %broadcast_in_dim3A_2193], %select_n3A_2190 : memref<16x512xf32, #tpu.memory_space<vmem>>[vector<16xi32>, vector<16xi32>], vector<16xf32>,
      %sub3A_2194 = arith.subi %reduce_max3A_1881, %multiple_of3A_1888 : i32
      %min3A_2195 = arith.constant 127 : i32
      %min3A_2196 = arith.minsi %sub3A_2194, %min3A_2195 : i32
      %broadcast_in_dim3A_2197 = vector.broadcast %min3A_2196 : i32 to vector<16xi32>
      %gather3A_2198 = tpu.vector_load_idx %arg35[%iota3A, %broadcast_in_dim3A_2197] : memref<16x128xf32, #tpu.memory_space<vmem>>[vector<16xi32>, vector<16xi32>], vector<16xf32>,
      %sub3A_2199 = arith.constant 999872 : i32
      %sub3A_2200 = arith.subi %reduce_max3A_1881, %sub3A_2199 : i32
      %jit3A_2201 = arith.constant 0 : i32
      %jit3A_2202 = arith.constant 127 : i32
      %max3A_2203 = arith.maxsi %jit3A_2201, %sub3A_2200 : i32
      %min3A_2204 = arith.minsi %jit3A_2202, %max3A_2203 : i32
      %broadcast_in_dim3A_2205 = vector.broadcast %min3A_2204 : i32 to vector<16xi32>
      %gather3A_2206 = tpu.vector_load_idx %arg42[%iota3A, %broadcast_in_dim3A_2205] : memref<16x128xf32, #tpu.memory_space<vmem>>[vector<16xi32>, vector<16xi32>], vector<16xf32>,
      %ge3A_2207 = arith.constant 999936 : i32
      %ge3A_2208 = arith.cmpi sge, %reduce_max3A_1881, %ge3A_2207 : i32
      %broadcast_in_dim3A_2209 = vector.broadcast %ge3A_2208 : i1 to vector<16xi1>
      %select_n3A_2210 = arith.select %broadcast_in_dim3A_2209, %gather3A_2206, %gather3A_2198 : vector<16xi1>, vector<16xf32>
      %add3A_2211 = arith.constant 10 : i32
      %add3A_2212 = arith.addi %mul3A_406, %add3A_2211 : i32
      %broadcast_in_dim3A_2213 = vector.broadcast %add3A_2212 : i32 to vector<16xi32>
      tpu.vector_store_idx %arg44[%iota3A, %broadcast_in_dim3A_2213], %select_n3A_2210 : memref<16x512xf32, #tpu.memory_space<vmem>>[vector<16xi32>, vector<16xi32>], vector<16xf32>,
      %sub3A_2214 = arith.subi %reduce_max3A_1902, %multiple_of3A_1909 : i32
      %min3A_2215 = arith.constant 127 : i32
      %min3A_2216 = arith.minsi %sub3A_2214, %min3A_2215 : i32
      %broadcast_in_dim3A_2217 = vector.broadcast %min3A_2216 : i32 to vector<16xi32>
      %gather3A_2218 = tpu.vector_load_idx %arg36[%iota3A, %broadcast_in_dim3A_2217] : memref<16x128xf32, #tpu.memory_space<vmem>>[vector<16xi32>, vector<16xi32>], vector<16xf32>,
      %sub3A_2219 = arith.constant 999872 : i32
      %sub3A_2220 = arith.subi %reduce_max3A_1902, %sub3A_2219 : i32
      %jit3A_2221 = arith.constant 0 : i32
      %jit3A_2222 = arith.constant 127 : i32
      %max3A_2223 = arith.maxsi %jit3A_2221, %sub3A_2220 : i32
      %min3A_2224 = arith.minsi %jit3A_2222, %max3A_2223 : i32
      %broadcast_in_dim3A_2225 = vector.broadcast %min3A_2224 : i32 to vector<16xi32>
      %gather3A_2226 = tpu.vector_load_idx %arg42[%iota3A, %broadcast_in_dim3A_2225] : memref<16x128xf32, #tpu.memory_space<vmem>>[vector<16xi32>, vector<16xi32>], vector<16xf32>,
      %ge3A_2227 = arith.constant 999936 : i32
      %ge3A_2228 = arith.cmpi sge, %reduce_max3A_1902, %ge3A_2227 : i32
      %broadcast_in_dim3A_2229 = vector.broadcast %ge3A_2228 : i1 to vector<16xi1>
      %select_n3A_2230 = arith.select %broadcast_in_dim3A_2229, %gather3A_2226, %gather3A_2218 : vector<16xi1>, vector<16xf32>
      %add3A_2231 = arith.constant 11 : i32
      %add3A_2232 = arith.addi %mul3A_406, %add3A_2231 : i32
      %broadcast_in_dim3A_2233 = vector.broadcast %add3A_2232 : i32 to vector<16xi32>
      tpu.vector_store_idx %arg44[%iota3A, %broadcast_in_dim3A_2233], %select_n3A_2230 : memref<16x512xf32, #tpu.memory_space<vmem>>[vector<16xi32>, vector<16xi32>], vector<16xf32>,
      %sub3A_2234 = arith.subi %reduce_max3A_1923, %multiple_of3A_1930 : i32
      %min3A_2235 = arith.constant 127 : i32
      %min3A_2236 = arith.minsi %sub3A_2234, %min3A_2235 : i32
      %broadcast_in_dim3A_2237 = vector.broadcast %min3A_2236 : i32 to vector<16xi32>
      %gather3A_2238 = tpu.vector_load_idx %arg37[%iota3A, %broadcast_in_dim3A_2237] : memref<16x128xf32, #tpu.memory_space<vmem>>[vector<16xi32>, vector<16xi32>], vector<16xf32>,
      %sub3A_2239 = arith.constant 999872 : i32
      %sub3A_2240 = arith.subi %reduce_max3A_1923, %sub3A_2239 : i32
      %jit3A_2241 = arith.constant 0 : i32
      %jit3A_2242 = arith.constant 127 : i32
      %max3A_2243 = arith.maxsi %jit3A_2241, %sub3A_2240 : i32
      %min3A_2244 = arith.minsi %jit3A_2242, %max3A_2243 : i32
      %broadcast_in_dim3A_2245 = vector.broadcast %min3A_2244 : i32 to vector<16xi32>
      %gather3A_2246 = tpu.vector_load_idx %arg42[%iota3A, %broadcast_in_dim3A_2245] : memref<16x128xf32, #tpu.memory_space<vmem>>[vector<16xi32>, vector<16xi32>], vector<16xf32>,
      %ge3A_2247 = arith.constant 999936 : i32
      %ge3A_2248 = arith.cmpi sge, %reduce_max3A_1923, %ge3A_2247 : i32
      %broadcast_in_dim3A_2249 = vector.broadcast %ge3A_2248 : i1 to vector<16xi1>
      %select_n3A_2250 = arith.select %broadcast_in_dim3A_2249, %gather3A_2246, %gather3A_2238 : vector<16xi1>, vector<16xf32>
      %add3A_2251 = arith.constant 12 : i32
      %add3A_2252 = arith.addi %mul3A_406, %add3A_2251 : i32
      %broadcast_in_dim3A_2253 = vector.broadcast %add3A_2252 : i32 to vector<16xi32>
      tpu.vector_store_idx %arg44[%iota3A, %broadcast_in_dim3A_2253], %select_n3A_2250 : memref<16x512xf32, #tpu.memory_space<vmem>>[vector<16xi32>, vector<16xi32>], vector<16xf32>,
      %sub3A_2254 = arith.subi %reduce_max3A_1944, %multiple_of3A_1951 : i32
      %min3A_2255 = arith.constant 127 : i32
      %min3A_2256 = arith.minsi %sub3A_2254, %min3A_2255 : i32
      %broadcast_in_dim3A_2257 = vector.broadcast %min3A_2256 : i32 to vector<16xi32>
      %gather3A_2258 = tpu.vector_load_idx %arg38[%iota3A, %broadcast_in_dim3A_2257] : memref<16x128xf32, #tpu.memory_space<vmem>>[vector<16xi32>, vector<16xi32>], vector<16xf32>,
      %sub3A_2259 = arith.constant 999872 : i32
      %sub3A_2260 = arith.subi %reduce_max3A_1944, %sub3A_2259 : i32
      %jit3A_2261 = arith.constant 0 : i32
      %jit3A_2262 = arith.constant 127 : i32
      %max3A_2263 = arith.maxsi %jit3A_2261, %sub3A_2260 : i32
      %min3A_2264 = arith.minsi %jit3A_2262, %max3A_2263 : i32
      %broadcast_in_dim3A_2265 = vector.broadcast %min3A_2264 : i32 to vector<16xi32>
      %gather3A_2266 = tpu.vector_load_idx %arg42[%iota3A, %broadcast_in_dim3A_2265] : memref<16x128xf32, #tpu.memory_space<vmem>>[vector<16xi32>, vector<16xi32>], vector<16xf32>,
      %ge3A_2267 = arith.constant 999936 : i32
      %ge3A_2268 = arith.cmpi sge, %reduce_max3A_1944, %ge3A_2267 : i32
      %broadcast_in_dim3A_2269 = vector.broadcast %ge3A_2268 : i1 to vector<16xi1>
      %select_n3A_2270 = arith.select %broadcast_in_dim3A_2269, %gather3A_2266, %gather3A_2258 : vector<16xi1>, vector<16xf32>
      %add3A_2271 = arith.constant 13 : i32
      %add3A_2272 = arith.addi %mul3A_406, %add3A_2271 : i32
      %broadcast_in_dim3A_2273 = vector.broadcast %add3A_2272 : i32 to vector<16xi32>
      tpu.vector_store_idx %arg44[%iota3A, %broadcast_in_dim3A_2273], %select_n3A_2270 : memref<16x512xf32, #tpu.memory_space<vmem>>[vector<16xi32>, vector<16xi32>], vector<16xf32>,
      %sub3A_2274 = arith.subi %reduce_max3A_1965, %multiple_of3A_1972 : i32
      %min3A_2275 = arith.constant 127 : i32
      %min3A_2276 = arith.minsi %sub3A_2274, %min3A_2275 : i32
      %broadcast_in_dim3A_2277 = vector.broadcast %min3A_2276 : i32 to vector<16xi32>
      %gather3A_2278 = tpu.vector_load_idx %arg39[%iota3A, %broadcast_in_dim3A_2277] : memref<16x128xf32, #tpu.memory_space<vmem>>[vector<16xi32>, vector<16xi32>], vector<16xf32>,
      %sub3A_2279 = arith.constant 999872 : i32
      %sub3A_2280 = arith.subi %reduce_max3A_1965, %sub3A_2279 : i32
      %jit3A_2281 = arith.constant 0 : i32
      %jit3A_2282 = arith.constant 127 : i32
      %max3A_2283 = arith.maxsi %jit3A_2281, %sub3A_2280 : i32
      %min3A_2284 = arith.minsi %jit3A_2282, %max3A_2283 : i32
      %broadcast_in_dim3A_2285 = vector.broadcast %min3A_2284 : i32 to vector<16xi32>
      %gather3A_2286 = tpu.vector_load_idx %arg42[%iota3A, %broadcast_in_dim3A_2285] : memref<16x128xf32, #tpu.memory_space<vmem>>[vector<16xi32>, vector<16xi32>], vector<16xf32>,
      %ge3A_2287 = arith.constant 999936 : i32
      %ge3A_2288 = arith.cmpi sge, %reduce_max3A_1965, %ge3A_2287 : i32
      %broadcast_in_dim3A_2289 = vector.broadcast %ge3A_2288 : i1 to vector<16xi1>
      %select_n3A_2290 = arith.select %broadcast_in_dim3A_2289, %gather3A_2286, %gather3A_2278 : vector<16xi1>, vector<16xf32>
      %add3A_2291 = arith.constant 14 : i32
      %add3A_2292 = arith.addi %mul3A_406, %add3A_2291 : i32
      %broadcast_in_dim3A_2293 = vector.broadcast %add3A_2292 : i32 to vector<16xi32>
      tpu.vector_store_idx %arg44[%iota3A, %broadcast_in_dim3A_2293], %select_n3A_2290 : memref<16x512xf32, #tpu.memory_space<vmem>>[vector<16xi32>, vector<16xi32>], vector<16xf32>,
      %sub3A_2294 = arith.subi %reduce_max3A_1986, %multiple_of3A_1993 : i32
      %min3A_2295 = arith.constant 127 : i32
      %min3A_2296 = arith.minsi %sub3A_2294, %min3A_2295 : i32
      %broadcast_in_dim3A_2297 = vector.broadcast %min3A_2296 : i32 to vector<16xi32>
      %gather3A_2298 = tpu.vector_load_idx %arg40[%iota3A, %broadcast_in_dim3A_2297] : memref<16x128xf32, #tpu.memory_space<vmem>>[vector<16xi32>, vector<16xi32>], vector<16xf32>,
      %sub3A_2299 = arith.constant 999872 : i32
      %sub3A_2300 = arith.subi %reduce_max3A_1986, %sub3A_2299 : i32
      %jit3A_2301 = arith.constant 0 : i32
      %jit3A_2302 = arith.constant 127 : i32
      %max3A_2303 = arith.maxsi %jit3A_2301, %sub3A_2300 : i32
      %min3A_2304 = arith.minsi %jit3A_2302, %max3A_2303 : i32
      %broadcast_in_dim3A_2305 = vector.broadcast %min3A_2304 : i32 to vector<16xi32>
      %gather3A_2306 = tpu.vector_load_idx %arg42[%iota3A, %broadcast_in_dim3A_2305] : memref<16x128xf32, #tpu.memory_space<vmem>>[vector<16xi32>, vector<16xi32>], vector<16xf32>,
      %ge3A_2307 = arith.constant 999936 : i32
      %ge3A_2308 = arith.cmpi sge, %reduce_max3A_1986, %ge3A_2307 : i32
      %broadcast_in_dim3A_2309 = vector.broadcast %ge3A_2308 : i1 to vector<16xi1>
      %select_n3A_2310 = arith.select %broadcast_in_dim3A_2309, %gather3A_2306, %gather3A_2298 : vector<16xi1>, vector<16xf32>
      %add3A_2311 = arith.constant 15 : i32
      %add3A_2312 = arith.addi %mul3A_406, %add3A_2311 : i32
      %broadcast_in_dim3A_2313 = vector.broadcast %add3A_2312 : i32 to vector<16xi32>
      tpu.vector_store_idx %arg44[%iota3A, %broadcast_in_dim3A_2313], %select_n3A_2310 : memref<16x512xf32, #tpu.memory_space<vmem>>[vector<16xi32>, vector<16xi32>], vector<16xf32>,
      %scan3A_2314 = arith.constant 0 : i32
      scf.yield %scan3A_2314 : i32
    }
    %scan3A_400 = arith.constant 32 : i32
    "tpu.region"() ({
      %run_scoped3A = tpu.sem_alloc : memref<!tpu.dma_semaphore, #tpu.memory_space<semaphore_mem>>
      %dma_start3A_403 = arith.constant 0 : i32
      %dma_start3A_404 = tpu.memref_slice %arg7[%dma_start3A_403, %mul3A_2] : memref<16x32768xf32, #tpu.memory_space<hbm>> -> memref<16x512xf32, #tpu.memory_space<hbm>>
      %dma_start3A_405 = arith.constant 0 : i32
      %dma_start3A_406 = tpu.memref_slice %arg7[%dma_start3A_405, %mul3A_2] : memref<16x32768xf32, #tpu.memory_space<hbm>> -> memref<16x512xf32, #tpu.memory_space<hbm>>
      tpu.enqueue_dma source(%arg43 : memref<16x512xf32, #tpu.memory_space<vmem>>) target(%dma_start3A_406 : memref<16x512xf32, #tpu.memory_space<hbm>>) target_semaphore(%run_scoped3A : memref<!tpu.dma_semaphore, #tpu.memory_space<semaphore_mem>>)
      %dma_wait3A = arith.constant 0 : i32
      %dma_wait3A_407 = tpu.memref_slice %arg7[%dma_wait3A, %mul3A_2] : memref<16x32768xf32, #tpu.memory_space<hbm>> -> memref<16x512xf32, #tpu.memory_space<hbm>>
      %dma_wait3A_408 = arith.constant 0 : i32
      %dma_wait3A_409 = tpu.memref_slice %arg7[%dma_wait3A_408, %mul3A_2] : memref<16x32768xf32, #tpu.memory_space<hbm>> -> memref<16x512xf32, #tpu.memory_space<hbm>>
      tpu.wait_dma2 semaphore(%run_scoped3A : memref<!tpu.dma_semaphore, #tpu.memory_space<semaphore_mem>>) src(%arg43 : memref<16x512xf32, #tpu.memory_space<vmem>>) dst(%dma_wait3A_409 : memref<16x512xf32, #tpu.memory_space<hbm>>)
      tpu.yield
    }) : () -> ()
    %add3A_401 = arith.constant 16384 : i32
    %add3A_402 = arith.addi %add3A_401, %mul3A_2 : i32
    "tpu.region"() ({
      %run_scoped3A = tpu.sem_alloc : memref<!tpu.dma_semaphore, #tpu.memory_space<semaphore_mem>>
      %dma_start3A_403 = arith.constant 0 : i32
      %dma_start3A_404 = tpu.memref_slice %arg7[%dma_start3A_403, %add3A_402] : memref<16x32768xf32, #tpu.memory_space<hbm>> -> memref<16x512xf32, #tpu.memory_space<hbm>>
      %dma_start3A_405 = arith.constant 0 : i32
      %dma_start3A_406 = tpu.memref_slice %arg7[%dma_start3A_405, %add3A_402] : memref<16x32768xf32, #tpu.memory_space<hbm>> -> memref<16x512xf32, #tpu.memory_space<hbm>>
      tpu.enqueue_dma source(%arg44 : memref<16x512xf32, #tpu.memory_space<vmem>>) target(%dma_start3A_406 : memref<16x512xf32, #tpu.memory_space<hbm>>) target_semaphore(%run_scoped3A : memref<!tpu.dma_semaphore, #tpu.memory_space<semaphore_mem>>)
      %dma_wait3A = arith.constant 0 : i32
      %dma_wait3A_407 = tpu.memref_slice %arg7[%dma_wait3A, %add3A_402] : memref<16x32768xf32, #tpu.memory_space<hbm>> -> memref<16x512xf32, #tpu.memory_space<hbm>>
      %dma_wait3A_408 = arith.constant 0 : i32
      %dma_wait3A_409 = tpu.memref_slice %arg7[%dma_wait3A_408, %add3A_402] : memref<16x32768xf32, #tpu.memory_space<hbm>> -> memref<16x512xf32, #tpu.memory_space<hbm>>
      tpu.wait_dma2 semaphore(%run_scoped3A : memref<!tpu.dma_semaphore, #tpu.memory_space<semaphore_mem>>) src(%arg44 : memref<16x512xf32, #tpu.memory_space<vmem>>) dst(%dma_wait3A_409 : memref<16x512xf32, #tpu.memory_space<hbm>>)
      tpu.yield
    }) : () -> ()
    return
  }
}

</mosaic_0001>

<sc_bundles>
// kernel: kernel.3.cloned.1.call-start
scs
__scs_entry_jumppad:
0x0: {  	(pc) =	sbr.rel $0x88, $3  }
0x1: {  	(tag) =	ssettag $0x0;
	lr =	simm.s32 $0x1  }
0x2: {  	[smem:$0x3F9E] =	sst lr;
	_ =	strace $0xD0000000  }
0x3: {  	_ = 	snop  }
0x4: {  	_ = 	snop  }
0x5: {  	_ = 	snop  }
0x6: {  	_ = 	snop  }
0x7: {  	_ = 	snop  }
__scs_overlays_trampoline_lowered:
0x8: {  	[smem:$0x3FAD] =	sst s0  }
0x9: {  	[smem:$0x3FAE] =	sst s1  }
0xa: {  	[smem:$0x3FAF] =	sst s2  }
0xb: {  	[smem:$0x3FB0] =	sst s3  }
0xc: {  	[smem:$0x3FB1] =	sst s4  }
0xd: {  	[smem:$0x3FB2] =	sst s5  }
0xe: {  	[smem:$0x3FB3] =	sst s6  }
0xf: {  	[smem:$0x3FB4] =	sst s7  }
0x10: {  	[smem:$0x3FB5] =	sst s8  }
0x11: {  	[smem:$0x3FB6] =	sst s9;
	s0 =	simm.s32 @!p0 $0x0  }
0x12: {  	s1 =	sld [smem:$0x3F9C];
	s0 =	simm.s32 @p0 $0x1  }
0x13: {  	[smem:$0x3FB7] =	sst s0;
	s0 =	simm.s32 @!p1 $0x0  }
0x14: {  	s2 =	sld [smem:$0x3F9B];
	s0 =	simm.s32 @p1 $0x1  }
0x15: {  	[smem:$0x3FB8] =	sst s0;
	s0 =	simm.s32 @!p2 $0x0  }
0x16: {  	s3 =	sld [smem:$0x3FDB];
	s0 =	simm.s32 @p2 $0x1  }
0x17: {  	s4 =	simm.s32 $0x1BF5;
	[smem:$0x3FBA] =	sst s0  }
0x18: {  	s0 =	sld [smem:$0x3F9D];
	_ =	swait.ge [sflag:s4], $0x0  }
0x19: {  	s7 =	sld [smem:$0x3F9E]  }
0x1a: {  	s8 =	sadd.s32 $0xFFFFE003, lr  }
0x1b: {  	s9 =	sadd.s32 $0xFFFFFEF7, lr;
	s5 =	simm.s32 $0xFFFFFFFF;
	p2 =	slt.u32 s8, $0xFFFFF086  }
0x1c: {  	p1 =	slt.u32 s9, $0xF7A;
	s5 =	simm.s32 @!p2 $0x0  }
0x1d: {  	s5 =	simm.s32 @p1 $0x1;
	p0 =	seq.s32 s7, s2  }
0x1e: {  	s7 =	smul.u32 @!p0 $0xF7A, s2;
	p2 =	seq.s32 @!p0 s5, $0x0  }
0x1f: {  	s9 =	smul.u32 $0xF7A, s1;
	s8 =	simm.s32 @!p0 $0x1BF5;
	p2 =	por !p2, p0  }
0x20: {  	[sflag:s8] =	ssyncset.s32 @!p0 $0xFFFFF086;
	s6 =	sadd.s32 @!p0 s3, s7;
	s7 =	simm.s32 @!p0 $0x108  }
0x21: {  	s3 =	sadd.s32 s3, s9;
	s6 =	sadd.s32 @!p0 $0x88, s6;
	s7 =	simm.s32 @p2 $0x1082  }
0x22: {  	[simem:s7], [sflag:s8] =	dma.local @!p0 [hbm:s6], $0xF7A  }
0x23: {  	s9 =	sor.u32 $0xD0000000, s2;
	s6 =	simm.s32 $0x108;
	_ =	swait.ge @!p0 [sflag:s8], $0x0  }
0x24: {  	s3 =	sadd.s32 $0x88, s3;
	s6 =	simm.s32 @!p1 $0x1082;
	[sflag:s4] =	ssyncset.s32 $0xFFFFF086  }
0x25: {  	[simem:s6], [sflag:s4] =	dma.local [hbm:s3], $0xF7A  }
0x26: {  	[smem:$0x3F9E] =	sst s1;
	(tag) =	ssettag s2;
	_ =	strace s9  }
0x27: {  	s1 =	sld [smem:$0x3FAE]  }
0x28: {  	s2 =	sld [smem:$0x3FAF]  }
0x29: {  	s4 =	sld [smem:$0x3FB1]  }
0x2a: {  	p0 =	seq.s32 s5, $0x0;
	s5 =	sld [smem:$0x3FB2]  }
0x2b: {  	s6 =	sld [smem:$0x3FB3]  }
0x2c: {  	s7 =	sld [smem:$0x3FB4]  }
0x2d: {  	s3 =	simm.s32 $0x108;
	s8 =	sld [smem:$0x3FB5]  }
0x2e: {  	s3 =	simm.s32 @!p0 $0x1082;
	s9 =	sld [smem:$0x3FB6]  }
0x2f: {  	lr =	sadd.s32 s0, s3;
	s0 =	sld [smem:$0x3FAD]  }
0x30: {  	s3 =	sld [smem:$0x3FB0]  }
0x31: {  	[smem:$0x3FB9] =	sst s10  }
0x32: {  	s10 =	sld [smem:$0x3FB7];
	_ =	sdelay $0x3  }
0x33: {  	p0 =	seq.s32 s10, $0x1;
	s10 =	sld [smem:$0x3FB9];
	_ =	sdelay $0x3  }
0x34: {  	[smem:$0x3FB9] =	sst s10  }
0x35: {  	s10 =	sld [smem:$0x3FB8];
	_ =	sdelay $0x3  }
0x36: {  	p1 =	seq.s32 s10, $0x1;
	s10 =	sld [smem:$0x3FB9];
	_ =	sdelay $0x3  }
0x37: {  	[smem:$0x3FB9] =	sst s10  }
0x38: {  	s10 =	sld [smem:$0x3FBA]  }
0x39: {  	_ = 	snop;
	(pc) =	sbr.ind lr, $3  }
0x3a: {  	_ = 	snop  }
0x3b: {  	_ = 	snop  }
0x3c: {  	p2 =	seq.s32 s10, $0x1;
	s10 =	sld [smem:$0x3FB9]  }
0x3d: {  	_ =	shalt  }
0x3e: {  	_ =	shalt  }
0x3f: {  	_ =	shalt  }
0x40: {  	_ =	shalt  }
0x41: {  	_ =	shalt  }
0x42: {  	_ =	shalt  }
0x43: {  	_ =	shalt  }
0x44: {  	_ =	shalt  }
0x45: {  	_ =	shalt  }
0x46: {  	_ =	shalt  }
0x47: {  	_ =	shalt  }
0x48: {  	_ =	shalt  }
0x49: {  	_ =	shalt  }
0x4a: {  	_ =	shalt  }
0x4b: {  	_ =	shalt  }
0x4c: {  	_ =	shalt  }
0x4d: {  	_ =	shalt  }
0x4e: {  	_ =	shalt  }
0x4f: {  	_ =	shalt  }
0x50: {  	_ =	shalt  }
0x51: {  	_ =	shalt  }
0x52: {  	_ =	shalt  }
0x53: {  	_ =	shalt  }
0x54: {  	_ =	shalt  }
0x55: {  	_ =	shalt  }
0x56: {  	_ =	shalt  }
0x57: {  	_ =	shalt  }
0x58: {  	_ =	shalt  }
0x59: {  	_ =	shalt  }
0x5a: {  	_ =	shalt  }
0x5b: {  	_ =	shalt  }
0x5c: {  	_ =	shalt  }
0x5d: {  	_ =	shalt  }
0x5e: {  	_ =	shalt  }
0x5f: {  	_ =	shalt  }
0x60: {  	_ =	shalt  }
0x61: {  	_ =	shalt  }
0x62: {  	_ =	shalt  }
0x63: {  	_ =	shalt  }
0x64: {  	_ =	shalt  }
0x65: {  	_ =	shalt  }
0x66: {  	_ =	shalt  }
0x67: {  	_ =	shalt  }
0x68: {  	_ =	shalt  }
0x69: {  	_ =	shalt  }
0x6a: {  	_ =	shalt  }
0x6b: {  	_ =	shalt  }
0x6c: {  	_ =	shalt  }
0x6d: {  	_ =	shalt  }
0x6e: {  	_ =	shalt  }
0x6f: {  	_ =	shalt  }
0x70: {  	_ =	shalt  }
0x71: {  	_ =	shalt  }
0x72: {  	_ =	shalt  }
0x73: {  	_ =	shalt  }
0x74: {  	_ =	shalt  }
0x75: {  	_ =	shalt  }
0x76: {  	_ =	shalt  }
0x77: {  	_ =	shalt  }
0x78: {  	_ =	shalt  }
0x79: {  	_ =	shalt  }
0x7a: {  	_ =	shalt  }
0x7b: {  	_ =	shalt  }
0x7c: {  	_ =	shalt  }
0x7d: {  	_ =	shalt  }
0x7e: {  	_ =	shalt  }
0x7f: {  	_ =	shalt  }
0x80: {  	_ =	shalt  }
0x81: {  	_ =	shalt  }
0x82: {  	_ =	shalt  }
0x83: {  	_ =	shalt  }
0x84: {  	_ =	shalt  }
0x85: {  	_ =	shalt  }
0x86: {  	_ =	shalt  }
0x87: {  	_ =	shalt  }
.Lfunc_end0:
.L_simem_size_0:
called_computation_lowered:
.L_overlay_start_0:
0x88: {  	s2 =	sld [smem:$0x3FD9]  }
0x89: {  	s3 =	sld [smem:$0x3FFE];
	_ =	sdelay $0x1  }
0x8a: {  	s1 =	srdreg.scid  }
0x8b: {  	s0 =	sand.u32 $0x1, s1  }
0x8c: {  	s17 =	sshll.u32 s0, $0xA;
	s2 =	sadd.s32 s3, s2  }
0x8d: {  	s2 =	sadd.s32 s2, s17  }
0x8e: {  	[smem:$0x3FC5] =	sst s2  }
0x8f: {  	_ = 	snop  }
0x90: {  	s2 =	sld [smem:$0x3FC9]  }
0x91: {  	s18 =	sld [smem:$0x3FC8]  }
0x92: {  	s4 =	sld [smem:$0x3FC7]  }
0x93: {  	s5 =	sld [smem:$0x3FD0];
	(tm) =	ssettm $0x1  }
0x94: {  	s6 =	sld [smem:$0x3FFB];
	_ =	sdelay $0x3  }
0x95: {  	_ =	strace s6  }
0x96: {  	s6 =	sld [smem:$0x3FFC];
	_ =	sdelay $0x3  }
0x97: {  	_ =	strace s6  }
0x98: {  	s6 =	sld [smem:$0x3FFD];
	_ =	sdelay $0x3  }
0x99: {  	_ =	strace s6  }
0x9a: {  	_ =	strace $0x8FFFFFFF  }
0x9b: {  	s19 =	sld [smem:$0x3FDB];
	_ =	sdelay $0x1  }
0x9c: {  	s7 =	simm.s32 $_scs_section_size  }
0x9d: {  	s8 =	simm.s32 $_size__tile_overlayer_lowered;
	s9 =	simm.s32 $_tile_overlayer_lowered  }
0x9e: {  	s22 =	simm.s32 $0x1BFF;
	s21 =	sshll.u32 s9, $0x1;
	s6 =	sadd.s32 s7, s19  }
0x9f: {  	s10 =	simm.s32 $0x0;
	s20 =	sshll.u32 s8, $0x1;
	s8 =	sadd.s32 s21, s6  }
0xa0: {  	[timem:s10], [sflag:s22] =	dma.local [hbm:s8], s20  }
0xa1: {  	_ =	swait.ge [sflag:s22], s20  }
0xa2: {  	s7 =	ssub.s32 $0x0, s20;
	[sflag:s22] =	ssyncset.done $0x0  }
0xa3: {  	[sflag:s22] =	ssyncadd.s32 s7;
	_ =	sdelay $0x1  }
0xa4: {  	s23 =	simm.s32 $0x1B8B  }
0xa5: {  	_ =	swait.ge [sflag:s23], $0x1  }
0xa6: {  	[sflag:s23] =	ssyncset.done $0x0  }
0xa7: {  	s25 =	simm.s32 $0x1B8E;
	s24 =	sld [smem:$0x3FFE];
	[sflag:s23] =	ssyncadd.s32 $0xFFFFFFFF  }
0xa8: {  	s26 =	simm.s32 $execute0_lowered;
	[smem:$0x3FD2] =	sst s25  }
0xa9: {  	s8 =	sshll.u32 s26, $0x1;
	_ =	strace $0x80000046;
	[dreg:$0x1] =	wrdreg $0xFFFFFFFF  }
0xaa: {  	s28 =	simm.s32 $_size_execute0_lowered;
	s6 =	sadd.s32 s6, s8;
	[dreg:$0x0] =	wrdreg $0x0  }
0xab: {  	s8 =	sshll.u32 s28, $0x1;
	[dreg:$0x2] =	wrdreg s6  }
0xac: {  	[dreg:$0x3] =	wrdreg s8  }
0xad: {  	[dreg:$0x4] =	wrdreg $0xC0  }
0xae: {  	_ =	task [dreg:s10], $0x5FFFF  }
0xaf: {  	[dreg:$0x1] =	wrdreg $0xFFFFFFFF  }
0xb0: {  	[dreg:$0x0] =	wrdreg $0x60  }
0xb1: {  	[dreg:$0x2] =	wrdreg s2  }
0xb2: {  	[dreg:$0x3] =	wrdreg s18  }
0xb3: {  	[dreg:$0x4] =	wrdreg s4  }
0xb4: {  	[dreg:$0x5] =	wrdreg s24  }
0xb5: {  	[dreg:$0x6] =	wrdreg s5  }
0xb6: {  	[dreg:$0x7] =	wrdreg $0x9  }
0xb7: {  	_ =	task.clear_ibuf [dreg:s10], $0x8FFFF;
	_ =	strace $0x90000046  }
0xb8: {  	s29 =	simm.s32 $0x9;
	_ =	strace $0x80000048  }
0xb9: {  	_ =	swait.ge [sflag:s29], $0x1  }
0xba: {  	[sflag:s29] =	ssyncadd.s32 $0xFFFFFFFF  }
0xbb: {  	_ =	strace $0x90000048  }
0xbc: {  	_ =	sfence  }
0xbd: {  	s30 =	sld [smem:$0x0];
	_ =	sdelay $0x2  }
0xbe: {  	s31 =	sshll.u32 s1, $0xD;
	s1 =	sshrl.u32 s1, $0x2  }
0xbf: {  	s3 =	sand.u32 $0x4000, s31;
	s1 =	sadd.s32 s1, s30  }
0xc0: {  	s0 =	sor.u32 s3, s0;
	s1 =	sshll.u32 s1, $0x11  }
0xc1: {  	s0 =	sor.u32 s1, s0  }
0xc2: {  	s0 =	sadd.s32 $0x8F2B, s0  }
0xc3: {  	[sflag:s0] =	ssyncadd.remote.s32 $0x1  }
0xc4: {  	_ =	sfence.sel $0xFFFF  }
0xc5: {  	[dreg:$0x0] =	wrdreg $0xFFFFFFFF;
	(pc) =	sbr.abs _section_cstart, $3  }
0xc6: {  	[dreg:$0x1] =	wrdreg $0xFFFFFFFF  }
0xc7: {  	_ =	task.clear_ibuf [dreg:s10], $0x2FFFF;
	_ =	strace $0x9FFFFFFF  }
0xc8: {  	(tm) =	ssettm $0x7FFFFFFF  }
0xc9: {  	_ =	shalt  }
tec
execute0_lowered:
.L_overlay_start_1:
0x0: {  	(tag) =	ssettag $0x1  }
0x1: {  	vm0 =	vcmask $0x308  }
0x2: {  	vm1 =	vcmask $0x70C;
	v0 =	vimm.s32 $0x1380;
	vm3 =	vcmask $0x300  }
0x3: {  	vm2 =	vcmask $0xB10;
	vm4 =	vcmask $0x704;
	v0 =	vsel vm3, $0x0, v0  }
0x4: {  	vm5 =	vcmask $0xB08;
	vm6 =	vcmask $0xF0C;
	v0 =	vsel vm4, $0x80, v0  }
0x5: {  	s0 =	rddreg [dreg:$0x0];
	vm7 =	vcmask $0x1310;
	vm8 =	vcmask $0x1714;
	v0 =	vsel vm5, $0x100, v0  }
0x6: {  	s3 =	rddreg [dreg:$0x3];
	vm9 =	vcmask $0x1B18;
	vm10 =	vcmask $0x1F1C;
	v0 =	vsel vm6, $0x180, v0  }
0x7: {  	s4 =	rddreg [dreg:$0x4];
	s5 =	simm.s32 $0x0;
	vm11 =	vcmask $0x2320;
	vm12 =	vcmask $0x2724;
	v0 =	vsel vm7, $0x200, v0  }
0x8: {  	s24 =	srdreg.scid;
	s6 =	stileid.u32;
	s11 =	simm.s32 $0x10200;
	vm13 =	vcmask $0x2B28;
	vm14 =	vcmask $0x2F2C;
	v0 =	vsel vm8, $0x280, v0  }
0x9: {  	vm15 =	vcmask $0x3330;
	v1 =	vlaneseq.u32;
	s1 =	simm.s32 $0x0;
	[smem:$0x7FF] =	sst s5;
	s5 =	sand.u32 $0x1, s24;
	v0 =	vsel vm9, $0x300, v0  }
0xa: {  	s7 =	sadd.s32 $0x800, s3;
	s6 =	sshll.u32 s6, $0xA;
	s3 =	sadd.s32 $0x600, s3;
	vm3 =	vcmask $0xF14;
	v1 =	vmul.u32 $0x80, v1;
	v0 =	vsel vm10, $0x380, v0  }
0xb: {  	_ =	strace $0x80000047;
	[dreg:$0x6] =	wrdreg s7;
	s25 =	sshll.u32 s5, $0x9;
	vm4 =	vcmask $0x1318;
	vm5 =	vcmask $0x171C;
	v0 =	vsel vm11, $0x1000, v0  }
0xc: {  	[dreg:$0x7] =	wrdreg s3;
	s26 =	ssub.s32 $0x2, s5;
	s28 =	sor.u32 s25, s6;
	vm6 =	vcmask $0x1B20;
	vm7 =	vcmask $0x1F24;
	v0 =	vsel vm12, $0x1080, v0  }
.Ltmp0:
0xd: {  	s7 =	sshrl.u32 s28, $0x3;
	s4 =	sadd.s32 s4, s28;
	vm8 =	vcmask $0x2328;
	vm9 =	vcmask $0x272C;
	v0 =	vsel vm13, $0x1100, v0;
	(pc) =	sbr.rel .LBB2_1-.Ltmp0, $4  }
0xe: {  	s29 =	sshrl.u32 s26, $0x1;
	s0 =	sadd.s32 s0, s7;
	[dreg:$0x8] =	wrdreg s4;
	vm10 =	vcmask $0x2B30;
	vm11 =	vcmask $0x2F34;
	v0 =	vsel vm14, $0x1180, v0  }
0xf: {  	s3 =	ssub.s32 s26, s29;
	s30 =	sadd.s32 $0x4000, s4;
	[dreg:$0x9] =	wrdreg s0;
	vm12 =	vcmask $0x3338;
	v0 =	vsel vm15, $0x1200, v0;
	vm15 =	vcmask $0x3734  }
0x10: {  	s5 =	simm.s32 $0x10A00;
	s31 =	smax.u32 s3, $0x1;
	[dreg:$0xa] =	wrdreg s30;
	vm13 =	vcmask $0x373C;
	v0 =	vsel vm15, $0x1280, v0;
	vm15 =	vcmask $0x3B38  }
0x11: {  	s25 =	simm.s32 $0x2;
	s4 =	simm.s32 $0x3;
	[dreg:$0xb] =	wrdreg s31;
	vm14 =	vmmov $0x7fff;
	v0 =	vsel vm15, $0x1300, v0;
	vm15 =	vmmov $0x1  }
.LBB2_5:
0x12: {  	s0 =	rddreg [dreg:$0x8];
	s1 =	simm.s32 $0x11200  }
0x13: {  	s2 =	simm.s32 $0x1000;
	s6 =	simm.s32 $0x40000;
	s4 =	simm.s32 $0x3  }
0x14: {  	[hbm4b:s0+s2] =	stream.strided.scatter [tilespmem:s1], [sflag:$0x3], $0x2000, s6, s2, $0x38;
	[tilespmem:$0x15200] =	vst v63  }
0x15: {  	_ =	swait.ge [sflag:s4], $0x2000  }
0x16: {  	[sflag:s4] =	ssyncset.done $0x0  }
0x17: {  	s29 =	rddreg [dreg:$0xa];
	[sflag:s4] =	ssyncadd.s32 $0xFFFFE000  }
0x18: {  	[hbm4b:s29+s2] =	stream.strided.scatter [tilespmem:s3], [sflag:$0x3], $0x2000, s6, s2, $0x38;
	[tilespmem:$0x15200] =	vst v63  }
0x19: {  	_ =	swait.ge [sflag:s4], $0x2000  }
0x1a: {  	s30 =	rddreg [dreg:$0xc]  }
0x1b: {  	s31 =	rddreg [dreg:$0xb];
	s1 =	sadd.s32 $0x1, s30  }
0x1c: {  	p0 =	sne.s32 s1, s31  }
.Ltmp1:
0x1d: {  	_ = 	snop;
	(pc) =	sbr.rel @!p0 .LBB2_6-.Ltmp1, $3  }
0x1e: {  	_ =	sdelay $0x1  }
0x1f: {  	[sflag:s4] =	ssyncset.done $0x0  }
0x20: {  	[sflag:s4] =	ssyncadd.s32 $0xFFFFE000  }
.LBB2_1:
0x21: {  	[dreg:$0xc] =	wrdreg s1  }
0x22: {  	s0 =	simm.s32 $0x0;
	s3 =	rddreg [dreg:$0x9]  }
0x23: {  	[tilespmem:s0], [sflag:$0x3] =	stream.linear.gather [hbm4b:s3+s0], $0x200, $0x38;
	[tilespmem:$0x15200] =	vst v63  }
0x24: {  	_ =	swait.ge [sflag:s4], $0x200  }
0x25: {  	[sflag:s4] =	ssyncset.done $0x0  }
0x26: {  	s13 =	rddreg [dreg:$0x6];
	[sflag:s4] =	ssyncadd.s32 $0xFFFFFE00  }
0x27: {  	[tilespmem:s11], [sflag:$0x3] =	stream.linear.gather [hbm4b:s13+s0], $0x800, $0x38;
	[tilespmem:$0x15200] =	vst v63  }
0x28: {  	_ =	swait.ge [sflag:s4], $0x800  }
0x29: {  	[sflag:s4] =	ssyncset.done $0x0  }
0x2a: {  	s14 =	rddreg [dreg:$0x7];
	[sflag:s4] =	ssyncadd.s32 $0xFFFFF800  }
0x2b: {  	[tilespmem:s5], [sflag:$0x3] =	stream.linear.gather [hbm4b:s14+s0], $0x800, $0x38;
	[tilespmem:$0x15200] =	vst v63  }
0x2c: {  	_ =	swait.ge [sflag:s4], $0x800  }
0x2d: {  	[sflag:s4] =	ssyncset.done $0x0  }
0x2e: {  	[sflag:s4] =	ssyncadd.s32 $0xFFFFF800  }
0x2f: {  	v2 =	vld [tilespmem:$0x0];
	_ =	sdelay $0x4  }
0x30: {  	v3 =	vsel vm0, $0x0, v2  }
0x31: {  	v4 =	vsel vm1, $0x0, v2;
	v3 =	vxor.u32 $0x80000000, v3  }
0x32: {  	v43 =	vsel vm2, $0x0, v2;
	(xrf0) =	vmax.scan.msk.u32 $0xffff, v3;
	v3 =	vxor.u32 $0x80000000, v4  }
0x33: {  	v44 =	vsel vm3, $0x0, v2;
	(xrf0) =	vmax.scan.msk.u32 $0xffff, v3;
	v3 =	vxor.u32 $0x80000000, v43  }
0x34: {  	v45 =	vsel vm4, $0x0, v2;
	(xrf0) =	vmax.scan.msk.u32 $0xffff, v3;
	v3 =	vxor.u32 $0x80000000, v44  }
0x35: {  	v46 =	vsel vm5, $0x0, v2;
	(xrf0) =	vmax.scan.msk.u32 $0xffff, v3;
	v3 =	vxor.u32 $0x80000000, v45  }
0x36: {  	v47 =	vsel vm6, $0x0, v2;
	(xrf0) =	vmax.scan.msk.u32 $0xffff, v3;
	v3 =	vxor.u32 $0x80000000, v46  }
0x37: {  	v48 =	vsel vm7, $0x0, v2;
	(xrf0) =	vmax.scan.msk.u32 $0xffff, v3;
	v3 =	vxor.u32 $0x80000000, v47  }
0x38: {  	v49 =	vsel vm8, $0x0, v2;
	v5, _, _ =	vpop (xrf0);
	(xrf0) =	vmax.scan.msk.u32 $0xffff, v3;
	v3 =	vxor.u32 $0x80000000, v48  }
0x39: {  	v51 =	vsel vm9, $0x0, v2;
	v50, _, _ =	vpop (xrf0);
	(xrf0) =	vmax.scan.msk.u32 $0xffff, v3;
	v3 =	vxor.u32 $0x80000000, v49  }
0x3a: {  	v53 =	vsel vm10, $0x0, v2;
	(v2sf) =	vpush v5, $0xF;
	v52, _, _ =	vpop (xrf0);
	(xrf0) =	vmax.scan.msk.u32 $0xffff, v3;
	v3 =	vxor.u32 $0x80000000, v51  }
0x3b: {  	v55 =	vsel vm11, $0x0, v2;
	(v2sf) =	vpush v50, $0xF;
	v54, _, _ =	vpop (xrf0);
	(xrf0) =	vmax.scan.msk.u32 $0xffff, v3;
	v3 =	vxor.u32 $0x80000000, v53  }
0x3c: {  	v57 =	vsel vm12, $0x0, v2;
	(v2sf) =	vpush v52, $0xF;
	v56, _, _ =	vpop (xrf0);
	(xrf0) =	vmax.scan.msk.u32 $0xffff, v3;
	v3 =	vxor.u32 $0x80000000, v55  }
0x3d: {  	v59 =	vsel vm13, $0x0, v2;
	(v2sf) =	vpush v54, $0xF;
	v58, _, _ =	vpop (xrf0);
	(xrf0) =	vmax.scan.msk.u32 $0xffff, v3;
	v3 =	vxor.u32 $0x80000000, v57  }
0x3e: {  	v61 =	vsel vm14, $0x0, v2;
	(v2sf) =	vpush v56, $0xF;
	v60, _, _ =	vpop (xrf0);
	(xrf0) =	vmax.scan.msk.u32 $0xffff, v3;
	v3 =	vxor.u32 $0x80000000, v59  }
0x3f: {  	v2 =	vnsel vm15, $0x0, v2;
	(v2sf) =	vpush v58, $0xF;
	v62, _, _ =	vpop (xrf0);
	(xrf0) =	vmax.scan.msk.u32 $0xffff, v3;
	v3 =	vxor.u32 $0x80000000, v61  }
0x40: {  	v2 =	vxor.u32 $0x80000000, v2;
	(v2sf) =	vpush v60, $0xF  }
0x41: {  	(v2sf) =	vpush v62, $0xF;
	v63, _, _ =	vpop (xrf0);
	(xrf0) =	vmax.scan.msk.u32 $0xffff, v3  }
0x42: {  	(v2sf) =	vpush v63, $0xF;
	v3, _, _ =	vpop (xrf0);
	(xrf0) =	vmax.scan.msk.u32 $0xffff, v2  }
0x43: {  	v2, _, _ =	vpop (xrf0);
	(v2sf) =	vpush v3, $0xF  }
0x44: {  	v3, _, _ =	vpop (xrf0);
	(v2sf) =	vpush v2, $0xF  }
0x45: {  	v2, _, _ =	vpop (xrf0);
	(v2sf) =	vpush v3, $0xF  }
0x46: {  	v3, _, _ =	vpop (xrf0);
	(v2sf) =	vpush v2, $0xF  }
0x47: {  	v2, _, _ =	vpop (xrf0);
	(v2sf) =	vpush v3, $0xF  }
0x48: {  	(v2sf) =	vpush v2, $0xF;
	v2, _, _ =	vpop (xrf0)  }
0x49: {  	s6 =	spop (v2sf);
	(v2sf) =	vpush v2, $0xF  }
0x4a: {  	s31 =	spop (v2sf)  }
0x4b: {  	s8 =	spop (v2sf)  }
0x4c: {  	s9 =	spop (v2sf)  }
0x4d: {  	s10 =	spop (v2sf)  }
0x4e: {  	s7 =	spop (v2sf)  }
0x4f: {  	s15 =	spop (v2sf)  }
0x50: {  	s13 =	spop (v2sf)  }
0x51: {  	s16 =	spop (v2sf)  }
0x52: {  	s5 =	spop (v2sf)  }
0x53: {  	s3 =	spop (v2sf)  }
0x54: {  	s0 =	spop (v2sf)  }
0x55: {  	s30 =	spop (v2sf)  }
0x56: {  	s29 =	spop (v2sf)  }
0x57: {  	s12 =	spop (v2sf)  }
0x58: {  	s28 =	spop (v2sf)  }
0x59: {  	s28 =	sand.u32 $0xFFFFFF80, s28  }
0x5a: {  	s17 =	simm.s32 $0x200;
	s6 =	sand.u32 $0xFFFFFF80, s6;
	s28 =	sxor.u32 $0x80000000, s28  }
0x5b: {  	s2 =	simm.s32 $0x400;
	s6 =	sxor.u32 $0x80000000, s6;
	p0 =	slt.s32 s28, $0xF4180  }
0x5c: {  	s1 =	rddreg [dreg:$0x1];
	s28 =	simm.s32 @!p0 $0xF4180;
	p0 =	slt.s32 s6, $0xF4180  }
0x5d: {  	s11 =	simm.s32 $0x7A1400;
	s28 =	sadd.s32 s1, s28;
	s6 =	simm.s32 @!p0 $0xF4180  }
0x5e: {  	[tilespmem:s17], [sflag:$0x1] =	stream.strided.gather [hbm4b:s28+s2], $0x800, s11, s2, $0x38;
	[tilespmem:$0x15200] =	vst v63  }
0x5f: {  	s18 =	simm.s32 $0xA00;
	s19 =	sand.u32 $0xFFFFFF80, s31;
	s6 =	sadd.s32 s1, s6  }
0x60: {  	[tilespmem:s18], [sflag:$0x1] =	stream.strided.gather [hbm4b:s6+s2], $0x800, s11, s2, $0x38;
	[tilespmem:$0x15200] =	vst v63  }
0x61: {  	s6 =	sxor.u32 $0x80000000, s19  }
0x62: {  	p0 =	slt.s32 s6, $0xF4180  }
0x63: {  	s6 =	simm.s32 @!p0 $0xF4180  }
0x64: {  	s20 =	simm.s32 $0x1200;
	s21 =	sand.u32 $0xFFFFFF80, s8;
	s6 =	sadd.s32 s1, s6  }
0x65: {  	[tilespmem:s20], [sflag:$0x1] =	stream.strided.gather [hbm4b:s6+s2], $0x800, s11, s2, $0x38;
	[tilespmem:$0x15200] =	vst v63  }
0x66: {  	s6 =	sxor.u32 $0x80000000, s21  }
0x67: {  	p0 =	slt.s32 s6, $0xF4180  }
0x68: {  	s6 =	simm.s32 @!p0 $0xF4180  }
0x69: {  	s22 =	simm.s32 $0x1A00;
	s23 =	sand.u32 $0xFFFFFF80, s9;
	s6 =	sadd.s32 s1, s6  }
0x6a: {  	[tilespmem:s22], [sflag:$0x1] =	stream.strided.gather [hbm4b:s6+s2], $0x800, s11, s2, $0x38;
	[tilespmem:$0x15200] =	vst v63  }
0x6b: {  	s6 =	sxor.u32 $0x80000000, s23  }
0x6c: {  	p0 =	slt.s32 s6, $0xF4180  }
0x6d: {  	s6 =	simm.s32 @!p0 $0xF4180  }
0x6e: {  	s24 =	simm.s32 $0x2200;
	s26 =	sand.u32 $0xFFFFFF80, s10;
	s6 =	sadd.s32 s1, s6  }
0x6f: {  	[tilespmem:s24], [sflag:$0x1] =	stream.strided.gather [hbm4b:s6+s2], $0x800, s11, s2, $0x38;
	[tilespmem:$0x15200] =	vst v63  }
0x70: {  	s6 =	sxor.u32 $0x80000000, s26  }
0x71: {  	p0 =	slt.s32 s6, $0xF4180  }
0x72: {  	s6 =	simm.s32 @!p0 $0xF4180  }
0x73: {  	s31 =	simm.s32 $0x2A00;
	s8 =	sand.u32 $0xFFFFFF80, s7;
	s6 =	sadd.s32 s1, s6  }
0x74: {  	[tilespmem:s31], [sflag:$0x1] =	stream.strided.gather [hbm4b:s6+s2], $0x800, s11, s2, $0x38;
	[tilespmem:$0x15200] =	vst v63  }
0x75: {  	s4 =	sand.u32 $0xFFFFFF80, s15;
	s6 =	sxor.u32 $0x80000000, s8  }
0x76: {  	s4 =	sxor.u32 $0x80000000, s4;
	p0 =	slt.s32 s6, $0xF4180  }
0x77: {  	s6 =	simm.s32 @!p0 $0xF4180;
	p0 =	slt.s32 s4, $0xF4180  }
0x78: {  	s9 =	simm.s32 $0x3200;
	s6 =	sadd.s32 s1, s6;
	s4 =	simm.s32 @!p0 $0xF4180  }
0x79: {  	[tilespmem:s9], [sflag:$0x1] =	stream.strided.gather [hbm4b:s6+s2], $0x800, s11, s2, $0x38;
	[tilespmem:$0x15200] =	vst v63  }
0x7a: {  	s10 =	simm.s32 $0x3A00;
	s13 =	sand.u32 $0xFFFFFF80, s13;
	s4 =	sadd.s32 s1, s4  }
0x7b: {  	[tilespmem:s10], [sflag:$0x1] =	stream.strided.gather [hbm4b:s4+s2], $0x800, s11, s2, $0x38;
	[tilespmem:$0x15200] =	vst v63  }
0x7c: {  	s4 =	sxor.u32 $0x80000000, s13  }
0x7d: {  	p0 =	slt.s32 s4, $0xF4180  }
0x7e: {  	s4 =	simm.s32 @!p0 $0xF4180  }
0x7f: {  	s14 =	simm.s32 $0x4200;
	s15 =	sand.u32 $0xFFFFFF80, s16;
	s4 =	sadd.s32 s1, s4  }
0x80: {  	[tilespmem:s14], [sflag:$0x1] =	stream.strided.gather [hbm4b:s4+s2], $0x800, s11, s2, $0x38;
	[tilespmem:$0x15200] =	vst v63  }
0x81: {  	s4 =	sxor.u32 $0x80000000, s15  }
0x82: {  	p0 =	slt.s32 s4, $0xF4180  }
0x83: {  	s4 =	simm.s32 @!p0 $0xF4180  }
0x84: {  	s16 =	simm.s32 $0x4A00;
	s17 =	sand.u32 $0xFFFFFF80, s5;
	s4 =	sadd.s32 s1, s4  }
0x85: {  	[tilespmem:s16], [sflag:$0x1] =	stream.strided.gather [hbm4b:s4+s2], $0x800, s11, s2, $0x38;
	[tilespmem:$0x15200] =	vst v63  }
0x86: {  	s3 =	sand.u32 $0xFFFFFF80, s3;
	s0 =	sand.u32 $0xFFFFFF80, s0;
	s4 =	sxor.u32 $0x80000000, s17  }
0x87: {  	s3 =	sxor.u32 $0x80000000, s3;
	s0 =	sxor.u32 $0x80000000, s0;
	p0 =	slt.s32 s4, $0xF4180  }
0x88: {  	s18 =	simm.s32 $0x5200;
	s4 =	simm.s32 @!p0 $0xF4180;
	p0 =	slt.s32 s3, $0xF4180  }
0x89: {  	s4 =	sadd.s32 s1, s4;
	s3 =	simm.s32 @!p0 $0xF4180;
	p0 =	slt.s32 s0, $0xF4180  }
0x8a: {  	[tilespmem:s18], [sflag:$0x1] =	stream.strided.gather [hbm4b:s4+s2], $0x800, s11, s2, $0x38;
	[tilespmem:$0x15200] =	vst v63  }
0x8b: {  	s19 =	simm.s32 $0x5A00;
	s3 =	sadd.s32 s1, s3;
	s0 =	simm.s32 @!p0 $0xF4180  }
0x8c: {  	[tilespmem:s19], [sflag:$0x1] =	stream.strided.gather [hbm4b:s3+s2], $0x800, s11, s2, $0x38;
	[tilespmem:$0x15200] =	vst v63  }
0x8d: {  	s20 =	simm.s32 $0x6200;
	s21 =	sand.u32 $0xFFFFFF80, s30;
	s0 =	sadd.s32 s1, s0  }
0x8e: {  	[tilespmem:s20], [sflag:$0x1] =	stream.strided.gather [hbm4b:s0+s2], $0x800, s11, s2, $0x38;
	[tilespmem:$0x15200] =	vst v63  }
0x8f: {  	s28 =	simm.s32 $0xF;
	s0 =	sxor.u32 $0x80000000, s21  }
0x90: {  	s22 =	simm.s32 $0x6A00;
	s23 =	sand.u32 $0xFFFFFF80, s29;
	p0 =	slt.s32 s0, $0xF4180  }
0x91: {  	s29 =	simm.s32 $0xCA00;
	s24 =	sand.u32 $0xFFFFFF80, s12;
	s0 =	simm.s32 @!p0 $0xF4180  }
0x92: {  	s26 =	simm.s32 $0x7200;
	s12 =	simm.s32 $0xB200;
	s0 =	sadd.s32 s1, s0  }
0x93: {  	[tilespmem:s22], [sflag:$0x1] =	stream.strided.gather [hbm4b:s0+s2], $0x800, s11, s2, $0x38;
	[tilespmem:$0x15200] =	vst v63  }
0x94: {  	s31 =	simm.s32 $0x7A00;
	s15 =	simm.s32 $0x0;
	s0 =	sxor.u32 $0x80000000, s23  }
0x95: {  	s14 =	simm.s32 $0xD200;
	s3 =	sxor.u32 $0x80000000, s24;
	p0 =	slt.s32 s0, $0xF4180  }
0x96: {  	s24 =	simm.s32 $0xBA00;
	s0 =	simm.s32 @!p0 $0xF4180;
	p0 =	slt.s32 s3, $0xF4180  }
.Ltmp2:
0x97: {  	s3 =	simm.s32 @!p0 $0xF4180;
	s0 =	sadd.s32 s1, s0;
	(pc) =	sbr.rel .LBB2_2-.Ltmp2, $4  }
0x98: {  	[tilespmem:s26], [sflag:$0x1] =	stream.strided.gather [hbm4b:s0+s2], $0x800, s11, s2, $0x38;
	[tilespmem:$0x15200] =	vst v63  }
0x99: {  	s20 =	simm.s32 $0x9A00;
	s22 =	simm.s32 $0x9200;
	s30 =	sadd.s32 s1, s3  }
0x9a: {  	[tilespmem:s31], [sflag:$0x1] =	stream.strided.gather [hbm4b:s30+s2], $0x800, s11, s2, $0x38;
	[tilespmem:$0x15200] =	vst v63  }
0x9b: {  	s1 =	simm.s32 $0xA200;
	s26 =	simm.s32 $0xC200;
	s2 =	simm.s32 $0xAA00  }
.LBB2_4:
0x9c: {  	_ =	swait.ge [sflag:s25], $0x800  }
0x9d: {  	[sflag:s25] =	ssyncset.done $0x0  }
0x9e: {  	[sflag:s25] =	ssyncadd.s32 $0xFFFFF800  }
0x9f: {  	_ =	swait.ge [sflag:s25], $0x800  }
0xa0: {  	[sflag:s25] =	ssyncset.done $0x0  }
0xa1: {  	[sflag:s25] =	ssyncadd.s32 $0xFFFFF800  }
0xa2: {  	_ =	swait.ge [sflag:s25], $0x800  }
0xa3: {  	[sflag:s25] =	ssyncset.done $0x0  }
0xa4: {  	[sflag:s25] =	ssyncadd.s32 $0xFFFFF800  }
0xa5: {  	_ =	swait.ge [sflag:s25], $0x800  }
0xa6: {  	[sflag:s25] =	ssyncset.done $0x0  }
0xa7: {  	[sflag:s25] =	ssyncadd.s32 $0xFFFFF800  }
0xa8: {  	_ =	swait.ge [sflag:s25], $0x800  }
0xa9: {  	[sflag:s25] =	ssyncset.done $0x0  }
0xaa: {  	[sflag:s25] =	ssyncadd.s32 $0xFFFFF800  }
0xab: {  	_ =	swait.ge [sflag:s25], $0x800  }
0xac: {  	[sflag:s25] =	ssyncset.done $0x0  }
0xad: {  	[sflag:s25] =	ssyncadd.s32 $0xFFFFF800  }
0xae: {  	_ =	swait.ge [sflag:s25], $0x800  }
0xaf: {  	[sflag:s25] =	ssyncset.done $0x0  }
0xb0: {  	[sflag:s25] =	ssyncadd.s32 $0xFFFFF800  }
0xb1: {  	_ =	swait.ge [sflag:s25], $0x800  }
0xb2: {  	[sflag:s25] =	ssyncset.done $0x0  }
0xb3: {  	[sflag:s25] =	ssyncadd.s32 $0xFFFFF800  }
0xb4: {  	_ =	swait.ge [sflag:s25], $0x800  }
0xb5: {  	[sflag:s25] =	ssyncset.done $0x0  }
0xb6: {  	[sflag:s25] =	ssyncadd.s32 $0xFFFFF800  }
0xb7: {  	_ =	swait.ge [sflag:s25], $0x800  }
0xb8: {  	[sflag:s25] =	ssyncset.done $0x0  }
0xb9: {  	[sflag:s25] =	ssyncadd.s32 $0xFFFFF800  }
0xba: {  	_ =	swait.ge [sflag:s25], $0x800  }
0xbb: {  	[sflag:s25] =	ssyncset.done $0x0  }
0xbc: {  	[sflag:s25] =	ssyncadd.s32 $0xFFFFF800  }
0xbd: {  	_ =	swait.ge [sflag:s25], $0x800  }
0xbe: {  	[sflag:s25] =	ssyncset.done $0x0  }
0xbf: {  	[sflag:s25] =	ssyncadd.s32 $0xFFFFF800  }
0xc0: {  	_ =	swait.ge [sflag:s25], $0x800  }
0xc1: {  	[sflag:s25] =	ssyncset.done $0x0  }
0xc2: {  	[sflag:s25] =	ssyncadd.s32 $0xFFFFF800  }
0xc3: {  	_ =	swait.ge [sflag:s25], $0x800  }
0xc4: {  	[sflag:s25] =	ssyncset.done $0x0  }
0xc5: {  	[sflag:s25] =	ssyncadd.s32 $0xFFFFF800  }
0xc6: {  	_ =	swait.ge [sflag:s25], $0x800  }
0xc7: {  	[sflag:s25] =	ssyncset.done $0x0  }
0xc8: {  	[sflag:s25] =	ssyncadd.s32 $0xFFFFF800  }
0xc9: {  	_ =	swait.ge [sflag:s25], $0x800  }
0xca: {  	[sflag:s25] =	ssyncset.done $0x0  }
0xcb: {  	[sflag:s25] =	ssyncadd.s32 $0xFFFFF800  }
0xcc: {  	v18 =	vld [tilespmem:s15+$0x0];
	_ =	sdelay $0x4  }
0xcd: {  	v19 =	vnsel vm15, $0x0, v18  }
0xce: {  	v19 =	vxor.u32 $0x80000000, v19  }
0xcf: {  	(xrf0) =	vmax.scan.msk.u32 $0xffff, v19;
	_ =	sdelay $0x4  }
0xd0: {  	v20 =	vsel vm0, $0x0, v18  }
0xd1: {  	v44 =	vxor.u32 $0x80000000, v20;
	v19, _, _ =	vpop (xrf0)  }
0xd2: {  	(xrf0) =	vmax.scan.msk.u32 $0xffff, v44;
	(v2sf) =	vpush v19, $0xF;
	_ =	sdelay $0x5  }
0xd3: {  	v19, _, _ =	vpop (xrf0)  }
0xd4: {  	v45 =	vsel vm1, $0x0, v18;
	(v2sf) =	vpush v19, $0xF  }
0xd5: {  	v46 =	vxor.u32 $0x80000000, v45  }
0xd6: {  	(xrf0) =	vmax.scan.msk.u32 $0xffff, v46;
	_ =	sdelay $0x4  }
0xd7: {  	v47 =	vsel vm2, $0x0, v18  }
0xd8: {  	v48 =	vxor.u32 $0x80000000, v47;
	v19, _, _ =	vpop (xrf0);
	s0 =	spop (v2sf)  }
0xd9: {  	(xrf0) =	vmax.scan.msk.u32 $0xffff, v48;
	(v2sf) =	vpush v19, $0xF;
	s3 =	sxor.u32 $0x80000000, s0  }
0xda: {  	s4 =	sand.u32 $0xFFFFFF80, s3  }
0xdb: {  	s0 =	sadd.s32 $0x7FF0BE40, s0;
	p0 =	slt.s32 s4, $0xF4180  }
0xdc: {  	p1 =	sgt.s32 s0, $0x0;
	s4 =	simm.s32 @!p0 $0xF4180  }
0xdd: {  	s0 =	simm.s32 @!p1 $0x0;
	s4 =	ssub.s32 s3, s4  }
0xde: {  	s0 =	smin.u32 s0, $0x7F;
	p0 =	slt.s32 s4, $0x7F  }
0xdf: {  	v19, _, _ =	vpop (xrf0);
	v51 =	vor.u32 s0, v1;
	s5 =	spop (v2sf);
	s4 =	simm.s32 @!p0 $0x7F  }
0xe0: {  	v49 =	vsel vm3, $0x0, v18;
	(v2sf) =	vpush v19, $0xF;
	s18 =	sxor.u32 $0x80000000, s5;
	v21 =	vadd.s32 s4, v1  }
0xe1: {  	v50 =	vxor.u32 $0x80000000, v49;
	s0 =	sand.u32 $0xFFFFFF80, s18  }
0xe2: {  	(xrf0) =	vmax.scan.msk.u32 $0xffff, v50;
	p0 =	slt.s32 s0, $0xF4180  }
0xe3: {  	s6 =	simm.s32 $0x10A00;
	s0 =	simm.s32 @!p0 $0xF4180  }
0xe4: {  	s5 =	sadd.s32 $0x7FF0BE40, s5;
	v20 =	vld.idx.msk [tilespmem:v51+s6+$0x0], $0xffff;
	s0 =	ssub.s32 s18, s0  }
0xe5: {  	p1 =	sgt.s32 s5, $0x0;
	p0 =	slt.s32 s0, $0x7F;
	v52 =	vld.idx.msk [tilespmem:v21+s19+$0x0], $0xffff  }
0xe6: {  	s5 =	simm.s32 @!p1 $0x0;
	s0 =	simm.s32 @!p0 $0x7F  }
0xe7: {  	v23 =	vsel vm4, $0x0, v18;
	s5 =	smin.u32 s5, $0x7F;
	v53 =	vadd.s32 s0, v1  }
0xe8: {  	v23 =	vxor.u32 $0x80000000, v23;
	v22, _, _ =	vpop (xrf0);
	v54 =	vor.u32 s5, v1;
	s19 =	spop (v2sf)  }
0xe9: {  	p6 =	sgt.s32 s3, $0xF41FF;
	(xrf0) =	vmax.scan.msk.u32 $0xffff, v23;
	(v2sf) =	vpush v22, $0xF;
	s20 =	sxor.u32 $0x80000000, s19  }
0xea: {  	s14 =	simm.s32 $0x13200;
	s3 =	sand.u32 $0xFFFFFF80, s20;
	v19 =	vpsel p6, v20, v52  }
0xeb: {  	s0 =	sadd.s32 $0x7FF0BE40, s19;
	p1 =	slt.s32 s3, $0xF4180;
	[tilespmem:v2+s14+$0x0] =	vst.idx.msk $0xffff, v19  }
0xec: {  	s3 =	simm.s32 @!p1 $0xF4180;
	p1 =	sgt.s32 s0, $0x0;
	v2 =	vld.idx.msk [tilespmem:v53+s21+$0x0], $0xffff  }
0xed: {  	s3 =	ssub.s32 s20, s3;
	v19 =	vld.idx.msk [tilespmem:v54+s6+$0x0], $0xffff;
	s0 =	simm.s32 @!p1 $0x0  }
0xee: {  	p0 =	slt.s32 s3, $0x7F;
	s0 =	smin.u32 s0, $0x7F  }
0xef: {  	v56, _, _ =	vpop (xrf0);
	s30 =	spop (v2sf);
	s3 =	simm.s32 @!p0 $0x7F;
	v58 =	vor.u32 s0, v1  }
0xf0: {  	v57 =	vsel vm5, $0x0, v18;
	(v2sf) =	vpush v56, $0xF;
	s31 =	sxor.u32 $0x80000000, s30;
	v55 =	vadd.s32 s3, v1  }
0xf1: {  	p2 =	sgt.s32 s18, $0xF41FF;
	v22 =	vxor.u32 $0x80000000, v57;
	s4 =	sand.u32 $0xFFFFFF80, s31  }
0xf2: {  	(xrf0) =	vmax.scan.msk.u32 $0xffff, v22;
	p1 =	slt.s32 s4, $0xF4180;
	v2 =	vpsel p2, v19, v2  }
0xf3: {  	s4 =	simm.s32 @!p1 $0xF4180;
	[tilespmem:v3+s14+$0x0] =	vst.idx.msk $0xffff, v2  }
0xf4: {  	s3 =	sadd.s32 $0x7FF0BE40, s30;
	s4 =	ssub.s32 s31, s4;
	v3 =	vld.idx.msk [tilespmem:v58+s6+$0x0], $0xffff  }
0xf5: {  	p1 =	sgt.s32 s3, $0x0;
	p0 =	slt.s32 s4, $0x7F;
	v2 =	vld.idx.msk [tilespmem:v55+s7+$0x0], $0xffff  }
0xf6: {  	s3 =	simm.s32 @!p1 $0x0;
	s4 =	simm.s32 @!p0 $0x7F  }
0xf7: {  	v61 =	vsel vm6, $0x0, v18;
	s3 =	smin.u32 s3, $0x7F;
	v59 =	vadd.s32 s4, v1  }
0xf8: {  	v21 =	vxor.u32 $0x80000000, v61;
	v60, _, _ =	vpop (xrf0);
	v62 =	vor.u32 s3, v1;
	s7 =	spop (v2sf)  }
0xf9: {  	p3 =	sgt.s32 s20, $0xF41FF;
	(xrf0) =	vmax.scan.msk.u32 $0xffff, v21;
	(v2sf) =	vpush v60, $0xF;
	s17 =	sxor.u32 $0x80000000, s7  }
0xfa: {  	s5 =	sand.u32 $0xFFFFFF80, s17;
	v2 =	vpsel p3, v3, v2  }
0xfb: {  	s4 =	sadd.s32 $0x7FF0BE40, s7;
	p1 =	slt.s32 s5, $0xF4180;
	[tilespmem:v4+s14+$0x0] =	vst.idx.msk $0xffff, v2  }
0xfc: {  	s5 =	simm.s32 @!p1 $0xF4180;
	p1 =	sgt.s32 s4, $0x0;
	v2 =	vld.idx.msk [tilespmem:v59+s22+$0x0], $0xffff  }
0xfd: {  	s5 =	ssub.s32 s17, s5;
	v3 =	vld.idx.msk [tilespmem:v62+s6+$0x0], $0xffff;
	s4 =	simm.s32 @!p1 $0x0  }
0xfe: {  	p0 =	slt.s32 s5, $0x7F;
	s4 =	smin.u32 s4, $0x7F  }
0xff: {  	v24, _, _ =	vpop (xrf0);
	s18 =	spop (v2sf);
	s5 =	simm.s32 @!p0 $0x7F;
	v26 =	vor.u32 s4, v1  }
0x100: {  	v25 =	vsel vm7, $0x0, v18;
	(v2sf) =	vpush v24, $0xF;
	s19 =	sxor.u32 $0x80000000, s18;
	v63 =	vadd.s32 s5, v1  }
0x101: {  	v20 =	vxor.u32 $0x80000000, v25;
	p4 =	sgt.s32 s31, $0xF41FF;
	s0 =	sand.u32 $0xFFFFFF80, s19  }
0x102: {  	(xrf0) =	vmax.scan.msk.u32 $0xffff, v20;
	p1 =	slt.s32 s0, $0xF4180;
	v2 =	vpsel p4, v3, v2  }
0x103: {  	s0 =	simm.s32 @!p1 $0xF4180;
	[tilespmem:v5+s14+$0x0] =	vst.idx.msk $0xffff, v2  }
0x104: {  	s5 =	sadd.s32 $0x7FF0BE40, s18;
	s0 =	ssub.s32 s19, s0;
	v3 =	vld.idx.msk [tilespmem:v26+s6+$0x0], $0xffff  }
0x105: {  	p1 =	sgt.s32 s5, $0x0;
	p0 =	slt.s32 s0, $0x7F;
	v2 =	vld.idx.msk [tilespmem:v63+s8+$0x0], $0xffff  }
0x106: {  	s5 =	simm.s32 @!p1 $0x0;
	s0 =	simm.s32 @!p0 $0x7F  }
0x107: {  	v29 =	vsel vm8, $0x0, v18;
	s5 =	smin.u32 s5, $0x7F;
	v27 =	vadd.s32 s0, v1  }
0x108: {  	v19 =	vxor.u32 $0x80000000, v29;
	v28, _, _ =	vpop (xrf0);
	v30 =	vor.u32 s5, v1;
	s20 =	spop (v2sf)  }
0x109: {  	p5 =	sgt.s32 s17, $0xF41FF;
	(xrf0) =	vmax.scan.msk.u32 $0xffff, v19;
	(v2sf) =	vpush v28, $0xF;
	s21 =	sxor.u32 $0x80000000, s20  }
0x10a: {  	s3 =	sand.u32 $0xFFFFFF80, s21;
	v2 =	vpsel p5, v3, v2  }
0x10b: {  	s0 =	sadd.s32 $0x7FF0BE40, s20;
	p1 =	slt.s32 s3, $0xF4180;
	[tilespmem:v6+s14+$0x0] =	vst.idx.msk $0xffff, v2  }
0x10c: {  	s3 =	simm.s32 @!p1 $0xF4180;
	p1 =	sgt.s32 s0, $0x0;
	v2 =	vld.idx.msk [tilespmem:v27+s1+$0x0], $0xffff  }
0x10d: {  	s3 =	ssub.s32 s21, s3;
	v3 =	vld.idx.msk [tilespmem:v30+s6+$0x0], $0xffff;
	s0 =	simm.s32 @!p1 $0x0  }
0x10e: {  	p0 =	slt.s32 s3, $0x7F;
	s0 =	smin.u32 s0, $0x7F  }
0x10f: {  	v32, _, _ =	vpop (xrf0);
	s22 =	spop (v2sf);
	s3 =	simm.s32 @!p0 $0x7F;
	v34 =	vor.u32 s0, v1  }
0x110: {  	v33 =	vsel vm9, $0x0, v18;
	(v2sf) =	vpush v32, $0xF;
	s30 =	sxor.u32 $0x80000000, s22;
	v31 =	vadd.s32 s3, v1  }
0x111: {  	v35 =	vxor.u32 $0x80000000, v33;
	p6 =	sgt.s32 s19, $0xF41FF;
	s4 =	sand.u32 $0xFFFFFF80, s30  }
0x112: {  	(xrf0) =	vmax.scan.msk.u32 $0xffff, v35;
	p1 =	slt.s32 s4, $0xF4180;
	v2 =	vpsel p6, v3, v2  }
0x113: {  	s4 =	simm.s32 @!p1 $0xF4180;
	[tilespmem:v7+s14+$0x0] =	vst.idx.msk $0xffff, v2  }
0x114: {  	s3 =	sadd.s32 $0x7FF0BE40, s22;
	s4 =	ssub.s32 s30, s4;
	v3 =	vld.idx.msk [tilespmem:v34+s6+$0x0], $0xffff  }
0x115: {  	p1 =	sgt.s32 s3, $0x0;
	p0 =	slt.s32 s4, $0x7F;
	v2 =	vld.idx.msk [tilespmem:v31+s2+$0x0], $0xffff  }
0x116: {  	s3 =	simm.s32 @!p1 $0x0;
	s4 =	simm.s32 @!p0 $0x7F  }
0x117: {  	v37 =	vsel vm10, $0x0, v18;
	s3 =	smin.u32 s3, $0x7F;
	v36 =	vadd.s32 s4, v1  }
0x118: {  	v39 =	vxor.u32 $0x80000000, v37;
	v5, _, _ =	vpop (xrf0);
	v38 =	vor.u32 s3, v1;
	s31 =	spop (v2sf)  }
0x119: {  	(xrf0) =	vmax.scan.msk.u32 $0xffff, v39;
	p2 =	sgt.s32 s21, $0xF41FF;
	(v2sf) =	vpush v5, $0xF;
	s1 =	sxor.u32 $0x80000000, s31  }
0x11a: {  	s5 =	sand.u32 $0xFFFFFF80, s1;
	v2 =	vpsel p2, v3, v2  }
0x11b: {  	s4 =	sadd.s32 $0x7FF0BE40, s31;
	p1 =	slt.s32 s5, $0xF4180;
	[tilespmem:v8+s14+$0x0] =	vst.idx.msk $0xffff, v2  }
0x11c: {  	s5 =	simm.s32 @!p1 $0xF4180;
	p1 =	sgt.s32 s4, $0x0;
	v2 =	vld.idx.msk [tilespmem:v36+s12+$0x0], $0xffff  }
0x11d: {  	s5 =	ssub.s32 s1, s5;
	v3 =	vld.idx.msk [tilespmem:v38+s6+$0x0], $0xffff;
	s4 =	simm.s32 @!p1 $0x0  }
0x11e: {  	p0 =	slt.s32 s5, $0x7F;
	s4 =	smin.u32 s4, $0x7F  }
0x11f: {  	v5, _, _ =	vpop (xrf0);
	s2 =	spop (v2sf);
	s5 =	simm.s32 @!p0 $0x7F;
	v42 =	vor.u32 s4, v1  }
0x120: {  	v41 =	vsel vm11, $0x0, v18;
	(v2sf) =	vpush v5, $0xF;
	s7 =	sxor.u32 $0x80000000, s2;
	v40 =	vadd.s32 s5, v1  }
0x121: {  	v43 =	vxor.u32 $0x80000000, v41;
	p3 =	sgt.s32 s30, $0xF41FF;
	s0 =	sand.u32 $0xFFFFFF80, s7  }
0x122: {  	(xrf0) =	vmax.scan.msk.u32 $0xffff, v43;
	p1 =	slt.s32 s0, $0xF4180;
	v2 =	vpsel p3, v3, v2  }
0x123: {  	s0 =	simm.s32 @!p1 $0xF4180;
	[tilespmem:v9+s14+$0x0] =	vst.idx.msk $0xffff, v2  }
0x124: {  	s5 =	sadd.s32 $0x7FF0BE40, s2;
	s0 =	ssub.s32 s7, s0;
	v3 =	vld.idx.msk [tilespmem:v42+s6+$0x0], $0xffff  }
0x125: {  	p1 =	sgt.s32 s5, $0x0;
	p0 =	slt.s32 s0, $0x7F;
	v2 =	vld.idx.msk [tilespmem:v40+s24+$0x0], $0xffff  }
0x126: {  	s5 =	simm.s32 @!p1 $0x0;
	s0 =	simm.s32 @!p0 $0x7F  }
0x127: {  	v45 =	vsel vm12, $0x0, v18;
	s5 =	smin.u32 s5, $0x7F;
	v44 =	vadd.s32 s0, v1  }
0x128: {  	v47 =	vxor.u32 $0x80000000, v45;
	v5, _, _ =	vpop (xrf0);
	v46 =	vor.u32 s5, v1;
	s8 =	spop (v2sf)  }
0x129: {  	p4 =	sgt.s32 s1, $0xF41FF;
	(xrf0) =	vmax.scan.msk.u32 $0xffff, v47;
	(v2sf) =	vpush v5, $0xF;
	s12 =	sxor.u32 $0x80000000, s8  }
0x12a: {  	s3 =	sand.u32 $0xFFFFFF80, s12;
	v2 =	vpsel p4, v3, v2  }
0x12b: {  	s0 =	sadd.s32 $0x7FF0BE40, s8;
	p1 =	slt.s32 s3, $0xF4180;
	[tilespmem:v10+s14+$0x0] =	vst.idx.msk $0xffff, v2  }
0x12c: {  	s3 =	simm.s32 @!p1 $0xF4180;
	p1 =	sgt.s32 s0, $0x0;
	v2 =	vld.idx.msk [tilespmem:v44+s26+$0x0], $0xffff  }
0x12d: {  	s3 =	ssub.s32 s12, s3;
	v3 =	vld.idx.msk [tilespmem:v46+s6+$0x0], $0xffff;
	s0 =	simm.s32 @!p1 $0x0  }
0x12e: {  	p0 =	slt.s32 s3, $0x7F;
	s0 =	smin.u32 s0, $0x7F  }
0x12f: {  	v5, _, _ =	vpop (xrf0);
	s17 =	spop (v2sf);
	s3 =	simm.s32 @!p0 $0x7F;
	v50 =	vor.u32 s0, v1  }
0x130: {  	v49 =	vsel vm13, $0x0, v18;
	(v2sf) =	vpush v5, $0xF;
	s18 =	sxor.u32 $0x80000000, s17;
	v48 =	vadd.s32 s3, v1  }
0x131: {  	v51 =	vxor.u32 $0x80000000, v49;
	p5 =	sgt.s32 s7, $0xF41FF;
	s4 =	sand.u32 $0xFFFFFF80, s18  }
0x132: {  	(xrf0) =	vmax.scan.msk.u32 $0xffff, v51;
	p1 =	slt.s32 s4, $0xF4180;
	v2 =	vpsel p5, v3, v2  }
0x133: {  	s4 =	simm.s32 @!p1 $0xF4180;
	[tilespmem:v11+s14+$0x0] =	vst.idx.msk $0xffff, v2  }
0x134: {  	s3 =	sadd.s32 $0x7FF0BE40, s17;
	s4 =	ssub.s32 s18, s4;
	v3 =	vld.idx.msk [tilespmem:v50+s6+$0x0], $0xffff  }
0x135: {  	p1 =	sgt.s32 s3, $0x0;
	p0 =	slt.s32 s4, $0x7F;
	v2 =	vld.idx.msk [tilespmem:v48+s29+$0x0], $0xffff  }
0x136: {  	s3 =	simm.s32 @!p1 $0x0;
	s4 =	simm.s32 @!p0 $0x7F  }
0x137: {  	v53 =	vsel vm14, $0x0, v18;
	s3 =	smin.u32 s3, $0x7F;
	v52 =	vadd.s32 s4, v1  }
0x138: {  	v55 =	vxor.u32 $0x80000000, v53;
	v5, _, _ =	vpop (xrf0);
	v54 =	vor.u32 s3, v1;
	s19 =	spop (v2sf)  }
0x139: {  	p6 =	sgt.s32 s12, $0xF41FF;
	(xrf0) =	vmax.scan.msk.u32 $0xffff, v55;
	(v2sf) =	vpush v5, $0xF;
	s20 =	sxor.u32 $0x80000000, s19  }
0x13a: {  	s5 =	sand.u32 $0xFFFFFF80, s20;
	v2 =	vpsel p6, v3, v2  }
0x13b: {  	s4 =	sadd.s32 $0x7FF0BE40, s19;
	p1 =	slt.s32 s5, $0xF4180;
	[tilespmem:v12+s14+$0x0] =	vst.idx.msk $0xffff, v2  }
0x13c: {  	s5 =	simm.s32 @!p1 $0xF4180;
	p1 =	sgt.s32 s4, $0x0;
	v2 =	vld.idx.msk [tilespmem:v52+s9+$0x0], $0xffff  }
0x13d: {  	s5 =	ssub.s32 s20, s5;
	v3 =	vld.idx.msk [tilespmem:v54+s6+$0x0], $0xffff;
	s4 =	simm.s32 @!p1 $0x0  }
0x13e: {  	p0 =	slt.s32 s5, $0x7F;
	s4 =	smin.u32 s4, $0x7F  }
0x13f: {  	v5, _, _ =	vpop (xrf0);
	s21 =	spop (v2sf);
	s5 =	simm.s32 @!p0 $0x7F;
	v57 =	vor.u32 s4, v1  }
0x140: {  	(v2sf) =	vpush v5, $0xF;
	s22 =	sxor.u32 $0x80000000, s21;
	v56 =	vadd.s32 s5, v1  }
0x141: {  	p2 =	sgt.s32 s18, $0xF41FF;
	s0 =	sand.u32 $0xFFFFFF80, s22  }
0x142: {  	p1 =	slt.s32 s0, $0xF4180;
	v2 =	vpsel p2, v3, v2  }
0x143: {  	s0 =	simm.s32 @!p1 $0xF4180;
	[tilespmem:v13+s14+$0x0] =	vst.idx.msk $0xffff, v2  }
0x144: {  	s5 =	sadd.s32 $0x7FF0BE40, s21;
	s0 =	ssub.s32 s22, s0;
	v3 =	vld.idx.msk [tilespmem:v57+s6+$0x0], $0xffff  }
0x145: {  	p1 =	sgt.s32 s5, $0x0;
	p0 =	slt.s32 s0, $0x7F;
	v2 =	vld.idx.msk [tilespmem:v56+s10+$0x0], $0xffff  }
0x146: {  	s5 =	simm.s32 @!p1 $0x0;
	s0 =	simm.s32 @!p0 $0x7F  }
0x147: {  	s5 =	smin.u32 s5, $0x7F;
	v58 =	vadd.s32 s0, v1  }
0x148: {  	v59 =	vor.u32 s5, v1;
	s24 =	spop (v2sf)  }
0x149: {  	p3 =	sgt.s32 s20, $0xF41FF;
	s26 =	sxor.u32 $0x80000000, s24  }
0x14a: {  	s3 =	sand.u32 $0xFFFFFF80, s26;
	v2 =	vpsel p3, v3, v2  }
0x14b: {  	s0 =	sadd.s32 $0x7FF0BE40, s24;
	p1 =	slt.s32 s3, $0xF4180;
	[tilespmem:v14+s14+$0x0] =	vst.idx.msk $0xffff, v2  }
0x14c: {  	s3 =	simm.s32 @!p1 $0xF4180;
	p1 =	sgt.s32 s0, $0x0;
	v2 =	vld.idx.msk [tilespmem:v58+s13+$0x0], $0xffff  }
0x14d: {  	s3 =	ssub.s32 s26, s3;
	v3 =	vld.idx.msk [tilespmem:v59+s6+$0x0], $0xffff;
	s0 =	simm.s32 @!p1 $0x0  }
0x14e: {  	p0 =	slt.s32 s3, $0x7F;
	s0 =	smin.u32 s0, $0x7F  }
0x14f: {  	s30 =	spop (v2sf);
	s3 =	simm.s32 @!p0 $0x7F;
	v61 =	vor.u32 s0, v1  }
0x150: {  	s31 =	sxor.u32 $0x80000000, s30;
	v60 =	vadd.s32 s3, v1  }
0x151: {  	p4 =	sgt.s32 s22, $0xF41FF;
	s4 =	sand.u32 $0xFFFFFF80, s31  }
0x152: {  	p1 =	slt.s32 s4, $0xF4180;
	v2 =	vpsel p4, v3, v2  }
0x153: {  	s4 =	simm.s32 @!p1 $0xF4180;
	[tilespmem:v15+s14+$0x0] =	vst.idx.msk $0xffff, v2  }
0x154: {  	s3 =	sadd.s32 $0x7FF0BE40, s30;
	s4 =	ssub.s32 s31, s4;
	v3 =	vld.idx.msk [tilespmem:v61+s6+$0x0], $0xffff  }
0x155: {  	p1 =	sgt.s32 s3, $0x0;
	p0 =	slt.s32 s4, $0x7F;
	v2 =	vld.idx.msk [tilespmem:v60+s16+$0x0], $0xffff  }
0x156: {  	s3 =	simm.s32 @!p1 $0x0;
	s4 =	simm.s32 @!p0 $0x7F  }
0x157: {  	s3 =	smin.u32 s3, $0x7F;
	v62 =	vadd.s32 s4, v1  }
0x158: {  	v63 =	vor.u32 s3, v1  }
0x159: {  	p5 =	sgt.s32 s26, $0xF41FF  }
0x15a: {  	v2 =	vpsel p5, v3, v2  }
0x15b: {  	[tilespmem:v16+s14+$0x0] =	vst.idx.msk $0xffff, v2  }
0x15c: {  	v2 =	vld.idx.msk [tilespmem:v62+s23+$0x0], $0xffff  }
0x15d: {  	s28 =	sadd.s32 $0x10, s28;
	v3 =	vld.idx.msk [tilespmem:v63+s6+$0x0], $0xffff  }
0x15e: {  	p0 =	sne.s32 s28, $0x20F  }
.Ltmp3:
0x15f: {  	s15 =	sadd.s32 $0x10, s15;
	(pc) =	sbr.rel @!p0 .LBB2_5-.Ltmp3, $4  }
0x160: {  	s1 =	simm.s32 $0xA200;
	s2 =	simm.s32 $0xAA00;
	s12 =	simm.s32 $0xB200  }
0x161: {  	s29 =	simm.s32 $0xCA00;
	s20 =	simm.s32 $0x9A00;
	p6 =	sgt.s32 s31, $0xF41FF  }
0x162: {  	s22 =	simm.s32 $0x9200;
	s5 =	simm.s32 $0x10A00;
	s24 =	simm.s32 $0xBA00;
	v2 =	vpsel p6, v3, v2  }
0x163: {  	s26 =	simm.s32 $0xC200;
	s3 =	simm.s32 $0x13200;
	[tilespmem:v17+s14+$0x0] =	vst.idx.msk $0xffff, v2;
	s14 =	simm.s32 $0xD200  }
.LBB2_2:
0x164: {  	v2 =	vld [tilespmem:s15+$0x0];
	_ =	sdelay $0x4  }
0x165: {  	v3 =	vsel vm0, $0x0, v2  }
0x166: {  	v4 =	vsel vm1, $0x0, v2;
	v3 =	vxor.u32 $0x80000000, v3  }
0x167: {  	(xrf0) =	vmax.scan.msk.u32 $0xffff, v3;
	v3 =	vxor.u32 $0x80000000, v4;
	v4 =	vsel vm2, $0x0, v2  }
0x168: {  	(xrf0) =	vmax.scan.msk.u32 $0xffff, v3;
	v3 =	vxor.u32 $0x80000000, v4;
	v4 =	vsel vm3, $0x0, v2  }
0x169: {  	(xrf0) =	vmax.scan.msk.u32 $0xffff, v3;
	v3 =	vxor.u32 $0x80000000, v4;
	v4 =	vsel vm4, $0x0, v2  }
0x16a: {  	(xrf0) =	vmax.scan.msk.u32 $0xffff, v3;
	v3 =	vxor.u32 $0x80000000, v4;
	v4 =	vsel vm5, $0x0, v2  }
0x16b: {  	(xrf0) =	vmax.scan.msk.u32 $0xffff, v3;
	v3 =	vxor.u32 $0x80000000, v4;
	v4 =	vsel vm6, $0x0, v2  }
0x16c: {  	(xrf0) =	vmax.scan.msk.u32 $0xffff, v3;
	v3 =	vxor.u32 $0x80000000, v4;
	v4 =	vsel vm7, $0x0, v2  }
0x16d: {  	v5, _, _ =	vpop (xrf0);
	(xrf0) =	vmax.scan.msk.u32 $0xffff, v3;
	v3 =	vxor.u32 $0x80000000, v4;
	v4 =	vsel vm8, $0x0, v2  }
0x16e: {  	(v2sf) =	vpush v5, $0xF;
	v5, _, _ =	vpop (xrf0);
	(xrf0) =	vmax.scan.msk.u32 $0xffff, v3;
	v3 =	vxor.u32 $0x80000000, v4;
	v4 =	vsel vm9, $0x0, v2  }
0x16f: {  	(v2sf) =	vpush v5, $0xF;
	v5, _, _ =	vpop (xrf0);
	(xrf0) =	vmax.scan.msk.u32 $0xffff, v3;
	v3 =	vxor.u32 $0x80000000, v4;
	v4 =	vsel vm10, $0x0, v2  }
0x170: {  	(v2sf) =	vpush v5, $0xF;
	v5, _, _ =	vpop (xrf0);
	(xrf0) =	vmax.scan.msk.u32 $0xffff, v3;
	v3 =	vxor.u32 $0x80000000, v4;
	v4 =	vsel vm11, $0x0, v2  }
0x171: {  	(v2sf) =	vpush v5, $0xF;
	v5, _, _ =	vpop (xrf0);
	(xrf0) =	vmax.scan.msk.u32 $0xffff, v3;
	v3 =	vxor.u32 $0x80000000, v4;
	v4 =	vsel vm12, $0x0, v2  }
0x172: {  	(v2sf) =	vpush v5, $0xF;
	v5, _, _ =	vpop (xrf0);
	(xrf0) =	vmax.scan.msk.u32 $0xffff, v3;
	v3 =	vxor.u32 $0x80000000, v4;
	v4 =	vsel vm13, $0x0, v2  }
0x173: {  	(v2sf) =	vpush v5, $0xF;
	v5, _, _ =	vpop (xrf0);
	(xrf0) =	vmax.scan.msk.u32 $0xffff, v3;
	v3 =	vxor.u32 $0x80000000, v4;
	v4 =	vsel vm14, $0x0, v2  }
0x174: {  	v2 =	vnsel vm15, $0x0, v2;
	(v2sf) =	vpush v5, $0xF;
	v5, _, _ =	vpop (xrf0);
	(xrf0) =	vmax.scan.msk.u32 $0xffff, v3;
	v3 =	vxor.u32 $0x80000000, v4  }
0x175: {  	v2 =	vxor.u32 $0x80000000, v2  }
0x176: {  	(v2sf) =	vpush v5, $0xF;
	v4, _, _ =	vpop (xrf0);
	(xrf0) =	vmax.scan.msk.u32 $0xffff, v3  }
0x177: {  	(v2sf) =	vpush v4, $0xF;
	v3, _, _ =	vpop (xrf0);
	(xrf0) =	vmax.scan.msk.u32 $0xffff, v2  }
0x178: {  	v2, _, _ =	vpop (xrf0);
	(v2sf) =	vpush v3, $0xF  }
0x179: {  	v3, _, _ =	vpop (xrf0);
	(v2sf) =	vpush v2, $0xF  }
0x17a: {  	v2, _, _ =	vpop (xrf0);
	(v2sf) =	vpush v3, $0xF  }
0x17b: {  	v3, _, _ =	vpop (xrf0);
	(v2sf) =	vpush v2, $0xF  }
0x17c: {  	v2, _, _ =	vpop (xrf0);
	(v2sf) =	vpush v3, $0xF  }
0x17d: {  	(v2sf) =	vpush v2, $0xF;
	v2, _, _ =	vpop (xrf0)  }
0x17e: {  	s4 =	spop (v2sf);
	(v2sf) =	vpush v2, $0xF  }
0x17f: {  	s7 =	spop (v2sf)  }
0x180: {  	s8 =	spop (v2sf)  }
0x181: {  	s9 =	spop (v2sf)  }
0x182: {  	s10 =	spop (v2sf)  }
0x183: {  	s13 =	spop (v2sf)  }
0x184: {  	s16 =	spop (v2sf)  }
0x185: {  	s17 =	spop (v2sf)  }
0x186: {  	s18 =	spop (v2sf)  }
0x187: {  	s6 =	spop (v2sf)  }
0x188: {  	s5 =	spop (v2sf)  }
0x189: {  	s3 =	spop (v2sf)  }
0x18a: {  	s31 =	spop (v2sf)  }
0x18b: {  	s0 =	spop (v2sf)  }
0x18c: {  	s30 =	spop (v2sf)  }
0x18d: {  	s19 =	spop (v2sf)  }
0x18e: {  	[dreg:$0xd] =	wrdreg s15;
	s19 =	sand.u32 $0xFFFFFF80, s19  }
0x18f: {  	s21 =	simm.s32 $0x8200;
	s4 =	sand.u32 $0xFFFFFF80, s4;
	s19 =	sxor.u32 $0x80000000, s19  }
0x190: {  	s11 =	rddreg [dreg:$0x2];
	s4 =	sxor.u32 $0x80000000, s4;
	p0 =	slt.s32 s19, $0xF4180  }
0x191: {  	s15 =	simm.s32 $0x400;
	s19 =	simm.s32 @!p0 $0xF4180;
	p0 =	slt.s32 s4, $0xF4180  }
0x192: {  	s23 =	simm.s32 $0x7A1400;
	s19 =	sadd.s32 s11, s19;
	s4 =	simm.s32 @!p0 $0xF4180  }
0x193: {  	[tilespmem:s21], [sflag:$0x2] =	stream.strided.gather [hbm4b:s19+s15], $0x800, s23, s15, $0x38;
	[tilespmem:$0x15200] =	vst v63  }
0x194: {  	s7 =	sand.u32 $0xFFFFFF80, s7;
	s21 =	simm.s32 $0x8A00;
	s4 =	sadd.s32 s11, s4  }
0x195: {  	[tilespmem:s21], [sflag:$0x2] =	stream.strided.gather [hbm4b:s4+s15], $0x800, s23, s15, $0x38;
	[tilespmem:$0x15200] =	vst v63  }
0x196: {  	s4 =	sxor.u32 $0x80000000, s7  }
0x197: {  	p0 =	slt.s32 s4, $0xF4180  }
0x198: {  	s4 =	simm.s32 @!p0 $0xF4180  }
0x199: {  	s8 =	sand.u32 $0xFFFFFF80, s8;
	s4 =	sadd.s32 s11, s4  }
0x19a: {  	[tilespmem:s22], [sflag:$0x2] =	stream.strided.gather [hbm4b:s4+s15], $0x800, s23, s15, $0x38;
	[tilespmem:$0x15200] =	vst v63  }
0x19b: {  	s4 =	sxor.u32 $0x80000000, s8  }
0x19c: {  	p0 =	slt.s32 s4, $0xF4180  }
0x19d: {  	s4 =	simm.s32 @!p0 $0xF4180  }
0x19e: {  	s9 =	sand.u32 $0xFFFFFF80, s9;
	s4 =	sadd.s32 s11, s4  }
0x19f: {  	[tilespmem:s20], [sflag:$0x2] =	stream.strided.gather [hbm4b:s4+s15], $0x800, s23, s15, $0x38;
	[tilespmem:$0x15200] =	vst v63  }
0x1a0: {  	s4 =	sxor.u32 $0x80000000, s9  }
0x1a1: {  	p0 =	slt.s32 s4, $0xF4180  }
0x1a2: {  	s4 =	simm.s32 @!p0 $0xF4180  }
0x1a3: {  	s10 =	sand.u32 $0xFFFFFF80, s10;
	s4 =	sadd.s32 s11, s4  }
0x1a4: {  	[tilespmem:s1], [sflag:$0x2] =	stream.strided.gather [hbm4b:s4+s15], $0x800, s23, s15, $0x38;
	[tilespmem:$0x15200] =	vst v63  }
0x1a5: {  	s4 =	sxor.u32 $0x80000000, s10  }
0x1a6: {  	p0 =	slt.s32 s4, $0xF4180  }
0x1a7: {  	s4 =	simm.s32 @!p0 $0xF4180  }
0x1a8: {  	s20 =	sand.u32 $0xFFFFFF80, s13;
	s4 =	sadd.s32 s11, s4  }
0x1a9: {  	[tilespmem:s2], [sflag:$0x2] =	stream.strided.gather [hbm4b:s4+s15], $0x800, s23, s15, $0x38;
	[tilespmem:$0x15200] =	vst v63  }
0x1aa: {  	s4 =	sxor.u32 $0x80000000, s20  }
0x1ab: {  	p0 =	slt.s32 s4, $0xF4180  }
0x1ac: {  	s4 =	simm.s32 @!p0 $0xF4180  }
0x1ad: {  	s22 =	sand.u32 $0xFFFFFF80, s16;
	s4 =	sadd.s32 s11, s4  }
0x1ae: {  	[tilespmem:s12], [sflag:$0x2] =	stream.strided.gather [hbm4b:s4+s15], $0x800, s23, s15, $0x38;
	[tilespmem:$0x15200] =	vst v63  }
0x1af: {  	s4 =	sxor.u32 $0x80000000, s22  }
0x1b0: {  	p0 =	slt.s32 s4, $0xF4180  }
0x1b1: {  	s4 =	simm.s32 @!p0 $0xF4180  }
0x1b2: {  	s1 =	sand.u32 $0xFFFFFF80, s17;
	s4 =	sadd.s32 s11, s4  }
0x1b3: {  	[tilespmem:s24], [sflag:$0x2] =	stream.strided.gather [hbm4b:s4+s15], $0x800, s23, s15, $0x38;
	[tilespmem:$0x15200] =	vst v63  }
0x1b4: {  	s4 =	sxor.u32 $0x80000000, s1  }
0x1b5: {  	p0 =	slt.s32 s4, $0xF4180  }
0x1b6: {  	s4 =	simm.s32 @!p0 $0xF4180  }
0x1b7: {  	s2 =	sand.u32 $0xFFFFFF80, s18;
	s4 =	sadd.s32 s11, s4  }
0x1b8: {  	[tilespmem:s26], [sflag:$0x2] =	stream.strided.gather [hbm4b:s4+s15], $0x800, s23, s15, $0x38;
	[tilespmem:$0x15200] =	vst v63  }
0x1b9: {  	s4 =	sxor.u32 $0x80000000, s2  }
0x1ba: {  	p0 =	slt.s32 s4, $0xF4180  }
0x1bb: {  	s4 =	simm.s32 @!p0 $0xF4180  }
0x1bc: {  	s7 =	sand.u32 $0xFFFFFF80, s6;
	s4 =	sadd.s32 s11, s4  }
0x1bd: {  	[tilespmem:s29], [sflag:$0x2] =	stream.strided.gather [hbm4b:s4+s15], $0x800, s23, s15, $0x38;
	[tilespmem:$0x15200] =	vst v63  }
0x1be: {  	s3 =	sand.u32 $0xFFFFFF80, s3;
	s4 =	sxor.u32 $0x80000000, s7  }
0x1bf: {  	s3 =	sxor.u32 $0x80000000, s3;
	s0 =	sand.u32 $0xFFFFFF80, s0;
	p0 =	slt.s32 s4, $0xF4180  }
0x1c0: {  	s0 =	sxor.u32 $0x80000000, s0;
	s8 =	sand.u32 $0xFFFFFF80, s5;
	s4 =	simm.s32 @!p0 $0xF4180  }
0x1c1: {  	s13 =	simm.s32 $0xEA00;
	s12 =	sand.u32 $0xFFFFFF80, s31;
	s4 =	sadd.s32 s11, s4  }
0x1c2: {  	[tilespmem:s14], [sflag:$0x2] =	stream.strided.gather [hbm4b:s4+s15], $0x800, s23, s15, $0x38;
	[tilespmem:$0x15200] =	vst v63  }
0x1c3: {  	s9 =	simm.s32 $0xDA00;
	s5 =	sxor.u32 $0x80000000, s12;
	s4 =	sxor.u32 $0x80000000, s8  }
0x1c4: {  	s10 =	simm.s32 $0xE200;
	p1 =	slt.s32 s5, $0xF4180;
	p0 =	slt.s32 s4, $0xF4180  }
0x1c5: {  	s5 =	simm.s32 @!p1 $0xF4180;
	s4 =	simm.s32 @!p0 $0xF4180;
	p0 =	slt.s32 s3, $0xF4180  }
0x1c6: {  	s14 =	sand.u32 $0xFFFFFF80, s30;
	s3 =	simm.s32 @!p0 $0xF4180;
	s4 =	sadd.s32 s11, s4  }
0x1c7: {  	[tilespmem:s9], [sflag:$0x2] =	stream.strided.gather [hbm4b:s4+s15], $0x800, s23, s15, $0x38;
	[tilespmem:$0x15200] =	vst v63  }
0x1c8: {  	p0 =	slt.s32 s0, $0xF4180;
	s4 =	sxor.u32 $0x80000000, s14;
	s3 =	sadd.s32 s11, s3  }
0x1c9: {  	[tilespmem:s10], [sflag:$0x2] =	stream.strided.gather [hbm4b:s3+s15], $0x800, s23, s15, $0x38;
	[tilespmem:$0x15200] =	vst v63  }
0x1ca: {  	s17 =	sadd.s32 s11, s5;
	s0 =	simm.s32 @!p0 $0xF4180;
	p0 =	slt.s32 s4, $0xF4180  }
0x1cb: {  	[tilespmem:s13], [sflag:$0x2] =	stream.strided.gather [hbm4b:s17+s15], $0x800, s23, s15, $0x38;
	[tilespmem:$0x15200] =	vst v63  }
0x1cc: {  	s16 =	simm.s32 $0xF200;
	s0 =	sadd.s32 s11, s0;
	s4 =	simm.s32 @!p0 $0xF4180  }
0x1cd: {  	[tilespmem:s16], [sflag:$0x2] =	stream.strided.gather [hbm4b:s0+s15], $0x800, s23, s15, $0x38;
	[tilespmem:$0x15200] =	vst v63  }
0x1ce: {  	s20 =	simm.s32 $0xFA00;
	s22 =	simm.s32 $0x1;
	s18 =	sadd.s32 s11, s4  }
0x1cf: {  	[tilespmem:s20], [sflag:$0x2] =	stream.strided.gather [hbm4b:s18+s15], $0x800, s23, s15, $0x38;
	[tilespmem:$0x15200] =	vst v63  }
0x1d0: {  	s15 =	rddreg [dreg:$0xd];
	_ =	swait.ge [sflag:s22], $0x800  }
0x1d1: {  	[sflag:s22] =	ssyncset.done $0x0  }
0x1d2: {  	[sflag:s22] =	ssyncadd.s32 $0xFFFFF800  }
0x1d3: {  	_ =	swait.ge [sflag:s22], $0x800  }
0x1d4: {  	[sflag:s22] =	ssyncset.done $0x0  }
0x1d5: {  	[sflag:s22] =	ssyncadd.s32 $0xFFFFF800  }
0x1d6: {  	_ =	swait.ge [sflag:s22], $0x800  }
0x1d7: {  	[sflag:s22] =	ssyncset.done $0x0  }
0x1d8: {  	[sflag:s22] =	ssyncadd.s32 $0xFFFFF800  }
0x1d9: {  	_ =	swait.ge [sflag:s22], $0x800  }
0x1da: {  	[sflag:s22] =	ssyncset.done $0x0  }
0x1db: {  	[sflag:s22] =	ssyncadd.s32 $0xFFFFF800  }
0x1dc: {  	_ =	swait.ge [sflag:s22], $0x800  }
0x1dd: {  	[sflag:s22] =	ssyncset.done $0x0  }
0x1de: {  	[sflag:s22] =	ssyncadd.s32 $0xFFFFF800  }
0x1df: {  	_ =	swait.ge [sflag:s22], $0x800  }
0x1e0: {  	[sflag:s22] =	ssyncset.done $0x0  }
0x1e1: {  	[sflag:s22] =	ssyncadd.s32 $0xFFFFF800  }
0x1e2: {  	_ =	swait.ge [sflag:s22], $0x800  }
0x1e3: {  	[sflag:s22] =	ssyncset.done $0x0  }
0x1e4: {  	[sflag:s22] =	ssyncadd.s32 $0xFFFFF800  }
0x1e5: {  	_ =	swait.ge [sflag:s22], $0x800  }
0x1e6: {  	[sflag:s22] =	ssyncset.done $0x0  }
0x1e7: {  	[sflag:s22] =	ssyncadd.s32 $0xFFFFF800  }
0x1e8: {  	_ =	swait.ge [sflag:s22], $0x800  }
0x1e9: {  	[sflag:s22] =	ssyncset.done $0x0  }
0x1ea: {  	[sflag:s22] =	ssyncadd.s32 $0xFFFFF800  }
0x1eb: {  	_ =	swait.ge [sflag:s22], $0x800  }
0x1ec: {  	[sflag:s22] =	ssyncset.done $0x0  }
0x1ed: {  	[sflag:s22] =	ssyncadd.s32 $0xFFFFF800  }
0x1ee: {  	_ =	swait.ge [sflag:s22], $0x800  }
0x1ef: {  	[sflag:s22] =	ssyncset.done $0x0  }
0x1f0: {  	[sflag:s22] =	ssyncadd.s32 $0xFFFFF800  }
0x1f1: {  	_ =	swait.ge [sflag:s22], $0x800  }
0x1f2: {  	[sflag:s22] =	ssyncset.done $0x0  }
0x1f3: {  	[sflag:s22] =	ssyncadd.s32 $0xFFFFF800  }
0x1f4: {  	_ =	swait.ge [sflag:s22], $0x800  }
0x1f5: {  	[sflag:s22] =	ssyncset.done $0x0  }
0x1f6: {  	[sflag:s22] =	ssyncadd.s32 $0xFFFFF800  }
0x1f7: {  	_ =	swait.ge [sflag:s22], $0x800  }
0x1f8: {  	[sflag:s22] =	ssyncset.done $0x0  }
0x1f9: {  	[sflag:s22] =	ssyncadd.s32 $0xFFFFF800  }
0x1fa: {  	_ =	swait.ge [sflag:s22], $0x800  }
0x1fb: {  	[sflag:s22] =	ssyncset.done $0x0  }
0x1fc: {  	[sflag:s22] =	ssyncadd.s32 $0xFFFFF800  }
0x1fd: {  	_ =	swait.ge [sflag:s22], $0x800  }
0x1fe: {  	[sflag:s22] =	ssyncset.done $0x0  }
0x1ff: {  	[sflag:s22] =	ssyncadd.s32 $0xFFFFF800  }
0x200: {  	v13 =	vld [tilespmem:s15+$0x0];
	_ =	sdelay $0x4  }
0x201: {  	v2 =	vnsel vm15, $0x0, v13  }
0x202: {  	v2 =	vxor.u32 $0x80000000, v2  }
0x203: {  	(xrf0) =	vmax.scan.msk.u32 $0xffff, v2;
	_ =	sdelay $0x5  }
0x204: {  	v3 =	vsel vm0, $0x0, v13;
	v2, _, _ =	vpop (xrf0)  }
0x205: {  	(v2sf) =	vpush v2, $0xF;
	v2 =	vxor.u32 $0x80000000, v3  }
0x206: {  	(xrf0) =	vmax.scan.msk.u32 $0xffff, v2;
	_ =	sdelay $0x5  }
0x207: {  	v3 =	vsel vm1, $0x0, v13;
	v2, _, _ =	vpop (xrf0)  }
0x208: {  	(v2sf) =	vpush v2, $0xF;
	v2 =	vxor.u32 $0x80000000, v3  }
0x209: {  	(xrf0) =	vmax.scan.msk.u32 $0xffff, v2;
	_ =	sdelay $0x5  }
0x20a: {  	v3 =	vsel vm2, $0x0, v13;
	s24 =	spop (v2sf);
	v2, _, _ =	vpop (xrf0)  }
0x20b: {  	s26 =	sxor.u32 $0x80000000, s24;
	(v2sf) =	vpush v2, $0xF;
	v2 =	vxor.u32 $0x80000000, v3  }
0x20c: {  	s4 =	sand.u32 $0xFFFFFF80, s26;
	(xrf0) =	vmax.scan.msk.u32 $0xffff, v2  }
0x20d: {  	p0 =	slt.s32 s4, $0xF4180  }
0x20e: {  	s4 =	simm.s32 @!p0 $0xF4180  }
0x20f: {  	s0 =	sadd.s32 $0x7FF0BE40, s24;
	s4 =	ssub.s32 s26, s4  }
0x210: {  	p1 =	sgt.s32 s0, $0x0;
	p0 =	slt.s32 s4, $0x7F  }
0x211: {  	s0 =	simm.s32 @!p1 $0x0;
	s4 =	simm.s32 @!p0 $0x7F  }
0x212: {  	v3 =	vsel vm3, $0x0, v13;
	s0 =	smin.u32 s0, $0x7F;
	s30 =	spop (v2sf);
	v2, _, _ =	vpop (xrf0);
	v4 =	vadd.s32 s4, v1  }
0x213: {  	s31 =	sxor.u32 $0x80000000, s30;
	(v2sf) =	vpush v2, $0xF;
	v2 =	vxor.u32 $0x80000000, v3;
	v3 =	vor.u32 s0, v1  }
0x214: {  	s1 =	sadd.s32 $0xFFFFFFF1, s28;
	s4 =	sand.u32 $0xFFFFFF80, s31;
	(xrf0) =	vmax.scan.msk.u32 $0xffff, v2  }
0x215: {  	v2 =	vmov s1;
	p0 =	slt.s32 s4, $0xF4180  }
0x216: {  	s2 =	simm.s32 $0x200;
	v5 =	vshll.u32 v2, $0x3;
	s4 =	simm.s32 @!p0 $0xF4180  }
0x217: {  	s1 =	simm.s32 $0x10200;
	v2 =	vand.u32 $0x70, v2;
	v5 =	vand.u32 $0xC00, v5;
	v4 =	vld.idx.msk [tilespmem:v4+s2+$0x0], $0xffff;
	s0 =	ssub.s32 s31, s4;
	s4 =	sadd.s32 $0x7FF0BE40, s30  }
0x218: {  	v2 =	vor.u32 v5, v2;
	v3 =	vld.idx.msk [tilespmem:v3+s1+$0x0], $0xffff;
	p0 =	slt.s32 s0, $0x7F;
	p1 =	sgt.s32 s4, $0x0  }
0x219: {  	v2 =	vor.u32 v0, v2;
	s0 =	simm.s32 @!p0 $0x7F;
	s4 =	simm.s32 @!p1 $0x0  }
0x21a: {  	v6 =	vsel vm4, $0x0, v13;
	s7 =	spop (v2sf);
	v5, _, _ =	vpop (xrf0);
	v7 =	vadd.s32 s0, v1;
	s4 =	smin.u32 s4, $0x7F  }
0x21b: {  	s8 =	sxor.u32 $0x80000000, s7;
	(v2sf) =	vpush v5, $0xF;
	v5 =	vxor.u32 $0x80000000, v6;
	v6 =	vor.u32 s4, v1  }
0x21c: {  	s11 =	sadd.s32 $0xFFFFFFF2, s28;
	p6 =	sgt.s32 s26, $0xF41FF;
	s4 =	sand.u32 $0xFFFFFF80, s8;
	(xrf0) =	vmax.scan.msk.u32 $0xffff, v5  }
0x21d: {  	s2 =	simm.s32 $0x11200;
	p1 =	slt.s32 s4, $0xF4180;
	v3 =	vpsel p6, v3, v4;
	v4 =	vmov s11  }
0x21e: {  	s12 =	simm.s32 $0xA00;
	s4 =	simm.s32 @!p1 $0xF4180;
	[tilespmem:v2+s2+$0x0] =	vst.idx.msk $0xffff, v3;
	v3 =	vshll.u32 v4, $0x3  }
0x21f: {  	v4 =	vand.u32 $0x71, v4;
	v5 =	vld.idx.msk [tilespmem:v7+s12+$0x0], $0xffff;
	v3 =	vand.u32 $0xC00, v3;
	s3 =	ssub.s32 s8, s4;
	s4 =	sadd.s32 $0x7FF0BE40, s7  }
0x220: {  	v6 =	vld.idx.msk [tilespmem:v6+s1+$0x0], $0xffff;
	v3 =	vor.u32 v3, v4;
	p0 =	slt.s32 s3, $0x7F;
	p1 =	sgt.s32 s4, $0x0  }
0x221: {  	v3 =	vor.u32 v0, v3;
	s3 =	simm.s32 @!p0 $0x7F;
	s4 =	simm.s32 @!p1 $0x0  }
0x222: {  	v7 =	vsel vm5, $0x0, v13;
	s14 =	spop (v2sf);
	v4, _, _ =	vpop (xrf0);
	v8 =	vadd.s32 s3, v1;
	s4 =	smin.u32 s4, $0x7F  }
0x223: {  	s17 =	sxor.u32 $0x80000000, s14;
	(v2sf) =	vpush v4, $0xF;
	v4 =	vxor.u32 $0x80000000, v7;
	v7 =	vor.u32 s4, v1  }
0x224: {  	s18 =	sadd.s32 $0xFFFFFFF3, s28;
	p2 =	sgt.s32 s31, $0xF41FF;
	s4 =	sand.u32 $0xFFFFFF80, s17;
	(xrf0) =	vmax.scan.msk.u32 $0xffff, v4  }
0x225: {  	p1 =	slt.s32 s4, $0xF4180;
	v4 =	vpsel p2, v6, v5;
	v5 =	vmov s18  }
0x226: {  	s20 =	simm.s32 $0x1200;
	s4 =	simm.s32 @!p1 $0xF4180;
	[tilespmem:v3+s2+$0x0] =	vst.idx.msk $0xffff, v4;
	v4 =	vshll.u32 v5, $0x3  }
0x227: {  	s5 =	sadd.s32 $0x7FF0BE40, s14;
	v5 =	vand.u32 $0x72, v5;
	v6 =	vld.idx.msk [tilespmem:v8+s20+$0x0], $0xffff;
	v4 =	vand.u32 $0xC00, v4;
	s4 =	ssub.s32 s17, s4  }
0x228: {  	p1 =	sgt.s32 s5, $0x0;
	v7 =	vld.idx.msk [tilespmem:v7+s1+$0x0], $0xffff;
	v4 =	vor.u32 v4, v5;
	p0 =	slt.s32 s4, $0x7F  }
0x229: {  	s5 =	simm.s32 @!p1 $0x0;
	v4 =	vor.u32 v0, v4;
	s4 =	simm.s32 @!p0 $0x7F  }
0x22a: {  	v8 =	vsel vm6, $0x0, v13;
	s24 =	smin.u32 s5, $0x7F;
	s22 =	spop (v2sf);
	v5, _, _ =	vpop (xrf0);
	v9 =	vadd.s32 s4, v1  }
0x22b: {  	s26 =	sxor.u32 $0x80000000, s22;
	(v2sf) =	vpush v5, $0xF;
	v5 =	vxor.u32 $0x80000000, v8;
	v8 =	vor.u32 s24, v1  }
0x22c: {  	s30 =	sadd.s32 $0xFFFFFFF4, s28;
	p3 =	sgt.s32 s8, $0xF41FF;
	s4 =	sand.u32 $0xFFFFFF80, s26;
	(xrf0) =	vmax.scan.msk.u32 $0xffff, v5  }
0x22d: {  	p1 =	slt.s32 s4, $0xF4180;
	v5 =	vpsel p3, v7, v6;
	v6 =	vmov s30  }
0x22e: {  	s31 =	simm.s32 $0x1A00;
	s4 =	simm.s32 @!p1 $0xF4180;
	[tilespmem:v4+s2+$0x0] =	vst.idx.msk $0xffff, v5;
	v5 =	vshll.u32 v6, $0x3  }
0x22f: {  	v6 =	vand.u32 $0x73, v6;
	v7 =	vld.idx.msk [tilespmem:v9+s31+$0x0], $0xffff;
	v5 =	vand.u32 $0xC00, v5;
	s0 =	ssub.s32 s26, s4;
	s4 =	sadd.s32 $0x7FF0BE40, s22  }
0x230: {  	v8 =	vld.idx.msk [tilespmem:v8+s1+$0x0], $0xffff;
	v5 =	vor.u32 v5, v6;
	p0 =	slt.s32 s0, $0x7F;
	p1 =	sgt.s32 s4, $0x0  }
0x231: {  	v5 =	vor.u32 v0, v5;
	s0 =	simm.s32 @!p0 $0x7F;
	s4 =	simm.s32 @!p1 $0x0  }
0x232: {  	v9 =	vsel vm7, $0x0, v13;
	s7 =	spop (v2sf);
	v6, _, _ =	vpop (xrf0);
	v10 =	vadd.s32 s0, v1;
	s4 =	smin.u32 s4, $0x7F  }
0x233: {  	s8 =	sxor.u32 $0x80000000, s7;
	(v2sf) =	vpush v6, $0xF;
	v6 =	vxor.u32 $0x80000000, v9;
	v9 =	vor.u32 s4, v1  }
0x234: {  	s11 =	sadd.s32 $0xFFFFFFF5, s28;
	p4 =	sgt.s32 s17, $0xF41FF;
	s4 =	sand.u32 $0xFFFFFF80, s8;
	(xrf0) =	vmax.scan.msk.u32 $0xffff, v6  }
0x235: {  	p1 =	slt.s32 s4, $0xF4180;
	v6 =	vpsel p4, v8, v7;
	v7 =	vmov s11  }
0x236: {  	s12 =	simm.s32 $0x2200;
	s4 =	simm.s32 @!p1 $0xF4180;
	[tilespmem:v5+s2+$0x0] =	vst.idx.msk $0xffff, v6;
	v6 =	vshll.u32 v7, $0x3  }
0x237: {  	v7 =	vand.u32 $0x74, v7;
	v8 =	vld.idx.msk [tilespmem:v10+s12+$0x0], $0xffff;
	v6 =	vand.u32 $0xC00, v6;
	s3 =	ssub.s32 s8, s4;
	s4 =	sadd.s32 $0x7FF0BE40, s7  }
0x238: {  	v9 =	vld.idx.msk [tilespmem:v9+s1+$0x0], $0xffff;
	v6 =	vor.u32 v6, v7;
	p0 =	slt.s32 s3, $0x7F;
	p1 =	sgt.s32 s4, $0x0  }
0x239: {  	v6 =	vor.u32 v0, v6;
	s3 =	simm.s32 @!p0 $0x7F;
	s4 =	simm.s32 @!p1 $0x0  }
0x23a: {  	v10 =	vsel vm8, $0x0, v13;
	s14 =	spop (v2sf);
	v7, _, _ =	vpop (xrf0);
	v11 =	vadd.s32 s3, v1;
	s4 =	smin.u32 s4, $0x7F  }
0x23b: {  	s17 =	sxor.u32 $0x80000000, s14;
	(v2sf) =	vpush v7, $0xF;
	v7 =	vxor.u32 $0x80000000, v10;
	v10 =	vor.u32 s4, v1  }
0x23c: {  	s18 =	sadd.s32 $0xFFFFFFF6, s28;
	p5 =	sgt.s32 s26, $0xF41FF;
	s4 =	sand.u32 $0xFFFFFF80, s17;
	(xrf0) =	vmax.scan.msk.u32 $0xffff, v7  }
0x23d: {  	p1 =	slt.s32 s4, $0xF4180;
	v7 =	vpsel p5, v9, v8;
	v8 =	vmov s18  }
0x23e: {  	s20 =	simm.s32 $0x2A00;
	s4 =	simm.s32 @!p1 $0xF4180;
	[tilespmem:v6+s2+$0x0] =	vst.idx.msk $0xffff, v7;
	v7 =	vshll.u32 v8, $0x3  }
0x23f: {  	s5 =	sadd.s32 $0x7FF0BE40, s14;
	v8 =	vand.u32 $0x75, v8;
	v9 =	vld.idx.msk [tilespmem:v11+s20+$0x0], $0xffff;
	v7 =	vand.u32 $0xC00, v7;
	s4 =	ssub.s32 s17, s4  }
0x240: {  	p1 =	sgt.s32 s5, $0x0;
	v10 =	vld.idx.msk [tilespmem:v10+s1+$0x0], $0xffff;
	v7 =	vor.u32 v7, v8;
	p0 =	slt.s32 s4, $0x7F  }
0x241: {  	s5 =	simm.s32 @!p1 $0x0;
	v7 =	vor.u32 v0, v7;
	s4 =	simm.s32 @!p0 $0x7F  }
0x242: {  	v11 =	vsel vm9, $0x0, v13;
	s24 =	smin.u32 s5, $0x7F;
	s22 =	spop (v2sf);
	v8, _, _ =	vpop (xrf0);
	v12 =	vadd.s32 s4, v1  }
0x243: {  	s26 =	sxor.u32 $0x80000000, s22;
	(v2sf) =	vpush v8, $0xF;
	v8 =	vxor.u32 $0x80000000, v11;
	v11 =	vor.u32 s24, v1  }
0x244: {  	s30 =	sadd.s32 $0xFFFFFFF7, s28;
	p6 =	sgt.s32 s8, $0xF41FF;
	s4 =	sand.u32 $0xFFFFFF80, s26;
	(xrf0) =	vmax.scan.msk.u32 $0xffff, v8  }
0x245: {  	p1 =	slt.s32 s4, $0xF4180;
	v8 =	vpsel p6, v10, v9;
	v9 =	vmov s30  }
0x246: {  	s31 =	simm.s32 $0x3200;
	s4 =	simm.s32 @!p1 $0xF4180;
	[tilespmem:v7+s2+$0x0] =	vst.idx.msk $0xffff, v8;
	v8 =	vshll.u32 v9, $0x3  }
0x247: {  	v9 =	vand.u32 $0x76, v9;
	v10 =	vld.idx.msk [tilespmem:v12+s31+$0x0], $0xffff;
	v8 =	vand.u32 $0xC00, v8;
	s0 =	ssub.s32 s26, s4;
	s4 =	sadd.s32 $0x7FF0BE40, s22  }
0x248: {  	v11 =	vld.idx.msk [tilespmem:v11+s1+$0x0], $0xffff;
	v8 =	vor.u32 v8, v9;
	p0 =	slt.s32 s0, $0x7F;
	p1 =	sgt.s32 s4, $0x0  }
0x249: {  	v8 =	vor.u32 v0, v8;
	s0 =	simm.s32 @!p0 $0x7F;
	s4 =	simm.s32 @!p1 $0x0  }
0x24a: {  	v12 =	vsel vm10, $0x0, v13;
	s7 =	spop (v2sf);
	v9, _, _ =	vpop (xrf0);
	v14 =	vadd.s32 s0, v1;
	s4 =	smin.u32 s4, $0x7F  }
0x24b: {  	s8 =	sxor.u32 $0x80000000, s7;
	(v2sf) =	vpush v9, $0xF;
	v9 =	vxor.u32 $0x80000000, v12;
	v12 =	vor.u32 s4, v1  }
0x24c: {  	s11 =	sadd.s32 $0xFFFFFFF8, s28;
	p2 =	sgt.s32 s17, $0xF41FF;
	s4 =	sand.u32 $0xFFFFFF80, s8;
	(xrf0) =	vmax.scan.msk.u32 $0xffff, v9  }
0x24d: {  	p1 =	slt.s32 s4, $0xF4180;
	v9 =	vpsel p2, v11, v10;
	v10 =	vmov s11  }
0x24e: {  	s12 =	simm.s32 $0x3A00;
	s4 =	simm.s32 @!p1 $0xF4180;
	[tilespmem:v8+s2+$0x0] =	vst.idx.msk $0xffff, v9;
	v9 =	vshll.u32 v10, $0x3  }
0x24f: {  	v10 =	vand.u32 $0x77, v10;
	v11 =	vld.idx.msk [tilespmem:v14+s12+$0x0], $0xffff;
	v9 =	vand.u32 $0xC00, v9;
	s3 =	ssub.s32 s8, s4;
	s4 =	sadd.s32 $0x7FF0BE40, s7  }
0x250: {  	v12 =	vld.idx.msk [tilespmem:v12+s1+$0x0], $0xffff;
	v9 =	vor.u32 v9, v10;
	p0 =	slt.s32 s3, $0x7F;
	p1 =	sgt.s32 s4, $0x0  }
0x251: {  	v9 =	vor.u32 v0, v9;
	s3 =	simm.s32 @!p0 $0x7F;
	s4 =	simm.s32 @!p1 $0x0  }
0x252: {  	v14 =	vsel vm11, $0x0, v13;
	s14 =	spop (v2sf);
	v10, _, _ =	vpop (xrf0);
	v15 =	vadd.s32 s3, v1;
	s4 =	smin.u32 s4, $0x7F  }
0x253: {  	s17 =	sxor.u32 $0x80000000, s14;
	(v2sf) =	vpush v10, $0xF;
	v10 =	vxor.u32 $0x80000000, v14;
	v14 =	vor.u32 s4, v1  }
0x254: {  	s18 =	sadd.s32 $0xFFFFFFF9, s28;
	p3 =	sgt.s32 s26, $0xF41FF;
	s4 =	sand.u32 $0xFFFFFF80, s17;
	(xrf0) =	vmax.scan.msk.u32 $0xffff, v10  }
0x255: {  	p1 =	slt.s32 s4, $0xF4180;
	v10 =	vpsel p3, v12, v11;
	v11 =	vmov s18  }
0x256: {  	s20 =	simm.s32 $0x4200;
	s4 =	simm.s32 @!p1 $0xF4180;
	[tilespmem:v9+s2+$0x0] =	vst.idx.msk $0xffff, v10;
	v10 =	vshll.u32 v11, $0x3  }
0x257: {  	s5 =	sadd.s32 $0x7FF0BE40, s14;
	v11 =	vand.u32 $0x78, v11;
	v12 =	vld.idx.msk [tilespmem:v15+s20+$0x0], $0xffff;
	v10 =	vand.u32 $0xC00, v10;
	s4 =	ssub.s32 s17, s4  }
0x258: {  	p1 =	sgt.s32 s5, $0x0;
	v14 =	vld.idx.msk [tilespmem:v14+s1+$0x0], $0xffff;
	v10 =	vor.u32 v10, v11;
	p0 =	slt.s32 s4, $0x7F  }
0x259: {  	s5 =	simm.s32 @!p1 $0x0;
	v10 =	vor.u32 v0, v10;
	s4 =	simm.s32 @!p0 $0x7F  }
0x25a: {  	v15 =	vsel vm12, $0x0, v13;
	s24 =	smin.u32 s5, $0x7F;
	s22 =	spop (v2sf);
	v11, _, _ =	vpop (xrf0);
	v16 =	vadd.s32 s4, v1  }
0x25b: {  	s26 =	sxor.u32 $0x80000000, s22;
	(v2sf) =	vpush v11, $0xF;
	v11 =	vxor.u32 $0x80000000, v15;
	v15 =	vor.u32 s24, v1  }
0x25c: {  	s30 =	sadd.s32 $0xFFFFFFFA, s28;
	p4 =	sgt.s32 s8, $0xF41FF;
	s4 =	sand.u32 $0xFFFFFF80, s26;
	(xrf0) =	vmax.scan.msk.u32 $0xffff, v11  }
0x25d: {  	p1 =	slt.s32 s4, $0xF4180;
	v11 =	vpsel p4, v14, v12;
	v12 =	vmov s30  }
0x25e: {  	s31 =	simm.s32 $0x4A00;
	s4 =	simm.s32 @!p1 $0xF4180;
	[tilespmem:v10+s2+$0x0] =	vst.idx.msk $0xffff, v11;
	v11 =	vshll.u32 v12, $0x3  }
0x25f: {  	v12 =	vand.u32 $0x79, v12;
	v14 =	vld.idx.msk [tilespmem:v16+s31+$0x0], $0xffff;
	v11 =	vand.u32 $0xC00, v11;
	s0 =	ssub.s32 s26, s4;
	s4 =	sadd.s32 $0x7FF0BE40, s22  }
0x260: {  	v15 =	vld.idx.msk [tilespmem:v15+s1+$0x0], $0xffff;
	v11 =	vor.u32 v11, v12;
	p0 =	slt.s32 s0, $0x7F;
	p1 =	sgt.s32 s4, $0x0  }
0x261: {  	v11 =	vor.u32 v0, v11;
	s0 =	simm.s32 @!p0 $0x7F;
	s4 =	simm.s32 @!p1 $0x0  }
0x262: {  	v16 =	vsel vm13, $0x0, v13;
	s7 =	spop (v2sf);
	v12, _, _ =	vpop (xrf0);
	v17 =	vadd.s32 s0, v1;
	s4 =	smin.u32 s4, $0x7F  }
0x263: {  	s8 =	sxor.u32 $0x80000000, s7;
	(v2sf) =	vpush v12, $0xF;
	v12 =	vxor.u32 $0x80000000, v16;
	v16 =	vor.u32 s4, v1  }
0x264: {  	s11 =	sadd.s32 $0xFFFFFFFB, s28;
	p5 =	sgt.s32 s17, $0xF41FF;
	s4 =	sand.u32 $0xFFFFFF80, s8;
	(xrf0) =	vmax.scan.msk.u32 $0xffff, v12  }
0x265: {  	p1 =	slt.s32 s4, $0xF4180;
	v12 =	vpsel p5, v15, v14;
	v14 =	vmov s11  }
0x266: {  	s12 =	simm.s32 $0x5200;
	s4 =	simm.s32 @!p1 $0xF4180;
	[tilespmem:v11+s2+$0x0] =	vst.idx.msk $0xffff, v12;
	v12 =	vshll.u32 v14, $0x3  }
0x267: {  	v14 =	vand.u32 $0x7A, v14;
	v15 =	vld.idx.msk [tilespmem:v17+s12+$0x0], $0xffff;
	v12 =	vand.u32 $0xC00, v12;
	s3 =	ssub.s32 s8, s4;
	s4 =	sadd.s32 $0x7FF0BE40, s7  }
0x268: {  	v16 =	vld.idx.msk [tilespmem:v16+s1+$0x0], $0xffff;
	v12 =	vor.u32 v12, v14;
	p0 =	slt.s32 s3, $0x7F;
	p1 =	sgt.s32 s4, $0x0  }
0x269: {  	v12 =	vor.u32 v0, v12;
	s3 =	simm.s32 @!p0 $0x7F;
	s4 =	simm.s32 @!p1 $0x0  }
0x26a: {  	v13 =	vsel vm14, $0x0, v13;
	s14 =	spop (v2sf);
	v14, _, _ =	vpop (xrf0);
	v17 =	vadd.s32 s3, v1;
	s17 =	smin.u32 s4, $0x7F  }
0x26b: {  	v13 =	vxor.u32 $0x80000000, v13;
	s18 =	sxor.u32 $0x80000000, s14;
	(v2sf) =	vpush v14, $0xF;
	v14 =	vor.u32 s17, v1  }
0x26c: {  	s20 =	sadd.s32 $0xFFFFFFFC, s28;
	p6 =	sgt.s32 s26, $0xF41FF;
	(xrf0) =	vmax.scan.msk.u32 $0xffff, v13;
	s3 =	sand.u32 $0xFFFFFF80, s18  }
0x26d: {  	p1 =	slt.s32 s3, $0xF4180;
	v13 =	vpsel p6, v16, v15;
	v15 =	vmov s20  }
0x26e: {  	s22 =	simm.s32 $0x5A00;
	s3 =	simm.s32 @!p1 $0xF4180;
	[tilespmem:v12+s2+$0x0] =	vst.idx.msk $0xffff, v13;
	v13 =	vshll.u32 v15, $0x3  }
0x26f: {  	s5 =	sadd.s32 $0x7FF0BE40, s14;
	v15 =	vand.u32 $0x7B, v15;
	v16 =	vld.idx.msk [tilespmem:v17+s22+$0x0], $0xffff;
	v13 =	vand.u32 $0xC00, v13;
	s3 =	ssub.s32 s18, s3  }
0x270: {  	p1 =	sgt.s32 s5, $0x0;
	v14 =	vld.idx.msk [tilespmem:v14+s1+$0x0], $0xffff;
	v13 =	vor.u32 v13, v15;
	p0 =	slt.s32 s3, $0x7F  }
0x271: {  	s5 =	simm.s32 @!p1 $0x0;
	v13 =	vor.u32 v0, v13;
	s3 =	simm.s32 @!p0 $0x7F  }
0x272: {  	s26 =	smin.u32 s5, $0x7F;
	v15, _, _ =	vpop (xrf0);
	s24 =	spop (v2sf);
	v17 =	vadd.s32 s3, v1  }
0x273: {  	(v2sf) =	vpush v15, $0xF;
	v15 =	vor.u32 s26, v1;
	s30 =	sxor.u32 $0x80000000, s24  }
0x274: {  	s31 =	sadd.s32 $0xFFFFFFFD, s28;
	p2 =	sgt.s32 s8, $0xF41FF;
	s3 =	sand.u32 $0xFFFFFF80, s30  }
0x275: {  	p1 =	slt.s32 s3, $0xF4180;
	v14 =	vpsel p2, v14, v16;
	v16 =	vmov s31  }
0x276: {  	s7 =	simm.s32 $0x6200;
	s3 =	simm.s32 @!p1 $0xF4180;
	[tilespmem:v13+s2+$0x0] =	vst.idx.msk $0xffff, v14;
	v14 =	vshll.u32 v16, $0x3  }
0x277: {  	v16 =	vand.u32 $0x7C, v16;
	v17 =	vld.idx.msk [tilespmem:v17+s7+$0x0], $0xffff;
	v14 =	vand.u32 $0xC00, v14;
	s0 =	ssub.s32 s30, s3;
	s3 =	sadd.s32 $0x7FF0BE40, s24  }
0x278: {  	v15 =	vld.idx.msk [tilespmem:v15+s1+$0x0], $0xffff;
	v14 =	vor.u32 v14, v16;
	p0 =	slt.s32 s0, $0x7F;
	p1 =	sgt.s32 s3, $0x0  }
0x279: {  	v14 =	vor.u32 v0, v14;
	s0 =	simm.s32 @!p0 $0x7F;
	s3 =	simm.s32 @!p1 $0x0  }
0x27a: {  	s8 =	spop (v2sf);
	v16 =	vadd.s32 s0, v1;
	s11 =	smin.u32 s3, $0x7F  }
0x27b: {  	s12 =	sxor.u32 $0x80000000, s8;
	v18 =	vor.u32 s11, v1  }
0x27c: {  	s14 =	sadd.s32 $0xFFFFFFFE, s28;
	p3 =	sgt.s32 s18, $0xF41FF;
	s0 =	sand.u32 $0xFFFFFF80, s12  }
0x27d: {  	v15 =	vpsel p3, v15, v17;
	v17 =	vmov s14;
	p1 =	slt.s32 s0, $0xF4180  }
0x27e: {  	s17 =	simm.s32 $0x6A00;
	s0 =	simm.s32 @!p1 $0xF4180;
	[tilespmem:v14+s2+$0x0] =	vst.idx.msk $0xffff, v15;
	v15 =	vshll.u32 v17, $0x3  }
0x27f: {  	s4 =	sadd.s32 $0x7FF0BE40, s8;
	v17 =	vand.u32 $0x7D, v17;
	v16 =	vld.idx.msk [tilespmem:v16+s17+$0x0], $0xffff;
	v15 =	vand.u32 $0xC00, v15;
	s0 =	ssub.s32 s12, s0  }
0x280: {  	p1 =	sgt.s32 s4, $0x0;
	v18 =	vld.idx.msk [tilespmem:v18+s1+$0x0], $0xffff;
	v15 =	vor.u32 v15, v17;
	p0 =	slt.s32 s0, $0x7F  }
0x281: {  	s4 =	simm.s32 @!p1 $0x0;
	v15 =	vor.u32 v0, v15;
	s0 =	simm.s32 @!p0 $0x7F  }
0x282: {  	s20 =	smin.u32 s4, $0x7F;
	s18 =	spop (v2sf);
	v17 =	vadd.s32 s0, v1  }
0x283: {  	v19 =	vor.u32 s20, v1;
	s22 =	sxor.u32 $0x80000000, s18  }
0x284: {  	p4 =	sgt.s32 s30, $0xF41FF;
	s24 =	sadd.s32 $0xFFFFFFFF, s28;
	s0 =	sand.u32 $0xFFFFFF80, s22  }
0x285: {  	v20 =	vmov s24;
	p1 =	slt.s32 s0, $0xF4180;
	v16 =	vpsel p4, v18, v16  }
0x286: {  	s26 =	simm.s32 $0x7200;
	s0 =	simm.s32 @!p1 $0xF4180;
	[tilespmem:v15+s2+$0x0] =	vst.idx.msk $0xffff, v16;
	v16 =	vshll.u32 v20, $0x3  }
0x287: {  	s5 =	sadd.s32 $0x7FF0BE40, s18;
	v18 =	vand.u32 $0x7E, v20;
	s0 =	ssub.s32 s22, s0;
	v17 =	vld.idx.msk [tilespmem:v17+s26+$0x0], $0xffff;
	v16 =	vand.u32 $0xC00, v16  }
0x288: {  	p1 =	sgt.s32 s5, $0x0;
	v19 =	vld.idx.msk [tilespmem:v19+s1+$0x0], $0xffff;
	p0 =	slt.s32 s0, $0x7F;
	v16 =	vor.u32 v16, v18  }
0x289: {  	s5 =	simm.s32 @!p1 $0x0;
	s0 =	simm.s32 @!p0 $0x7F;
	v16 =	vor.u32 v0, v16  }
0x28a: {  	s30 =	smin.u32 s5, $0x7F;
	v18 =	vadd.s32 s0, v1  }
0x28b: {  	v63 =	vor.u32 s30, v1  }
0x28c: {  	p5 =	sgt.s32 s12, $0xF41FF  }
0x28d: {  	v17 =	vpsel p5, v19, v17;
	v19 =	vmov s28  }
0x28e: {  	s31 =	simm.s32 $0x7A00;
	[tilespmem:v16+s2+$0x0] =	vst.idx.msk $0xffff, v17;
	v17 =	vshll.u32 v19, $0x3  }
0x28f: {  	v19 =	vand.u32 $0x7F, v19;
	v18 =	vld.idx.msk [tilespmem:v18+s31+$0x0], $0xffff;
	v17 =	vand.u32 $0xC00, v17  }
0x290: {  	v17 =	vor.u32 v17, v19;
	v19 =	vld.idx.msk [tilespmem:v63+s1+$0x0], $0xffff  }
0x291: {  	p0 =	seq.s32 s28, $0x1FF;
	v17 =	vor.u32 v0, v17  }
.Ltmp4:
0x292: {  	s19 =	simm.s32 $0x8200;
	(pc) =	sbr.rel @p0 .LBB2_4-.Ltmp4, $4  }
0x293: {  	s29 =	simm.s32 $0xD200;
	s23 =	simm.s32 $0xFA00;
	s7 =	simm.s32 $0x9200  }
0x294: {  	s24 =	simm.s32 $0xC200;
	s11 =	simm.s32 $0x10200;
	p6 =	sgt.s32 s22, $0xF41FF  }
0x295: {  	s8 =	simm.s32 $0xA200;
	s12 =	simm.s32 $0xBA00;
	s22 =	simm.s32 $0x9A00;
	v18 =	vpsel p6, v19, v18  }
0x296: {  	s26 =	simm.s32 $0xCA00;
	s1 =	simm.s32 $0xAA00;
	[tilespmem:v17+s2+$0x0] =	vst.idx.msk $0xffff, v18;
	s2 =	simm.s32 $0xB200  }
0x297: {  	v18 =	vld [tilespmem:s15+$0x10];
	_ =	sdelay $0x4  }
0x298: {  	v19 =	vsel vm0, $0x0, v18  }
0x299: {  	v20 =	vsel vm1, $0x0, v18;
	v19 =	vxor.u32 $0x80000000, v19  }
0x29a: {  	v43 =	vsel vm2, $0x0, v18;
	(xrf0) =	vmax.scan.msk.u32 $0xffff, v19;
	v19 =	vxor.u32 $0x80000000, v20  }
0x29b: {  	v44 =	vsel vm3, $0x0, v18;
	(xrf0) =	vmax.scan.msk.u32 $0xffff, v19;
	v19 =	vxor.u32 $0x80000000, v43  }
0x29c: {  	v45 =	vsel vm4, $0x0, v18;
	(xrf0) =	vmax.scan.msk.u32 $0xffff, v19;
	v19 =	vxor.u32 $0x80000000, v44  }
0x29d: {  	v46 =	vsel vm5, $0x0, v18;
	(xrf0) =	vmax.scan.msk.u32 $0xffff, v19;
	v19 =	vxor.u32 $0x80000000, v45  }
0x29e: {  	v47 =	vsel vm6, $0x0, v18;
	(xrf0) =	vmax.scan.msk.u32 $0xffff, v19;
	v19 =	vxor.u32 $0x80000000, v46  }
0x29f: {  	v48 =	vsel vm7, $0x0, v18;
	(xrf0) =	vmax.scan.msk.u32 $0xffff, v19;
	v19 =	vxor.u32 $0x80000000, v47  }
0x2a0: {  	v49 =	vsel vm8, $0x0, v18;
	v21, _, _ =	vpop (xrf0);
	(xrf0) =	vmax.scan.msk.u32 $0xffff, v19;
	v19 =	vxor.u32 $0x80000000, v48  }
0x2a1: {  	v51 =	vsel vm9, $0x0, v18;
	v50, _, _ =	vpop (xrf0);
	(xrf0) =	vmax.scan.msk.u32 $0xffff, v19;
	v19 =	vxor.u32 $0x80000000, v49  }
0x2a2: {  	v53 =	vsel vm10, $0x0, v18;
	(v2sf) =	vpush v21, $0xF;
	v52, _, _ =	vpop (xrf0);
	(xrf0) =	vmax.scan.msk.u32 $0xffff, v19;
	v19 =	vxor.u32 $0x80000000, v51  }
0x2a3: {  	v55 =	vsel vm11, $0x0, v18;
	(v2sf) =	vpush v50, $0xF;
	v54, _, _ =	vpop (xrf0);
	(xrf0) =	vmax.scan.msk.u32 $0xffff, v19;
	v19 =	vxor.u32 $0x80000000, v53  }
0x2a4: {  	v57 =	vsel vm12, $0x0, v18;
	(v2sf) =	vpush v52, $0xF;
	v56, _, _ =	vpop (xrf0);
	(xrf0) =	vmax.scan.msk.u32 $0xffff, v19;
	v19 =	vxor.u32 $0x80000000, v55  }
0x2a5: {  	v59 =	vsel vm13, $0x0, v18;
	(v2sf) =	vpush v54, $0xF;
	v58, _, _ =	vpop (xrf0);
	(xrf0) =	vmax.scan.msk.u32 $0xffff, v19;
	v19 =	vxor.u32 $0x80000000, v57  }
0x2a6: {  	v61 =	vsel vm14, $0x0, v18;
	(v2sf) =	vpush v56, $0xF;
	v60, _, _ =	vpop (xrf0);
	(xrf0) =	vmax.scan.msk.u32 $0xffff, v19;
	v19 =	vxor.u32 $0x80000000, v59  }
0x2a7: {  	v18 =	vnsel vm15, $0x0, v18;
	(v2sf) =	vpush v58, $0xF;
	v62, _, _ =	vpop (xrf0);
	(xrf0) =	vmax.scan.msk.u32 $0xffff, v19;
	v19 =	vxor.u32 $0x80000000, v61  }
0x2a8: {  	v18 =	vxor.u32 $0x80000000, v18;
	(v2sf) =	vpush v60, $0xF  }
0x2a9: {  	(v2sf) =	vpush v62, $0xF;
	v63, _, _ =	vpop (xrf0);
	(xrf0) =	vmax.scan.msk.u32 $0xffff, v19  }
0x2aa: {  	(v2sf) =	vpush v63, $0xF;
	v19, _, _ =	vpop (xrf0);
	(xrf0) =	vmax.scan.msk.u32 $0xffff, v18  }
0x2ab: {  	v18, _, _ =	vpop (xrf0);
	(v2sf) =	vpush v19, $0xF  }
0x2ac: {  	v19, _, _ =	vpop (xrf0);
	(v2sf) =	vpush v18, $0xF  }
0x2ad: {  	v18, _, _ =	vpop (xrf0);
	(v2sf) =	vpush v19, $0xF  }
0x2ae: {  	v19, _, _ =	vpop (xrf0);
	(v2sf) =	vpush v18, $0xF  }
0x2af: {  	v18, _, _ =	vpop (xrf0);
	(v2sf) =	vpush v19, $0xF  }
0x2b0: {  	(v2sf) =	vpush v18, $0xF;
	v18, _, _ =	vpop (xrf0)  }
0x2b1: {  	s4 =	spop (v2sf);
	(v2sf) =	vpush v18, $0xF  }
0x2b2: {  	s7 =	spop (v2sf)  }
0x2b3: {  	s8 =	spop (v2sf)  }
0x2b4: {  	s9 =	spop (v2sf)  }
0x2b5: {  	s10 =	spop (v2sf)  }
0x2b6: {  	s13 =	spop (v2sf)  }
0x2b7: {  	s16 =	spop (v2sf)  }
0x2b8: {  	s17 =	spop (v2sf)  }
0x2b9: {  	s18 =	spop (v2sf)  }
0x2ba: {  	s6 =	spop (v2sf)  }
0x2bb: {  	s5 =	spop (v2sf)  }
0x2bc: {  	s3 =	spop (v2sf)  }
0x2bd: {  	s0 =	spop (v2sf)  }
0x2be: {  	s31 =	spop (v2sf)  }
0x2bf: {  	s30 =	spop (v2sf)  }
0x2c0: {  	s19 =	spop (v2sf)  }
0x2c1: {  	s19 =	sand.u32 $0xFFFFFF80, s19  }
0x2c2: {  	s1 =	rddreg [dreg:$0x1];
	s4 =	sand.u32 $0xFFFFFF80, s4;
	s19 =	sxor.u32 $0x80000000, s19  }
0x2c3: {  	s20 =	simm.s32 $0x200;
	s4 =	sxor.u32 $0x80000000, s4;
	p0 =	slt.s32 s19, $0xF4180  }
0x2c4: {  	s14 =	simm.s32 $0x400;
	s19 =	simm.s32 @!p0 $0xF4180;
	p0 =	slt.s32 s4, $0xF4180  }
0x2c5: {  	s15 =	simm.s32 $0x7A1400;
	s19 =	sadd.s32 s1, s19;
	s4 =	simm.s32 @!p0 $0xF4180  }
0x2c6: {  	[tilespmem:s20], [sflag:$0x1] =	stream.strided.gather [hbm4b:s19+s14], $0x800, s15, s14, $0x38;
	[tilespmem:$0x15200] =	vst v63  }
0x2c7: {  	s7 =	sand.u32 $0xFFFFFF80, s7;
	s20 =	simm.s32 $0xA00;
	s4 =	sadd.s32 s1, s4  }
0x2c8: {  	[tilespmem:s20], [sflag:$0x1] =	stream.strided.gather [hbm4b:s4+s14], $0x800, s15, s14, $0x38;
	[tilespmem:$0x15200] =	vst v63  }
0x2c9: {  	s4 =	sxor.u32 $0x80000000, s7  }
0x2ca: {  	p0 =	slt.s32 s4, $0xF4180  }
0x2cb: {  	s4 =	simm.s32 @!p0 $0xF4180  }
0x2cc: {  	s20 =	simm.s32 $0x1200;
	s7 =	sand.u32 $0xFFFFFF80, s8;
	s4 =	sadd.s32 s1, s4  }
0x2cd: {  	[tilespmem:s20], [sflag:$0x1] =	stream.strided.gather [hbm4b:s4+s14], $0x800, s15, s14, $0x38;
	[tilespmem:$0x15200] =	vst v63  }
0x2ce: {  	s4 =	sxor.u32 $0x80000000, s7  }
0x2cf: {  	p0 =	slt.s32 s4, $0xF4180  }
0x2d0: {  	s4 =	simm.s32 @!p0 $0xF4180  }
0x2d1: {  	s20 =	simm.s32 $0x1A00;
	s7 =	sand.u32 $0xFFFFFF80, s9;
	s4 =	sadd.s32 s1, s4  }
0x2d2: {  	[tilespmem:s20], [sflag:$0x1] =	stream.strided.gather [hbm4b:s4+s14], $0x800, s15, s14, $0x38;
	[tilespmem:$0x15200] =	vst v63  }
0x2d3: {  	s4 =	sxor.u32 $0x80000000, s7  }
0x2d4: {  	p0 =	slt.s32 s4, $0xF4180  }
0x2d5: {  	s4 =	simm.s32 @!p0 $0xF4180  }
0x2d6: {  	s10 =	sand.u32 $0xFFFFFF80, s10;
	s9 =	simm.s32 $0x2200;
	s4 =	sadd.s32 s1, s4  }
0x2d7: {  	[tilespmem:s9], [sflag:$0x1] =	stream.strided.gather [hbm4b:s4+s14], $0x800, s15, s14, $0x38;
	[tilespmem:$0x15200] =	vst v63  }
0x2d8: {  	s4 =	sxor.u32 $0x80000000, s10  }
0x2d9: {  	p0 =	slt.s32 s4, $0xF4180  }
0x2da: {  	s4 =	simm.s32 @!p0 $0xF4180  }
0x2db: {  	s20 =	simm.s32 $0x2A00;
	s7 =	sand.u32 $0xFFFFFF80, s13;
	s4 =	sadd.s32 s1, s4  }
0x2dc: {  	[tilespmem:s20], [sflag:$0x1] =	stream.strided.gather [hbm4b:s4+s14], $0x800, s15, s14, $0x38;
	[tilespmem:$0x15200] =	vst v63  }
0x2dd: {  	s4 =	sxor.u32 $0x80000000, s7  }
0x2de: {  	p0 =	slt.s32 s4, $0xF4180  }
0x2df: {  	s4 =	simm.s32 @!p0 $0xF4180  }
0x2e0: {  	s9 =	simm.s32 $0x3200;
	s10 =	sand.u32 $0xFFFFFF80, s16;
	s4 =	sadd.s32 s1, s4  }
0x2e1: {  	[tilespmem:s9], [sflag:$0x1] =	stream.strided.gather [hbm4b:s4+s14], $0x800, s15, s14, $0x38;
	[tilespmem:$0x15200] =	vst v63  }
0x2e2: {  	s4 =	sxor.u32 $0x80000000, s10  }
0x2e3: {  	p0 =	slt.s32 s4, $0xF4180  }
0x2e4: {  	s4 =	simm.s32 @!p0 $0xF4180  }
0x2e5: {  	s13 =	simm.s32 $0x3A00;
	s16 =	sand.u32 $0xFFFFFF80, s17;
	s4 =	sadd.s32 s1, s4  }
0x2e6: {  	[tilespmem:s13], [sflag:$0x1] =	stream.strided.gather [hbm4b:s4+s14], $0x800, s15, s14, $0x38;
	[tilespmem:$0x15200] =	vst v63  }
0x2e7: {  	s4 =	sxor.u32 $0x80000000, s16  }
0x2e8: {  	p0 =	slt.s32 s4, $0xF4180  }
0x2e9: {  	s4 =	simm.s32 @!p0 $0xF4180  }
0x2ea: {  	s18 =	sand.u32 $0xFFFFFF80, s18;
	s17 =	simm.s32 $0x4200;
	s4 =	sadd.s32 s1, s4  }
0x2eb: {  	[tilespmem:s17], [sflag:$0x1] =	stream.strided.gather [hbm4b:s4+s14], $0x800, s15, s14, $0x38;
	[tilespmem:$0x15200] =	vst v63  }
0x2ec: {  	s4 =	sxor.u32 $0x80000000, s18  }
0x2ed: {  	p0 =	slt.s32 s4, $0xF4180  }
0x2ee: {  	s4 =	simm.s32 @!p0 $0xF4180  }
0x2ef: {  	s6 =	sand.u32 $0xFFFFFF80, s6;
	s20 =	simm.s32 $0x4A00;
	s4 =	sadd.s32 s1, s4  }
0x2f0: {  	[tilespmem:s20], [sflag:$0x1] =	stream.strided.gather [hbm4b:s4+s14], $0x800, s15, s14, $0x38;
	[tilespmem:$0x15200] =	vst v63  }
0x2f1: {  	s4 =	sxor.u32 $0x80000000, s6  }
0x2f2: {  	p0 =	slt.s32 s4, $0xF4180  }
0x2f3: {  	s4 =	simm.s32 @!p0 $0xF4180  }
0x2f4: {  	s17 =	simm.s32 $0x5200;
	s18 =	sand.u32 $0xFFFFFF80, s5;
	s4 =	sadd.s32 s1, s4  }
0x2f5: {  	[tilespmem:s17], [sflag:$0x1] =	stream.strided.gather [hbm4b:s4+s14], $0x800, s15, s14, $0x38;
	[tilespmem:$0x15200] =	vst v63  }
0x2f6: {  	s3 =	sand.u32 $0xFFFFFF80, s3;
	s0 =	sand.u32 $0xFFFFFF80, s0;
	s4 =	sxor.u32 $0x80000000, s18  }
0x2f7: {  	s3 =	sxor.u32 $0x80000000, s3;
	s0 =	sxor.u32 $0x80000000, s0;
	p0 =	slt.s32 s4, $0xF4180  }
0x2f8: {  	s20 =	simm.s32 $0x5A00;
	s4 =	simm.s32 @!p0 $0xF4180;
	p0 =	slt.s32 s3, $0xF4180  }
0x2f9: {  	s4 =	sadd.s32 s1, s4;
	s3 =	simm.s32 @!p0 $0xF4180;
	p0 =	slt.s32 s0, $0xF4180  }
0x2fa: {  	[tilespmem:s20], [sflag:$0x1] =	stream.strided.gather [hbm4b:s4+s14], $0x800, s15, s14, $0x38;
	[tilespmem:$0x15200] =	vst v63  }
0x2fb: {  	s6 =	simm.s32 $0x6200;
	s3 =	sadd.s32 s1, s3;
	s0 =	simm.s32 @!p0 $0xF4180  }
0x2fc: {  	[tilespmem:s6], [sflag:$0x1] =	stream.strided.gather [hbm4b:s3+s14], $0x800, s15, s14, $0x38;
	[tilespmem:$0x15200] =	vst v63  }
0x2fd: {  	s17 =	simm.s32 $0x6A00;
	s18 =	sand.u32 $0xFFFFFF80, s31;
	s0 =	sadd.s32 s1, s0  }
0x2fe: {  	[tilespmem:s17], [sflag:$0x1] =	stream.strided.gather [hbm4b:s0+s14], $0x800, s15, s14, $0x38;
	[tilespmem:$0x15200] =	vst v63  }
0x2ff: {  	s0 =	sxor.u32 $0x80000000, s18  }
0x300: {  	p0 =	slt.s32 s0, $0xF4180  }
0x301: {  	s0 =	simm.s32 @!p0 $0xF4180  }
0x302: {  	s30 =	sand.u32 $0xFFFFFF80, s30;
	s20 =	simm.s32 $0x7200;
	s0 =	sadd.s32 s1, s0  }
0x303: {  	[tilespmem:s20], [sflag:$0x1] =	stream.strided.gather [hbm4b:s0+s14], $0x800, s15, s14, $0x38;
	[tilespmem:$0x15200] =	vst v63  }
0x304: {  	s19 =	simm.s32 $0x8200;
	s8 =	simm.s32 $0xA200;
	s0 =	sxor.u32 $0x80000000, s30  }
.Ltmp5:
0x305: {  	s7 =	simm.s32 $0x9200;
	p0 =	slt.s32 s0, $0xF4180;
	(pc) =	sbr.rel .LBB2_4-.Ltmp5, $4  }
0x306: {  	s10 =	simm.s32 $0xE200;
	s9 =	simm.s32 $0xDA00;
	s0 =	simm.s32 @!p0 $0xF4180  }
0x307: {  	s16 =	simm.s32 $0xF200;
	s31 =	simm.s32 $0x7A00;
	s0 =	sadd.s32 s1, s0  }
0x308: {  	[tilespmem:s31], [sflag:$0x1] =	stream.strided.gather [hbm4b:s0+s14], $0x800, s15, s14, $0x38;
	[tilespmem:$0x15200] =	vst v63  }
0x309: {  	s13 =	simm.s32 $0xEA00;
	s1 =	simm.s32 $0xAA00;
	s15 =	rddreg [dreg:$0xd]  }
.LBB2_6:
0x30a: {  	_ =	sfence.sel $0x180000  }
0x30b: {  	[bflag:$0x0] =	sbarrier.arrive $0xFFFF  }
0x30c: {  	_ =	strace $0x90000047  }
0x30d: {  	s0 =	stileid.u32;
	[bflag:$0x2] =	sbarrier.arrive $0xFFFF  }
0x30e: {  	p0 =	sne.s32 s0, $0x0;
	s0 =	rddreg [dreg:$0x5]  }
0x30f: {  	s0 =	sadd.s32 @!p0 $0x100000, s0  }
0x310: {  	[sflag:s0] =	ssyncadd.tile.s32 @!p0 $0x1;
	_ =	shalt  }
.Lfunc_end2:
_tile_overlayer_lowered:
.L_overlay_start_2:
0x311: {  	(tag) =	ssettag $0x2  }
0x312: {  	s0 =	rddreg [dreg:$0x0];
	s2 =	stileid.u32  }
0x313: {  	s1 =	rddreg [dreg:$0x1];
	p0 =	sne.s32 s2, $0x0  }
0x314: {  	s3 =	rddreg [dreg:$0x2];
	[bflag:$0x3] =	sbarrier.arrive $0xFFFF;
	s2 =	simm.s32 @!p0 $0x1C03  }
0x315: {  	[timem:s3], [sflag:s2] =	dma.local @!p0 [hbm:s0], s1  }
0x316: {  	s0 =	simm.s32 @!p0 $0x3  }
0x317: {  	_ =	swait.ge @!p0 [sflag:s0], s1  }
0x318: {  	s1 =	ssub.s32 @!p0 $0x0, s1;
	[sflag:s0] =	ssyncset.done @!p0 $0x0  }
0x319: {  	[sflag:s0] =	ssyncadd.s32 @!p0 s1  }
0x31a: {  	[bflag:$0x3] =	sbarrier.arrive $0xFFFF  }
0x31b: {  	_ =	shalt  }

</sc_bundles>
